<compile_context>
chip_gen: v7x
topology: tpu7x:2x2x1
jax: 0.10.2.dev20260603
libtpu: 0.0.44.dev20260713+nightly
codegen_flags: <defaults>
</compile_context>

<pallas_src>
import functools

import jax
import jax.numpy as jnp
from jax import lax
from jax.experimental import pallas as pl
from jax.experimental.pallas import tpu as pltpu
from jax.experimental.pallas import tpu_sc as plsc

N = 10000
E = 320000
D = 128
H = 32
OUT = 10
G = 128

NC = 2
NS = 16
NW = NC * NS
EW = E // NW
C = 80
NCH = EW // C
NB = 5
NBUF = 2 * NB
NPAD = N
RZ = 624
RZTAIL = N - NS * RZ

PK = 4
NP = N // PK


def _sc_scatter_body(y_hbm, src_hbm, dst_hbm, zero_hbm, out0_hbm, out1_hbm,
                     acc, src_v, dst_v, rows, sem_g, sem_s):
    c = lax.axis_index("c")
    s = lax.axis_index("s")
    w = s * NC + c

    pltpu.sync_copy(zero_hbm.at[pl.ds(s * RZ, RZ)], acc.at[pl.ds(s * RZ, RZ)])

    @pl.when(s == NS - 1)
    def _():
        pltpu.sync_copy(zero_hbm.at[pl.ds(NS * RZ, RZTAIL)],
                        acc.at[pl.ds(NS * RZ, RZTAIL)])

    pltpu.sync_copy(src_hbm.at[w], src_v)
    pltpu.sync_copy(dst_hbm.at[w], dst_v)
    plsc.subcore_barrier()

    def gather(j, b):
        pltpu.async_copy(y_hbm.at[src_v.at[j]], rows[b], sem_g[b])

    def gather_wait(j, b):
        pltpu.make_async_copy(y_hbm.at[src_v.at[j]], rows[b], sem_g[b]).wait()

    def scat(j, b):
        pltpu.async_copy(rows[b], acc.at[dst_v.at[j]], sem_s[b], add=True)

    def scat_wait(j, b):
        pltpu.make_async_copy(rows[b], acc.at[dst_v.at[j]], sem_s[b]).wait()

    NMAIN = ((NCH - 2 * NB) // NBUF) * NBUF

    for j in range(NB):
        gather(j, j)
    for j in range(NB):
        gather_wait(j, j)
        scat(j, j)
        gather(j + NB, j + NB)

    @pl.loop(NB, NB + NMAIN, step=NBUF)
    def _grp(o):
        for t in range(NBUF):
            j = o + t
            b = (NB + t) % NBUF
            gather_wait(j, b)
            scat(j, b)
            scat_wait(j - NB, (b + NB) % NBUF)
            gather(j + NB, (b + NB) % NBUF)

    for t in range(NCH - 2 * NB - NMAIN):
        j = NB + NMAIN + t
        b = j % NBUF
        gather_wait(j, b)
        scat(j, b)
        scat_wait(j - NB, (b + NB) % NBUF)
        gather(j + NB, (b + NB) % NBUF)

    for t in range(NB):
        j = NCH - NB + t
        b = j % NBUF
        gather_wait(j, b)
        scat(j, b)

    for j in range(NCH - NBUF, NCH):
        scat_wait(j, j % NBUF)

    plsc.subcore_barrier()
    for ci, out_hbm in enumerate((out0_hbm, out1_hbm)):
        @pl.when(c == ci)
        def _():
            pltpu.sync_copy(acc.at[pl.ds(s * RZ, RZ)],
                            out_hbm.at[pl.ds(s * RZ, RZ)])

            @pl.when(s == NS - 1)
            def _():
                pltpu.sync_copy(acc.at[pl.ds(NS * RZ, RZTAIL)],
                                out_hbm.at[pl.ds(NS * RZ, RZTAIL)])


@functools.cache
def _make_sc_scatter():
    return pl.kernel(
        _sc_scatter_body,
        out_type=[jax.ShapeDtypeStruct((N, H), jnp.float32),
                  jax.ShapeDtypeStruct((N, H), jnp.float32)],
        mesh=plsc.VectorSubcoreMesh(core_axis_name="c", subcore_axis_name="s"),
        compiler_params=pltpu.CompilerParams(use_tc_tiling_on_sc=False),
        scratch_types=[
            pltpu.VMEM_SHARED((NPAD, H), jnp.float32),
            pltpu.VMEM((NCH, C), jnp.int32),
            pltpu.VMEM((NCH, C), jnp.int32),
            tuple(pltpu.VMEM((C, H), jnp.float32) for _ in range(NBUF)),
            tuple(pltpu.SemaphoreType.DMA for _ in range(NBUF)),
            tuple(pltpu.SemaphoreType.DMA for _ in range(NBUF)),
        ],
    )


def _proj_body(x_ref, wq_ref, y_ref):
    y4 = jnp.dot(x_ref[...], wq_ref[...], preferred_element_type=jnp.float32)
    t = y4.reshape(y_ref.shape[0], PK, PK * H)
    y_ref[...] = jnp.concatenate(
        [t[:, k, k * H:(k + 1) * H] for k in range(PK)], axis=-1)


def _mlp1_body(y0_ref, agga_ref, aggb_ref, b01_ref, w02_ref, b02_ref,
               w11_ref, y1_ref):
    z = y0_ref[...] + agga_ref[...] + aggb_ref[...] + b01_ref[...]
    h = jnp.dot(jnp.maximum(z, 0.0), w02_ref[...],
                preferred_element_type=jnp.float32) + b02_ref[...]
    h = jnp.maximum(h, 0.0)
    y1_ref[...] = jnp.dot(h, w11_ref[...], preferred_element_type=jnp.float32)


def _mlp2_body(y1_ref, agga_ref, aggb_ref, b11_ref, w12_ref, b12_ref,
               batchq_ref, wp1_ref, bp1_ref, wp2_ref, bp2_ref,
               emb_ref, out_ref):
    z = y1_ref[...] + agga_ref[...] + aggb_ref[...] + b11_ref[...]
    emb_p = jnp.dot(jnp.maximum(z, 0.0), w12_ref[...],
                    preferred_element_type=jnp.float32) + b12_ref[...]
    emb_ref[...] = emb_p
    hr = jnp.maximum(emb_p, 0.0)

    bq = batchq_ref[...]
    seg = lax.broadcasted_iota(jnp.int32, (G, NP), 0)
    sums = jnp.zeros((G, H), jnp.float32)
    cnts = jnp.zeros((G, 1), jnp.float32)
    for k in range(PK):
        onehot = jnp.where(seg == bq[k][None, :], 1.0, 0.0)
        sums += jnp.dot(onehot, hr[:, k * H:(k + 1) * H],
                        preferred_element_type=jnp.float32)
        cnts += jnp.sum(onehot, axis=1, keepdims=True)

    pooled = sums / jnp.maximum(cnts, 1.0)
    o = jnp.dot(pooled, wp1_ref[...],
                preferred_element_type=jnp.float32) + bp1_ref[...]
    o = jnp.dot(o, wp2_ref[...],
                preferred_element_type=jnp.float32) + bp2_ref[...]
    m = jnp.max(o, axis=1, keepdims=True)
    e = o - m
    out_ref[...] = e - jnp.log(jnp.sum(jnp.exp(e), axis=1, keepdims=True))


_proj = pl.pallas_call(
    _proj_body,
    out_shape=jax.ShapeDtypeStruct((NP, PK * H), jnp.float32),
)

_mlp1 = pl.pallas_call(
    _mlp1_body,
    out_shape=jax.ShapeDtypeStruct((NP, PK * H), jnp.float32),
)

_mlp2 = pl.pallas_call(
    _mlp2_body,
    out_shape=[
        jax.ShapeDtypeStruct((NP, PK * H), jnp.float32),
        jax.ShapeDtypeStruct((G, OUT), jnp.float32),
    ],
)


def _bd(w):
    return jnp.kron(jnp.eye(PK, dtype=w.dtype), w)


def _bt(b):
    return jnp.tile(b, PK).reshape(1, PK * b.shape[0])


def kernel(x, edge_index, batch, W01, b01, W02, b02, W11, b11, W12, b12,
           Wp1, bp1, Wp2, bp2):
    src = edge_index[0].reshape(NW, NCH, C)
    dst = edge_index[1].reshape(NW, NCH, C)
    zeros = jnp.zeros((N, H), jnp.float32)
    batch_q = batch.reshape(NP, PK).T

    sc_scatter = _make_sc_scatter()
    y0p = _proj(x, jnp.concatenate([W01] * PK, axis=1))
    agg0a, agg0b = sc_scatter(y0p.reshape(N, H), src, dst, zeros)
    y1p = _mlp1(y0p, agg0a.reshape(NP, PK * H), agg0b.reshape(NP, PK * H),
                _bt(b01), _bd(W02), _bt(b02), _bd(W11))
    agg1a, agg1b = sc_scatter(y1p.reshape(N, H), src, dst, zeros)
    emb_p, out2 = _mlp2(y1p, agg1a.reshape(NP, PK * H),
                        agg1b.reshape(NP, PK * H), _bt(b11),
                        _bd(W12), _bt(b12), batch_q, Wp1, bp1.reshape(1, H),
                        Wp2, bp2.reshape(1, OUT))
    return (emb_p.reshape(N, H), out2)

# --- scband reference (transcript-rebuilt; emitter-appended) ---
"""Pipeline reference for scband-gnnstack-51711406244137 (READ-ONLY COPY).

The authoritative reference and input builder live on the scoring server;
editing this copy changes nothing except your own understanding.
"""

import jax, jax.numpy as jnp
import numpy as np

N = 10000
E = 320000
D = 128
H = 32
OUT = 10
G = 128


def setup_inputs(seed: int = 0) -> dict:
    key = jax.random.key(seed)
    ks = jax.random.split(key, 16)
    x = jax.random.normal(ks[0], (N, D), dtype=jnp.float32)
    edge_index = jax.random.randint(ks[1], (2, E), 0, N, dtype=jnp.int32)
    batch = jnp.sort(jax.random.randint(ks[2], (N,), 0, G, dtype=jnp.int32))
    s = 0.05
    params = {
        'W01': jax.random.normal(ks[3], (D, H), jnp.float32) * s,
        'b01': jnp.zeros((H,), jnp.float32),
        'W02': jax.random.normal(ks[4], (H, H), jnp.float32) * s,
        'b02': jnp.zeros((H,), jnp.float32),
        'W11': jax.random.normal(ks[5], (H, H), jnp.float32) * s,
        'b11': jnp.zeros((H,), jnp.float32),
        'W12': jax.random.normal(ks[6], (H, H), jnp.float32) * s,
        'b12': jnp.zeros((H,), jnp.float32),
        'Wp1': jax.random.normal(ks[7], (H, H), jnp.float32) * s,
        'bp1': jnp.zeros((H,), jnp.float32),
        'Wp2': jax.random.normal(ks[8], (H, OUT), jnp.float32) * s,
        'bp2': jnp.zeros((OUT,), jnp.float32),
    }
    inp = {'x': x, 'edge_index': edge_index, 'batch': batch}
    inp.update(params)
    return inp


def reference(x, edge_index, batch, W01, b01, W02, b02, W11, b11, W12, b12, Wp1, bp1, Wp2, bp2):
    src = edge_index[0]
    dst = edge_index[1]

    def gin(h, W1, b1, W2, b2):
        # GINConv with eps=0: MLP(x_i + sum_{j in N(i)} x_j)
        agg = jnp.zeros_like(h).at[dst].add(h[src])
        z = h + agg
        z = jnp.maximum(z @ W1 + b1, 0.0) @ W2 + b2
        return z

    # num_layers = hidden_num = 2, so only convs[0] and convs[1] run
    h = gin(x, W01, b01, W02, b02)
    h = jnp.maximum(h, 0.0)  # dropout is identity in eval
    h = gin(h, W11, b11, W12, b12)
    emb = h
    h = jnp.maximum(h, 0.0)
    # global mean pool over graphs
    sums = jax.ops.segment_sum(h, batch, num_segments=G)
    cnts = jax.ops.segment_sum(jnp.ones((h.shape[0], 1), h.dtype), batch, num_segments=G)
    pooled = sums / jnp.maximum(cnts, 1.0)
    o = pooled @ Wp1 + bp1
    o = o @ Wp2 + bp2
    return (emb, jax.nn.log_softmax(o, axis=1))

if __name__ == "__main__":
    import jax
    _d = setup_inputs()
    print(jax.jit(kernel)(*tuple(_d.values())))

</pallas_src>

<mosaic_0001>
#map = affine_map<(d0, d1) -> (0, 0)>
#map1 = affine_map<(d0, d1) -> (0, 0, 0)>
module attributes {stable_mosaic.version = 14 : i64} {
  func.func @_sc_scatter_body(%arg0: i32, %arg1: i32, %arg2: memref<10000x32xf32, #tpu.memory_space<hbm>>, %arg3: memref<32x125x80xi32, #tpu.memory_space<hbm>>, %arg4: memref<32x125x80xi32, #tpu.memory_space<hbm>>, %arg5: memref<10000x32xf32, #tpu.memory_space<hbm>>, %arg6: memref<10000x32xf32, #tpu.memory_space<hbm>>, %arg7: memref<10000x32xf32, #tpu.memory_space<hbm>>, %arg8: memref<10000x32xf32, #tpu.memory_space<vmem_shared>>, %arg9: memref<125x80xi32, #tpu.memory_space<vmem>>, %arg10: memref<125x80xi32, #tpu.memory_space<vmem>>, %arg11: memref<80x32xf32, #tpu.memory_space<vmem>>, %arg12: memref<80x32xf32, #tpu.memory_space<vmem>>, %arg13: memref<80x32xf32, #tpu.memory_space<vmem>>, %arg14: memref<80x32xf32, #tpu.memory_space<vmem>>, %arg15: memref<80x32xf32, #tpu.memory_space<vmem>>, %arg16: memref<80x32xf32, #tpu.memory_space<vmem>>, %arg17: memref<80x32xf32, #tpu.memory_space<vmem>>, %arg18: memref<80x32xf32, #tpu.memory_space<vmem>>, %arg19: memref<80x32xf32, #tpu.memory_space<vmem>>, %arg20: memref<80x32xf32, #tpu.memory_space<vmem>>, %arg21: memref<!tpu.dma_semaphore, #tpu.memory_space<semaphore_mem>>, %arg22: memref<!tpu.dma_semaphore, #tpu.memory_space<semaphore_mem>>, %arg23: memref<!tpu.dma_semaphore, #tpu.memory_space<semaphore_mem>>, %arg24: memref<!tpu.dma_semaphore, #tpu.memory_space<semaphore_mem>>, %arg25: memref<!tpu.dma_semaphore, #tpu.memory_space<semaphore_mem>>, %arg26: memref<!tpu.dma_semaphore, #tpu.memory_space<semaphore_mem>>, %arg27: memref<!tpu.dma_semaphore, #tpu.memory_space<semaphore_mem>>, %arg28: memref<!tpu.dma_semaphore, #tpu.memory_space<semaphore_mem>>, %arg29: memref<!tpu.dma_semaphore, #tpu.memory_space<semaphore_mem>>, %arg30: memref<!tpu.dma_semaphore, #tpu.memory_space<semaphore_mem>>, %arg31: memref<!tpu.dma_semaphore, #tpu.memory_space<semaphore_mem>>, %arg32: memref<!tpu.dma_semaphore, #tpu.memory_space<semaphore_mem>>, %arg33: memref<!tpu.dma_semaphore, #tpu.memory_space<semaphore_mem>>, %arg34: memref<!tpu.dma_semaphore, #tpu.memory_space<semaphore_mem>>, %arg35: memref<!tpu.dma_semaphore, #tpu.memory_space<semaphore_mem>>, %arg36: memref<!tpu.dma_semaphore, #tpu.memory_space<semaphore_mem>>, %arg37: memref<!tpu.dma_semaphore, #tpu.memory_space<semaphore_mem>>, %arg38: memref<!tpu.dma_semaphore, #tpu.memory_space<semaphore_mem>>, %arg39: memref<!tpu.dma_semaphore, #tpu.memory_space<semaphore_mem>>, %arg40: memref<!tpu.dma_semaphore, #tpu.memory_space<semaphore_mem>>) attributes {dimension_semantics = [#tpu.dimension_semantics<core_parallel>, #tpu.dimension_semantics<subcore_parallel>], iteration_bounds = array<i64: 2, 16>, scalar_prefetch = 0 : i64, scratch_operands = 33 : i64, tpu.core_type = #tpu.core_type<sc_vector_subcore>, window_params = [{transform_indices = #map}, {transform_indices = #map1}, {transform_indices = #map1}, {transform_indices = #map}, {transform_indices = #map}, {transform_indices = #map}]} {
    %mul3A = arith.constant 2 : i32
    %mul3A_0 = arith.muli %arg1, %mul3A : i32
    %add3A = arith.addi %mul3A_0, %arg0 : i32
    %mul3A_1 = arith.constant 624 : i32
    %mul3A_2 = arith.muli %arg1, %mul3A_1 : i32
    %mul3A_3 = arith.constant 624 : i32
    %mul3A_4 = arith.muli %arg1, %mul3A_3 : i32
    "tpu.region"() ({
      %run_scoped3A = tpu.sem_alloc : memref<!tpu.dma_semaphore, #tpu.memory_space<semaphore_mem>>
      %dma_start3A_440 = arith.constant 0 : i32
      %dma_start3A_441 = tpu.memref_slice %arg8[%mul3A_4, %dma_start3A_440] : memref<10000x32xf32, #tpu.memory_space<vmem_shared>> -> memref<624x32xf32, #tpu.memory_space<vmem_shared>>
      %dma_start3A_442 = arith.constant 0 : i32
      %dma_start3A_443 = tpu.memref_slice %arg5[%mul3A_2, %dma_start3A_442] : memref<10000x32xf32, #tpu.memory_space<hbm>> -> memref<624x32xf32, #tpu.memory_space<hbm>>
      tpu.enqueue_dma source(%dma_start3A_443 : memref<624x32xf32, #tpu.memory_space<hbm>>) target(%dma_start3A_441 : memref<624x32xf32, #tpu.memory_space<vmem_shared>>) target_semaphore(%run_scoped3A : memref<!tpu.dma_semaphore, #tpu.memory_space<semaphore_mem>>)
      %dma_wait3A_444 = arith.constant 0 : i32
      %dma_wait3A_445 = tpu.memref_slice %arg8[%mul3A_4, %dma_wait3A_444] : memref<10000x32xf32, #tpu.memory_space<vmem_shared>> -> memref<624x32xf32, #tpu.memory_space<vmem_shared>>
      %dma_wait3A_446 = arith.constant 0 : i32
      %dma_wait3A_447 = tpu.memref_slice %arg5[%mul3A_2, %dma_wait3A_446] : memref<10000x32xf32, #tpu.memory_space<hbm>> -> memref<624x32xf32, #tpu.memory_space<hbm>>
      tpu.wait_dma2 semaphore(%run_scoped3A : memref<!tpu.dma_semaphore, #tpu.memory_space<semaphore_mem>>) src(%dma_wait3A_447 : memref<624x32xf32, #tpu.memory_space<hbm>>) dst(%dma_wait3A_445 : memref<624x32xf32, #tpu.memory_space<vmem_shared>>)
      tpu.yield
    }) : () -> ()
    %eq3A = arith.constant 15 : i32
    %eq3A_5 = arith.cmpi eq, %arg1, %eq3A : i32
    %convert_element_type3A = arith.extui %eq3A_5 : i1 to i32
    %cond3A = arith.constant 0 : i32
    %cond3A_6 = arith.cmpi ne, %convert_element_type3A, %cond3A : i32
    scf.if %cond3A_6 {
      "tpu.region"() ({
        %run_scoped3A = tpu.sem_alloc : memref<!tpu.dma_semaphore, #tpu.memory_space<semaphore_mem>>
        %dma_start3A_440 = arith.constant 9984 : i32
        %dma_start3A_441 = arith.constant 0 : i32
        %dma_start3A_442 = tpu.memref_slice %arg8[%dma_start3A_440, %dma_start3A_441] : memref<10000x32xf32, #tpu.memory_space<vmem_shared>> -> memref<16x32xf32, #tpu.memory_space<vmem_shared>>
        %dma_start3A_443 = arith.constant 9984 : i32
        %dma_start3A_444 = arith.constant 0 : i32
        %dma_start3A_445 = tpu.memref_slice %arg5[%dma_start3A_443, %dma_start3A_444] : memref<10000x32xf32, #tpu.memory_space<hbm>> -> memref<16x32xf32, #tpu.memory_space<hbm>>
        tpu.enqueue_dma source(%dma_start3A_445 : memref<16x32xf32, #tpu.memory_space<hbm>>) target(%dma_start3A_442 : memref<16x32xf32, #tpu.memory_space<vmem_shared>>) target_semaphore(%run_scoped3A : memref<!tpu.dma_semaphore, #tpu.memory_space<semaphore_mem>>)
        %dma_wait3A_446 = arith.constant 9984 : i32
        %dma_wait3A_447 = arith.constant 0 : i32
        %dma_wait3A_448 = tpu.memref_slice %arg8[%dma_wait3A_446, %dma_wait3A_447] : memref<10000x32xf32, #tpu.memory_space<vmem_shared>> -> memref<16x32xf32, #tpu.memory_space<vmem_shared>>
        %dma_wait3A_449 = arith.constant 9984 : i32
        %dma_wait3A_450 = arith.constant 0 : i32
        %dma_wait3A_451 = tpu.memref_slice %arg5[%dma_wait3A_449, %dma_wait3A_450] : memref<10000x32xf32, #tpu.memory_space<hbm>> -> memref<16x32xf32, #tpu.memory_space<hbm>>
        tpu.wait_dma2 semaphore(%run_scoped3A : memref<!tpu.dma_semaphore, #tpu.memory_space<semaphore_mem>>) src(%dma_wait3A_451 : memref<16x32xf32, #tpu.memory_space<hbm>>) dst(%dma_wait3A_448 : memref<16x32xf32, #tpu.memory_space<vmem_shared>>)
        tpu.yield
      }) : () -> ()
    } else {
    }
    "tpu.region"() ({
      %run_scoped3A = tpu.sem_alloc : memref<!tpu.dma_semaphore, #tpu.memory_space<semaphore_mem>>
      %dma_start3A_440 = arith.constant 0 : i32
      %dma_start3A_441 = arith.constant 0 : i32
      %dma_start3A_442 = tpu.memref_slice %arg3[%add3A, %dma_start3A_440, %dma_start3A_441] : memref<32x125x80xi32, #tpu.memory_space<hbm>> -> memref<1x125x80xi32, #tpu.memory_space<hbm>>
      %dma_start3A_443 = tpu.memref_squeeze %dma_start3A_442 : memref<1x125x80xi32, #tpu.memory_space<hbm>> -> memref<125x80xi32, #tpu.memory_space<hbm>>
      %dma_start3A_444 = arith.constant 0 : i32
      %dma_start3A_445 = arith.constant 0 : i32
      %dma_start3A_446 = tpu.memref_slice %arg3[%add3A, %dma_start3A_444, %dma_start3A_445] : memref<32x125x80xi32, #tpu.memory_space<hbm>> -> memref<1x125x80xi32, #tpu.memory_space<hbm>>
      %dma_start3A_447 = tpu.memref_squeeze %dma_start3A_446 : memref<1x125x80xi32, #tpu.memory_space<hbm>> -> memref<125x80xi32, #tpu.memory_space<hbm>>
      tpu.enqueue_dma source(%dma_start3A_447 : memref<125x80xi32, #tpu.memory_space<hbm>>) target(%arg9 : memref<125x80xi32, #tpu.memory_space<vmem>>) target_semaphore(%run_scoped3A : memref<!tpu.dma_semaphore, #tpu.memory_space<semaphore_mem>>)
      %dma_wait3A_448 = arith.constant 0 : i32
      %dma_wait3A_449 = arith.constant 0 : i32
      %dma_wait3A_450 = tpu.memref_slice %arg3[%add3A, %dma_wait3A_448, %dma_wait3A_449] : memref<32x125x80xi32, #tpu.memory_space<hbm>> -> memref<1x125x80xi32, #tpu.memory_space<hbm>>
      %dma_wait3A_451 = tpu.memref_squeeze %dma_wait3A_450 : memref<1x125x80xi32, #tpu.memory_space<hbm>> -> memref<125x80xi32, #tpu.memory_space<hbm>>
      %dma_wait3A_452 = arith.constant 0 : i32
      %dma_wait3A_453 = arith.constant 0 : i32
      %dma_wait3A_454 = tpu.memref_slice %arg3[%add3A, %dma_wait3A_452, %dma_wait3A_453] : memref<32x125x80xi32, #tpu.memory_space<hbm>> -> memref<1x125x80xi32, #tpu.memory_space<hbm>>
      %dma_wait3A_455 = tpu.memref_squeeze %dma_wait3A_454 : memref<1x125x80xi32, #tpu.memory_space<hbm>> -> memref<125x80xi32, #tpu.memory_space<hbm>>
      tpu.wait_dma2 semaphore(%run_scoped3A : memref<!tpu.dma_semaphore, #tpu.memory_space<semaphore_mem>>) src(%dma_wait3A_455 : memref<125x80xi32, #tpu.memory_space<hbm>>) dst(%arg9 : memref<125x80xi32, #tpu.memory_space<vmem>>)
      tpu.yield
    }) : () -> ()
    "tpu.region"() ({
      %run_scoped3A = tpu.sem_alloc : memref<!tpu.dma_semaphore, #tpu.memory_space<semaphore_mem>>
      %dma_start3A_440 = arith.constant 0 : i32
      %dma_start3A_441 = arith.constant 0 : i32
      %dma_start3A_442 = tpu.memref_slice %arg4[%add3A, %dma_start3A_440, %dma_start3A_441] : memref<32x125x80xi32, #tpu.memory_space<hbm>> -> memref<1x125x80xi32, #tpu.memory_space<hbm>>
      %dma_start3A_443 = tpu.memref_squeeze %dma_start3A_442 : memref<1x125x80xi32, #tpu.memory_space<hbm>> -> memref<125x80xi32, #tpu.memory_space<hbm>>
      %dma_start3A_444 = arith.constant 0 : i32
      %dma_start3A_445 = arith.constant 0 : i32
      %dma_start3A_446 = tpu.memref_slice %arg4[%add3A, %dma_start3A_444, %dma_start3A_445] : memref<32x125x80xi32, #tpu.memory_space<hbm>> -> memref<1x125x80xi32, #tpu.memory_space<hbm>>
      %dma_start3A_447 = tpu.memref_squeeze %dma_start3A_446 : memref<1x125x80xi32, #tpu.memory_space<hbm>> -> memref<125x80xi32, #tpu.memory_space<hbm>>
      tpu.enqueue_dma source(%dma_start3A_447 : memref<125x80xi32, #tpu.memory_space<hbm>>) target(%arg10 : memref<125x80xi32, #tpu.memory_space<vmem>>) target_semaphore(%run_scoped3A : memref<!tpu.dma_semaphore, #tpu.memory_space<semaphore_mem>>)
      %dma_wait3A_448 = arith.constant 0 : i32
      %dma_wait3A_449 = arith.constant 0 : i32
      %dma_wait3A_450 = tpu.memref_slice %arg4[%add3A, %dma_wait3A_448, %dma_wait3A_449] : memref<32x125x80xi32, #tpu.memory_space<hbm>> -> memref<1x125x80xi32, #tpu.memory_space<hbm>>
      %dma_wait3A_451 = tpu.memref_squeeze %dma_wait3A_450 : memref<1x125x80xi32, #tpu.memory_space<hbm>> -> memref<125x80xi32, #tpu.memory_space<hbm>>
      %dma_wait3A_452 = arith.constant 0 : i32
      %dma_wait3A_453 = arith.constant 0 : i32
      %dma_wait3A_454 = tpu.memref_slice %arg4[%add3A, %dma_wait3A_452, %dma_wait3A_453] : memref<32x125x80xi32, #tpu.memory_space<hbm>> -> memref<1x125x80xi32, #tpu.memory_space<hbm>>
      %dma_wait3A_455 = tpu.memref_squeeze %dma_wait3A_454 : memref<1x125x80xi32, #tpu.memory_space<hbm>> -> memref<125x80xi32, #tpu.memory_space<hbm>>
      tpu.wait_dma2 semaphore(%run_scoped3A : memref<!tpu.dma_semaphore, #tpu.memory_space<semaphore_mem>>) src(%dma_wait3A_455 : memref<125x80xi32, #tpu.memory_space<hbm>>) dst(%arg10 : memref<125x80xi32, #tpu.memory_space<vmem>>)
      tpu.yield
    }) : () -> ()
    %barrier3A = arith.constant 0 : index
    tpu.barrier barrier_id(%barrier3A)
    %dma_start3A = arith.constant 0 : i32
    %dma_start3A_7 = arith.constant 0 : i32
    %dma_start3A_8 = tpu.memref_slice %arg9[%dma_start3A, %dma_start3A_7] : memref<125x80xi32, #tpu.memory_space<vmem>> -> memref<1x80xi32, #tpu.memory_space<vmem>>
    %dma_start3A_9 = tpu.memref_squeeze %dma_start3A_8 : memref<1x80xi32, #tpu.memory_space<vmem>> -> memref<80xi32, #tpu.memory_space<vmem>>
    %dma_start3A_10 = arith.constant 0 : i32
    %dma_start3A_11 = arith.constant 0 : i32
    %dma_start3A_12 = tpu.memref_slice %arg2[%dma_start3A_10, %dma_start3A_11] : memref<10000x32xf32, #tpu.memory_space<hbm>> -> memref<10000x32xf32, #tpu.memory_space<hbm>>
    tpu.enqueue_indirect_dma source(%dma_start3A_12 : memref<10000x32xf32, #tpu.memory_space<hbm>>) target(%arg11 : memref<80x32xf32, #tpu.memory_space<vmem>>) offsets(%dma_start3A_9 : memref<80xi32, #tpu.memory_space<vmem>>) semaphore(%arg21 : memref<!tpu.dma_semaphore, #tpu.memory_space<semaphore_mem>>)
    %dma_start3A_13 = arith.constant 1 : i32
    %dma_start3A_14 = arith.constant 0 : i32
    %dma_start3A_15 = tpu.memref_slice %arg9[%dma_start3A_13, %dma_start3A_14] : memref<125x80xi32, #tpu.memory_space<vmem>> -> memref<1x80xi32, #tpu.memory_space<vmem>>
    %dma_start3A_16 = tpu.memref_squeeze %dma_start3A_15 : memref<1x80xi32, #tpu.memory_space<vmem>> -> memref<80xi32, #tpu.memory_space<vmem>>
    %dma_start3A_17 = arith.constant 0 : i32
    %dma_start3A_18 = arith.constant 0 : i32
    %dma_start3A_19 = tpu.memref_slice %arg2[%dma_start3A_17, %dma_start3A_18] : memref<10000x32xf32, #tpu.memory_space<hbm>> -> memref<10000x32xf32, #tpu.memory_space<hbm>>
    tpu.enqueue_indirect_dma source(%dma_start3A_19 : memref<10000x32xf32, #tpu.memory_space<hbm>>) target(%arg12 : memref<80x32xf32, #tpu.memory_space<vmem>>) offsets(%dma_start3A_16 : memref<80xi32, #tpu.memory_space<vmem>>) semaphore(%arg22 : memref<!tpu.dma_semaphore, #tpu.memory_space<semaphore_mem>>)
    %dma_start3A_20 = arith.constant 2 : i32
    %dma_start3A_21 = arith.constant 0 : i32
    %dma_start3A_22 = tpu.memref_slice %arg9[%dma_start3A_20, %dma_start3A_21] : memref<125x80xi32, #tpu.memory_space<vmem>> -> memref<1x80xi32, #tpu.memory_space<vmem>>
    %dma_start3A_23 = tpu.memref_squeeze %dma_start3A_22 : memref<1x80xi32, #tpu.memory_space<vmem>> -> memref<80xi32, #tpu.memory_space<vmem>>
    %dma_start3A_24 = arith.constant 0 : i32
    %dma_start3A_25 = arith.constant 0 : i32
    %dma_start3A_26 = tpu.memref_slice %arg2[%dma_start3A_24, %dma_start3A_25] : memref<10000x32xf32, #tpu.memory_space<hbm>> -> memref<10000x32xf32, #tpu.memory_space<hbm>>
    tpu.enqueue_indirect_dma source(%dma_start3A_26 : memref<10000x32xf32, #tpu.memory_space<hbm>>) target(%arg13 : memref<80x32xf32, #tpu.memory_space<vmem>>) offsets(%dma_start3A_23 : memref<80xi32, #tpu.memory_space<vmem>>) semaphore(%arg23 : memref<!tpu.dma_semaphore, #tpu.memory_space<semaphore_mem>>)
    %dma_start3A_27 = arith.constant 3 : i32
    %dma_start3A_28 = arith.constant 0 : i32
    %dma_start3A_29 = tpu.memref_slice %arg9[%dma_start3A_27, %dma_start3A_28] : memref<125x80xi32, #tpu.memory_space<vmem>> -> memref<1x80xi32, #tpu.memory_space<vmem>>
    %dma_start3A_30 = tpu.memref_squeeze %dma_start3A_29 : memref<1x80xi32, #tpu.memory_space<vmem>> -> memref<80xi32, #tpu.memory_space<vmem>>
    %dma_start3A_31 = arith.constant 0 : i32
    %dma_start3A_32 = arith.constant 0 : i32
    %dma_start3A_33 = tpu.memref_slice %arg2[%dma_start3A_31, %dma_start3A_32] : memref<10000x32xf32, #tpu.memory_space<hbm>> -> memref<10000x32xf32, #tpu.memory_space<hbm>>
    tpu.enqueue_indirect_dma source(%dma_start3A_33 : memref<10000x32xf32, #tpu.memory_space<hbm>>) target(%arg14 : memref<80x32xf32, #tpu.memory_space<vmem>>) offsets(%dma_start3A_30 : memref<80xi32, #tpu.memory_space<vmem>>) semaphore(%arg24 : memref<!tpu.dma_semaphore, #tpu.memory_space<semaphore_mem>>)
    %dma_start3A_34 = arith.constant 4 : i32
    %dma_start3A_35 = arith.constant 0 : i32
    %dma_start3A_36 = tpu.memref_slice %arg9[%dma_start3A_34, %dma_start3A_35] : memref<125x80xi32, #tpu.memory_space<vmem>> -> memref<1x80xi32, #tpu.memory_space<vmem>>
    %dma_start3A_37 = tpu.memref_squeeze %dma_start3A_36 : memref<1x80xi32, #tpu.memory_space<vmem>> -> memref<80xi32, #tpu.memory_space<vmem>>
    %dma_start3A_38 = arith.constant 0 : i32
    %dma_start3A_39 = arith.constant 0 : i32
    %dma_start3A_40 = tpu.memref_slice %arg2[%dma_start3A_38, %dma_start3A_39] : memref<10000x32xf32, #tpu.memory_space<hbm>> -> memref<10000x32xf32, #tpu.memory_space<hbm>>
    tpu.enqueue_indirect_dma source(%dma_start3A_40 : memref<10000x32xf32, #tpu.memory_space<hbm>>) target(%arg15 : memref<80x32xf32, #tpu.memory_space<vmem>>) offsets(%dma_start3A_37 : memref<80xi32, #tpu.memory_space<vmem>>) semaphore(%arg25 : memref<!tpu.dma_semaphore, #tpu.memory_space<semaphore_mem>>)
    %dma_wait3A = arith.constant 0 : i32
    %dma_wait3A_41 = arith.constant 0 : i32
    %dma_wait3A_42 = tpu.memref_slice %arg9[%dma_wait3A, %dma_wait3A_41] : memref<125x80xi32, #tpu.memory_space<vmem>> -> memref<1x80xi32, #tpu.memory_space<vmem>>
    %dma_wait3A_43 = tpu.memref_squeeze %dma_wait3A_42 : memref<1x80xi32, #tpu.memory_space<vmem>> -> memref<80xi32, #tpu.memory_space<vmem>>
    %dma_wait3A_44 = arith.constant 0 : i32
    %dma_wait3A_45 = arith.constant 0 : i32
    %dma_wait3A_46 = tpu.memref_slice %arg2[%dma_wait3A_44, %dma_wait3A_45] : memref<10000x32xf32, #tpu.memory_space<hbm>> -> memref<10000x32xf32, #tpu.memory_space<hbm>>
    tpu.wait_indirect_dma semaphore(%arg21 : memref<!tpu.dma_semaphore, #tpu.memory_space<semaphore_mem>>) src(%dma_wait3A_46 : memref<10000x32xf32, #tpu.memory_space<hbm>>) dst(%arg11 : memref<80x32xf32, #tpu.memory_space<vmem>>)
    %dma_start3A_47 = arith.constant 0 : i32
    %dma_start3A_48 = arith.constant 0 : i32
    %dma_start3A_49 = tpu.memref_slice %arg10[%dma_start3A_47, %dma_start3A_48] : memref<125x80xi32, #tpu.memory_space<vmem>> -> memref<1x80xi32, #tpu.memory_space<vmem>>
    %dma_start3A_50 = tpu.memref_squeeze %dma_start3A_49 : memref<1x80xi32, #tpu.memory_space<vmem>> -> memref<80xi32, #tpu.memory_space<vmem>>
    %dma_start3A_51 = arith.constant 0 : i32
    %dma_start3A_52 = arith.constant 0 : i32
    %dma_start3A_53 = tpu.memref_slice %arg8[%dma_start3A_51, %dma_start3A_52] : memref<10000x32xf32, #tpu.memory_space<vmem_shared>> -> memref<10000x32xf32, #tpu.memory_space<vmem_shared>>
    tpu.enqueue_indirect_dma source(%arg11 : memref<80x32xf32, #tpu.memory_space<vmem>>) target(%dma_start3A_53 : memref<10000x32xf32, #tpu.memory_space<vmem_shared>>) offsets(%dma_start3A_50 : memref<80xi32, #tpu.memory_space<vmem>>) semaphore(%arg31 : memref<!tpu.dma_semaphore, #tpu.memory_space<semaphore_mem>>) {add = true}
    %dma_start3A_54 = arith.constant 5 : i32
    %dma_start3A_55 = arith.constant 0 : i32
    %dma_start3A_56 = tpu.memref_slice %arg9[%dma_start3A_54, %dma_start3A_55] : memref<125x80xi32, #tpu.memory_space<vmem>> -> memref<1x80xi32, #tpu.memory_space<vmem>>
    %dma_start3A_57 = tpu.memref_squeeze %dma_start3A_56 : memref<1x80xi32, #tpu.memory_space<vmem>> -> memref<80xi32, #tpu.memory_space<vmem>>
    %dma_start3A_58 = arith.constant 0 : i32
    %dma_start3A_59 = arith.constant 0 : i32
    %dma_start3A_60 = tpu.memref_slice %arg2[%dma_start3A_58, %dma_start3A_59] : memref<10000x32xf32, #tpu.memory_space<hbm>> -> memref<10000x32xf32, #tpu.memory_space<hbm>>
    tpu.enqueue_indirect_dma source(%dma_start3A_60 : memref<10000x32xf32, #tpu.memory_space<hbm>>) target(%arg16 : memref<80x32xf32, #tpu.memory_space<vmem>>) offsets(%dma_start3A_57 : memref<80xi32, #tpu.memory_space<vmem>>) semaphore(%arg26 : memref<!tpu.dma_semaphore, #tpu.memory_space<semaphore_mem>>)
    %dma_wait3A_61 = arith.constant 1 : i32
    %dma_wait3A_62 = arith.constant 0 : i32
    %dma_wait3A_63 = tpu.memref_slice %arg9[%dma_wait3A_61, %dma_wait3A_62] : memref<125x80xi32, #tpu.memory_space<vmem>> -> memref<1x80xi32, #tpu.memory_space<vmem>>
    %dma_wait3A_64 = tpu.memref_squeeze %dma_wait3A_63 : memref<1x80xi32, #tpu.memory_space<vmem>> -> memref<80xi32, #tpu.memory_space<vmem>>
    %dma_wait3A_65 = arith.constant 0 : i32
    %dma_wait3A_66 = arith.constant 0 : i32
    %dma_wait3A_67 = tpu.memref_slice %arg2[%dma_wait3A_65, %dma_wait3A_66] : memref<10000x32xf32, #tpu.memory_space<hbm>> -> memref<10000x32xf32, #tpu.memory_space<hbm>>
    tpu.wait_indirect_dma semaphore(%arg22 : memref<!tpu.dma_semaphore, #tpu.memory_space<semaphore_mem>>) src(%dma_wait3A_67 : memref<10000x32xf32, #tpu.memory_space<hbm>>) dst(%arg12 : memref<80x32xf32, #tpu.memory_space<vmem>>)
    %dma_start3A_68 = arith.constant 1 : i32
    %dma_start3A_69 = arith.constant 0 : i32
    %dma_start3A_70 = tpu.memref_slice %arg10[%dma_start3A_68, %dma_start3A_69] : memref<125x80xi32, #tpu.memory_space<vmem>> -> memref<1x80xi32, #tpu.memory_space<vmem>>
    %dma_start3A_71 = tpu.memref_squeeze %dma_start3A_70 : memref<1x80xi32, #tpu.memory_space<vmem>> -> memref<80xi32, #tpu.memory_space<vmem>>
    %dma_start3A_72 = arith.constant 0 : i32
    %dma_start3A_73 = arith.constant 0 : i32
    %dma_start3A_74 = tpu.memref_slice %arg8[%dma_start3A_72, %dma_start3A_73] : memref<10000x32xf32, #tpu.memory_space<vmem_shared>> -> memref<10000x32xf32, #tpu.memory_space<vmem_shared>>
    tpu.enqueue_indirect_dma source(%arg12 : memref<80x32xf32, #tpu.memory_space<vmem>>) target(%dma_start3A_74 : memref<10000x32xf32, #tpu.memory_space<vmem_shared>>) offsets(%dma_start3A_71 : memref<80xi32, #tpu.memory_space<vmem>>) semaphore(%arg32 : memref<!tpu.dma_semaphore, #tpu.memory_space<semaphore_mem>>) {add = true}
    %dma_start3A_75 = arith.constant 6 : i32
    %dma_start3A_76 = arith.constant 0 : i32
    %dma_start3A_77 = tpu.memref_slice %arg9[%dma_start3A_75, %dma_start3A_76] : memref<125x80xi32, #tpu.memory_space<vmem>> -> memref<1x80xi32, #tpu.memory_space<vmem>>
    %dma_start3A_78 = tpu.memref_squeeze %dma_start3A_77 : memref<1x80xi32, #tpu.memory_space<vmem>> -> memref<80xi32, #tpu.memory_space<vmem>>
    %dma_start3A_79 = arith.constant 0 : i32
    %dma_start3A_80 = arith.constant 0 : i32
    %dma_start3A_81 = tpu.memref_slice %arg2[%dma_start3A_79, %dma_start3A_80] : memref<10000x32xf32, #tpu.memory_space<hbm>> -> memref<10000x32xf32, #tpu.memory_space<hbm>>
    tpu.enqueue_indirect_dma source(%dma_start3A_81 : memref<10000x32xf32, #tpu.memory_space<hbm>>) target(%arg17 : memref<80x32xf32, #tpu.memory_space<vmem>>) offsets(%dma_start3A_78 : memref<80xi32, #tpu.memory_space<vmem>>) semaphore(%arg27 : memref<!tpu.dma_semaphore, #tpu.memory_space<semaphore_mem>>)
    %dma_wait3A_82 = arith.constant 2 : i32
    %dma_wait3A_83 = arith.constant 0 : i32
    %dma_wait3A_84 = tpu.memref_slice %arg9[%dma_wait3A_82, %dma_wait3A_83] : memref<125x80xi32, #tpu.memory_space<vmem>> -> memref<1x80xi32, #tpu.memory_space<vmem>>
    %dma_wait3A_85 = tpu.memref_squeeze %dma_wait3A_84 : memref<1x80xi32, #tpu.memory_space<vmem>> -> memref<80xi32, #tpu.memory_space<vmem>>
    %dma_wait3A_86 = arith.constant 0 : i32
    %dma_wait3A_87 = arith.constant 0 : i32
    %dma_wait3A_88 = tpu.memref_slice %arg2[%dma_wait3A_86, %dma_wait3A_87] : memref<10000x32xf32, #tpu.memory_space<hbm>> -> memref<10000x32xf32, #tpu.memory_space<hbm>>
    tpu.wait_indirect_dma semaphore(%arg23 : memref<!tpu.dma_semaphore, #tpu.memory_space<semaphore_mem>>) src(%dma_wait3A_88 : memref<10000x32xf32, #tpu.memory_space<hbm>>) dst(%arg13 : memref<80x32xf32, #tpu.memory_space<vmem>>)
    %dma_start3A_89 = arith.constant 2 : i32
    %dma_start3A_90 = arith.constant 0 : i32
    %dma_start3A_91 = tpu.memref_slice %arg10[%dma_start3A_89, %dma_start3A_90] : memref<125x80xi32, #tpu.memory_space<vmem>> -> memref<1x80xi32, #tpu.memory_space<vmem>>
    %dma_start3A_92 = tpu.memref_squeeze %dma_start3A_91 : memref<1x80xi32, #tpu.memory_space<vmem>> -> memref<80xi32, #tpu.memory_space<vmem>>
    %dma_start3A_93 = arith.constant 0 : i32
    %dma_start3A_94 = arith.constant 0 : i32
    %dma_start3A_95 = tpu.memref_slice %arg8[%dma_start3A_93, %dma_start3A_94] : memref<10000x32xf32, #tpu.memory_space<vmem_shared>> -> memref<10000x32xf32, #tpu.memory_space<vmem_shared>>
    tpu.enqueue_indirect_dma source(%arg13 : memref<80x32xf32, #tpu.memory_space<vmem>>) target(%dma_start3A_95 : memref<10000x32xf32, #tpu.memory_space<vmem_shared>>) offsets(%dma_start3A_92 : memref<80xi32, #tpu.memory_space<vmem>>) semaphore(%arg33 : memref<!tpu.dma_semaphore, #tpu.memory_space<semaphore_mem>>) {add = true}
    %dma_start3A_96 = arith.constant 7 : i32
    %dma_start3A_97 = arith.constant 0 : i32
    %dma_start3A_98 = tpu.memref_slice %arg9[%dma_start3A_96, %dma_start3A_97] : memref<125x80xi32, #tpu.memory_space<vmem>> -> memref<1x80xi32, #tpu.memory_space<vmem>>
    %dma_start3A_99 = tpu.memref_squeeze %dma_start3A_98 : memref<1x80xi32, #tpu.memory_space<vmem>> -> memref<80xi32, #tpu.memory_space<vmem>>
    %dma_start3A_100 = arith.constant 0 : i32
    %dma_start3A_101 = arith.constant 0 : i32
    %dma_start3A_102 = tpu.memref_slice %arg2[%dma_start3A_100, %dma_start3A_101] : memref<10000x32xf32, #tpu.memory_space<hbm>> -> memref<10000x32xf32, #tpu.memory_space<hbm>>
    tpu.enqueue_indirect_dma source(%dma_start3A_102 : memref<10000x32xf32, #tpu.memory_space<hbm>>) target(%arg18 : memref<80x32xf32, #tpu.memory_space<vmem>>) offsets(%dma_start3A_99 : memref<80xi32, #tpu.memory_space<vmem>>) semaphore(%arg28 : memref<!tpu.dma_semaphore, #tpu.memory_space<semaphore_mem>>)
    %dma_wait3A_103 = arith.constant 3 : i32
    %dma_wait3A_104 = arith.constant 0 : i32
    %dma_wait3A_105 = tpu.memref_slice %arg9[%dma_wait3A_103, %dma_wait3A_104] : memref<125x80xi32, #tpu.memory_space<vmem>> -> memref<1x80xi32, #tpu.memory_space<vmem>>
    %dma_wait3A_106 = tpu.memref_squeeze %dma_wait3A_105 : memref<1x80xi32, #tpu.memory_space<vmem>> -> memref<80xi32, #tpu.memory_space<vmem>>
    %dma_wait3A_107 = arith.constant 0 : i32
    %dma_wait3A_108 = arith.constant 0 : i32
    %dma_wait3A_109 = tpu.memref_slice %arg2[%dma_wait3A_107, %dma_wait3A_108] : memref<10000x32xf32, #tpu.memory_space<hbm>> -> memref<10000x32xf32, #tpu.memory_space<hbm>>
    tpu.wait_indirect_dma semaphore(%arg24 : memref<!tpu.dma_semaphore, #tpu.memory_space<semaphore_mem>>) src(%dma_wait3A_109 : memref<10000x32xf32, #tpu.memory_space<hbm>>) dst(%arg14 : memref<80x32xf32, #tpu.memory_space<vmem>>)
    %dma_start3A_110 = arith.constant 3 : i32
    %dma_start3A_111 = arith.constant 0 : i32
    %dma_start3A_112 = tpu.memref_slice %arg10[%dma_start3A_110, %dma_start3A_111] : memref<125x80xi32, #tpu.memory_space<vmem>> -> memref<1x80xi32, #tpu.memory_space<vmem>>
    %dma_start3A_113 = tpu.memref_squeeze %dma_start3A_112 : memref<1x80xi32, #tpu.memory_space<vmem>> -> memref<80xi32, #tpu.memory_space<vmem>>
    %dma_start3A_114 = arith.constant 0 : i32
    %dma_start3A_115 = arith.constant 0 : i32
    %dma_start3A_116 = tpu.memref_slice %arg8[%dma_start3A_114, %dma_start3A_115] : memref<10000x32xf32, #tpu.memory_space<vmem_shared>> -> memref<10000x32xf32, #tpu.memory_space<vmem_shared>>
    tpu.enqueue_indirect_dma source(%arg14 : memref<80x32xf32, #tpu.memory_space<vmem>>) target(%dma_start3A_116 : memref<10000x32xf32, #tpu.memory_space<vmem_shared>>) offsets(%dma_start3A_113 : memref<80xi32, #tpu.memory_space<vmem>>) semaphore(%arg34 : memref<!tpu.dma_semaphore, #tpu.memory_space<semaphore_mem>>) {add = true}
    %dma_start3A_117 = arith.constant 8 : i32
    %dma_start3A_118 = arith.constant 0 : i32
    %dma_start3A_119 = tpu.memref_slice %arg9[%dma_start3A_117, %dma_start3A_118] : memref<125x80xi32, #tpu.memory_space<vmem>> -> memref<1x80xi32, #tpu.memory_space<vmem>>
    %dma_start3A_120 = tpu.memref_squeeze %dma_start3A_119 : memref<1x80xi32, #tpu.memory_space<vmem>> -> memref<80xi32, #tpu.memory_space<vmem>>
    %dma_start3A_121 = arith.constant 0 : i32
    %dma_start3A_122 = arith.constant 0 : i32
    %dma_start3A_123 = tpu.memref_slice %arg2[%dma_start3A_121, %dma_start3A_122] : memref<10000x32xf32, #tpu.memory_space<hbm>> -> memref<10000x32xf32, #tpu.memory_space<hbm>>
    tpu.enqueue_indirect_dma source(%dma_start3A_123 : memref<10000x32xf32, #tpu.memory_space<hbm>>) target(%arg19 : memref<80x32xf32, #tpu.memory_space<vmem>>) offsets(%dma_start3A_120 : memref<80xi32, #tpu.memory_space<vmem>>) semaphore(%arg29 : memref<!tpu.dma_semaphore, #tpu.memory_space<semaphore_mem>>)
    %dma_wait3A_124 = arith.constant 4 : i32
    %dma_wait3A_125 = arith.constant 0 : i32
    %dma_wait3A_126 = tpu.memref_slice %arg9[%dma_wait3A_124, %dma_wait3A_125] : memref<125x80xi32, #tpu.memory_space<vmem>> -> memref<1x80xi32, #tpu.memory_space<vmem>>
    %dma_wait3A_127 = tpu.memref_squeeze %dma_wait3A_126 : memref<1x80xi32, #tpu.memory_space<vmem>> -> memref<80xi32, #tpu.memory_space<vmem>>
    %dma_wait3A_128 = arith.constant 0 : i32
    %dma_wait3A_129 = arith.constant 0 : i32
    %dma_wait3A_130 = tpu.memref_slice %arg2[%dma_wait3A_128, %dma_wait3A_129] : memref<10000x32xf32, #tpu.memory_space<hbm>> -> memref<10000x32xf32, #tpu.memory_space<hbm>>
    tpu.wait_indirect_dma semaphore(%arg25 : memref<!tpu.dma_semaphore, #tpu.memory_space<semaphore_mem>>) src(%dma_wait3A_130 : memref<10000x32xf32, #tpu.memory_space<hbm>>) dst(%arg15 : memref<80x32xf32, #tpu.memory_space<vmem>>)
    %dma_start3A_131 = arith.constant 4 : i32
    %dma_start3A_132 = arith.constant 0 : i32
    %dma_start3A_133 = tpu.memref_slice %arg10[%dma_start3A_131, %dma_start3A_132] : memref<125x80xi32, #tpu.memory_space<vmem>> -> memref<1x80xi32, #tpu.memory_space<vmem>>
    %dma_start3A_134 = tpu.memref_squeeze %dma_start3A_133 : memref<1x80xi32, #tpu.memory_space<vmem>> -> memref<80xi32, #tpu.memory_space<vmem>>
    %dma_start3A_135 = arith.constant 0 : i32
    %dma_start3A_136 = arith.constant 0 : i32
    %dma_start3A_137 = tpu.memref_slice %arg8[%dma_start3A_135, %dma_start3A_136] : memref<10000x32xf32, #tpu.memory_space<vmem_shared>> -> memref<10000x32xf32, #tpu.memory_space<vmem_shared>>
    tpu.enqueue_indirect_dma source(%arg15 : memref<80x32xf32, #tpu.memory_space<vmem>>) target(%dma_start3A_137 : memref<10000x32xf32, #tpu.memory_space<vmem_shared>>) offsets(%dma_start3A_134 : memref<80xi32, #tpu.memory_space<vmem>>) semaphore(%arg35 : memref<!tpu.dma_semaphore, #tpu.memory_space<semaphore_mem>>) {add = true}
    %dma_start3A_138 = arith.constant 9 : i32
    %dma_start3A_139 = arith.constant 0 : i32
    %dma_start3A_140 = tpu.memref_slice %arg9[%dma_start3A_138, %dma_start3A_139] : memref<125x80xi32, #tpu.memory_space<vmem>> -> memref<1x80xi32, #tpu.memory_space<vmem>>
    %dma_start3A_141 = tpu.memref_squeeze %dma_start3A_140 : memref<1x80xi32, #tpu.memory_space<vmem>> -> memref<80xi32, #tpu.memory_space<vmem>>
    %dma_start3A_142 = arith.constant 0 : i32
    %dma_start3A_143 = arith.constant 0 : i32
    %dma_start3A_144 = tpu.memref_slice %arg2[%dma_start3A_142, %dma_start3A_143] : memref<10000x32xf32, #tpu.memory_space<hbm>> -> memref<10000x32xf32, #tpu.memory_space<hbm>>
    tpu.enqueue_indirect_dma source(%dma_start3A_144 : memref<10000x32xf32, #tpu.memory_space<hbm>>) target(%arg20 : memref<80x32xf32, #tpu.memory_space<vmem>>) offsets(%dma_start3A_141 : memref<80xi32, #tpu.memory_space<vmem>>) semaphore(%arg30 : memref<!tpu.dma_semaphore, #tpu.memory_space<semaphore_mem>>)
    %scan3A = arith.constant 0 : i32
    %scan3A_145 = arith.constant 11 : i32
    %scan3A_146 = arith.addi %scan3A, %scan3A_145 : i32
    %scan3A_147 = arith.constant 1 : i32
    scf.for %scan3A_440 = %scan3A to %scan3A_146 step %scan3A_147  : i32 {
      %mul3A_441 = arith.constant 10 : i32
      %mul3A_442 = arith.muli %scan3A_440, %mul3A_441 : i32
      %add3A_443 = arith.constant 5 : i32
      %add3A_444 = arith.addi %add3A_443, %mul3A_442 : i32
      %add3A_445 = arith.constant 0 : i32
      %add3A_446 = arith.addi %add3A_444, %add3A_445 : i32
      %dma_wait3A_447 = arith.constant 0 : i32
      %dma_wait3A_448 = tpu.memref_slice %arg9[%add3A_446, %dma_wait3A_447] : memref<125x80xi32, #tpu.memory_space<vmem>> -> memref<1x80xi32, #tpu.memory_space<vmem>>
      %dma_wait3A_449 = tpu.memref_squeeze %dma_wait3A_448 : memref<1x80xi32, #tpu.memory_space<vmem>> -> memref<80xi32, #tpu.memory_space<vmem>>
      %dma_wait3A_450 = arith.constant 0 : i32
      %dma_wait3A_451 = arith.constant 0 : i32
      %dma_wait3A_452 = tpu.memref_slice %arg2[%dma_wait3A_450, %dma_wait3A_451] : memref<10000x32xf32, #tpu.memory_space<hbm>> -> memref<10000x32xf32, #tpu.memory_space<hbm>>
      tpu.wait_indirect_dma semaphore(%arg26 : memref<!tpu.dma_semaphore, #tpu.memory_space<semaphore_mem>>) src(%dma_wait3A_452 : memref<10000x32xf32, #tpu.memory_space<hbm>>) dst(%arg16 : memref<80x32xf32, #tpu.memory_space<vmem>>)
      %dma_start3A_453 = arith.constant 0 : i32
      %dma_start3A_454 = tpu.memref_slice %arg10[%add3A_446, %dma_start3A_453] : memref<125x80xi32, #tpu.memory_space<vmem>> -> memref<1x80xi32, #tpu.memory_space<vmem>>
      %dma_start3A_455 = tpu.memref_squeeze %dma_start3A_454 : memref<1x80xi32, #tpu.memory_space<vmem>> -> memref<80xi32, #tpu.memory_space<vmem>>
      %dma_start3A_456 = arith.constant 0 : i32
      %dma_start3A_457 = arith.constant 0 : i32
      %dma_start3A_458 = tpu.memref_slice %arg8[%dma_start3A_456, %dma_start3A_457] : memref<10000x32xf32, #tpu.memory_space<vmem_shared>> -> memref<10000x32xf32, #tpu.memory_space<vmem_shared>>
      tpu.enqueue_indirect_dma source(%arg16 : memref<80x32xf32, #tpu.memory_space<vmem>>) target(%dma_start3A_458 : memref<10000x32xf32, #tpu.memory_space<vmem_shared>>) offsets(%dma_start3A_455 : memref<80xi32, #tpu.memory_space<vmem>>) semaphore(%arg36 : memref<!tpu.dma_semaphore, #tpu.memory_space<semaphore_mem>>) {add = true}
      %sub3A = arith.constant 5 : i32
      %sub3A_459 = arith.subi %add3A_446, %sub3A : i32
      %dma_wait3A_460 = arith.constant 0 : i32
      %dma_wait3A_461 = tpu.memref_slice %arg10[%sub3A_459, %dma_wait3A_460] : memref<125x80xi32, #tpu.memory_space<vmem>> -> memref<1x80xi32, #tpu.memory_space<vmem>>
      %dma_wait3A_462 = tpu.memref_squeeze %dma_wait3A_461 : memref<1x80xi32, #tpu.memory_space<vmem>> -> memref<80xi32, #tpu.memory_space<vmem>>
      %dma_wait3A_463 = arith.constant 0 : i32
      %dma_wait3A_464 = arith.constant 0 : i32
      %dma_wait3A_465 = tpu.memref_slice %arg8[%dma_wait3A_463, %dma_wait3A_464] : memref<10000x32xf32, #tpu.memory_space<vmem_shared>> -> memref<10000x32xf32, #tpu.memory_space<vmem_shared>>
      tpu.wait_indirect_dma semaphore(%arg31 : memref<!tpu.dma_semaphore, #tpu.memory_space<semaphore_mem>>) src(%arg11 : memref<80x32xf32, #tpu.memory_space<vmem>>) dst(%dma_wait3A_465 : memref<10000x32xf32, #tpu.memory_space<vmem_shared>>)
      %add3A_466 = arith.constant 5 : i32
      %add3A_467 = arith.addi %add3A_446, %add3A_466 : i32
      %dma_start3A_468 = arith.constant 0 : i32
      %dma_start3A_469 = tpu.memref_slice %arg9[%add3A_467, %dma_start3A_468] : memref<125x80xi32, #tpu.memory_space<vmem>> -> memref<1x80xi32, #tpu.memory_space<vmem>>
      %dma_start3A_470 = tpu.memref_squeeze %dma_start3A_469 : memref<1x80xi32, #tpu.memory_space<vmem>> -> memref<80xi32, #tpu.memory_space<vmem>>
      %dma_start3A_471 = arith.constant 0 : i32
      %dma_start3A_472 = arith.constant 0 : i32
      %dma_start3A_473 = tpu.memref_slice %arg2[%dma_start3A_471, %dma_start3A_472] : memref<10000x32xf32, #tpu.memory_space<hbm>> -> memref<10000x32xf32, #tpu.memory_space<hbm>>
      tpu.enqueue_indirect_dma source(%dma_start3A_473 : memref<10000x32xf32, #tpu.memory_space<hbm>>) target(%arg11 : memref<80x32xf32, #tpu.memory_space<vmem>>) offsets(%dma_start3A_470 : memref<80xi32, #tpu.memory_space<vmem>>) semaphore(%arg21 : memref<!tpu.dma_semaphore, #tpu.memory_space<semaphore_mem>>)
      %add3A_474 = arith.constant 1 : i32
      %add3A_475 = arith.addi %add3A_444, %add3A_474 : i32
      %dma_wait3A_476 = arith.constant 0 : i32
      %dma_wait3A_477 = tpu.memref_slice %arg9[%add3A_475, %dma_wait3A_476] : memref<125x80xi32, #tpu.memory_space<vmem>> -> memref<1x80xi32, #tpu.memory_space<vmem>>
      %dma_wait3A_478 = tpu.memref_squeeze %dma_wait3A_477 : memref<1x80xi32, #tpu.memory_space<vmem>> -> memref<80xi32, #tpu.memory_space<vmem>>
      %dma_wait3A_479 = arith.constant 0 : i32
      %dma_wait3A_480 = arith.constant 0 : i32
      %dma_wait3A_481 = tpu.memref_slice %arg2[%dma_wait3A_479, %dma_wait3A_480] : memref<10000x32xf32, #tpu.memory_space<hbm>> -> memref<10000x32xf32, #tpu.memory_space<hbm>>
      tpu.wait_indirect_dma semaphore(%arg27 : memref<!tpu.dma_semaphore, #tpu.memory_space<semaphore_mem>>) src(%dma_wait3A_481 : memref<10000x32xf32, #tpu.memory_space<hbm>>) dst(%arg17 : memref<80x32xf32, #tpu.memory_space<vmem>>)
      %dma_start3A_482 = arith.constant 0 : i32
      %dma_start3A_483 = tpu.memref_slice %arg10[%add3A_475, %dma_start3A_482] : memref<125x80xi32, #tpu.memory_space<vmem>> -> memref<1x80xi32, #tpu.memory_space<vmem>>
      %dma_start3A_484 = tpu.memref_squeeze %dma_start3A_483 : memref<1x80xi32, #tpu.memory_space<vmem>> -> memref<80xi32, #tpu.memory_space<vmem>>
      %dma_start3A_485 = arith.constant 0 : i32
      %dma_start3A_486 = arith.constant 0 : i32
      %dma_start3A_487 = tpu.memref_slice %arg8[%dma_start3A_485, %dma_start3A_486] : memref<10000x32xf32, #tpu.memory_space<vmem_shared>> -> memref<10000x32xf32, #tpu.memory_space<vmem_shared>>
      tpu.enqueue_indirect_dma source(%arg17 : memref<80x32xf32, #tpu.memory_space<vmem>>) target(%dma_start3A_487 : memref<10000x32xf32, #tpu.memory_space<vmem_shared>>) offsets(%dma_start3A_484 : memref<80xi32, #tpu.memory_space<vmem>>) semaphore(%arg37 : memref<!tpu.dma_semaphore, #tpu.memory_space<semaphore_mem>>) {add = true}
      %sub3A_488 = arith.constant 5 : i32
      %sub3A_489 = arith.subi %add3A_475, %sub3A_488 : i32
      %dma_wait3A_490 = arith.constant 0 : i32
      %dma_wait3A_491 = tpu.memref_slice %arg10[%sub3A_489, %dma_wait3A_490] : memref<125x80xi32, #tpu.memory_space<vmem>> -> memref<1x80xi32, #tpu.memory_space<vmem>>
      %dma_wait3A_492 = tpu.memref_squeeze %dma_wait3A_491 : memref<1x80xi32, #tpu.memory_space<vmem>> -> memref<80xi32, #tpu.memory_space<vmem>>
      %dma_wait3A_493 = arith.constant 0 : i32
      %dma_wait3A_494 = arith.constant 0 : i32
      %dma_wait3A_495 = tpu.memref_slice %arg8[%dma_wait3A_493, %dma_wait3A_494] : memref<10000x32xf32, #tpu.memory_space<vmem_shared>> -> memref<10000x32xf32, #tpu.memory_space<vmem_shared>>
      tpu.wait_indirect_dma semaphore(%arg32 : memref<!tpu.dma_semaphore, #tpu.memory_space<semaphore_mem>>) src(%arg12 : memref<80x32xf32, #tpu.memory_space<vmem>>) dst(%dma_wait3A_495 : memref<10000x32xf32, #tpu.memory_space<vmem_shared>>)
      %add3A_496 = arith.constant 5 : i32
      %add3A_497 = arith.addi %add3A_475, %add3A_496 : i32
      %dma_start3A_498 = arith.constant 0 : i32
      %dma_start3A_499 = tpu.memref_slice %arg9[%add3A_497, %dma_start3A_498] : memref<125x80xi32, #tpu.memory_space<vmem>> -> memref<1x80xi32, #tpu.memory_space<vmem>>
      %dma_start3A_500 = tpu.memref_squeeze %dma_start3A_499 : memref<1x80xi32, #tpu.memory_space<vmem>> -> memref<80xi32, #tpu.memory_space<vmem>>
      %dma_start3A_501 = arith.constant 0 : i32
      %dma_start3A_502 = arith.constant 0 : i32
      %dma_start3A_503 = tpu.memref_slice %arg2[%dma_start3A_501, %dma_start3A_502] : memref<10000x32xf32, #tpu.memory_space<hbm>> -> memref<10000x32xf32, #tpu.memory_space<hbm>>
      tpu.enqueue_indirect_dma source(%dma_start3A_503 : memref<10000x32xf32, #tpu.memory_space<hbm>>) target(%arg12 : memref<80x32xf32, #tpu.memory_space<vmem>>) offsets(%dma_start3A_500 : memref<80xi32, #tpu.memory_space<vmem>>) semaphore(%arg22 : memref<!tpu.dma_semaphore, #tpu.memory_space<semaphore_mem>>)
      %add3A_504 = arith.constant 2 : i32
      %add3A_505 = arith.addi %add3A_444, %add3A_504 : i32
      %dma_wait3A_506 = arith.constant 0 : i32
      %dma_wait3A_507 = tpu.memref_slice %arg9[%add3A_505, %dma_wait3A_506] : memref<125x80xi32, #tpu.memory_space<vmem>> -> memref<1x80xi32, #tpu.memory_space<vmem>>
      %dma_wait3A_508 = tpu.memref_squeeze %dma_wait3A_507 : memref<1x80xi32, #tpu.memory_space<vmem>> -> memref<80xi32, #tpu.memory_space<vmem>>
      %dma_wait3A_509 = arith.constant 0 : i32
      %dma_wait3A_510 = arith.constant 0 : i32
      %dma_wait3A_511 = tpu.memref_slice %arg2[%dma_wait3A_509, %dma_wait3A_510] : memref<10000x32xf32, #tpu.memory_space<hbm>> -> memref<10000x32xf32, #tpu.memory_space<hbm>>
      tpu.wait_indirect_dma semaphore(%arg28 : memref<!tpu.dma_semaphore, #tpu.memory_space<semaphore_mem>>) src(%dma_wait3A_511 : memref<10000x32xf32, #tpu.memory_space<hbm>>) dst(%arg18 : memref<80x32xf32, #tpu.memory_space<vmem>>)
      %dma_start3A_512 = arith.constant 0 : i32
      %dma_start3A_513 = tpu.memref_slice %arg10[%add3A_505, %dma_start3A_512] : memref<125x80xi32, #tpu.memory_space<vmem>> -> memref<1x80xi32, #tpu.memory_space<vmem>>
      %dma_start3A_514 = tpu.memref_squeeze %dma_start3A_513 : memref<1x80xi32, #tpu.memory_space<vmem>> -> memref<80xi32, #tpu.memory_space<vmem>>
      %dma_start3A_515 = arith.constant 0 : i32
      %dma_start3A_516 = arith.constant 0 : i32
      %dma_start3A_517 = tpu.memref_slice %arg8[%dma_start3A_515, %dma_start3A_516] : memref<10000x32xf32, #tpu.memory_space<vmem_shared>> -> memref<10000x32xf32, #tpu.memory_space<vmem_shared>>
      tpu.enqueue_indirect_dma source(%arg18 : memref<80x32xf32, #tpu.memory_space<vmem>>) target(%dma_start3A_517 : memref<10000x32xf32, #tpu.memory_space<vmem_shared>>) offsets(%dma_start3A_514 : memref<80xi32, #tpu.memory_space<vmem>>) semaphore(%arg38 : memref<!tpu.dma_semaphore, #tpu.memory_space<semaphore_mem>>) {add = true}
      %sub3A_518 = arith.constant 5 : i32
      %sub3A_519 = arith.subi %add3A_505, %sub3A_518 : i32
      %dma_wait3A_520 = arith.constant 0 : i32
      %dma_wait3A_521 = tpu.memref_slice %arg10[%sub3A_519, %dma_wait3A_520] : memref<125x80xi32, #tpu.memory_space<vmem>> -> memref<1x80xi32, #tpu.memory_space<vmem>>
      %dma_wait3A_522 = tpu.memref_squeeze %dma_wait3A_521 : memref<1x80xi32, #tpu.memory_space<vmem>> -> memref<80xi32, #tpu.memory_space<vmem>>
      %dma_wait3A_523 = arith.constant 0 : i32
      %dma_wait3A_524 = arith.constant 0 : i32
      %dma_wait3A_525 = tpu.memref_slice %arg8[%dma_wait3A_523, %dma_wait3A_524] : memref<10000x32xf32, #tpu.memory_space<vmem_shared>> -> memref<10000x32xf32, #tpu.memory_space<vmem_shared>>
      tpu.wait_indirect_dma semaphore(%arg33 : memref<!tpu.dma_semaphore, #tpu.memory_space<semaphore_mem>>) src(%arg13 : memref<80x32xf32, #tpu.memory_space<vmem>>) dst(%dma_wait3A_525 : memref<10000x32xf32, #tpu.memory_space<vmem_shared>>)
      %add3A_526 = arith.constant 5 : i32
      %add3A_527 = arith.addi %add3A_505, %add3A_526 : i32
      %dma_start3A_528 = arith.constant 0 : i32
      %dma_start3A_529 = tpu.memref_slice %arg9[%add3A_527, %dma_start3A_528] : memref<125x80xi32, #tpu.memory_space<vmem>> -> memref<1x80xi32, #tpu.memory_space<vmem>>
      %dma_start3A_530 = tpu.memref_squeeze %dma_start3A_529 : memref<1x80xi32, #tpu.memory_space<vmem>> -> memref<80xi32, #tpu.memory_space<vmem>>
      %dma_start3A_531 = arith.constant 0 : i32
      %dma_start3A_532 = arith.constant 0 : i32
      %dma_start3A_533 = tpu.memref_slice %arg2[%dma_start3A_531, %dma_start3A_532] : memref<10000x32xf32, #tpu.memory_space<hbm>> -> memref<10000x32xf32, #tpu.memory_space<hbm>>
      tpu.enqueue_indirect_dma source(%dma_start3A_533 : memref<10000x32xf32, #tpu.memory_space<hbm>>) target(%arg13 : memref<80x32xf32, #tpu.memory_space<vmem>>) offsets(%dma_start3A_530 : memref<80xi32, #tpu.memory_space<vmem>>) semaphore(%arg23 : memref<!tpu.dma_semaphore, #tpu.memory_space<semaphore_mem>>)
      %add3A_534 = arith.constant 3 : i32
      %add3A_535 = arith.addi %add3A_444, %add3A_534 : i32
      %dma_wait3A_536 = arith.constant 0 : i32
      %dma_wait3A_537 = tpu.memref_slice %arg9[%add3A_535, %dma_wait3A_536] : memref<125x80xi32, #tpu.memory_space<vmem>> -> memref<1x80xi32, #tpu.memory_space<vmem>>
      %dma_wait3A_538 = tpu.memref_squeeze %dma_wait3A_537 : memref<1x80xi32, #tpu.memory_space<vmem>> -> memref<80xi32, #tpu.memory_space<vmem>>
      %dma_wait3A_539 = arith.constant 0 : i32
      %dma_wait3A_540 = arith.constant 0 : i32
      %dma_wait3A_541 = tpu.memref_slice %arg2[%dma_wait3A_539, %dma_wait3A_540] : memref<10000x32xf32, #tpu.memory_space<hbm>> -> memref<10000x32xf32, #tpu.memory_space<hbm>>
      tpu.wait_indirect_dma semaphore(%arg29 : memref<!tpu.dma_semaphore, #tpu.memory_space<semaphore_mem>>) src(%dma_wait3A_541 : memref<10000x32xf32, #tpu.memory_space<hbm>>) dst(%arg19 : memref<80x32xf32, #tpu.memory_space<vmem>>)
      %dma_start3A_542 = arith.constant 0 : i32
      %dma_start3A_543 = tpu.memref_slice %arg10[%add3A_535, %dma_start3A_542] : memref<125x80xi32, #tpu.memory_space<vmem>> -> memref<1x80xi32, #tpu.memory_space<vmem>>
      %dma_start3A_544 = tpu.memref_squeeze %dma_start3A_543 : memref<1x80xi32, #tpu.memory_space<vmem>> -> memref<80xi32, #tpu.memory_space<vmem>>
      %dma_start3A_545 = arith.constant 0 : i32
      %dma_start3A_546 = arith.constant 0 : i32
      %dma_start3A_547 = tpu.memref_slice %arg8[%dma_start3A_545, %dma_start3A_546] : memref<10000x32xf32, #tpu.memory_space<vmem_shared>> -> memref<10000x32xf32, #tpu.memory_space<vmem_shared>>
      tpu.enqueue_indirect_dma source(%arg19 : memref<80x32xf32, #tpu.memory_space<vmem>>) target(%dma_start3A_547 : memref<10000x32xf32, #tpu.memory_space<vmem_shared>>) offsets(%dma_start3A_544 : memref<80xi32, #tpu.memory_space<vmem>>) semaphore(%arg39 : memref<!tpu.dma_semaphore, #tpu.memory_space<semaphore_mem>>) {add = true}
      %sub3A_548 = arith.constant 5 : i32
      %sub3A_549 = arith.subi %add3A_535, %sub3A_548 : i32
      %dma_wait3A_550 = arith.constant 0 : i32
      %dma_wait3A_551 = tpu.memref_slice %arg10[%sub3A_549, %dma_wait3A_550] : memref<125x80xi32, #tpu.memory_space<vmem>> -> memref<1x80xi32, #tpu.memory_space<vmem>>
      %dma_wait3A_552 = tpu.memref_squeeze %dma_wait3A_551 : memref<1x80xi32, #tpu.memory_space<vmem>> -> memref<80xi32, #tpu.memory_space<vmem>>
      %dma_wait3A_553 = arith.constant 0 : i32
      %dma_wait3A_554 = arith.constant 0 : i32
      %dma_wait3A_555 = tpu.memref_slice %arg8[%dma_wait3A_553, %dma_wait3A_554] : memref<10000x32xf32, #tpu.memory_space<vmem_shared>> -> memref<10000x32xf32, #tpu.memory_space<vmem_shared>>
      tpu.wait_indirect_dma semaphore(%arg34 : memref<!tpu.dma_semaphore, #tpu.memory_space<semaphore_mem>>) src(%arg14 : memref<80x32xf32, #tpu.memory_space<vmem>>) dst(%dma_wait3A_555 : memref<10000x32xf32, #tpu.memory_space<vmem_shared>>)
      %add3A_556 = arith.constant 5 : i32
      %add3A_557 = arith.addi %add3A_535, %add3A_556 : i32
      %dma_start3A_558 = arith.constant 0 : i32
      %dma_start3A_559 = tpu.memref_slice %arg9[%add3A_557, %dma_start3A_558] : memref<125x80xi32, #tpu.memory_space<vmem>> -> memref<1x80xi32, #tpu.memory_space<vmem>>
      %dma_start3A_560 = tpu.memref_squeeze %dma_start3A_559 : memref<1x80xi32, #tpu.memory_space<vmem>> -> memref<80xi32, #tpu.memory_space<vmem>>
      %dma_start3A_561 = arith.constant 0 : i32
      %dma_start3A_562 = arith.constant 0 : i32
      %dma_start3A_563 = tpu.memref_slice %arg2[%dma_start3A_561, %dma_start3A_562] : memref<10000x32xf32, #tpu.memory_space<hbm>> -> memref<10000x32xf32, #tpu.memory_space<hbm>>
      tpu.enqueue_indirect_dma source(%dma_start3A_563 : memref<10000x32xf32, #tpu.memory_space<hbm>>) target(%arg14 : memref<80x32xf32, #tpu.memory_space<vmem>>) offsets(%dma_start3A_560 : memref<80xi32, #tpu.memory_space<vmem>>) semaphore(%arg24 : memref<!tpu.dma_semaphore, #tpu.memory_space<semaphore_mem>>)
      %add3A_564 = arith.constant 4 : i32
      %add3A_565 = arith.addi %add3A_444, %add3A_564 : i32
      %dma_wait3A_566 = arith.constant 0 : i32
      %dma_wait3A_567 = tpu.memref_slice %arg9[%add3A_565, %dma_wait3A_566] : memref<125x80xi32, #tpu.memory_space<vmem>> -> memref<1x80xi32, #tpu.memory_space<vmem>>
      %dma_wait3A_568 = tpu.memref_squeeze %dma_wait3A_567 : memref<1x80xi32, #tpu.memory_space<vmem>> -> memref<80xi32, #tpu.memory_space<vmem>>
      %dma_wait3A_569 = arith.constant 0 : i32
      %dma_wait3A_570 = arith.constant 0 : i32
      %dma_wait3A_571 = tpu.memref_slice %arg2[%dma_wait3A_569, %dma_wait3A_570] : memref<10000x32xf32, #tpu.memory_space<hbm>> -> memref<10000x32xf32, #tpu.memory_space<hbm>>
      tpu.wait_indirect_dma semaphore(%arg30 : memref<!tpu.dma_semaphore, #tpu.memory_space<semaphore_mem>>) src(%dma_wait3A_571 : memref<10000x32xf32, #tpu.memory_space<hbm>>) dst(%arg20 : memref<80x32xf32, #tpu.memory_space<vmem>>)
      %dma_start3A_572 = arith.constant 0 : i32
      %dma_start3A_573 = tpu.memref_slice %arg10[%add3A_565, %dma_start3A_572] : memref<125x80xi32, #tpu.memory_space<vmem>> -> memref<1x80xi32, #tpu.memory_space<vmem>>
      %dma_start3A_574 = tpu.memref_squeeze %dma_start3A_573 : memref<1x80xi32, #tpu.memory_space<vmem>> -> memref<80xi32, #tpu.memory_space<vmem>>
      %dma_start3A_575 = arith.constant 0 : i32
      %dma_start3A_576 = arith.constant 0 : i32
      %dma_start3A_577 = tpu.memref_slice %arg8[%dma_start3A_575, %dma_start3A_576] : memref<10000x32xf32, #tpu.memory_space<vmem_shared>> -> memref<10000x32xf32, #tpu.memory_space<vmem_shared>>
      tpu.enqueue_indirect_dma source(%arg20 : memref<80x32xf32, #tpu.memory_space<vmem>>) target(%dma_start3A_577 : memref<10000x32xf32, #tpu.memory_space<vmem_shared>>) offsets(%dma_start3A_574 : memref<80xi32, #tpu.memory_space<vmem>>) semaphore(%arg40 : memref<!tpu.dma_semaphore, #tpu.memory_space<semaphore_mem>>) {add = true}
      %sub3A_578 = arith.constant 5 : i32
      %sub3A_579 = arith.subi %add3A_565, %sub3A_578 : i32
      %dma_wait3A_580 = arith.constant 0 : i32
      %dma_wait3A_581 = tpu.memref_slice %arg10[%sub3A_579, %dma_wait3A_580] : memref<125x80xi32, #tpu.memory_space<vmem>> -> memref<1x80xi32, #tpu.memory_space<vmem>>
      %dma_wait3A_582 = tpu.memref_squeeze %dma_wait3A_581 : memref<1x80xi32, #tpu.memory_space<vmem>> -> memref<80xi32, #tpu.memory_space<vmem>>
      %dma_wait3A_583 = arith.constant 0 : i32
      %dma_wait3A_584 = arith.constant 0 : i32
      %dma_wait3A_585 = tpu.memref_slice %arg8[%dma_wait3A_583, %dma_wait3A_584] : memref<10000x32xf32, #tpu.memory_space<vmem_shared>> -> memref<10000x32xf32, #tpu.memory_space<vmem_shared>>
      tpu.wait_indirect_dma semaphore(%arg35 : memref<!tpu.dma_semaphore, #tpu.memory_space<semaphore_mem>>) src(%arg15 : memref<80x32xf32, #tpu.memory_space<vmem>>) dst(%dma_wait3A_585 : memref<10000x32xf32, #tpu.memory_space<vmem_shared>>)
      %add3A_586 = arith.constant 5 : i32
      %add3A_587 = arith.addi %add3A_565, %add3A_586 : i32
      %dma_start3A_588 = arith.constant 0 : i32
      %dma_start3A_589 = tpu.memref_slice %arg9[%add3A_587, %dma_start3A_588] : memref<125x80xi32, #tpu.memory_space<vmem>> -> memref<1x80xi32, #tpu.memory_space<vmem>>
      %dma_start3A_590 = tpu.memref_squeeze %dma_start3A_589 : memref<1x80xi32, #tpu.memory_space<vmem>> -> memref<80xi32, #tpu.memory_space<vmem>>
      %dma_start3A_591 = arith.constant 0 : i32
      %dma_start3A_592 = arith.constant 0 : i32
      %dma_start3A_593 = tpu.memref_slice %arg2[%dma_start3A_591, %dma_start3A_592] : memref<10000x32xf32, #tpu.memory_space<hbm>> -> memref<10000x32xf32, #tpu.memory_space<hbm>>
      tpu.enqueue_indirect_dma source(%dma_start3A_593 : memref<10000x32xf32, #tpu.memory_space<hbm>>) target(%arg15 : memref<80x32xf32, #tpu.memory_space<vmem>>) offsets(%dma_start3A_590 : memref<80xi32, #tpu.memory_space<vmem>>) semaphore(%arg25 : memref<!tpu.dma_semaphore, #tpu.memory_space<semaphore_mem>>)
      %add3A_594 = arith.constant 5 : i32
      %add3A_595 = arith.addi %add3A_444, %add3A_594 : i32
      %dma_wait3A_596 = arith.constant 0 : i32
      %dma_wait3A_597 = tpu.memref_slice %arg9[%add3A_595, %dma_wait3A_596] : memref<125x80xi32, #tpu.memory_space<vmem>> -> memref<1x80xi32, #tpu.memory_space<vmem>>
      %dma_wait3A_598 = tpu.memref_squeeze %dma_wait3A_597 : memref<1x80xi32, #tpu.memory_space<vmem>> -> memref<80xi32, #tpu.memory_space<vmem>>
      %dma_wait3A_599 = arith.constant 0 : i32
      %dma_wait3A_600 = arith.constant 0 : i32
      %dma_wait3A_601 = tpu.memref_slice %arg2[%dma_wait3A_599, %dma_wait3A_600] : memref<10000x32xf32, #tpu.memory_space<hbm>> -> memref<10000x32xf32, #tpu.memory_space<hbm>>
      tpu.wait_indirect_dma semaphore(%arg21 : memref<!tpu.dma_semaphore, #tpu.memory_space<semaphore_mem>>) src(%dma_wait3A_601 : memref<10000x32xf32, #tpu.memory_space<hbm>>) dst(%arg11 : memref<80x32xf32, #tpu.memory_space<vmem>>)
      %dma_start3A_602 = arith.constant 0 : i32
      %dma_start3A_603 = tpu.memref_slice %arg10[%add3A_595, %dma_start3A_602] : memref<125x80xi32, #tpu.memory_space<vmem>> -> memref<1x80xi32, #tpu.memory_space<vmem>>
      %dma_start3A_604 = tpu.memref_squeeze %dma_start3A_603 : memref<1x80xi32, #tpu.memory_space<vmem>> -> memref<80xi32, #tpu.memory_space<vmem>>
      %dma_start3A_605 = arith.constant 0 : i32
      %dma_start3A_606 = arith.constant 0 : i32
      %dma_start3A_607 = tpu.memref_slice %arg8[%dma_start3A_605, %dma_start3A_606] : memref<10000x32xf32, #tpu.memory_space<vmem_shared>> -> memref<10000x32xf32, #tpu.memory_space<vmem_shared>>
      tpu.enqueue_indirect_dma source(%arg11 : memref<80x32xf32, #tpu.memory_space<vmem>>) target(%dma_start3A_607 : memref<10000x32xf32, #tpu.memory_space<vmem_shared>>) offsets(%dma_start3A_604 : memref<80xi32, #tpu.memory_space<vmem>>) semaphore(%arg31 : memref<!tpu.dma_semaphore, #tpu.memory_space<semaphore_mem>>) {add = true}
      %sub3A_608 = arith.constant 5 : i32
      %sub3A_609 = arith.subi %add3A_595, %sub3A_608 : i32
      %dma_wait3A_610 = arith.constant 0 : i32
      %dma_wait3A_611 = tpu.memref_slice %arg10[%sub3A_609, %dma_wait3A_610] : memref<125x80xi32, #tpu.memory_space<vmem>> -> memref<1x80xi32, #tpu.memory_space<vmem>>
      %dma_wait3A_612 = tpu.memref_squeeze %dma_wait3A_611 : memref<1x80xi32, #tpu.memory_space<vmem>> -> memref<80xi32, #tpu.memory_space<vmem>>
      %dma_wait3A_613 = arith.constant 0 : i32
      %dma_wait3A_614 = arith.constant 0 : i32
      %dma_wait3A_615 = tpu.memref_slice %arg8[%dma_wait3A_613, %dma_wait3A_614] : memref<10000x32xf32, #tpu.memory_space<vmem_shared>> -> memref<10000x32xf32, #tpu.memory_space<vmem_shared>>
      tpu.wait_indirect_dma semaphore(%arg36 : memref<!tpu.dma_semaphore, #tpu.memory_space<semaphore_mem>>) src(%arg16 : memref<80x32xf32, #tpu.memory_space<vmem>>) dst(%dma_wait3A_615 : memref<10000x32xf32, #tpu.memory_space<vmem_shared>>)
      %add3A_616 = arith.constant 5 : i32
      %add3A_617 = arith.addi %add3A_595, %add3A_616 : i32
      %dma_start3A_618 = arith.constant 0 : i32
      %dma_start3A_619 = tpu.memref_slice %arg9[%add3A_617, %dma_start3A_618] : memref<125x80xi32, #tpu.memory_space<vmem>> -> memref<1x80xi32, #tpu.memory_space<vmem>>
      %dma_start3A_620 = tpu.memref_squeeze %dma_start3A_619 : memref<1x80xi32, #tpu.memory_space<vmem>> -> memref<80xi32, #tpu.memory_space<vmem>>
      %dma_start3A_621 = arith.constant 0 : i32
      %dma_start3A_622 = arith.constant 0 : i32
      %dma_start3A_623 = tpu.memref_slice %arg2[%dma_start3A_621, %dma_start3A_622] : memref<10000x32xf32, #tpu.memory_space<hbm>> -> memref<10000x32xf32, #tpu.memory_space<hbm>>
      tpu.enqueue_indirect_dma source(%dma_start3A_623 : memref<10000x32xf32, #tpu.memory_space<hbm>>) target(%arg16 : memref<80x32xf32, #tpu.memory_space<vmem>>) offsets(%dma_start3A_620 : memref<80xi32, #tpu.memory_space<vmem>>) semaphore(%arg26 : memref<!tpu.dma_semaphore, #tpu.memory_space<semaphore_mem>>)
      %add3A_624 = arith.constant 6 : i32
      %add3A_625 = arith.addi %add3A_444, %add3A_624 : i32
      %dma_wait3A_626 = arith.constant 0 : i32
      %dma_wait3A_627 = tpu.memref_slice %arg9[%add3A_625, %dma_wait3A_626] : memref<125x80xi32, #tpu.memory_space<vmem>> -> memref<1x80xi32, #tpu.memory_space<vmem>>
      %dma_wait3A_628 = tpu.memref_squeeze %dma_wait3A_627 : memref<1x80xi32, #tpu.memory_space<vmem>> -> memref<80xi32, #tpu.memory_space<vmem>>
      %dma_wait3A_629 = arith.constant 0 : i32
      %dma_wait3A_630 = arith.constant 0 : i32
      %dma_wait3A_631 = tpu.memref_slice %arg2[%dma_wait3A_629, %dma_wait3A_630] : memref<10000x32xf32, #tpu.memory_space<hbm>> -> memref<10000x32xf32, #tpu.memory_space<hbm>>
      tpu.wait_indirect_dma semaphore(%arg22 : memref<!tpu.dma_semaphore, #tpu.memory_space<semaphore_mem>>) src(%dma_wait3A_631 : memref<10000x32xf32, #tpu.memory_space<hbm>>) dst(%arg12 : memref<80x32xf32, #tpu.memory_space<vmem>>)
      %dma_start3A_632 = arith.constant 0 : i32
      %dma_start3A_633 = tpu.memref_slice %arg10[%add3A_625, %dma_start3A_632] : memref<125x80xi32, #tpu.memory_space<vmem>> -> memref<1x80xi32, #tpu.memory_space<vmem>>
      %dma_start3A_634 = tpu.memref_squeeze %dma_start3A_633 : memref<1x80xi32, #tpu.memory_space<vmem>> -> memref<80xi32, #tpu.memory_space<vmem>>
      %dma_start3A_635 = arith.constant 0 : i32
      %dma_start3A_636 = arith.constant 0 : i32
      %dma_start3A_637 = tpu.memref_slice %arg8[%dma_start3A_635, %dma_start3A_636] : memref<10000x32xf32, #tpu.memory_space<vmem_shared>> -> memref<10000x32xf32, #tpu.memory_space<vmem_shared>>
      tpu.enqueue_indirect_dma source(%arg12 : memref<80x32xf32, #tpu.memory_space<vmem>>) target(%dma_start3A_637 : memref<10000x32xf32, #tpu.memory_space<vmem_shared>>) offsets(%dma_start3A_634 : memref<80xi32, #tpu.memory_space<vmem>>) semaphore(%arg32 : memref<!tpu.dma_semaphore, #tpu.memory_space<semaphore_mem>>) {add = true}
      %sub3A_638 = arith.constant 5 : i32
      %sub3A_639 = arith.subi %add3A_625, %sub3A_638 : i32
      %dma_wait3A_640 = arith.constant 0 : i32
      %dma_wait3A_641 = tpu.memref_slice %arg10[%sub3A_639, %dma_wait3A_640] : memref<125x80xi32, #tpu.memory_space<vmem>> -> memref<1x80xi32, #tpu.memory_space<vmem>>
      %dma_wait3A_642 = tpu.memref_squeeze %dma_wait3A_641 : memref<1x80xi32, #tpu.memory_space<vmem>> -> memref<80xi32, #tpu.memory_space<vmem>>
      %dma_wait3A_643 = arith.constant 0 : i32
      %dma_wait3A_644 = arith.constant 0 : i32
      %dma_wait3A_645 = tpu.memref_slice %arg8[%dma_wait3A_643, %dma_wait3A_644] : memref<10000x32xf32, #tpu.memory_space<vmem_shared>> -> memref<10000x32xf32, #tpu.memory_space<vmem_shared>>
      tpu.wait_indirect_dma semaphore(%arg37 : memref<!tpu.dma_semaphore, #tpu.memory_space<semaphore_mem>>) src(%arg17 : memref<80x32xf32, #tpu.memory_space<vmem>>) dst(%dma_wait3A_645 : memref<10000x32xf32, #tpu.memory_space<vmem_shared>>)
      %add3A_646 = arith.constant 5 : i32
      %add3A_647 = arith.addi %add3A_625, %add3A_646 : i32
      %dma_start3A_648 = arith.constant 0 : i32
      %dma_start3A_649 = tpu.memref_slice %arg9[%add3A_647, %dma_start3A_648] : memref<125x80xi32, #tpu.memory_space<vmem>> -> memref<1x80xi32, #tpu.memory_space<vmem>>
      %dma_start3A_650 = tpu.memref_squeeze %dma_start3A_649 : memref<1x80xi32, #tpu.memory_space<vmem>> -> memref<80xi32, #tpu.memory_space<vmem>>
      %dma_start3A_651 = arith.constant 0 : i32
      %dma_start3A_652 = arith.constant 0 : i32
      %dma_start3A_653 = tpu.memref_slice %arg2[%dma_start3A_651, %dma_start3A_652] : memref<10000x32xf32, #tpu.memory_space<hbm>> -> memref<10000x32xf32, #tpu.memory_space<hbm>>
      tpu.enqueue_indirect_dma source(%dma_start3A_653 : memref<10000x32xf32, #tpu.memory_space<hbm>>) target(%arg17 : memref<80x32xf32, #tpu.memory_space<vmem>>) offsets(%dma_start3A_650 : memref<80xi32, #tpu.memory_space<vmem>>) semaphore(%arg27 : memref<!tpu.dma_semaphore, #tpu.memory_space<semaphore_mem>>)
      %add3A_654 = arith.constant 7 : i32
      %add3A_655 = arith.addi %add3A_444, %add3A_654 : i32
      %dma_wait3A_656 = arith.constant 0 : i32
      %dma_wait3A_657 = tpu.memref_slice %arg9[%add3A_655, %dma_wait3A_656] : memref<125x80xi32, #tpu.memory_space<vmem>> -> memref<1x80xi32, #tpu.memory_space<vmem>>
      %dma_wait3A_658 = tpu.memref_squeeze %dma_wait3A_657 : memref<1x80xi32, #tpu.memory_space<vmem>> -> memref<80xi32, #tpu.memory_space<vmem>>
      %dma_wait3A_659 = arith.constant 0 : i32
      %dma_wait3A_660 = arith.constant 0 : i32
      %dma_wait3A_661 = tpu.memref_slice %arg2[%dma_wait3A_659, %dma_wait3A_660] : memref<10000x32xf32, #tpu.memory_space<hbm>> -> memref<10000x32xf32, #tpu.memory_space<hbm>>
      tpu.wait_indirect_dma semaphore(%arg23 : memref<!tpu.dma_semaphore, #tpu.memory_space<semaphore_mem>>) src(%dma_wait3A_661 : memref<10000x32xf32, #tpu.memory_space<hbm>>) dst(%arg13 : memref<80x32xf32, #tpu.memory_space<vmem>>)
      %dma_start3A_662 = arith.constant 0 : i32
      %dma_start3A_663 = tpu.memref_slice %arg10[%add3A_655, %dma_start3A_662] : memref<125x80xi32, #tpu.memory_space<vmem>> -> memref<1x80xi32, #tpu.memory_space<vmem>>
      %dma_start3A_664 = tpu.memref_squeeze %dma_start3A_663 : memref<1x80xi32, #tpu.memory_space<vmem>> -> memref<80xi32, #tpu.memory_space<vmem>>
      %dma_start3A_665 = arith.constant 0 : i32
      %dma_start3A_666 = arith.constant 0 : i32
      %dma_start3A_667 = tpu.memref_slice %arg8[%dma_start3A_665, %dma_start3A_666] : memref<10000x32xf32, #tpu.memory_space<vmem_shared>> -> memref<10000x32xf32, #tpu.memory_space<vmem_shared>>
      tpu.enqueue_indirect_dma source(%arg13 : memref<80x32xf32, #tpu.memory_space<vmem>>) target(%dma_start3A_667 : memref<10000x32xf32, #tpu.memory_space<vmem_shared>>) offsets(%dma_start3A_664 : memref<80xi32, #tpu.memory_space<vmem>>) semaphore(%arg33 : memref<!tpu.dma_semaphore, #tpu.memory_space<semaphore_mem>>) {add = true}
      %sub3A_668 = arith.constant 5 : i32
      %sub3A_669 = arith.subi %add3A_655, %sub3A_668 : i32
      %dma_wait3A_670 = arith.constant 0 : i32
      %dma_wait3A_671 = tpu.memref_slice %arg10[%sub3A_669, %dma_wait3A_670] : memref<125x80xi32, #tpu.memory_space<vmem>> -> memref<1x80xi32, #tpu.memory_space<vmem>>
      %dma_wait3A_672 = tpu.memref_squeeze %dma_wait3A_671 : memref<1x80xi32, #tpu.memory_space<vmem>> -> memref<80xi32, #tpu.memory_space<vmem>>
      %dma_wait3A_673 = arith.constant 0 : i32
      %dma_wait3A_674 = arith.constant 0 : i32
      %dma_wait3A_675 = tpu.memref_slice %arg8[%dma_wait3A_673, %dma_wait3A_674] : memref<10000x32xf32, #tpu.memory_space<vmem_shared>> -> memref<10000x32xf32, #tpu.memory_space<vmem_shared>>
      tpu.wait_indirect_dma semaphore(%arg38 : memref<!tpu.dma_semaphore, #tpu.memory_space<semaphore_mem>>) src(%arg18 : memref<80x32xf32, #tpu.memory_space<vmem>>) dst(%dma_wait3A_675 : memref<10000x32xf32, #tpu.memory_space<vmem_shared>>)
      %add3A_676 = arith.constant 5 : i32
      %add3A_677 = arith.addi %add3A_655, %add3A_676 : i32
      %dma_start3A_678 = arith.constant 0 : i32
      %dma_start3A_679 = tpu.memref_slice %arg9[%add3A_677, %dma_start3A_678] : memref<125x80xi32, #tpu.memory_space<vmem>> -> memref<1x80xi32, #tpu.memory_space<vmem>>
      %dma_start3A_680 = tpu.memref_squeeze %dma_start3A_679 : memref<1x80xi32, #tpu.memory_space<vmem>> -> memref<80xi32, #tpu.memory_space<vmem>>
      %dma_start3A_681 = arith.constant 0 : i32
      %dma_start3A_682 = arith.constant 0 : i32
      %dma_start3A_683 = tpu.memref_slice %arg2[%dma_start3A_681, %dma_start3A_682] : memref<10000x32xf32, #tpu.memory_space<hbm>> -> memref<10000x32xf32, #tpu.memory_space<hbm>>
      tpu.enqueue_indirect_dma source(%dma_start3A_683 : memref<10000x32xf32, #tpu.memory_space<hbm>>) target(%arg18 : memref<80x32xf32, #tpu.memory_space<vmem>>) offsets(%dma_start3A_680 : memref<80xi32, #tpu.memory_space<vmem>>) semaphore(%arg28 : memref<!tpu.dma_semaphore, #tpu.memory_space<semaphore_mem>>)
      %add3A_684 = arith.constant 8 : i32
      %add3A_685 = arith.addi %add3A_444, %add3A_684 : i32
      %dma_wait3A_686 = arith.constant 0 : i32
      %dma_wait3A_687 = tpu.memref_slice %arg9[%add3A_685, %dma_wait3A_686] : memref<125x80xi32, #tpu.memory_space<vmem>> -> memref<1x80xi32, #tpu.memory_space<vmem>>
      %dma_wait3A_688 = tpu.memref_squeeze %dma_wait3A_687 : memref<1x80xi32, #tpu.memory_space<vmem>> -> memref<80xi32, #tpu.memory_space<vmem>>
      %dma_wait3A_689 = arith.constant 0 : i32
      %dma_wait3A_690 = arith.constant 0 : i32
      %dma_wait3A_691 = tpu.memref_slice %arg2[%dma_wait3A_689, %dma_wait3A_690] : memref<10000x32xf32, #tpu.memory_space<hbm>> -> memref<10000x32xf32, #tpu.memory_space<hbm>>
      tpu.wait_indirect_dma semaphore(%arg24 : memref<!tpu.dma_semaphore, #tpu.memory_space<semaphore_mem>>) src(%dma_wait3A_691 : memref<10000x32xf32, #tpu.memory_space<hbm>>) dst(%arg14 : memref<80x32xf32, #tpu.memory_space<vmem>>)
      %dma_start3A_692 = arith.constant 0 : i32
      %dma_start3A_693 = tpu.memref_slice %arg10[%add3A_685, %dma_start3A_692] : memref<125x80xi32, #tpu.memory_space<vmem>> -> memref<1x80xi32, #tpu.memory_space<vmem>>
      %dma_start3A_694 = tpu.memref_squeeze %dma_start3A_693 : memref<1x80xi32, #tpu.memory_space<vmem>> -> memref<80xi32, #tpu.memory_space<vmem>>
      %dma_start3A_695 = arith.constant 0 : i32
      %dma_start3A_696 = arith.constant 0 : i32
      %dma_start3A_697 = tpu.memref_slice %arg8[%dma_start3A_695, %dma_start3A_696] : memref<10000x32xf32, #tpu.memory_space<vmem_shared>> -> memref<10000x32xf32, #tpu.memory_space<vmem_shared>>
      tpu.enqueue_indirect_dma source(%arg14 : memref<80x32xf32, #tpu.memory_space<vmem>>) target(%dma_start3A_697 : memref<10000x32xf32, #tpu.memory_space<vmem_shared>>) offsets(%dma_start3A_694 : memref<80xi32, #tpu.memory_space<vmem>>) semaphore(%arg34 : memref<!tpu.dma_semaphore, #tpu.memory_space<semaphore_mem>>) {add = true}
      %sub3A_698 = arith.constant 5 : i32
      %sub3A_699 = arith.subi %add3A_685, %sub3A_698 : i32
      %dma_wait3A_700 = arith.constant 0 : i32
      %dma_wait3A_701 = tpu.memref_slice %arg10[%sub3A_699, %dma_wait3A_700] : memref<125x80xi32, #tpu.memory_space<vmem>> -> memref<1x80xi32, #tpu.memory_space<vmem>>
      %dma_wait3A_702 = tpu.memref_squeeze %dma_wait3A_701 : memref<1x80xi32, #tpu.memory_space<vmem>> -> memref<80xi32, #tpu.memory_space<vmem>>
      %dma_wait3A_703 = arith.constant 0 : i32
      %dma_wait3A_704 = arith.constant 0 : i32
      %dma_wait3A_705 = tpu.memref_slice %arg8[%dma_wait3A_703, %dma_wait3A_704] : memref<10000x32xf32, #tpu.memory_space<vmem_shared>> -> memref<10000x32xf32, #tpu.memory_space<vmem_shared>>
      tpu.wait_indirect_dma semaphore(%arg39 : memref<!tpu.dma_semaphore, #tpu.memory_space<semaphore_mem>>) src(%arg19 : memref<80x32xf32, #tpu.memory_space<vmem>>) dst(%dma_wait3A_705 : memref<10000x32xf32, #tpu.memory_space<vmem_shared>>)
      %add3A_706 = arith.constant 5 : i32
      %add3A_707 = arith.addi %add3A_685, %add3A_706 : i32
      %dma_start3A_708 = arith.constant 0 : i32
      %dma_start3A_709 = tpu.memref_slice %arg9[%add3A_707, %dma_start3A_708] : memref<125x80xi32, #tpu.memory_space<vmem>> -> memref<1x80xi32, #tpu.memory_space<vmem>>
      %dma_start3A_710 = tpu.memref_squeeze %dma_start3A_709 : memref<1x80xi32, #tpu.memory_space<vmem>> -> memref<80xi32, #tpu.memory_space<vmem>>
      %dma_start3A_711 = arith.constant 0 : i32
      %dma_start3A_712 = arith.constant 0 : i32
      %dma_start3A_713 = tpu.memref_slice %arg2[%dma_start3A_711, %dma_start3A_712] : memref<10000x32xf32, #tpu.memory_space<hbm>> -> memref<10000x32xf32, #tpu.memory_space<hbm>>
      tpu.enqueue_indirect_dma source(%dma_start3A_713 : memref<10000x32xf32, #tpu.memory_space<hbm>>) target(%arg19 : memref<80x32xf32, #tpu.memory_space<vmem>>) offsets(%dma_start3A_710 : memref<80xi32, #tpu.memory_space<vmem>>) semaphore(%arg29 : memref<!tpu.dma_semaphore, #tpu.memory_space<semaphore_mem>>)
      %add3A_714 = arith.constant 9 : i32
      %add3A_715 = arith.addi %add3A_444, %add3A_714 : i32
      %dma_wait3A_716 = arith.constant 0 : i32
      %dma_wait3A_717 = tpu.memref_slice %arg9[%add3A_715, %dma_wait3A_716] : memref<125x80xi32, #tpu.memory_space<vmem>> -> memref<1x80xi32, #tpu.memory_space<vmem>>
      %dma_wait3A_718 = tpu.memref_squeeze %dma_wait3A_717 : memref<1x80xi32, #tpu.memory_space<vmem>> -> memref<80xi32, #tpu.memory_space<vmem>>
      %dma_wait3A_719 = arith.constant 0 : i32
      %dma_wait3A_720 = arith.constant 0 : i32
      %dma_wait3A_721 = tpu.memref_slice %arg2[%dma_wait3A_719, %dma_wait3A_720] : memref<10000x32xf32, #tpu.memory_space<hbm>> -> memref<10000x32xf32, #tpu.memory_space<hbm>>
      tpu.wait_indirect_dma semaphore(%arg25 : memref<!tpu.dma_semaphore, #tpu.memory_space<semaphore_mem>>) src(%dma_wait3A_721 : memref<10000x32xf32, #tpu.memory_space<hbm>>) dst(%arg15 : memref<80x32xf32, #tpu.memory_space<vmem>>)
      %dma_start3A_722 = arith.constant 0 : i32
      %dma_start3A_723 = tpu.memref_slice %arg10[%add3A_715, %dma_start3A_722] : memref<125x80xi32, #tpu.memory_space<vmem>> -> memref<1x80xi32, #tpu.memory_space<vmem>>
      %dma_start3A_724 = tpu.memref_squeeze %dma_start3A_723 : memref<1x80xi32, #tpu.memory_space<vmem>> -> memref<80xi32, #tpu.memory_space<vmem>>
      %dma_start3A_725 = arith.constant 0 : i32
      %dma_start3A_726 = arith.constant 0 : i32
      %dma_start3A_727 = tpu.memref_slice %arg8[%dma_start3A_725, %dma_start3A_726] : memref<10000x32xf32, #tpu.memory_space<vmem_shared>> -> memref<10000x32xf32, #tpu.memory_space<vmem_shared>>
      tpu.enqueue_indirect_dma source(%arg15 : memref<80x32xf32, #tpu.memory_space<vmem>>) target(%dma_start3A_727 : memref<10000x32xf32, #tpu.memory_space<vmem_shared>>) offsets(%dma_start3A_724 : memref<80xi32, #tpu.memory_space<vmem>>) semaphore(%arg35 : memref<!tpu.dma_semaphore, #tpu.memory_space<semaphore_mem>>) {add = true}
      %sub3A_728 = arith.constant 5 : i32
      %sub3A_729 = arith.subi %add3A_715, %sub3A_728 : i32
      %dma_wait3A_730 = arith.constant 0 : i32
      %dma_wait3A_731 = tpu.memref_slice %arg10[%sub3A_729, %dma_wait3A_730] : memref<125x80xi32, #tpu.memory_space<vmem>> -> memref<1x80xi32, #tpu.memory_space<vmem>>
      %dma_wait3A_732 = tpu.memref_squeeze %dma_wait3A_731 : memref<1x80xi32, #tpu.memory_space<vmem>> -> memref<80xi32, #tpu.memory_space<vmem>>
      %dma_wait3A_733 = arith.constant 0 : i32
      %dma_wait3A_734 = arith.constant 0 : i32
      %dma_wait3A_735 = tpu.memref_slice %arg8[%dma_wait3A_733, %dma_wait3A_734] : memref<10000x32xf32, #tpu.memory_space<vmem_shared>> -> memref<10000x32xf32, #tpu.memory_space<vmem_shared>>
      tpu.wait_indirect_dma semaphore(%arg40 : memref<!tpu.dma_semaphore, #tpu.memory_space<semaphore_mem>>) src(%arg20 : memref<80x32xf32, #tpu.memory_space<vmem>>) dst(%dma_wait3A_735 : memref<10000x32xf32, #tpu.memory_space<vmem_shared>>)
      %add3A_736 = arith.constant 5 : i32
      %add3A_737 = arith.addi %add3A_715, %add3A_736 : i32
      %dma_start3A_738 = arith.constant 0 : i32
      %dma_start3A_739 = tpu.memref_slice %arg9[%add3A_737, %dma_start3A_738] : memref<125x80xi32, #tpu.memory_space<vmem>> -> memref<1x80xi32, #tpu.memory_space<vmem>>
      %dma_start3A_740 = tpu.memref_squeeze %dma_start3A_739 : memref<1x80xi32, #tpu.memory_space<vmem>> -> memref<80xi32, #tpu.memory_space<vmem>>
      %dma_start3A_741 = arith.constant 0 : i32
      %dma_start3A_742 = arith.constant 0 : i32
      %dma_start3A_743 = tpu.memref_slice %arg2[%dma_start3A_741, %dma_start3A_742] : memref<10000x32xf32, #tpu.memory_space<hbm>> -> memref<10000x32xf32, #tpu.memory_space<hbm>>
      tpu.enqueue_indirect_dma source(%dma_start3A_743 : memref<10000x32xf32, #tpu.memory_space<hbm>>) target(%arg20 : memref<80x32xf32, #tpu.memory_space<vmem>>) offsets(%dma_start3A_740 : memref<80xi32, #tpu.memory_space<vmem>>) semaphore(%arg30 : memref<!tpu.dma_semaphore, #tpu.memory_space<semaphore_mem>>)
    }
    %scan3A_148 = arith.constant 11 : i32
    %dma_wait3A_149 = arith.constant 115 : i32
    %dma_wait3A_150 = arith.constant 0 : i32
    %dma_wait3A_151 = tpu.memref_slice %arg9[%dma_wait3A_149, %dma_wait3A_150] : memref<125x80xi32, #tpu.memory_space<vmem>> -> memref<1x80xi32, #tpu.memory_space<vmem>>
    %dma_wait3A_152 = tpu.memref_squeeze %dma_wait3A_151 : memref<1x80xi32, #tpu.memory_space<vmem>> -> memref<80xi32, #tpu.memory_space<vmem>>
    %dma_wait3A_153 = arith.constant 0 : i32
    %dma_wait3A_154 = arith.constant 0 : i32
    %dma_wait3A_155 = tpu.memref_slice %arg2[%dma_wait3A_153, %dma_wait3A_154] : memref<10000x32xf32, #tpu.memory_space<hbm>> -> memref<10000x32xf32, #tpu.memory_space<hbm>>
    tpu.wait_indirect_dma semaphore(%arg26 : memref<!tpu.dma_semaphore, #tpu.memory_space<semaphore_mem>>) src(%dma_wait3A_155 : memref<10000x32xf32, #tpu.memory_space<hbm>>) dst(%arg16 : memref<80x32xf32, #tpu.memory_space<vmem>>)
    %dma_start3A_156 = arith.constant 115 : i32
    %dma_start3A_157 = arith.constant 0 : i32
    %dma_start3A_158 = tpu.memref_slice %arg10[%dma_start3A_156, %dma_start3A_157] : memref<125x80xi32, #tpu.memory_space<vmem>> -> memref<1x80xi32, #tpu.memory_space<vmem>>
    %dma_start3A_159 = tpu.memref_squeeze %dma_start3A_158 : memref<1x80xi32, #tpu.memory_space<vmem>> -> memref<80xi32, #tpu.memory_space<vmem>>
    %dma_start3A_160 = arith.constant 0 : i32
    %dma_start3A_161 = arith.constant 0 : i32
    %dma_start3A_162 = tpu.memref_slice %arg8[%dma_start3A_160, %dma_start3A_161] : memref<10000x32xf32, #tpu.memory_space<vmem_shared>> -> memref<10000x32xf32, #tpu.memory_space<vmem_shared>>
    tpu.enqueue_indirect_dma source(%arg16 : memref<80x32xf32, #tpu.memory_space<vmem>>) target(%dma_start3A_162 : memref<10000x32xf32, #tpu.memory_space<vmem_shared>>) offsets(%dma_start3A_159 : memref<80xi32, #tpu.memory_space<vmem>>) semaphore(%arg36 : memref<!tpu.dma_semaphore, #tpu.memory_space<semaphore_mem>>) {add = true}
    %dma_wait3A_163 = arith.constant 110 : i32
    %dma_wait3A_164 = arith.constant 0 : i32
    %dma_wait3A_165 = tpu.memref_slice %arg10[%dma_wait3A_163, %dma_wait3A_164] : memref<125x80xi32, #tpu.memory_space<vmem>> -> memref<1x80xi32, #tpu.memory_space<vmem>>
    %dma_wait3A_166 = tpu.memref_squeeze %dma_wait3A_165 : memref<1x80xi32, #tpu.memory_space<vmem>> -> memref<80xi32, #tpu.memory_space<vmem>>
    %dma_wait3A_167 = arith.constant 0 : i32
    %dma_wait3A_168 = arith.constant 0 : i32
    %dma_wait3A_169 = tpu.memref_slice %arg8[%dma_wait3A_167, %dma_wait3A_168] : memref<10000x32xf32, #tpu.memory_space<vmem_shared>> -> memref<10000x32xf32, #tpu.memory_space<vmem_shared>>
    tpu.wait_indirect_dma semaphore(%arg31 : memref<!tpu.dma_semaphore, #tpu.memory_space<semaphore_mem>>) src(%arg11 : memref<80x32xf32, #tpu.memory_space<vmem>>) dst(%dma_wait3A_169 : memref<10000x32xf32, #tpu.memory_space<vmem_shared>>)
    %dma_start3A_170 = arith.constant 120 : i32
    %dma_start3A_171 = arith.constant 0 : i32
    %dma_start3A_172 = tpu.memref_slice %arg9[%dma_start3A_170, %dma_start3A_171] : memref<125x80xi32, #tpu.memory_space<vmem>> -> memref<1x80xi32, #tpu.memory_space<vmem>>
    %dma_start3A_173 = tpu.memref_squeeze %dma_start3A_172 : memref<1x80xi32, #tpu.memory_space<vmem>> -> memref<80xi32, #tpu.memory_space<vmem>>
    %dma_start3A_174 = arith.constant 0 : i32
    %dma_start3A_175 = arith.constant 0 : i32
    %dma_start3A_176 = tpu.memref_slice %arg2[%dma_start3A_174, %dma_start3A_175] : memref<10000x32xf32, #tpu.memory_space<hbm>> -> memref<10000x32xf32, #tpu.memory_space<hbm>>
    tpu.enqueue_indirect_dma source(%dma_start3A_176 : memref<10000x32xf32, #tpu.memory_space<hbm>>) target(%arg11 : memref<80x32xf32, #tpu.memory_space<vmem>>) offsets(%dma_start3A_173 : memref<80xi32, #tpu.memory_space<vmem>>) semaphore(%arg21 : memref<!tpu.dma_semaphore, #tpu.memory_space<semaphore_mem>>)
    %dma_wait3A_177 = arith.constant 116 : i32
    %dma_wait3A_178 = arith.constant 0 : i32
    %dma_wait3A_179 = tpu.memref_slice %arg9[%dma_wait3A_177, %dma_wait3A_178] : memref<125x80xi32, #tpu.memory_space<vmem>> -> memref<1x80xi32, #tpu.memory_space<vmem>>
    %dma_wait3A_180 = tpu.memref_squeeze %dma_wait3A_179 : memref<1x80xi32, #tpu.memory_space<vmem>> -> memref<80xi32, #tpu.memory_space<vmem>>
    %dma_wait3A_181 = arith.constant 0 : i32
    %dma_wait3A_182 = arith.constant 0 : i32
    %dma_wait3A_183 = tpu.memref_slice %arg2[%dma_wait3A_181, %dma_wait3A_182] : memref<10000x32xf32, #tpu.memory_space<hbm>> -> memref<10000x32xf32, #tpu.memory_space<hbm>>
    tpu.wait_indirect_dma semaphore(%arg27 : memref<!tpu.dma_semaphore, #tpu.memory_space<semaphore_mem>>) src(%dma_wait3A_183 : memref<10000x32xf32, #tpu.memory_space<hbm>>) dst(%arg17 : memref<80x32xf32, #tpu.memory_space<vmem>>)
    %dma_start3A_184 = arith.constant 116 : i32
    %dma_start3A_185 = arith.constant 0 : i32
    %dma_start3A_186 = tpu.memref_slice %arg10[%dma_start3A_184, %dma_start3A_185] : memref<125x80xi32, #tpu.memory_space<vmem>> -> memref<1x80xi32, #tpu.memory_space<vmem>>
    %dma_start3A_187 = tpu.memref_squeeze %dma_start3A_186 : memref<1x80xi32, #tpu.memory_space<vmem>> -> memref<80xi32, #tpu.memory_space<vmem>>
    %dma_start3A_188 = arith.constant 0 : i32
    %dma_start3A_189 = arith.constant 0 : i32
    %dma_start3A_190 = tpu.memref_slice %arg8[%dma_start3A_188, %dma_start3A_189] : memref<10000x32xf32, #tpu.memory_space<vmem_shared>> -> memref<10000x32xf32, #tpu.memory_space<vmem_shared>>
    tpu.enqueue_indirect_dma source(%arg17 : memref<80x32xf32, #tpu.memory_space<vmem>>) target(%dma_start3A_190 : memref<10000x32xf32, #tpu.memory_space<vmem_shared>>) offsets(%dma_start3A_187 : memref<80xi32, #tpu.memory_space<vmem>>) semaphore(%arg37 : memref<!tpu.dma_semaphore, #tpu.memory_space<semaphore_mem>>) {add = true}
    %dma_wait3A_191 = arith.constant 111 : i32
    %dma_wait3A_192 = arith.constant 0 : i32
    %dma_wait3A_193 = tpu.memref_slice %arg10[%dma_wait3A_191, %dma_wait3A_192] : memref<125x80xi32, #tpu.memory_space<vmem>> -> memref<1x80xi32, #tpu.memory_space<vmem>>
    %dma_wait3A_194 = tpu.memref_squeeze %dma_wait3A_193 : memref<1x80xi32, #tpu.memory_space<vmem>> -> memref<80xi32, #tpu.memory_space<vmem>>
    %dma_wait3A_195 = arith.constant 0 : i32
    %dma_wait3A_196 = arith.constant 0 : i32
    %dma_wait3A_197 = tpu.memref_slice %arg8[%dma_wait3A_195, %dma_wait3A_196] : memref<10000x32xf32, #tpu.memory_space<vmem_shared>> -> memref<10000x32xf32, #tpu.memory_space<vmem_shared>>
    tpu.wait_indirect_dma semaphore(%arg32 : memref<!tpu.dma_semaphore, #tpu.memory_space<semaphore_mem>>) src(%arg12 : memref<80x32xf32, #tpu.memory_space<vmem>>) dst(%dma_wait3A_197 : memref<10000x32xf32, #tpu.memory_space<vmem_shared>>)
    %dma_start3A_198 = arith.constant 121 : i32
    %dma_start3A_199 = arith.constant 0 : i32
    %dma_start3A_200 = tpu.memref_slice %arg9[%dma_start3A_198, %dma_start3A_199] : memref<125x80xi32, #tpu.memory_space<vmem>> -> memref<1x80xi32, #tpu.memory_space<vmem>>
    %dma_start3A_201 = tpu.memref_squeeze %dma_start3A_200 : memref<1x80xi32, #tpu.memory_space<vmem>> -> memref<80xi32, #tpu.memory_space<vmem>>
    %dma_start3A_202 = arith.constant 0 : i32
    %dma_start3A_203 = arith.constant 0 : i32
    %dma_start3A_204 = tpu.memref_slice %arg2[%dma_start3A_202, %dma_start3A_203] : memref<10000x32xf32, #tpu.memory_space<hbm>> -> memref<10000x32xf32, #tpu.memory_space<hbm>>
    tpu.enqueue_indirect_dma source(%dma_start3A_204 : memref<10000x32xf32, #tpu.memory_space<hbm>>) target(%arg12 : memref<80x32xf32, #tpu.memory_space<vmem>>) offsets(%dma_start3A_201 : memref<80xi32, #tpu.memory_space<vmem>>) semaphore(%arg22 : memref<!tpu.dma_semaphore, #tpu.memory_space<semaphore_mem>>)
    %dma_wait3A_205 = arith.constant 117 : i32
    %dma_wait3A_206 = arith.constant 0 : i32
    %dma_wait3A_207 = tpu.memref_slice %arg9[%dma_wait3A_205, %dma_wait3A_206] : memref<125x80xi32, #tpu.memory_space<vmem>> -> memref<1x80xi32, #tpu.memory_space<vmem>>
    %dma_wait3A_208 = tpu.memref_squeeze %dma_wait3A_207 : memref<1x80xi32, #tpu.memory_space<vmem>> -> memref<80xi32, #tpu.memory_space<vmem>>
    %dma_wait3A_209 = arith.constant 0 : i32
    %dma_wait3A_210 = arith.constant 0 : i32
    %dma_wait3A_211 = tpu.memref_slice %arg2[%dma_wait3A_209, %dma_wait3A_210] : memref<10000x32xf32, #tpu.memory_space<hbm>> -> memref<10000x32xf32, #tpu.memory_space<hbm>>
    tpu.wait_indirect_dma semaphore(%arg28 : memref<!tpu.dma_semaphore, #tpu.memory_space<semaphore_mem>>) src(%dma_wait3A_211 : memref<10000x32xf32, #tpu.memory_space<hbm>>) dst(%arg18 : memref<80x32xf32, #tpu.memory_space<vmem>>)
    %dma_start3A_212 = arith.constant 117 : i32
    %dma_start3A_213 = arith.constant 0 : i32
    %dma_start3A_214 = tpu.memref_slice %arg10[%dma_start3A_212, %dma_start3A_213] : memref<125x80xi32, #tpu.memory_space<vmem>> -> memref<1x80xi32, #tpu.memory_space<vmem>>
    %dma_start3A_215 = tpu.memref_squeeze %dma_start3A_214 : memref<1x80xi32, #tpu.memory_space<vmem>> -> memref<80xi32, #tpu.memory_space<vmem>>
    %dma_start3A_216 = arith.constant 0 : i32
    %dma_start3A_217 = arith.constant 0 : i32
    %dma_start3A_218 = tpu.memref_slice %arg8[%dma_start3A_216, %dma_start3A_217] : memref<10000x32xf32, #tpu.memory_space<vmem_shared>> -> memref<10000x32xf32, #tpu.memory_space<vmem_shared>>
    tpu.enqueue_indirect_dma source(%arg18 : memref<80x32xf32, #tpu.memory_space<vmem>>) target(%dma_start3A_218 : memref<10000x32xf32, #tpu.memory_space<vmem_shared>>) offsets(%dma_start3A_215 : memref<80xi32, #tpu.memory_space<vmem>>) semaphore(%arg38 : memref<!tpu.dma_semaphore, #tpu.memory_space<semaphore_mem>>) {add = true}
    %dma_wait3A_219 = arith.constant 112 : i32
    %dma_wait3A_220 = arith.constant 0 : i32
    %dma_wait3A_221 = tpu.memref_slice %arg10[%dma_wait3A_219, %dma_wait3A_220] : memref<125x80xi32, #tpu.memory_space<vmem>> -> memref<1x80xi32, #tpu.memory_space<vmem>>
    %dma_wait3A_222 = tpu.memref_squeeze %dma_wait3A_221 : memref<1x80xi32, #tpu.memory_space<vmem>> -> memref<80xi32, #tpu.memory_space<vmem>>
    %dma_wait3A_223 = arith.constant 0 : i32
    %dma_wait3A_224 = arith.constant 0 : i32
    %dma_wait3A_225 = tpu.memref_slice %arg8[%dma_wait3A_223, %dma_wait3A_224] : memref<10000x32xf32, #tpu.memory_space<vmem_shared>> -> memref<10000x32xf32, #tpu.memory_space<vmem_shared>>
    tpu.wait_indirect_dma semaphore(%arg33 : memref<!tpu.dma_semaphore, #tpu.memory_space<semaphore_mem>>) src(%arg13 : memref<80x32xf32, #tpu.memory_space<vmem>>) dst(%dma_wait3A_225 : memref<10000x32xf32, #tpu.memory_space<vmem_shared>>)
    %dma_start3A_226 = arith.constant 122 : i32
    %dma_start3A_227 = arith.constant 0 : i32
    %dma_start3A_228 = tpu.memref_slice %arg9[%dma_start3A_226, %dma_start3A_227] : memref<125x80xi32, #tpu.memory_space<vmem>> -> memref<1x80xi32, #tpu.memory_space<vmem>>
    %dma_start3A_229 = tpu.memref_squeeze %dma_start3A_228 : memref<1x80xi32, #tpu.memory_space<vmem>> -> memref<80xi32, #tpu.memory_space<vmem>>
    %dma_start3A_230 = arith.constant 0 : i32
    %dma_start3A_231 = arith.constant 0 : i32
    %dma_start3A_232 = tpu.memref_slice %arg2[%dma_start3A_230, %dma_start3A_231] : memref<10000x32xf32, #tpu.memory_space<hbm>> -> memref<10000x32xf32, #tpu.memory_space<hbm>>
    tpu.enqueue_indirect_dma source(%dma_start3A_232 : memref<10000x32xf32, #tpu.memory_space<hbm>>) target(%arg13 : memref<80x32xf32, #tpu.memory_space<vmem>>) offsets(%dma_start3A_229 : memref<80xi32, #tpu.memory_space<vmem>>) semaphore(%arg23 : memref<!tpu.dma_semaphore, #tpu.memory_space<semaphore_mem>>)
    %dma_wait3A_233 = arith.constant 118 : i32
    %dma_wait3A_234 = arith.constant 0 : i32
    %dma_wait3A_235 = tpu.memref_slice %arg9[%dma_wait3A_233, %dma_wait3A_234] : memref<125x80xi32, #tpu.memory_space<vmem>> -> memref<1x80xi32, #tpu.memory_space<vmem>>
    %dma_wait3A_236 = tpu.memref_squeeze %dma_wait3A_235 : memref<1x80xi32, #tpu.memory_space<vmem>> -> memref<80xi32, #tpu.memory_space<vmem>>
    %dma_wait3A_237 = arith.constant 0 : i32
    %dma_wait3A_238 = arith.constant 0 : i32
    %dma_wait3A_239 = tpu.memref_slice %arg2[%dma_wait3A_237, %dma_wait3A_238] : memref<10000x32xf32, #tpu.memory_space<hbm>> -> memref<10000x32xf32, #tpu.memory_space<hbm>>
    tpu.wait_indirect_dma semaphore(%arg29 : memref<!tpu.dma_semaphore, #tpu.memory_space<semaphore_mem>>) src(%dma_wait3A_239 : memref<10000x32xf32, #tpu.memory_space<hbm>>) dst(%arg19 : memref<80x32xf32, #tpu.memory_space<vmem>>)
    %dma_start3A_240 = arith.constant 118 : i32
    %dma_start3A_241 = arith.constant 0 : i32
    %dma_start3A_242 = tpu.memref_slice %arg10[%dma_start3A_240, %dma_start3A_241] : memref<125x80xi32, #tpu.memory_space<vmem>> -> memref<1x80xi32, #tpu.memory_space<vmem>>
    %dma_start3A_243 = tpu.memref_squeeze %dma_start3A_242 : memref<1x80xi32, #tpu.memory_space<vmem>> -> memref<80xi32, #tpu.memory_space<vmem>>
    %dma_start3A_244 = arith.constant 0 : i32
    %dma_start3A_245 = arith.constant 0 : i32
    %dma_start3A_246 = tpu.memref_slice %arg8[%dma_start3A_244, %dma_start3A_245] : memref<10000x32xf32, #tpu.memory_space<vmem_shared>> -> memref<10000x32xf32, #tpu.memory_space<vmem_shared>>
    tpu.enqueue_indirect_dma source(%arg19 : memref<80x32xf32, #tpu.memory_space<vmem>>) target(%dma_start3A_246 : memref<10000x32xf32, #tpu.memory_space<vmem_shared>>) offsets(%dma_start3A_243 : memref<80xi32, #tpu.memory_space<vmem>>) semaphore(%arg39 : memref<!tpu.dma_semaphore, #tpu.memory_space<semaphore_mem>>) {add = true}
    %dma_wait3A_247 = arith.constant 113 : i32
    %dma_wait3A_248 = arith.constant 0 : i32
    %dma_wait3A_249 = tpu.memref_slice %arg10[%dma_wait3A_247, %dma_wait3A_248] : memref<125x80xi32, #tpu.memory_space<vmem>> -> memref<1x80xi32, #tpu.memory_space<vmem>>
    %dma_wait3A_250 = tpu.memref_squeeze %dma_wait3A_249 : memref<1x80xi32, #tpu.memory_space<vmem>> -> memref<80xi32, #tpu.memory_space<vmem>>
    %dma_wait3A_251 = arith.constant 0 : i32
    %dma_wait3A_252 = arith.constant 0 : i32
    %dma_wait3A_253 = tpu.memref_slice %arg8[%dma_wait3A_251, %dma_wait3A_252] : memref<10000x32xf32, #tpu.memory_space<vmem_shared>> -> memref<10000x32xf32, #tpu.memory_space<vmem_shared>>
    tpu.wait_indirect_dma semaphore(%arg34 : memref<!tpu.dma_semaphore, #tpu.memory_space<semaphore_mem>>) src(%arg14 : memref<80x32xf32, #tpu.memory_space<vmem>>) dst(%dma_wait3A_253 : memref<10000x32xf32, #tpu.memory_space<vmem_shared>>)
    %dma_start3A_254 = arith.constant 123 : i32
    %dma_start3A_255 = arith.constant 0 : i32
    %dma_start3A_256 = tpu.memref_slice %arg9[%dma_start3A_254, %dma_start3A_255] : memref<125x80xi32, #tpu.memory_space<vmem>> -> memref<1x80xi32, #tpu.memory_space<vmem>>
    %dma_start3A_257 = tpu.memref_squeeze %dma_start3A_256 : memref<1x80xi32, #tpu.memory_space<vmem>> -> memref<80xi32, #tpu.memory_space<vmem>>
    %dma_start3A_258 = arith.constant 0 : i32
    %dma_start3A_259 = arith.constant 0 : i32
    %dma_start3A_260 = tpu.memref_slice %arg2[%dma_start3A_258, %dma_start3A_259] : memref<10000x32xf32, #tpu.memory_space<hbm>> -> memref<10000x32xf32, #tpu.memory_space<hbm>>
    tpu.enqueue_indirect_dma source(%dma_start3A_260 : memref<10000x32xf32, #tpu.memory_space<hbm>>) target(%arg14 : memref<80x32xf32, #tpu.memory_space<vmem>>) offsets(%dma_start3A_257 : memref<80xi32, #tpu.memory_space<vmem>>) semaphore(%arg24 : memref<!tpu.dma_semaphore, #tpu.memory_space<semaphore_mem>>)
    %dma_wait3A_261 = arith.constant 119 : i32
    %dma_wait3A_262 = arith.constant 0 : i32
    %dma_wait3A_263 = tpu.memref_slice %arg9[%dma_wait3A_261, %dma_wait3A_262] : memref<125x80xi32, #tpu.memory_space<vmem>> -> memref<1x80xi32, #tpu.memory_space<vmem>>
    %dma_wait3A_264 = tpu.memref_squeeze %dma_wait3A_263 : memref<1x80xi32, #tpu.memory_space<vmem>> -> memref<80xi32, #tpu.memory_space<vmem>>
    %dma_wait3A_265 = arith.constant 0 : i32
    %dma_wait3A_266 = arith.constant 0 : i32
    %dma_wait3A_267 = tpu.memref_slice %arg2[%dma_wait3A_265, %dma_wait3A_266] : memref<10000x32xf32, #tpu.memory_space<hbm>> -> memref<10000x32xf32, #tpu.memory_space<hbm>>
    tpu.wait_indirect_dma semaphore(%arg30 : memref<!tpu.dma_semaphore, #tpu.memory_space<semaphore_mem>>) src(%dma_wait3A_267 : memref<10000x32xf32, #tpu.memory_space<hbm>>) dst(%arg20 : memref<80x32xf32, #tpu.memory_space<vmem>>)
    %dma_start3A_268 = arith.constant 119 : i32
    %dma_start3A_269 = arith.constant 0 : i32
    %dma_start3A_270 = tpu.memref_slice %arg10[%dma_start3A_268, %dma_start3A_269] : memref<125x80xi32, #tpu.memory_space<vmem>> -> memref<1x80xi32, #tpu.memory_space<vmem>>
    %dma_start3A_271 = tpu.memref_squeeze %dma_start3A_270 : memref<1x80xi32, #tpu.memory_space<vmem>> -> memref<80xi32, #tpu.memory_space<vmem>>
    %dma_start3A_272 = arith.constant 0 : i32
    %dma_start3A_273 = arith.constant 0 : i32
    %dma_start3A_274 = tpu.memref_slice %arg8[%dma_start3A_272, %dma_start3A_273] : memref<10000x32xf32, #tpu.memory_space<vmem_shared>> -> memref<10000x32xf32, #tpu.memory_space<vmem_shared>>
    tpu.enqueue_indirect_dma source(%arg20 : memref<80x32xf32, #tpu.memory_space<vmem>>) target(%dma_start3A_274 : memref<10000x32xf32, #tpu.memory_space<vmem_shared>>) offsets(%dma_start3A_271 : memref<80xi32, #tpu.memory_space<vmem>>) semaphore(%arg40 : memref<!tpu.dma_semaphore, #tpu.memory_space<semaphore_mem>>) {add = true}
    %dma_wait3A_275 = arith.constant 114 : i32
    %dma_wait3A_276 = arith.constant 0 : i32
    %dma_wait3A_277 = tpu.memref_slice %arg10[%dma_wait3A_275, %dma_wait3A_276] : memref<125x80xi32, #tpu.memory_space<vmem>> -> memref<1x80xi32, #tpu.memory_space<vmem>>
    %dma_wait3A_278 = tpu.memref_squeeze %dma_wait3A_277 : memref<1x80xi32, #tpu.memory_space<vmem>> -> memref<80xi32, #tpu.memory_space<vmem>>
    %dma_wait3A_279 = arith.constant 0 : i32
    %dma_wait3A_280 = arith.constant 0 : i32
    %dma_wait3A_281 = tpu.memref_slice %arg8[%dma_wait3A_279, %dma_wait3A_280] : memref<10000x32xf32, #tpu.memory_space<vmem_shared>> -> memref<10000x32xf32, #tpu.memory_space<vmem_shared>>
    tpu.wait_indirect_dma semaphore(%arg35 : memref<!tpu.dma_semaphore, #tpu.memory_space<semaphore_mem>>) src(%arg15 : memref<80x32xf32, #tpu.memory_space<vmem>>) dst(%dma_wait3A_281 : memref<10000x32xf32, #tpu.memory_space<vmem_shared>>)
    %dma_start3A_282 = arith.constant 124 : i32
    %dma_start3A_283 = arith.constant 0 : i32
    %dma_start3A_284 = tpu.memref_slice %arg9[%dma_start3A_282, %dma_start3A_283] : memref<125x80xi32, #tpu.memory_space<vmem>> -> memref<1x80xi32, #tpu.memory_space<vmem>>
    %dma_start3A_285 = tpu.memref_squeeze %dma_start3A_284 : memref<1x80xi32, #tpu.memory_space<vmem>> -> memref<80xi32, #tpu.memory_space<vmem>>
    %dma_start3A_286 = arith.constant 0 : i32
    %dma_start3A_287 = arith.constant 0 : i32
    %dma_start3A_288 = tpu.memref_slice %arg2[%dma_start3A_286, %dma_start3A_287] : memref<10000x32xf32, #tpu.memory_space<hbm>> -> memref<10000x32xf32, #tpu.memory_space<hbm>>
    tpu.enqueue_indirect_dma source(%dma_start3A_288 : memref<10000x32xf32, #tpu.memory_space<hbm>>) target(%arg15 : memref<80x32xf32, #tpu.memory_space<vmem>>) offsets(%dma_start3A_285 : memref<80xi32, #tpu.memory_space<vmem>>) semaphore(%arg25 : memref<!tpu.dma_semaphore, #tpu.memory_space<semaphore_mem>>)
    %dma_wait3A_289 = arith.constant 120 : i32
    %dma_wait3A_290 = arith.constant 0 : i32
    %dma_wait3A_291 = tpu.memref_slice %arg9[%dma_wait3A_289, %dma_wait3A_290] : memref<125x80xi32, #tpu.memory_space<vmem>> -> memref<1x80xi32, #tpu.memory_space<vmem>>
    %dma_wait3A_292 = tpu.memref_squeeze %dma_wait3A_291 : memref<1x80xi32, #tpu.memory_space<vmem>> -> memref<80xi32, #tpu.memory_space<vmem>>
    %dma_wait3A_293 = arith.constant 0 : i32
    %dma_wait3A_294 = arith.constant 0 : i32
    %dma_wait3A_295 = tpu.memref_slice %arg2[%dma_wait3A_293, %dma_wait3A_294] : memref<10000x32xf32, #tpu.memory_space<hbm>> -> memref<10000x32xf32, #tpu.memory_space<hbm>>
    tpu.wait_indirect_dma semaphore(%arg21 : memref<!tpu.dma_semaphore, #tpu.memory_space<semaphore_mem>>) src(%dma_wait3A_295 : memref<10000x32xf32, #tpu.memory_space<hbm>>) dst(%arg11 : memref<80x32xf32, #tpu.memory_space<vmem>>)
    %dma_start3A_296 = arith.constant 120 : i32
    %dma_start3A_297 = arith.constant 0 : i32
    %dma_start3A_298 = tpu.memref_slice %arg10[%dma_start3A_296, %dma_start3A_297] : memref<125x80xi32, #tpu.memory_space<vmem>> -> memref<1x80xi32, #tpu.memory_space<vmem>>
    %dma_start3A_299 = tpu.memref_squeeze %dma_start3A_298 : memref<1x80xi32, #tpu.memory_space<vmem>> -> memref<80xi32, #tpu.memory_space<vmem>>
    %dma_start3A_300 = arith.constant 0 : i32
    %dma_start3A_301 = arith.constant 0 : i32
    %dma_start3A_302 = tpu.memref_slice %arg8[%dma_start3A_300, %dma_start3A_301] : memref<10000x32xf32, #tpu.memory_space<vmem_shared>> -> memref<10000x32xf32, #tpu.memory_space<vmem_shared>>
    tpu.enqueue_indirect_dma source(%arg11 : memref<80x32xf32, #tpu.memory_space<vmem>>) target(%dma_start3A_302 : memref<10000x32xf32, #tpu.memory_space<vmem_shared>>) offsets(%dma_start3A_299 : memref<80xi32, #tpu.memory_space<vmem>>) semaphore(%arg31 : memref<!tpu.dma_semaphore, #tpu.memory_space<semaphore_mem>>) {add = true}
    %dma_wait3A_303 = arith.constant 121 : i32
    %dma_wait3A_304 = arith.constant 0 : i32
    %dma_wait3A_305 = tpu.memref_slice %arg9[%dma_wait3A_303, %dma_wait3A_304] : memref<125x80xi32, #tpu.memory_space<vmem>> -> memref<1x80xi32, #tpu.memory_space<vmem>>
    %dma_wait3A_306 = tpu.memref_squeeze %dma_wait3A_305 : memref<1x80xi32, #tpu.memory_space<vmem>> -> memref<80xi32, #tpu.memory_space<vmem>>
    %dma_wait3A_307 = arith.constant 0 : i32
    %dma_wait3A_308 = arith.constant 0 : i32
    %dma_wait3A_309 = tpu.memref_slice %arg2[%dma_wait3A_307, %dma_wait3A_308] : memref<10000x32xf32, #tpu.memory_space<hbm>> -> memref<10000x32xf32, #tpu.memory_space<hbm>>
    tpu.wait_indirect_dma semaphore(%arg22 : memref<!tpu.dma_semaphore, #tpu.memory_space<semaphore_mem>>) src(%dma_wait3A_309 : memref<10000x32xf32, #tpu.memory_space<hbm>>) dst(%arg12 : memref<80x32xf32, #tpu.memory_space<vmem>>)
    %dma_start3A_310 = arith.constant 121 : i32
    %dma_start3A_311 = arith.constant 0 : i32
    %dma_start3A_312 = tpu.memref_slice %arg10[%dma_start3A_310, %dma_start3A_311] : memref<125x80xi32, #tpu.memory_space<vmem>> -> memref<1x80xi32, #tpu.memory_space<vmem>>
    %dma_start3A_313 = tpu.memref_squeeze %dma_start3A_312 : memref<1x80xi32, #tpu.memory_space<vmem>> -> memref<80xi32, #tpu.memory_space<vmem>>
    %dma_start3A_314 = arith.constant 0 : i32
    %dma_start3A_315 = arith.constant 0 : i32
    %dma_start3A_316 = tpu.memref_slice %arg8[%dma_start3A_314, %dma_start3A_315] : memref<10000x32xf32, #tpu.memory_space<vmem_shared>> -> memref<10000x32xf32, #tpu.memory_space<vmem_shared>>
    tpu.enqueue_indirect_dma source(%arg12 : memref<80x32xf32, #tpu.memory_space<vmem>>) target(%dma_start3A_316 : memref<10000x32xf32, #tpu.memory_space<vmem_shared>>) offsets(%dma_start3A_313 : memref<80xi32, #tpu.memory_space<vmem>>) semaphore(%arg32 : memref<!tpu.dma_semaphore, #tpu.memory_space<semaphore_mem>>) {add = true}
    %dma_wait3A_317 = arith.constant 122 : i32
    %dma_wait3A_318 = arith.constant 0 : i32
    %dma_wait3A_319 = tpu.memref_slice %arg9[%dma_wait3A_317, %dma_wait3A_318] : memref<125x80xi32, #tpu.memory_space<vmem>> -> memref<1x80xi32, #tpu.memory_space<vmem>>
    %dma_wait3A_320 = tpu.memref_squeeze %dma_wait3A_319 : memref<1x80xi32, #tpu.memory_space<vmem>> -> memref<80xi32, #tpu.memory_space<vmem>>
    %dma_wait3A_321 = arith.constant 0 : i32
    %dma_wait3A_322 = arith.constant 0 : i32
    %dma_wait3A_323 = tpu.memref_slice %arg2[%dma_wait3A_321, %dma_wait3A_322] : memref<10000x32xf32, #tpu.memory_space<hbm>> -> memref<10000x32xf32, #tpu.memory_space<hbm>>
    tpu.wait_indirect_dma semaphore(%arg23 : memref<!tpu.dma_semaphore, #tpu.memory_space<semaphore_mem>>) src(%dma_wait3A_323 : memref<10000x32xf32, #tpu.memory_space<hbm>>) dst(%arg13 : memref<80x32xf32, #tpu.memory_space<vmem>>)
    %dma_start3A_324 = arith.constant 122 : i32
    %dma_start3A_325 = arith.constant 0 : i32
    %dma_start3A_326 = tpu.memref_slice %arg10[%dma_start3A_324, %dma_start3A_325] : memref<125x80xi32, #tpu.memory_space<vmem>> -> memref<1x80xi32, #tpu.memory_space<vmem>>
    %dma_start3A_327 = tpu.memref_squeeze %dma_start3A_326 : memref<1x80xi32, #tpu.memory_space<vmem>> -> memref<80xi32, #tpu.memory_space<vmem>>
    %dma_start3A_328 = arith.constant 0 : i32
    %dma_start3A_329 = arith.constant 0 : i32
    %dma_start3A_330 = tpu.memref_slice %arg8[%dma_start3A_328, %dma_start3A_329] : memref<10000x32xf32, #tpu.memory_space<vmem_shared>> -> memref<10000x32xf32, #tpu.memory_space<vmem_shared>>
    tpu.enqueue_indirect_dma source(%arg13 : memref<80x32xf32, #tpu.memory_space<vmem>>) target(%dma_start3A_330 : memref<10000x32xf32, #tpu.memory_space<vmem_shared>>) offsets(%dma_start3A_327 : memref<80xi32, #tpu.memory_space<vmem>>) semaphore(%arg33 : memref<!tpu.dma_semaphore, #tpu.memory_space<semaphore_mem>>) {add = true}
    %dma_wait3A_331 = arith.constant 123 : i32
    %dma_wait3A_332 = arith.constant 0 : i32
    %dma_wait3A_333 = tpu.memref_slice %arg9[%dma_wait3A_331, %dma_wait3A_332] : memref<125x80xi32, #tpu.memory_space<vmem>> -> memref<1x80xi32, #tpu.memory_space<vmem>>
    %dma_wait3A_334 = tpu.memref_squeeze %dma_wait3A_333 : memref<1x80xi32, #tpu.memory_space<vmem>> -> memref<80xi32, #tpu.memory_space<vmem>>
    %dma_wait3A_335 = arith.constant 0 : i32
    %dma_wait3A_336 = arith.constant 0 : i32
    %dma_wait3A_337 = tpu.memref_slice %arg2[%dma_wait3A_335, %dma_wait3A_336] : memref<10000x32xf32, #tpu.memory_space<hbm>> -> memref<10000x32xf32, #tpu.memory_space<hbm>>
    tpu.wait_indirect_dma semaphore(%arg24 : memref<!tpu.dma_semaphore, #tpu.memory_space<semaphore_mem>>) src(%dma_wait3A_337 : memref<10000x32xf32, #tpu.memory_space<hbm>>) dst(%arg14 : memref<80x32xf32, #tpu.memory_space<vmem>>)
    %dma_start3A_338 = arith.constant 123 : i32
    %dma_start3A_339 = arith.constant 0 : i32
    %dma_start3A_340 = tpu.memref_slice %arg10[%dma_start3A_338, %dma_start3A_339] : memref<125x80xi32, #tpu.memory_space<vmem>> -> memref<1x80xi32, #tpu.memory_space<vmem>>
    %dma_start3A_341 = tpu.memref_squeeze %dma_start3A_340 : memref<1x80xi32, #tpu.memory_space<vmem>> -> memref<80xi32, #tpu.memory_space<vmem>>
    %dma_start3A_342 = arith.constant 0 : i32
    %dma_start3A_343 = arith.constant 0 : i32
    %dma_start3A_344 = tpu.memref_slice %arg8[%dma_start3A_342, %dma_start3A_343] : memref<10000x32xf32, #tpu.memory_space<vmem_shared>> -> memref<10000x32xf32, #tpu.memory_space<vmem_shared>>
    tpu.enqueue_indirect_dma source(%arg14 : memref<80x32xf32, #tpu.memory_space<vmem>>) target(%dma_start3A_344 : memref<10000x32xf32, #tpu.memory_space<vmem_shared>>) offsets(%dma_start3A_341 : memref<80xi32, #tpu.memory_space<vmem>>) semaphore(%arg34 : memref<!tpu.dma_semaphore, #tpu.memory_space<semaphore_mem>>) {add = true}
    %dma_wait3A_345 = arith.constant 124 : i32
    %dma_wait3A_346 = arith.constant 0 : i32
    %dma_wait3A_347 = tpu.memref_slice %arg9[%dma_wait3A_345, %dma_wait3A_346] : memref<125x80xi32, #tpu.memory_space<vmem>> -> memref<1x80xi32, #tpu.memory_space<vmem>>
    %dma_wait3A_348 = tpu.memref_squeeze %dma_wait3A_347 : memref<1x80xi32, #tpu.memory_space<vmem>> -> memref<80xi32, #tpu.memory_space<vmem>>
    %dma_wait3A_349 = arith.constant 0 : i32
    %dma_wait3A_350 = arith.constant 0 : i32
    %dma_wait3A_351 = tpu.memref_slice %arg2[%dma_wait3A_349, %dma_wait3A_350] : memref<10000x32xf32, #tpu.memory_space<hbm>> -> memref<10000x32xf32, #tpu.memory_space<hbm>>
    tpu.wait_indirect_dma semaphore(%arg25 : memref<!tpu.dma_semaphore, #tpu.memory_space<semaphore_mem>>) src(%dma_wait3A_351 : memref<10000x32xf32, #tpu.memory_space<hbm>>) dst(%arg15 : memref<80x32xf32, #tpu.memory_space<vmem>>)
    %dma_start3A_352 = arith.constant 124 : i32
    %dma_start3A_353 = arith.constant 0 : i32
    %dma_start3A_354 = tpu.memref_slice %arg10[%dma_start3A_352, %dma_start3A_353] : memref<125x80xi32, #tpu.memory_space<vmem>> -> memref<1x80xi32, #tpu.memory_space<vmem>>
    %dma_start3A_355 = tpu.memref_squeeze %dma_start3A_354 : memref<1x80xi32, #tpu.memory_space<vmem>> -> memref<80xi32, #tpu.memory_space<vmem>>
    %dma_start3A_356 = arith.constant 0 : i32
    %dma_start3A_357 = arith.constant 0 : i32
    %dma_start3A_358 = tpu.memref_slice %arg8[%dma_start3A_356, %dma_start3A_357] : memref<10000x32xf32, #tpu.memory_space<vmem_shared>> -> memref<10000x32xf32, #tpu.memory_space<vmem_shared>>
    tpu.enqueue_indirect_dma source(%arg15 : memref<80x32xf32, #tpu.memory_space<vmem>>) target(%dma_start3A_358 : memref<10000x32xf32, #tpu.memory_space<vmem_shared>>) offsets(%dma_start3A_355 : memref<80xi32, #tpu.memory_space<vmem>>) semaphore(%arg35 : memref<!tpu.dma_semaphore, #tpu.memory_space<semaphore_mem>>) {add = true}
    %dma_wait3A_359 = arith.constant 115 : i32
    %dma_wait3A_360 = arith.constant 0 : i32
    %dma_wait3A_361 = tpu.memref_slice %arg10[%dma_wait3A_359, %dma_wait3A_360] : memref<125x80xi32, #tpu.memory_space<vmem>> -> memref<1x80xi32, #tpu.memory_space<vmem>>
    %dma_wait3A_362 = tpu.memref_squeeze %dma_wait3A_361 : memref<1x80xi32, #tpu.memory_space<vmem>> -> memref<80xi32, #tpu.memory_space<vmem>>
    %dma_wait3A_363 = arith.constant 0 : i32
    %dma_wait3A_364 = arith.constant 0 : i32
    %dma_wait3A_365 = tpu.memref_slice %arg8[%dma_wait3A_363, %dma_wait3A_364] : memref<10000x32xf32, #tpu.memory_space<vmem_shared>> -> memref<10000x32xf32, #tpu.memory_space<vmem_shared>>
    tpu.wait_indirect_dma semaphore(%arg36 : memref<!tpu.dma_semaphore, #tpu.memory_space<semaphore_mem>>) src(%arg16 : memref<80x32xf32, #tpu.memory_space<vmem>>) dst(%dma_wait3A_365 : memref<10000x32xf32, #tpu.memory_space<vmem_shared>>)
    %dma_wait3A_366 = arith.constant 116 : i32
    %dma_wait3A_367 = arith.constant 0 : i32
    %dma_wait3A_368 = tpu.memref_slice %arg10[%dma_wait3A_366, %dma_wait3A_367] : memref<125x80xi32, #tpu.memory_space<vmem>> -> memref<1x80xi32, #tpu.memory_space<vmem>>
    %dma_wait3A_369 = tpu.memref_squeeze %dma_wait3A_368 : memref<1x80xi32, #tpu.memory_space<vmem>> -> memref<80xi32, #tpu.memory_space<vmem>>
    %dma_wait3A_370 = arith.constant 0 : i32
    %dma_wait3A_371 = arith.constant 0 : i32
    %dma_wait3A_372 = tpu.memref_slice %arg8[%dma_wait3A_370, %dma_wait3A_371] : memref<10000x32xf32, #tpu.memory_space<vmem_shared>> -> memref<10000x32xf32, #tpu.memory_space<vmem_shared>>
    tpu.wait_indirect_dma semaphore(%arg37 : memref<!tpu.dma_semaphore, #tpu.memory_space<semaphore_mem>>) src(%arg17 : memref<80x32xf32, #tpu.memory_space<vmem>>) dst(%dma_wait3A_372 : memref<10000x32xf32, #tpu.memory_space<vmem_shared>>)
    %dma_wait3A_373 = arith.constant 117 : i32
    %dma_wait3A_374 = arith.constant 0 : i32
    %dma_wait3A_375 = tpu.memref_slice %arg10[%dma_wait3A_373, %dma_wait3A_374] : memref<125x80xi32, #tpu.memory_space<vmem>> -> memref<1x80xi32, #tpu.memory_space<vmem>>
    %dma_wait3A_376 = tpu.memref_squeeze %dma_wait3A_375 : memref<1x80xi32, #tpu.memory_space<vmem>> -> memref<80xi32, #tpu.memory_space<vmem>>
    %dma_wait3A_377 = arith.constant 0 : i32
    %dma_wait3A_378 = arith.constant 0 : i32
    %dma_wait3A_379 = tpu.memref_slice %arg8[%dma_wait3A_377, %dma_wait3A_378] : memref<10000x32xf32, #tpu.memory_space<vmem_shared>> -> memref<10000x32xf32, #tpu.memory_space<vmem_shared>>
    tpu.wait_indirect_dma semaphore(%arg38 : memref<!tpu.dma_semaphore, #tpu.memory_space<semaphore_mem>>) src(%arg18 : memref<80x32xf32, #tpu.memory_space<vmem>>) dst(%dma_wait3A_379 : memref<10000x32xf32, #tpu.memory_space<vmem_shared>>)
    %dma_wait3A_380 = arith.constant 118 : i32
    %dma_wait3A_381 = arith.constant 0 : i32
    %dma_wait3A_382 = tpu.memref_slice %arg10[%dma_wait3A_380, %dma_wait3A_381] : memref<125x80xi32, #tpu.memory_space<vmem>> -> memref<1x80xi32, #tpu.memory_space<vmem>>
    %dma_wait3A_383 = tpu.memref_squeeze %dma_wait3A_382 : memref<1x80xi32, #tpu.memory_space<vmem>> -> memref<80xi32, #tpu.memory_space<vmem>>
    %dma_wait3A_384 = arith.constant 0 : i32
    %dma_wait3A_385 = arith.constant 0 : i32
    %dma_wait3A_386 = tpu.memref_slice %arg8[%dma_wait3A_384, %dma_wait3A_385] : memref<10000x32xf32, #tpu.memory_space<vmem_shared>> -> memref<10000x32xf32, #tpu.memory_space<vmem_shared>>
    tpu.wait_indirect_dma semaphore(%arg39 : memref<!tpu.dma_semaphore, #tpu.memory_space<semaphore_mem>>) src(%arg19 : memref<80x32xf32, #tpu.memory_space<vmem>>) dst(%dma_wait3A_386 : memref<10000x32xf32, #tpu.memory_space<vmem_shared>>)
    %dma_wait3A_387 = arith.constant 119 : i32
    %dma_wait3A_388 = arith.constant 0 : i32
    %dma_wait3A_389 = tpu.memref_slice %arg10[%dma_wait3A_387, %dma_wait3A_388] : memref<125x80xi32, #tpu.memory_space<vmem>> -> memref<1x80xi32, #tpu.memory_space<vmem>>
    %dma_wait3A_390 = tpu.memref_squeeze %dma_wait3A_389 : memref<1x80xi32, #tpu.memory_space<vmem>> -> memref<80xi32, #tpu.memory_space<vmem>>
    %dma_wait3A_391 = arith.constant 0 : i32
    %dma_wait3A_392 = arith.constant 0 : i32
    %dma_wait3A_393 = tpu.memref_slice %arg8[%dma_wait3A_391, %dma_wait3A_392] : memref<10000x32xf32, #tpu.memory_space<vmem_shared>> -> memref<10000x32xf32, #tpu.memory_space<vmem_shared>>
    tpu.wait_indirect_dma semaphore(%arg40 : memref<!tpu.dma_semaphore, #tpu.memory_space<semaphore_mem>>) src(%arg20 : memref<80x32xf32, #tpu.memory_space<vmem>>) dst(%dma_wait3A_393 : memref<10000x32xf32, #tpu.memory_space<vmem_shared>>)
    %dma_wait3A_394 = arith.constant 120 : i32
    %dma_wait3A_395 = arith.constant 0 : i32
    %dma_wait3A_396 = tpu.memref_slice %arg10[%dma_wait3A_394, %dma_wait3A_395] : memref<125x80xi32, #tpu.memory_space<vmem>> -> memref<1x80xi32, #tpu.memory_space<vmem>>
    %dma_wait3A_397 = tpu.memref_squeeze %dma_wait3A_396 : memref<1x80xi32, #tpu.memory_space<vmem>> -> memref<80xi32, #tpu.memory_space<vmem>>
    %dma_wait3A_398 = arith.constant 0 : i32
    %dma_wait3A_399 = arith.constant 0 : i32
    %dma_wait3A_400 = tpu.memref_slice %arg8[%dma_wait3A_398, %dma_wait3A_399] : memref<10000x32xf32, #tpu.memory_space<vmem_shared>> -> memref<10000x32xf32, #tpu.memory_space<vmem_shared>>
    tpu.wait_indirect_dma semaphore(%arg31 : memref<!tpu.dma_semaphore, #tpu.memory_space<semaphore_mem>>) src(%arg11 : memref<80x32xf32, #tpu.memory_space<vmem>>) dst(%dma_wait3A_400 : memref<10000x32xf32, #tpu.memory_space<vmem_shared>>)
    %dma_wait3A_401 = arith.constant 121 : i32
    %dma_wait3A_402 = arith.constant 0 : i32
    %dma_wait3A_403 = tpu.memref_slice %arg10[%dma_wait3A_401, %dma_wait3A_402] : memref<125x80xi32, #tpu.memory_space<vmem>> -> memref<1x80xi32, #tpu.memory_space<vmem>>
    %dma_wait3A_404 = tpu.memref_squeeze %dma_wait3A_403 : memref<1x80xi32, #tpu.memory_space<vmem>> -> memref<80xi32, #tpu.memory_space<vmem>>
    %dma_wait3A_405 = arith.constant 0 : i32
    %dma_wait3A_406 = arith.constant 0 : i32
    %dma_wait3A_407 = tpu.memref_slice %arg8[%dma_wait3A_405, %dma_wait3A_406] : memref<10000x32xf32, #tpu.memory_space<vmem_shared>> -> memref<10000x32xf32, #tpu.memory_space<vmem_shared>>
    tpu.wait_indirect_dma semaphore(%arg32 : memref<!tpu.dma_semaphore, #tpu.memory_space<semaphore_mem>>) src(%arg12 : memref<80x32xf32, #tpu.memory_space<vmem>>) dst(%dma_wait3A_407 : memref<10000x32xf32, #tpu.memory_space<vmem_shared>>)
    %dma_wait3A_408 = arith.constant 122 : i32
    %dma_wait3A_409 = arith.constant 0 : i32
    %dma_wait3A_410 = tpu.memref_slice %arg10[%dma_wait3A_408, %dma_wait3A_409] : memref<125x80xi32, #tpu.memory_space<vmem>> -> memref<1x80xi32, #tpu.memory_space<vmem>>
    %dma_wait3A_411 = tpu.memref_squeeze %dma_wait3A_410 : memref<1x80xi32, #tpu.memory_space<vmem>> -> memref<80xi32, #tpu.memory_space<vmem>>
    %dma_wait3A_412 = arith.constant 0 : i32
    %dma_wait3A_413 = arith.constant 0 : i32
    %dma_wait3A_414 = tpu.memref_slice %arg8[%dma_wait3A_412, %dma_wait3A_413] : memref<10000x32xf32, #tpu.memory_space<vmem_shared>> -> memref<10000x32xf32, #tpu.memory_space<vmem_shared>>
    tpu.wait_indirect_dma semaphore(%arg33 : memref<!tpu.dma_semaphore, #tpu.memory_space<semaphore_mem>>) src(%arg13 : memref<80x32xf32, #tpu.memory_space<vmem>>) dst(%dma_wait3A_414 : memref<10000x32xf32, #tpu.memory_space<vmem_shared>>)
    %dma_wait3A_415 = arith.constant 123 : i32
    %dma_wait3A_416 = arith.constant 0 : i32
    %dma_wait3A_417 = tpu.memref_slice %arg10[%dma_wait3A_415, %dma_wait3A_416] : memref<125x80xi32, #tpu.memory_space<vmem>> -> memref<1x80xi32, #tpu.memory_space<vmem>>
    %dma_wait3A_418 = tpu.memref_squeeze %dma_wait3A_417 : memref<1x80xi32, #tpu.memory_space<vmem>> -> memref<80xi32, #tpu.memory_space<vmem>>
    %dma_wait3A_419 = arith.constant 0 : i32
    %dma_wait3A_420 = arith.constant 0 : i32
    %dma_wait3A_421 = tpu.memref_slice %arg8[%dma_wait3A_419, %dma_wait3A_420] : memref<10000x32xf32, #tpu.memory_space<vmem_shared>> -> memref<10000x32xf32, #tpu.memory_space<vmem_shared>>
    tpu.wait_indirect_dma semaphore(%arg34 : memref<!tpu.dma_semaphore, #tpu.memory_space<semaphore_mem>>) src(%arg14 : memref<80x32xf32, #tpu.memory_space<vmem>>) dst(%dma_wait3A_421 : memref<10000x32xf32, #tpu.memory_space<vmem_shared>>)
    %dma_wait3A_422 = arith.constant 124 : i32
    %dma_wait3A_423 = arith.constant 0 : i32
    %dma_wait3A_424 = tpu.memref_slice %arg10[%dma_wait3A_422, %dma_wait3A_423] : memref<125x80xi32, #tpu.memory_space<vmem>> -> memref<1x80xi32, #tpu.memory_space<vmem>>
    %dma_wait3A_425 = tpu.memref_squeeze %dma_wait3A_424 : memref<1x80xi32, #tpu.memory_space<vmem>> -> memref<80xi32, #tpu.memory_space<vmem>>
    %dma_wait3A_426 = arith.constant 0 : i32
    %dma_wait3A_427 = arith.constant 0 : i32
    %dma_wait3A_428 = tpu.memref_slice %arg8[%dma_wait3A_426, %dma_wait3A_427] : memref<10000x32xf32, #tpu.memory_space<vmem_shared>> -> memref<10000x32xf32, #tpu.memory_space<vmem_shared>>
    tpu.wait_indirect_dma semaphore(%arg35 : memref<!tpu.dma_semaphore, #tpu.memory_space<semaphore_mem>>) src(%arg15 : memref<80x32xf32, #tpu.memory_space<vmem>>) dst(%dma_wait3A_428 : memref<10000x32xf32, #tpu.memory_space<vmem_shared>>)
    %barrier3A_429 = arith.constant 0 : index
    tpu.barrier barrier_id(%barrier3A_429)
    %eq3A_430 = arith.constant 0 : i32
    %eq3A_431 = arith.cmpi eq, %arg0, %eq3A_430 : i32
    %convert_element_type3A_432 = arith.extui %eq3A_431 : i1 to i32
    %cond3A_433 = arith.constant 0 : i32
    %cond3A_434 = arith.cmpi ne, %convert_element_type3A_432, %cond3A_433 : i32
    scf.if %cond3A_434 {
      %mul3A_440 = arith.constant 624 : i32
      %mul3A_441 = arith.muli %arg1, %mul3A_440 : i32
      %mul3A_442 = arith.constant 624 : i32
      %mul3A_443 = arith.muli %arg1, %mul3A_442 : i32
      "tpu.region"() ({
        %run_scoped3A = tpu.sem_alloc : memref<!tpu.dma_semaphore, #tpu.memory_space<semaphore_mem>>
        %dma_start3A_449 = arith.constant 0 : i32
        %dma_start3A_450 = tpu.memref_slice %arg6[%mul3A_443, %dma_start3A_449] : memref<10000x32xf32, #tpu.memory_space<hbm>> -> memref<624x32xf32, #tpu.memory_space<hbm>>
        %dma_start3A_451 = arith.constant 0 : i32
        %dma_start3A_452 = tpu.memref_slice %arg8[%mul3A_441, %dma_start3A_451] : memref<10000x32xf32, #tpu.memory_space<vmem_shared>> -> memref<624x32xf32, #tpu.memory_space<vmem_shared>>
        tpu.enqueue_dma source(%dma_start3A_452 : memref<624x32xf32, #tpu.memory_space<vmem_shared>>) target(%dma_start3A_450 : memref<624x32xf32, #tpu.memory_space<hbm>>) target_semaphore(%run_scoped3A : memref<!tpu.dma_semaphore, #tpu.memory_space<semaphore_mem>>)
        %dma_wait3A_453 = arith.constant 0 : i32
        %dma_wait3A_454 = tpu.memref_slice %arg6[%mul3A_443, %dma_wait3A_453] : memref<10000x32xf32, #tpu.memory_space<hbm>> -> memref<624x32xf32, #tpu.memory_space<hbm>>
        %dma_wait3A_455 = arith.constant 0 : i32
        %dma_wait3A_456 = tpu.memref_slice %arg8[%mul3A_441, %dma_wait3A_455] : memref<10000x32xf32, #tpu.memory_space<vmem_shared>> -> memref<624x32xf32, #tpu.memory_space<vmem_shared>>
        tpu.wait_dma2 semaphore(%run_scoped3A : memref<!tpu.dma_semaphore, #tpu.memory_space<semaphore_mem>>) src(%dma_wait3A_456 : memref<624x32xf32, #tpu.memory_space<vmem_shared>>) dst(%dma_wait3A_454 : memref<624x32xf32, #tpu.memory_space<hbm>>)
        tpu.yield
      }) : () -> ()
      %eq3A_444 = arith.constant 15 : i32
      %eq3A_445 = arith.cmpi eq, %arg1, %eq3A_444 : i32
      %convert_element_type3A_446 = arith.extui %eq3A_445 : i1 to i32
      %cond3A_447 = arith.constant 0 : i32
      %cond3A_448 = arith.cmpi ne, %convert_element_type3A_446, %cond3A_447 : i32
      scf.if %cond3A_448 {
        "tpu.region"() ({
          %run_scoped3A = tpu.sem_alloc : memref<!tpu.dma_semaphore, #tpu.memory_space<semaphore_mem>>
          %dma_start3A_449 = arith.constant 9984 : i32
          %dma_start3A_450 = arith.constant 0 : i32
          %dma_start3A_451 = tpu.memref_slice %arg6[%dma_start3A_449, %dma_start3A_450] : memref<10000x32xf32, #tpu.memory_space<hbm>> -> memref<16x32xf32, #tpu.memory_space<hbm>>
          %dma_start3A_452 = arith.constant 9984 : i32
          %dma_start3A_453 = arith.constant 0 : i32
          %dma_start3A_454 = tpu.memref_slice %arg8[%dma_start3A_452, %dma_start3A_453] : memref<10000x32xf32, #tpu.memory_space<vmem_shared>> -> memref<16x32xf32, #tpu.memory_space<vmem_shared>>
          tpu.enqueue_dma source(%dma_start3A_454 : memref<16x32xf32, #tpu.memory_space<vmem_shared>>) target(%dma_start3A_451 : memref<16x32xf32, #tpu.memory_space<hbm>>) target_semaphore(%run_scoped3A : memref<!tpu.dma_semaphore, #tpu.memory_space<semaphore_mem>>)
          %dma_wait3A_455 = arith.constant 9984 : i32
          %dma_wait3A_456 = arith.constant 0 : i32
          %dma_wait3A_457 = tpu.memref_slice %arg6[%dma_wait3A_455, %dma_wait3A_456] : memref<10000x32xf32, #tpu.memory_space<hbm>> -> memref<16x32xf32, #tpu.memory_space<hbm>>
          %dma_wait3A_458 = arith.constant 9984 : i32
          %dma_wait3A_459 = arith.constant 0 : i32
          %dma_wait3A_460 = tpu.memref_slice %arg8[%dma_wait3A_458, %dma_wait3A_459] : memref<10000x32xf32, #tpu.memory_space<vmem_shared>> -> memref<16x32xf32, #tpu.memory_space<vmem_shared>>
          tpu.wait_dma2 semaphore(%run_scoped3A : memref<!tpu.dma_semaphore, #tpu.memory_space<semaphore_mem>>) src(%dma_wait3A_460 : memref<16x32xf32, #tpu.memory_space<vmem_shared>>) dst(%dma_wait3A_457 : memref<16x32xf32, #tpu.memory_space<hbm>>)
          tpu.yield
        }) : () -> ()
      } else {
      }
    } else {
    }
    %eq3A_435 = arith.constant 1 : i32
    %eq3A_436 = arith.cmpi eq, %arg0, %eq3A_435 : i32
    %convert_element_type3A_437 = arith.extui %eq3A_436 : i1 to i32
    %cond3A_438 = arith.constant 0 : i32
    %cond3A_439 = arith.cmpi ne, %convert_element_type3A_437, %cond3A_438 : i32
    scf.if %cond3A_439 {
      %mul3A_440 = arith.constant 624 : i32
      %mul3A_441 = arith.muli %arg1, %mul3A_440 : i32
      %mul3A_442 = arith.constant 624 : i32
      %mul3A_443 = arith.muli %arg1, %mul3A_442 : i32
      "tpu.region"() ({
        %run_scoped3A = tpu.sem_alloc : memref<!tpu.dma_semaphore, #tpu.memory_space<semaphore_mem>>
        %dma_start3A_449 = arith.constant 0 : i32
        %dma_start3A_450 = tpu.memref_slice %arg7[%mul3A_443, %dma_start3A_449] : memref<10000x32xf32, #tpu.memory_space<hbm>> -> memref<624x32xf32, #tpu.memory_space<hbm>>
        %dma_start3A_451 = arith.constant 0 : i32
        %dma_start3A_452 = tpu.memref_slice %arg8[%mul3A_441, %dma_start3A_451] : memref<10000x32xf32, #tpu.memory_space<vmem_shared>> -> memref<624x32xf32, #tpu.memory_space<vmem_shared>>
        tpu.enqueue_dma source(%dma_start3A_452 : memref<624x32xf32, #tpu.memory_space<vmem_shared>>) target(%dma_start3A_450 : memref<624x32xf32, #tpu.memory_space<hbm>>) target_semaphore(%run_scoped3A : memref<!tpu.dma_semaphore, #tpu.memory_space<semaphore_mem>>)
        %dma_wait3A_453 = arith.constant 0 : i32
        %dma_wait3A_454 = tpu.memref_slice %arg7[%mul3A_443, %dma_wait3A_453] : memref<10000x32xf32, #tpu.memory_space<hbm>> -> memref<624x32xf32, #tpu.memory_space<hbm>>
        %dma_wait3A_455 = arith.constant 0 : i32
        %dma_wait3A_456 = tpu.memref_slice %arg8[%mul3A_441, %dma_wait3A_455] : memref<10000x32xf32, #tpu.memory_space<vmem_shared>> -> memref<624x32xf32, #tpu.memory_space<vmem_shared>>
        tpu.wait_dma2 semaphore(%run_scoped3A : memref<!tpu.dma_semaphore, #tpu.memory_space<semaphore_mem>>) src(%dma_wait3A_456 : memref<624x32xf32, #tpu.memory_space<vmem_shared>>) dst(%dma_wait3A_454 : memref<624x32xf32, #tpu.memory_space<hbm>>)
        tpu.yield
      }) : () -> ()
      %eq3A_444 = arith.constant 15 : i32
      %eq3A_445 = arith.cmpi eq, %arg1, %eq3A_444 : i32
      %convert_element_type3A_446 = arith.extui %eq3A_445 : i1 to i32
      %cond3A_447 = arith.constant 0 : i32
      %cond3A_448 = arith.cmpi ne, %convert_element_type3A_446, %cond3A_447 : i32
      scf.if %cond3A_448 {
        "tpu.region"() ({
          %run_scoped3A = tpu.sem_alloc : memref<!tpu.dma_semaphore, #tpu.memory_space<semaphore_mem>>
          %dma_start3A_449 = arith.constant 9984 : i32
          %dma_start3A_450 = arith.constant 0 : i32
          %dma_start3A_451 = tpu.memref_slice %arg7[%dma_start3A_449, %dma_start3A_450] : memref<10000x32xf32, #tpu.memory_space<hbm>> -> memref<16x32xf32, #tpu.memory_space<hbm>>
          %dma_start3A_452 = arith.constant 9984 : i32
          %dma_start3A_453 = arith.constant 0 : i32
          %dma_start3A_454 = tpu.memref_slice %arg8[%dma_start3A_452, %dma_start3A_453] : memref<10000x32xf32, #tpu.memory_space<vmem_shared>> -> memref<16x32xf32, #tpu.memory_space<vmem_shared>>
          tpu.enqueue_dma source(%dma_start3A_454 : memref<16x32xf32, #tpu.memory_space<vmem_shared>>) target(%dma_start3A_451 : memref<16x32xf32, #tpu.memory_space<hbm>>) target_semaphore(%run_scoped3A : memref<!tpu.dma_semaphore, #tpu.memory_space<semaphore_mem>>)
          %dma_wait3A_455 = arith.constant 9984 : i32
          %dma_wait3A_456 = arith.constant 0 : i32
          %dma_wait3A_457 = tpu.memref_slice %arg7[%dma_wait3A_455, %dma_wait3A_456] : memref<10000x32xf32, #tpu.memory_space<hbm>> -> memref<16x32xf32, #tpu.memory_space<hbm>>
          %dma_wait3A_458 = arith.constant 9984 : i32
          %dma_wait3A_459 = arith.constant 0 : i32
          %dma_wait3A_460 = tpu.memref_slice %arg8[%dma_wait3A_458, %dma_wait3A_459] : memref<10000x32xf32, #tpu.memory_space<vmem_shared>> -> memref<16x32xf32, #tpu.memory_space<vmem_shared>>
          tpu.wait_dma2 semaphore(%run_scoped3A : memref<!tpu.dma_semaphore, #tpu.memory_space<semaphore_mem>>) src(%dma_wait3A_460 : memref<16x32xf32, #tpu.memory_space<vmem_shared>>) dst(%dma_wait3A_457 : memref<16x32xf32, #tpu.memory_space<hbm>>)
          tpu.yield
        }) : () -> ()
      } else {
      }
    } else {
    }
    return
  }
}

#map = affine_map<(d0, d1) -> (0, 0)>
#map1 = affine_map<(d0, d1) -> (0, 0, 0)>
module attributes {stable_mosaic.version = 14 : i64} {
  func.func @_sc_scatter_body(%arg0: i32, %arg1: i32, %arg2: memref<10000x32xf32, #tpu.memory_space<hbm>>, %arg3: memref<32x125x80xi32, #tpu.memory_space<hbm>>, %arg4: memref<32x125x80xi32, #tpu.memory_space<hbm>>, %arg5: memref<10000x32xf32, #tpu.memory_space<hbm>>, %arg6: memref<10000x32xf32, #tpu.memory_space<hbm>>, %arg7: memref<10000x32xf32, #tpu.memory_space<hbm>>, %arg8: memref<10000x32xf32, #tpu.memory_space<vmem_shared>>, %arg9: memref<125x80xi32, #tpu.memory_space<vmem>>, %arg10: memref<125x80xi32, #tpu.memory_space<vmem>>, %arg11: memref<80x32xf32, #tpu.memory_space<vmem>>, %arg12: memref<80x32xf32, #tpu.memory_space<vmem>>, %arg13: memref<80x32xf32, #tpu.memory_space<vmem>>, %arg14: memref<80x32xf32, #tpu.memory_space<vmem>>, %arg15: memref<80x32xf32, #tpu.memory_space<vmem>>, %arg16: memref<80x32xf32, #tpu.memory_space<vmem>>, %arg17: memref<80x32xf32, #tpu.memory_space<vmem>>, %arg18: memref<80x32xf32, #tpu.memory_space<vmem>>, %arg19: memref<80x32xf32, #tpu.memory_space<vmem>>, %arg20: memref<80x32xf32, #tpu.memory_space<vmem>>, %arg21: memref<!tpu.dma_semaphore, #tpu.memory_space<semaphore_mem>>, %arg22: memref<!tpu.dma_semaphore, #tpu.memory_space<semaphore_mem>>, %arg23: memref<!tpu.dma_semaphore, #tpu.memory_space<semaphore_mem>>, %arg24: memref<!tpu.dma_semaphore, #tpu.memory_space<semaphore_mem>>, %arg25: memref<!tpu.dma_semaphore, #tpu.memory_space<semaphore_mem>>, %arg26: memref<!tpu.dma_semaphore, #tpu.memory_space<semaphore_mem>>, %arg27: memref<!tpu.dma_semaphore, #tpu.memory_space<semaphore_mem>>, %arg28: memref<!tpu.dma_semaphore, #tpu.memory_space<semaphore_mem>>, %arg29: memref<!tpu.dma_semaphore, #tpu.memory_space<semaphore_mem>>, %arg30: memref<!tpu.dma_semaphore, #tpu.memory_space<semaphore_mem>>, %arg31: memref<!tpu.dma_semaphore, #tpu.memory_space<semaphore_mem>>, %arg32: memref<!tpu.dma_semaphore, #tpu.memory_space<semaphore_mem>>, %arg33: memref<!tpu.dma_semaphore, #tpu.memory_space<semaphore_mem>>, %arg34: memref<!tpu.dma_semaphore, #tpu.memory_space<semaphore_mem>>, %arg35: memref<!tpu.dma_semaphore, #tpu.memory_space<semaphore_mem>>, %arg36: memref<!tpu.dma_semaphore, #tpu.memory_space<semaphore_mem>>, %arg37: memref<!tpu.dma_semaphore, #tpu.memory_space<semaphore_mem>>, %arg38: memref<!tpu.dma_semaphore, #tpu.memory_space<semaphore_mem>>, %arg39: memref<!tpu.dma_semaphore, #tpu.memory_space<semaphore_mem>>, %arg40: memref<!tpu.dma_semaphore, #tpu.memory_space<semaphore_mem>>) attributes {dimension_semantics = [#tpu.dimension_semantics<core_parallel>, #tpu.dimension_semantics<subcore_parallel>], iteration_bounds = array<i64: 2, 16>, scalar_prefetch = 0 : i64, scratch_operands = 33 : i64, tpu.core_type = #tpu.core_type<sc_vector_subcore>, window_params = [{transform_indices = #map}, {transform_indices = #map1}, {transform_indices = #map1}, {transform_indices = #map}, {transform_indices = #map}, {transform_indices = #map}]} {
    %mul3A = arith.constant 2 : i32
    %mul3A_0 = arith.muli %arg1, %mul3A : i32
    %add3A = arith.addi %mul3A_0, %arg0 : i32
    %mul3A_1 = arith.constant 624 : i32
    %mul3A_2 = arith.muli %arg1, %mul3A_1 : i32
    %mul3A_3 = arith.constant 624 : i32
    %mul3A_4 = arith.muli %arg1, %mul3A_3 : i32
    "tpu.region"() ({
      %run_scoped3A = tpu.sem_alloc : memref<!tpu.dma_semaphore, #tpu.memory_space<semaphore_mem>>
      %dma_start3A_440 = arith.constant 0 : i32
      %dma_start3A_441 = tpu.memref_slice %arg8[%mul3A_4, %dma_start3A_440] : memref<10000x32xf32, #tpu.memory_space<vmem_shared>> -> memref<624x32xf32, #tpu.memory_space<vmem_shared>>
      %dma_start3A_442 = arith.constant 0 : i32
      %dma_start3A_443 = tpu.memref_slice %arg5[%mul3A_2, %dma_start3A_442] : memref<10000x32xf32, #tpu.memory_space<hbm>> -> memref<624x32xf32, #tpu.memory_space<hbm>>
      tpu.enqueue_dma source(%dma_start3A_443 : memref<624x32xf32, #tpu.memory_space<hbm>>) target(%dma_start3A_441 : memref<624x32xf32, #tpu.memory_space<vmem_shared>>) target_semaphore(%run_scoped3A : memref<!tpu.dma_semaphore, #tpu.memory_space<semaphore_mem>>)
      %dma_wait3A_444 = arith.constant 0 : i32
      %dma_wait3A_445 = tpu.memref_slice %arg8[%mul3A_4, %dma_wait3A_444] : memref<10000x32xf32, #tpu.memory_space<vmem_shared>> -> memref<624x32xf32, #tpu.memory_space<vmem_shared>>
      %dma_wait3A_446 = arith.constant 0 : i32
      %dma_wait3A_447 = tpu.memref_slice %arg5[%mul3A_2, %dma_wait3A_446] : memref<10000x32xf32, #tpu.memory_space<hbm>> -> memref<624x32xf32, #tpu.memory_space<hbm>>
      tpu.wait_dma2 semaphore(%run_scoped3A : memref<!tpu.dma_semaphore, #tpu.memory_space<semaphore_mem>>) src(%dma_wait3A_447 : memref<624x32xf32, #tpu.memory_space<hbm>>) dst(%dma_wait3A_445 : memref<624x32xf32, #tpu.memory_space<vmem_shared>>)
      tpu.yield
    }) : () -> ()
    %eq3A = arith.constant 15 : i32
    %eq3A_5 = arith.cmpi eq, %arg1, %eq3A : i32
    %convert_element_type3A = arith.extui %eq3A_5 : i1 to i32
    %cond3A = arith.constant 0 : i32
    %cond3A_6 = arith.cmpi ne, %convert_element_type3A, %cond3A : i32
    scf.if %cond3A_6 {
      "tpu.region"() ({
        %run_scoped3A = tpu.sem_alloc : memref<!tpu.dma_semaphore, #tpu.memory_space<semaphore_mem>>
        %dma_start3A_440 = arith.constant 9984 : i32
        %dma_start3A_441 = arith.constant 0 : i32
        %dma_start3A_442 = tpu.memref_slice %arg8[%dma_start3A_440, %dma_start3A_441] : memref<10000x32xf32, #tpu.memory_space<vmem_shared>> -> memref<16x32xf32, #tpu.memory_space<vmem_shared>>
        %dma_start3A_443 = arith.constant 9984 : i32
        %dma_start3A_444 = arith.constant 0 : i32
        %dma_start3A_445 = tpu.memref_slice %arg5[%dma_start3A_443, %dma_start3A_444] : memref<10000x32xf32, #tpu.memory_space<hbm>> -> memref<16x32xf32, #tpu.memory_space<hbm>>
        tpu.enqueue_dma source(%dma_start3A_445 : memref<16x32xf32, #tpu.memory_space<hbm>>) target(%dma_start3A_442 : memref<16x32xf32, #tpu.memory_space<vmem_shared>>) target_semaphore(%run_scoped3A : memref<!tpu.dma_semaphore, #tpu.memory_space<semaphore_mem>>)
        %dma_wait3A_446 = arith.constant 9984 : i32
        %dma_wait3A_447 = arith.constant 0 : i32
        %dma_wait3A_448 = tpu.memref_slice %arg8[%dma_wait3A_446, %dma_wait3A_447] : memref<10000x32xf32, #tpu.memory_space<vmem_shared>> -> memref<16x32xf32, #tpu.memory_space<vmem_shared>>
        %dma_wait3A_449 = arith.constant 9984 : i32
        %dma_wait3A_450 = arith.constant 0 : i32
        %dma_wait3A_451 = tpu.memref_slice %arg5[%dma_wait3A_449, %dma_wait3A_450] : memref<10000x32xf32, #tpu.memory_space<hbm>> -> memref<16x32xf32, #tpu.memory_space<hbm>>
        tpu.wait_dma2 semaphore(%run_scoped3A : memref<!tpu.dma_semaphore, #tpu.memory_space<semaphore_mem>>) src(%dma_wait3A_451 : memref<16x32xf32, #tpu.memory_space<hbm>>) dst(%dma_wait3A_448 : memref<16x32xf32, #tpu.memory_space<vmem_shared>>)
        tpu.yield
      }) : () -> ()
    } else {
    }
    "tpu.region"() ({
      %run_scoped3A = tpu.sem_alloc : memref<!tpu.dma_semaphore, #tpu.memory_space<semaphore_mem>>
      %dma_start3A_440 = arith.constant 0 : i32
      %dma_start3A_441 = arith.constant 0 : i32
      %dma_start3A_442 = tpu.memref_slice %arg3[%add3A, %dma_start3A_440, %dma_start3A_441] : memref<32x125x80xi32, #tpu.memory_space<hbm>> -> memref<1x125x80xi32, #tpu.memory_space<hbm>>
      %dma_start3A_443 = tpu.memref_squeeze %dma_start3A_442 : memref<1x125x80xi32, #tpu.memory_space<hbm>> -> memref<125x80xi32, #tpu.memory_space<hbm>>
      %dma_start3A_444 = arith.constant 0 : i32
      %dma_start3A_445 = arith.constant 0 : i32
      %dma_start3A_446 = tpu.memref_slice %arg3[%add3A, %dma_start3A_444, %dma_start3A_445] : memref<32x125x80xi32, #tpu.memory_space<hbm>> -> memref<1x125x80xi32, #tpu.memory_space<hbm>>
      %dma_start3A_447 = tpu.memref_squeeze %dma_start3A_446 : memref<1x125x80xi32, #tpu.memory_space<hbm>> -> memref<125x80xi32, #tpu.memory_space<hbm>>
      tpu.enqueue_dma source(%dma_start3A_447 : memref<125x80xi32, #tpu.memory_space<hbm>>) target(%arg9 : memref<125x80xi32, #tpu.memory_space<vmem>>) target_semaphore(%run_scoped3A : memref<!tpu.dma_semaphore, #tpu.memory_space<semaphore_mem>>)
      %dma_wait3A_448 = arith.constant 0 : i32
      %dma_wait3A_449 = arith.constant 0 : i32
      %dma_wait3A_450 = tpu.memref_slice %arg3[%add3A, %dma_wait3A_448, %dma_wait3A_449] : memref<32x125x80xi32, #tpu.memory_space<hbm>> -> memref<1x125x80xi32, #tpu.memory_space<hbm>>
      %dma_wait3A_451 = tpu.memref_squeeze %dma_wait3A_450 : memref<1x125x80xi32, #tpu.memory_space<hbm>> -> memref<125x80xi32, #tpu.memory_space<hbm>>
      %dma_wait3A_452 = arith.constant 0 : i32
      %dma_wait3A_453 = arith.constant 0 : i32
      %dma_wait3A_454 = tpu.memref_slice %arg3[%add3A, %dma_wait3A_452, %dma_wait3A_453] : memref<32x125x80xi32, #tpu.memory_space<hbm>> -> memref<1x125x80xi32, #tpu.memory_space<hbm>>
      %dma_wait3A_455 = tpu.memref_squeeze %dma_wait3A_454 : memref<1x125x80xi32, #tpu.memory_space<hbm>> -> memref<125x80xi32, #tpu.memory_space<hbm>>
      tpu.wait_dma2 semaphore(%run_scoped3A : memref<!tpu.dma_semaphore, #tpu.memory_space<semaphore_mem>>) src(%dma_wait3A_455 : memref<125x80xi32, #tpu.memory_space<hbm>>) dst(%arg9 : memref<125x80xi32, #tpu.memory_space<vmem>>)
      tpu.yield
    }) : () -> ()
    "tpu.region"() ({
      %run_scoped3A = tpu.sem_alloc : memref<!tpu.dma_semaphore, #tpu.memory_space<semaphore_mem>>
      %dma_start3A_440 = arith.constant 0 : i32
      %dma_start3A_441 = arith.constant 0 : i32
      %dma_start3A_442 = tpu.memref_slice %arg4[%add3A, %dma_start3A_440, %dma_start3A_441] : memref<32x125x80xi32, #tpu.memory_space<hbm>> -> memref<1x125x80xi32, #tpu.memory_space<hbm>>
      %dma_start3A_443 = tpu.memref_squeeze %dma_start3A_442 : memref<1x125x80xi32, #tpu.memory_space<hbm>> -> memref<125x80xi32, #tpu.memory_space<hbm>>
      %dma_start3A_444 = arith.constant 0 : i32
      %dma_start3A_445 = arith.constant 0 : i32
      %dma_start3A_446 = tpu.memref_slice %arg4[%add3A, %dma_start3A_444, %dma_start3A_445] : memref<32x125x80xi32, #tpu.memory_space<hbm>> -> memref<1x125x80xi32, #tpu.memory_space<hbm>>
      %dma_start3A_447 = tpu.memref_squeeze %dma_start3A_446 : memref<1x125x80xi32, #tpu.memory_space<hbm>> -> memref<125x80xi32, #tpu.memory_space<hbm>>
      tpu.enqueue_dma source(%dma_start3A_447 : memref<125x80xi32, #tpu.memory_space<hbm>>) target(%arg10 : memref<125x80xi32, #tpu.memory_space<vmem>>) target_semaphore(%run_scoped3A : memref<!tpu.dma_semaphore, #tpu.memory_space<semaphore_mem>>)
      %dma_wait3A_448 = arith.constant 0 : i32
      %dma_wait3A_449 = arith.constant 0 : i32
      %dma_wait3A_450 = tpu.memref_slice %arg4[%add3A, %dma_wait3A_448, %dma_wait3A_449] : memref<32x125x80xi32, #tpu.memory_space<hbm>> -> memref<1x125x80xi32, #tpu.memory_space<hbm>>
      %dma_wait3A_451 = tpu.memref_squeeze %dma_wait3A_450 : memref<1x125x80xi32, #tpu.memory_space<hbm>> -> memref<125x80xi32, #tpu.memory_space<hbm>>
      %dma_wait3A_452 = arith.constant 0 : i32
      %dma_wait3A_453 = arith.constant 0 : i32
      %dma_wait3A_454 = tpu.memref_slice %arg4[%add3A, %dma_wait3A_452, %dma_wait3A_453] : memref<32x125x80xi32, #tpu.memory_space<hbm>> -> memref<1x125x80xi32, #tpu.memory_space<hbm>>
      %dma_wait3A_455 = tpu.memref_squeeze %dma_wait3A_454 : memref<1x125x80xi32, #tpu.memory_space<hbm>> -> memref<125x80xi32, #tpu.memory_space<hbm>>
      tpu.wait_dma2 semaphore(%run_scoped3A : memref<!tpu.dma_semaphore, #tpu.memory_space<semaphore_mem>>) src(%dma_wait3A_455 : memref<125x80xi32, #tpu.memory_space<hbm>>) dst(%arg10 : memref<125x80xi32, #tpu.memory_space<vmem>>)
      tpu.yield
    }) : () -> ()
    %barrier3A = arith.constant 0 : index
    tpu.barrier barrier_id(%barrier3A)
    %dma_start3A = arith.constant 0 : i32
    %dma_start3A_7 = arith.constant 0 : i32
    %dma_start3A_8 = tpu.memref_slice %arg9[%dma_start3A, %dma_start3A_7] : memref<125x80xi32, #tpu.memory_space<vmem>> -> memref<1x80xi32, #tpu.memory_space<vmem>>
    %dma_start3A_9 = tpu.memref_squeeze %dma_start3A_8 : memref<1x80xi32, #tpu.memory_space<vmem>> -> memref<80xi32, #tpu.memory_space<vmem>>
    %dma_start3A_10 = arith.constant 0 : i32
    %dma_start3A_11 = arith.constant 0 : i32
    %dma_start3A_12 = tpu.memref_slice %arg2[%dma_start3A_10, %dma_start3A_11] : memref<10000x32xf32, #tpu.memory_space<hbm>> -> memref<10000x32xf32, #tpu.memory_space<hbm>>
    tpu.enqueue_indirect_dma source(%dma_start3A_12 : memref<10000x32xf32, #tpu.memory_space<hbm>>) target(%arg11 : memref<80x32xf32, #tpu.memory_space<vmem>>) offsets(%dma_start3A_9 : memref<80xi32, #tpu.memory_space<vmem>>) semaphore(%arg21 : memref<!tpu.dma_semaphore, #tpu.memory_space<semaphore_mem>>)
    %dma_start3A_13 = arith.constant 1 : i32
    %dma_start3A_14 = arith.constant 0 : i32
    %dma_start3A_15 = tpu.memref_slice %arg9[%dma_start3A_13, %dma_start3A_14] : memref<125x80xi32, #tpu.memory_space<vmem>> -> memref<1x80xi32, #tpu.memory_space<vmem>>
    %dma_start3A_16 = tpu.memref_squeeze %dma_start3A_15 : memref<1x80xi32, #tpu.memory_space<vmem>> -> memref<80xi32, #tpu.memory_space<vmem>>
    %dma_start3A_17 = arith.constant 0 : i32
    %dma_start3A_18 = arith.constant 0 : i32
    %dma_start3A_19 = tpu.memref_slice %arg2[%dma_start3A_17, %dma_start3A_18] : memref<10000x32xf32, #tpu.memory_space<hbm>> -> memref<10000x32xf32, #tpu.memory_space<hbm>>
    tpu.enqueue_indirect_dma source(%dma_start3A_19 : memref<10000x32xf32, #tpu.memory_space<hbm>>) target(%arg12 : memref<80x32xf32, #tpu.memory_space<vmem>>) offsets(%dma_start3A_16 : memref<80xi32, #tpu.memory_space<vmem>>) semaphore(%arg22 : memref<!tpu.dma_semaphore, #tpu.memory_space<semaphore_mem>>)
    %dma_start3A_20 = arith.constant 2 : i32
    %dma_start3A_21 = arith.constant 0 : i32
    %dma_start3A_22 = tpu.memref_slice %arg9[%dma_start3A_20, %dma_start3A_21] : memref<125x80xi32, #tpu.memory_space<vmem>> -> memref<1x80xi32, #tpu.memory_space<vmem>>
    %dma_start3A_23 = tpu.memref_squeeze %dma_start3A_22 : memref<1x80xi32, #tpu.memory_space<vmem>> -> memref<80xi32, #tpu.memory_space<vmem>>
    %dma_start3A_24 = arith.constant 0 : i32
    %dma_start3A_25 = arith.constant 0 : i32
    %dma_start3A_26 = tpu.memref_slice %arg2[%dma_start3A_24, %dma_start3A_25] : memref<10000x32xf32, #tpu.memory_space<hbm>> -> memref<10000x32xf32, #tpu.memory_space<hbm>>
    tpu.enqueue_indirect_dma source(%dma_start3A_26 : memref<10000x32xf32, #tpu.memory_space<hbm>>) target(%arg13 : memref<80x32xf32, #tpu.memory_space<vmem>>) offsets(%dma_start3A_23 : memref<80xi32, #tpu.memory_space<vmem>>) semaphore(%arg23 : memref<!tpu.dma_semaphore, #tpu.memory_space<semaphore_mem>>)
    %dma_start3A_27 = arith.constant 3 : i32
    %dma_start3A_28 = arith.constant 0 : i32
    %dma_start3A_29 = tpu.memref_slice %arg9[%dma_start3A_27, %dma_start3A_28] : memref<125x80xi32, #tpu.memory_space<vmem>> -> memref<1x80xi32, #tpu.memory_space<vmem>>
    %dma_start3A_30 = tpu.memref_squeeze %dma_start3A_29 : memref<1x80xi32, #tpu.memory_space<vmem>> -> memref<80xi32, #tpu.memory_space<vmem>>
    %dma_start3A_31 = arith.constant 0 : i32
    %dma_start3A_32 = arith.constant 0 : i32
    %dma_start3A_33 = tpu.memref_slice %arg2[%dma_start3A_31, %dma_start3A_32] : memref<10000x32xf32, #tpu.memory_space<hbm>> -> memref<10000x32xf32, #tpu.memory_space<hbm>>
    tpu.enqueue_indirect_dma source(%dma_start3A_33 : memref<10000x32xf32, #tpu.memory_space<hbm>>) target(%arg14 : memref<80x32xf32, #tpu.memory_space<vmem>>) offsets(%dma_start3A_30 : memref<80xi32, #tpu.memory_space<vmem>>) semaphore(%arg24 : memref<!tpu.dma_semaphore, #tpu.memory_space<semaphore_mem>>)
    %dma_start3A_34 = arith.constant 4 : i32
    %dma_start3A_35 = arith.constant 0 : i32
    %dma_start3A_36 = tpu.memref_slice %arg9[%dma_start3A_34, %dma_start3A_35] : memref<125x80xi32, #tpu.memory_space<vmem>> -> memref<1x80xi32, #tpu.memory_space<vmem>>
    %dma_start3A_37 = tpu.memref_squeeze %dma_start3A_36 : memref<1x80xi32, #tpu.memory_space<vmem>> -> memref<80xi32, #tpu.memory_space<vmem>>
    %dma_start3A_38 = arith.constant 0 : i32
    %dma_start3A_39 = arith.constant 0 : i32
    %dma_start3A_40 = tpu.memref_slice %arg2[%dma_start3A_38, %dma_start3A_39] : memref<10000x32xf32, #tpu.memory_space<hbm>> -> memref<10000x32xf32, #tpu.memory_space<hbm>>
    tpu.enqueue_indirect_dma source(%dma_start3A_40 : memref<10000x32xf32, #tpu.memory_space<hbm>>) target(%arg15 : memref<80x32xf32, #tpu.memory_space<vmem>>) offsets(%dma_start3A_37 : memref<80xi32, #tpu.memory_space<vmem>>) semaphore(%arg25 : memref<!tpu.dma_semaphore, #tpu.memory_space<semaphore_mem>>)
    %dma_wait3A = arith.constant 0 : i32
    %dma_wait3A_41 = arith.constant 0 : i32
    %dma_wait3A_42 = tpu.memref_slice %arg9[%dma_wait3A, %dma_wait3A_41] : memref<125x80xi32, #tpu.memory_space<vmem>> -> memref<1x80xi32, #tpu.memory_space<vmem>>
    %dma_wait3A_43 = tpu.memref_squeeze %dma_wait3A_42 : memref<1x80xi32, #tpu.memory_space<vmem>> -> memref<80xi32, #tpu.memory_space<vmem>>
    %dma_wait3A_44 = arith.constant 0 : i32
    %dma_wait3A_45 = arith.constant 0 : i32
    %dma_wait3A_46 = tpu.memref_slice %arg2[%dma_wait3A_44, %dma_wait3A_45] : memref<10000x32xf32, #tpu.memory_space<hbm>> -> memref<10000x32xf32, #tpu.memory_space<hbm>>
    tpu.wait_indirect_dma semaphore(%arg21 : memref<!tpu.dma_semaphore, #tpu.memory_space<semaphore_mem>>) src(%dma_wait3A_46 : memref<10000x32xf32, #tpu.memory_space<hbm>>) dst(%arg11 : memref<80x32xf32, #tpu.memory_space<vmem>>)
    %dma_start3A_47 = arith.constant 0 : i32
    %dma_start3A_48 = arith.constant 0 : i32
    %dma_start3A_49 = tpu.memref_slice %arg10[%dma_start3A_47, %dma_start3A_48] : memref<125x80xi32, #tpu.memory_space<vmem>> -> memref<1x80xi32, #tpu.memory_space<vmem>>
    %dma_start3A_50 = tpu.memref_squeeze %dma_start3A_49 : memref<1x80xi32, #tpu.memory_space<vmem>> -> memref<80xi32, #tpu.memory_space<vmem>>
    %dma_start3A_51 = arith.constant 0 : i32
    %dma_start3A_52 = arith.constant 0 : i32
    %dma_start3A_53 = tpu.memref_slice %arg8[%dma_start3A_51, %dma_start3A_52] : memref<10000x32xf32, #tpu.memory_space<vmem_shared>> -> memref<10000x32xf32, #tpu.memory_space<vmem_shared>>
    tpu.enqueue_indirect_dma source(%arg11 : memref<80x32xf32, #tpu.memory_space<vmem>>) target(%dma_start3A_53 : memref<10000x32xf32, #tpu.memory_space<vmem_shared>>) offsets(%dma_start3A_50 : memref<80xi32, #tpu.memory_space<vmem>>) semaphore(%arg31 : memref<!tpu.dma_semaphore, #tpu.memory_space<semaphore_mem>>) {add = true}
    %dma_start3A_54 = arith.constant 5 : i32
    %dma_start3A_55 = arith.constant 0 : i32
    %dma_start3A_56 = tpu.memref_slice %arg9[%dma_start3A_54, %dma_start3A_55] : memref<125x80xi32, #tpu.memory_space<vmem>> -> memref<1x80xi32, #tpu.memory_space<vmem>>
    %dma_start3A_57 = tpu.memref_squeeze %dma_start3A_56 : memref<1x80xi32, #tpu.memory_space<vmem>> -> memref<80xi32, #tpu.memory_space<vmem>>
    %dma_start3A_58 = arith.constant 0 : i32
    %dma_start3A_59 = arith.constant 0 : i32
    %dma_start3A_60 = tpu.memref_slice %arg2[%dma_start3A_58, %dma_start3A_59] : memref<10000x32xf32, #tpu.memory_space<hbm>> -> memref<10000x32xf32, #tpu.memory_space<hbm>>
    tpu.enqueue_indirect_dma source(%dma_start3A_60 : memref<10000x32xf32, #tpu.memory_space<hbm>>) target(%arg16 : memref<80x32xf32, #tpu.memory_space<vmem>>) offsets(%dma_start3A_57 : memref<80xi32, #tpu.memory_space<vmem>>) semaphore(%arg26 : memref<!tpu.dma_semaphore, #tpu.memory_space<semaphore_mem>>)
    %dma_wait3A_61 = arith.constant 1 : i32
    %dma_wait3A_62 = arith.constant 0 : i32
    %dma_wait3A_63 = tpu.memref_slice %arg9[%dma_wait3A_61, %dma_wait3A_62] : memref<125x80xi32, #tpu.memory_space<vmem>> -> memref<1x80xi32, #tpu.memory_space<vmem>>
    %dma_wait3A_64 = tpu.memref_squeeze %dma_wait3A_63 : memref<1x80xi32, #tpu.memory_space<vmem>> -> memref<80xi32, #tpu.memory_space<vmem>>
    %dma_wait3A_65 = arith.constant 0 : i32
    %dma_wait3A_66 = arith.constant 0 : i32
    %dma_wait3A_67 = tpu.memref_slice %arg2[%dma_wait3A_65, %dma_wait3A_66] : memref<10000x32xf32, #tpu.memory_space<hbm>> -> memref<10000x32xf32, #tpu.memory_space<hbm>>
    tpu.wait_indirect_dma semaphore(%arg22 : memref<!tpu.dma_semaphore, #tpu.memory_space<semaphore_mem>>) src(%dma_wait3A_67 : memref<10000x32xf32, #tpu.memory_space<hbm>>) dst(%arg12 : memref<80x32xf32, #tpu.memory_space<vmem>>)
    %dma_start3A_68 = arith.constant 1 : i32
    %dma_start3A_69 = arith.constant 0 : i32
    %dma_start3A_70 = tpu.memref_slice %arg10[%dma_start3A_68, %dma_start3A_69] : memref<125x80xi32, #tpu.memory_space<vmem>> -> memref<1x80xi32, #tpu.memory_space<vmem>>
    %dma_start3A_71 = tpu.memref_squeeze %dma_start3A_70 : memref<1x80xi32, #tpu.memory_space<vmem>> -> memref<80xi32, #tpu.memory_space<vmem>>
    %dma_start3A_72 = arith.constant 0 : i32
    %dma_start3A_73 = arith.constant 0 : i32
    %dma_start3A_74 = tpu.memref_slice %arg8[%dma_start3A_72, %dma_start3A_73] : memref<10000x32xf32, #tpu.memory_space<vmem_shared>> -> memref<10000x32xf32, #tpu.memory_space<vmem_shared>>
    tpu.enqueue_indirect_dma source(%arg12 : memref<80x32xf32, #tpu.memory_space<vmem>>) target(%dma_start3A_74 : memref<10000x32xf32, #tpu.memory_space<vmem_shared>>) offsets(%dma_start3A_71 : memref<80xi32, #tpu.memory_space<vmem>>) semaphore(%arg32 : memref<!tpu.dma_semaphore, #tpu.memory_space<semaphore_mem>>) {add = true}
    %dma_start3A_75 = arith.constant 6 : i32
    %dma_start3A_76 = arith.constant 0 : i32
    %dma_start3A_77 = tpu.memref_slice %arg9[%dma_start3A_75, %dma_start3A_76] : memref<125x80xi32, #tpu.memory_space<vmem>> -> memref<1x80xi32, #tpu.memory_space<vmem>>
    %dma_start3A_78 = tpu.memref_squeeze %dma_start3A_77 : memref<1x80xi32, #tpu.memory_space<vmem>> -> memref<80xi32, #tpu.memory_space<vmem>>
    %dma_start3A_79 = arith.constant 0 : i32
    %dma_start3A_80 = arith.constant 0 : i32
    %dma_start3A_81 = tpu.memref_slice %arg2[%dma_start3A_79, %dma_start3A_80] : memref<10000x32xf32, #tpu.memory_space<hbm>> -> memref<10000x32xf32, #tpu.memory_space<hbm>>
    tpu.enqueue_indirect_dma source(%dma_start3A_81 : memref<10000x32xf32, #tpu.memory_space<hbm>>) target(%arg17 : memref<80x32xf32, #tpu.memory_space<vmem>>) offsets(%dma_start3A_78 : memref<80xi32, #tpu.memory_space<vmem>>) semaphore(%arg27 : memref<!tpu.dma_semaphore, #tpu.memory_space<semaphore_mem>>)
    %dma_wait3A_82 = arith.constant 2 : i32
    %dma_wait3A_83 = arith.constant 0 : i32
    %dma_wait3A_84 = tpu.memref_slice %arg9[%dma_wait3A_82, %dma_wait3A_83] : memref<125x80xi32, #tpu.memory_space<vmem>> -> memref<1x80xi32, #tpu.memory_space<vmem>>
    %dma_wait3A_85 = tpu.memref_squeeze %dma_wait3A_84 : memref<1x80xi32, #tpu.memory_space<vmem>> -> memref<80xi32, #tpu.memory_space<vmem>>
    %dma_wait3A_86 = arith.constant 0 : i32
    %dma_wait3A_87 = arith.constant 0 : i32
    %dma_wait3A_88 = tpu.memref_slice %arg2[%dma_wait3A_86, %dma_wait3A_87] : memref<10000x32xf32, #tpu.memory_space<hbm>> -> memref<10000x32xf32, #tpu.memory_space<hbm>>
    tpu.wait_indirect_dma semaphore(%arg23 : memref<!tpu.dma_semaphore, #tpu.memory_space<semaphore_mem>>) src(%dma_wait3A_88 : memref<10000x32xf32, #tpu.memory_space<hbm>>) dst(%arg13 : memref<80x32xf32, #tpu.memory_space<vmem>>)
    %dma_start3A_89 = arith.constant 2 : i32
    %dma_start3A_90 = arith.constant 0 : i32
    %dma_start3A_91 = tpu.memref_slice %arg10[%dma_start3A_89, %dma_start3A_90] : memref<125x80xi32, #tpu.memory_space<vmem>> -> memref<1x80xi32, #tpu.memory_space<vmem>>
    %dma_start3A_92 = tpu.memref_squeeze %dma_start3A_91 : memref<1x80xi32, #tpu.memory_space<vmem>> -> memref<80xi32, #tpu.memory_space<vmem>>
    %dma_start3A_93 = arith.constant 0 : i32
    %dma_start3A_94 = arith.constant 0 : i32
    %dma_start3A_95 = tpu.memref_slice %arg8[%dma_start3A_93, %dma_start3A_94] : memref<10000x32xf32, #tpu.memory_space<vmem_shared>> -> memref<10000x32xf32, #tpu.memory_space<vmem_shared>>
    tpu.enqueue_indirect_dma source(%arg13 : memref<80x32xf32, #tpu.memory_space<vmem>>) target(%dma_start3A_95 : memref<10000x32xf32, #tpu.memory_space<vmem_shared>>) offsets(%dma_start3A_92 : memref<80xi32, #tpu.memory_space<vmem>>) semaphore(%arg33 : memref<!tpu.dma_semaphore, #tpu.memory_space<semaphore_mem>>) {add = true}
    %dma_start3A_96 = arith.constant 7 : i32
    %dma_start3A_97 = arith.constant 0 : i32
    %dma_start3A_98 = tpu.memref_slice %arg9[%dma_start3A_96, %dma_start3A_97] : memref<125x80xi32, #tpu.memory_space<vmem>> -> memref<1x80xi32, #tpu.memory_space<vmem>>
    %dma_start3A_99 = tpu.memref_squeeze %dma_start3A_98 : memref<1x80xi32, #tpu.memory_space<vmem>> -> memref<80xi32, #tpu.memory_space<vmem>>
    %dma_start3A_100 = arith.constant 0 : i32
    %dma_start3A_101 = arith.constant 0 : i32
    %dma_start3A_102 = tpu.memref_slice %arg2[%dma_start3A_100, %dma_start3A_101] : memref<10000x32xf32, #tpu.memory_space<hbm>> -> memref<10000x32xf32, #tpu.memory_space<hbm>>
    tpu.enqueue_indirect_dma source(%dma_start3A_102 : memref<10000x32xf32, #tpu.memory_space<hbm>>) target(%arg18 : memref<80x32xf32, #tpu.memory_space<vmem>>) offsets(%dma_start3A_99 : memref<80xi32, #tpu.memory_space<vmem>>) semaphore(%arg28 : memref<!tpu.dma_semaphore, #tpu.memory_space<semaphore_mem>>)
    %dma_wait3A_103 = arith.constant 3 : i32
    %dma_wait3A_104 = arith.constant 0 : i32
    %dma_wait3A_105 = tpu.memref_slice %arg9[%dma_wait3A_103, %dma_wait3A_104] : memref<125x80xi32, #tpu.memory_space<vmem>> -> memref<1x80xi32, #tpu.memory_space<vmem>>
    %dma_wait3A_106 = tpu.memref_squeeze %dma_wait3A_105 : memref<1x80xi32, #tpu.memory_space<vmem>> -> memref<80xi32, #tpu.memory_space<vmem>>
    %dma_wait3A_107 = arith.constant 0 : i32
    %dma_wait3A_108 = arith.constant 0 : i32
    %dma_wait3A_109 = tpu.memref_slice %arg2[%dma_wait3A_107, %dma_wait3A_108] : memref<10000x32xf32, #tpu.memory_space<hbm>> -> memref<10000x32xf32, #tpu.memory_space<hbm>>
    tpu.wait_indirect_dma semaphore(%arg24 : memref<!tpu.dma_semaphore, #tpu.memory_space<semaphore_mem>>) src(%dma_wait3A_109 : memref<10000x32xf32, #tpu.memory_space<hbm>>) dst(%arg14 : memref<80x32xf32, #tpu.memory_space<vmem>>)
    %dma_start3A_110 = arith.constant 3 : i32
    %dma_start3A_111 = arith.constant 0 : i32
    %dma_start3A_112 = tpu.memref_slice %arg10[%dma_start3A_110, %dma_start3A_111] : memref<125x80xi32, #tpu.memory_space<vmem>> -> memref<1x80xi32, #tpu.memory_space<vmem>>
    %dma_start3A_113 = tpu.memref_squeeze %dma_start3A_112 : memref<1x80xi32, #tpu.memory_space<vmem>> -> memref<80xi32, #tpu.memory_space<vmem>>
    %dma_start3A_114 = arith.constant 0 : i32
    %dma_start3A_115 = arith.constant 0 : i32
    %dma_start3A_116 = tpu.memref_slice %arg8[%dma_start3A_114, %dma_start3A_115] : memref<10000x32xf32, #tpu.memory_space<vmem_shared>> -> memref<10000x32xf32, #tpu.memory_space<vmem_shared>>
    tpu.enqueue_indirect_dma source(%arg14 : memref<80x32xf32, #tpu.memory_space<vmem>>) target(%dma_start3A_116 : memref<10000x32xf32, #tpu.memory_space<vmem_shared>>) offsets(%dma_start3A_113 : memref<80xi32, #tpu.memory_space<vmem>>) semaphore(%arg34 : memref<!tpu.dma_semaphore, #tpu.memory_space<semaphore_mem>>) {add = true}
    %dma_start3A_117 = arith.constant 8 : i32
    %dma_start3A_118 = arith.constant 0 : i32
    %dma_start3A_119 = tpu.memref_slice %arg9[%dma_start3A_117, %dma_start3A_118] : memref<125x80xi32, #tpu.memory_space<vmem>> -> memref<1x80xi32, #tpu.memory_space<vmem>>
    %dma_start3A_120 = tpu.memref_squeeze %dma_start3A_119 : memref<1x80xi32, #tpu.memory_space<vmem>> -> memref<80xi32, #tpu.memory_space<vmem>>
    %dma_start3A_121 = arith.constant 0 : i32
    %dma_start3A_122 = arith.constant 0 : i32
    %dma_start3A_123 = tpu.memref_slice %arg2[%dma_start3A_121, %dma_start3A_122] : memref<10000x32xf32, #tpu.memory_space<hbm>> -> memref<10000x32xf32, #tpu.memory_space<hbm>>
    tpu.enqueue_indirect_dma source(%dma_start3A_123 : memref<10000x32xf32, #tpu.memory_space<hbm>>) target(%arg19 : memref<80x32xf32, #tpu.memory_space<vmem>>) offsets(%dma_start3A_120 : memref<80xi32, #tpu.memory_space<vmem>>) semaphore(%arg29 : memref<!tpu.dma_semaphore, #tpu.memory_space<semaphore_mem>>)
    %dma_wait3A_124 = arith.constant 4 : i32
    %dma_wait3A_125 = arith.constant 0 : i32
    %dma_wait3A_126 = tpu.memref_slice %arg9[%dma_wait3A_124, %dma_wait3A_125] : memref<125x80xi32, #tpu.memory_space<vmem>> -> memref<1x80xi32, #tpu.memory_space<vmem>>
    %dma_wait3A_127 = tpu.memref_squeeze %dma_wait3A_126 : memref<1x80xi32, #tpu.memory_space<vmem>> -> memref<80xi32, #tpu.memory_space<vmem>>
    %dma_wait3A_128 = arith.constant 0 : i32
    %dma_wait3A_129 = arith.constant 0 : i32
    %dma_wait3A_130 = tpu.memref_slice %arg2[%dma_wait3A_128, %dma_wait3A_129] : memref<10000x32xf32, #tpu.memory_space<hbm>> -> memref<10000x32xf32, #tpu.memory_space<hbm>>
    tpu.wait_indirect_dma semaphore(%arg25 : memref<!tpu.dma_semaphore, #tpu.memory_space<semaphore_mem>>) src(%dma_wait3A_130 : memref<10000x32xf32, #tpu.memory_space<hbm>>) dst(%arg15 : memref<80x32xf32, #tpu.memory_space<vmem>>)
    %dma_start3A_131 = arith.constant 4 : i32
    %dma_start3A_132 = arith.constant 0 : i32
    %dma_start3A_133 = tpu.memref_slice %arg10[%dma_start3A_131, %dma_start3A_132] : memref<125x80xi32, #tpu.memory_space<vmem>> -> memref<1x80xi32, #tpu.memory_space<vmem>>
    %dma_start3A_134 = tpu.memref_squeeze %dma_start3A_133 : memref<1x80xi32, #tpu.memory_space<vmem>> -> memref<80xi32, #tpu.memory_space<vmem>>
    %dma_start3A_135 = arith.constant 0 : i32
    %dma_start3A_136 = arith.constant 0 : i32
    %dma_start3A_137 = tpu.memref_slice %arg8[%dma_start3A_135, %dma_start3A_136] : memref<10000x32xf32, #tpu.memory_space<vmem_shared>> -> memref<10000x32xf32, #tpu.memory_space<vmem_shared>>
    tpu.enqueue_indirect_dma source(%arg15 : memref<80x32xf32, #tpu.memory_space<vmem>>) target(%dma_start3A_137 : memref<10000x32xf32, #tpu.memory_space<vmem_shared>>) offsets(%dma_start3A_134 : memref<80xi32, #tpu.memory_space<vmem>>) semaphore(%arg35 : memref<!tpu.dma_semaphore, #tpu.memory_space<semaphore_mem>>) {add = true}
    %dma_start3A_138 = arith.constant 9 : i32
    %dma_start3A_139 = arith.constant 0 : i32
    %dma_start3A_140 = tpu.memref_slice %arg9[%dma_start3A_138, %dma_start3A_139] : memref<125x80xi32, #tpu.memory_space<vmem>> -> memref<1x80xi32, #tpu.memory_space<vmem>>
    %dma_start3A_141 = tpu.memref_squeeze %dma_start3A_140 : memref<1x80xi32, #tpu.memory_space<vmem>> -> memref<80xi32, #tpu.memory_space<vmem>>
    %dma_start3A_142 = arith.constant 0 : i32
    %dma_start3A_143 = arith.constant 0 : i32
    %dma_start3A_144 = tpu.memref_slice %arg2[%dma_start3A_142, %dma_start3A_143] : memref<10000x32xf32, #tpu.memory_space<hbm>> -> memref<10000x32xf32, #tpu.memory_space<hbm>>
    tpu.enqueue_indirect_dma source(%dma_start3A_144 : memref<10000x32xf32, #tpu.memory_space<hbm>>) target(%arg20 : memref<80x32xf32, #tpu.memory_space<vmem>>) offsets(%dma_start3A_141 : memref<80xi32, #tpu.memory_space<vmem>>) semaphore(%arg30 : memref<!tpu.dma_semaphore, #tpu.memory_space<semaphore_mem>>)
    %scan3A = arith.constant 0 : i32
    %scan3A_145 = arith.constant 11 : i32
    %scan3A_146 = arith.addi %scan3A, %scan3A_145 : i32
    %scan3A_147 = arith.constant 1 : i32
    scf.for %scan3A_440 = %scan3A to %scan3A_146 step %scan3A_147  : i32 {
      %mul3A_441 = arith.constant 10 : i32
      %mul3A_442 = arith.muli %scan3A_440, %mul3A_441 : i32
      %add3A_443 = arith.constant 5 : i32
      %add3A_444 = arith.addi %add3A_443, %mul3A_442 : i32
      %add3A_445 = arith.constant 0 : i32
      %add3A_446 = arith.addi %add3A_444, %add3A_445 : i32
      %dma_wait3A_447 = arith.constant 0 : i32
      %dma_wait3A_448 = tpu.memref_slice %arg9[%add3A_446, %dma_wait3A_447] : memref<125x80xi32, #tpu.memory_space<vmem>> -> memref<1x80xi32, #tpu.memory_space<vmem>>
      %dma_wait3A_449 = tpu.memref_squeeze %dma_wait3A_448 : memref<1x80xi32, #tpu.memory_space<vmem>> -> memref<80xi32, #tpu.memory_space<vmem>>
      %dma_wait3A_450 = arith.constant 0 : i32
      %dma_wait3A_451 = arith.constant 0 : i32
      %dma_wait3A_452 = tpu.memref_slice %arg2[%dma_wait3A_450, %dma_wait3A_451] : memref<10000x32xf32, #tpu.memory_space<hbm>> -> memref<10000x32xf32, #tpu.memory_space<hbm>>
      tpu.wait_indirect_dma semaphore(%arg26 : memref<!tpu.dma_semaphore, #tpu.memory_space<semaphore_mem>>) src(%dma_wait3A_452 : memref<10000x32xf32, #tpu.memory_space<hbm>>) dst(%arg16 : memref<80x32xf32, #tpu.memory_space<vmem>>)
      %dma_start3A_453 = arith.constant 0 : i32
      %dma_start3A_454 = tpu.memref_slice %arg10[%add3A_446, %dma_start3A_453] : memref<125x80xi32, #tpu.memory_space<vmem>> -> memref<1x80xi32, #tpu.memory_space<vmem>>
      %dma_start3A_455 = tpu.memref_squeeze %dma_start3A_454 : memref<1x80xi32, #tpu.memory_space<vmem>> -> memref<80xi32, #tpu.memory_space<vmem>>
      %dma_start3A_456 = arith.constant 0 : i32
      %dma_start3A_457 = arith.constant 0 : i32
      %dma_start3A_458 = tpu.memref_slice %arg8[%dma_start3A_456, %dma_start3A_457] : memref<10000x32xf32, #tpu.memory_space<vmem_shared>> -> memref<10000x32xf32, #tpu.memory_space<vmem_shared>>
      tpu.enqueue_indirect_dma source(%arg16 : memref<80x32xf32, #tpu.memory_space<vmem>>) target(%dma_start3A_458 : memref<10000x32xf32, #tpu.memory_space<vmem_shared>>) offsets(%dma_start3A_455 : memref<80xi32, #tpu.memory_space<vmem>>) semaphore(%arg36 : memref<!tpu.dma_semaphore, #tpu.memory_space<semaphore_mem>>) {add = true}
      %sub3A = arith.constant 5 : i32
      %sub3A_459 = arith.subi %add3A_446, %sub3A : i32
      %dma_wait3A_460 = arith.constant 0 : i32
      %dma_wait3A_461 = tpu.memref_slice %arg10[%sub3A_459, %dma_wait3A_460] : memref<125x80xi32, #tpu.memory_space<vmem>> -> memref<1x80xi32, #tpu.memory_space<vmem>>
      %dma_wait3A_462 = tpu.memref_squeeze %dma_wait3A_461 : memref<1x80xi32, #tpu.memory_space<vmem>> -> memref<80xi32, #tpu.memory_space<vmem>>
      %dma_wait3A_463 = arith.constant 0 : i32
      %dma_wait3A_464 = arith.constant 0 : i32
      %dma_wait3A_465 = tpu.memref_slice %arg8[%dma_wait3A_463, %dma_wait3A_464] : memref<10000x32xf32, #tpu.memory_space<vmem_shared>> -> memref<10000x32xf32, #tpu.memory_space<vmem_shared>>
      tpu.wait_indirect_dma semaphore(%arg31 : memref<!tpu.dma_semaphore, #tpu.memory_space<semaphore_mem>>) src(%arg11 : memref<80x32xf32, #tpu.memory_space<vmem>>) dst(%dma_wait3A_465 : memref<10000x32xf32, #tpu.memory_space<vmem_shared>>)
      %add3A_466 = arith.constant 5 : i32
      %add3A_467 = arith.addi %add3A_446, %add3A_466 : i32
      %dma_start3A_468 = arith.constant 0 : i32
      %dma_start3A_469 = tpu.memref_slice %arg9[%add3A_467, %dma_start3A_468] : memref<125x80xi32, #tpu.memory_space<vmem>> -> memref<1x80xi32, #tpu.memory_space<vmem>>
      %dma_start3A_470 = tpu.memref_squeeze %dma_start3A_469 : memref<1x80xi32, #tpu.memory_space<vmem>> -> memref<80xi32, #tpu.memory_space<vmem>>
      %dma_start3A_471 = arith.constant 0 : i32
      %dma_start3A_472 = arith.constant 0 : i32
      %dma_start3A_473 = tpu.memref_slice %arg2[%dma_start3A_471, %dma_start3A_472] : memref<10000x32xf32, #tpu.memory_space<hbm>> -> memref<10000x32xf32, #tpu.memory_space<hbm>>
      tpu.enqueue_indirect_dma source(%dma_start3A_473 : memref<10000x32xf32, #tpu.memory_space<hbm>>) target(%arg11 : memref<80x32xf32, #tpu.memory_space<vmem>>) offsets(%dma_start3A_470 : memref<80xi32, #tpu.memory_space<vmem>>) semaphore(%arg21 : memref<!tpu.dma_semaphore, #tpu.memory_space<semaphore_mem>>)
      %add3A_474 = arith.constant 1 : i32
      %add3A_475 = arith.addi %add3A_444, %add3A_474 : i32
      %dma_wait3A_476 = arith.constant 0 : i32
      %dma_wait3A_477 = tpu.memref_slice %arg9[%add3A_475, %dma_wait3A_476] : memref<125x80xi32, #tpu.memory_space<vmem>> -> memref<1x80xi32, #tpu.memory_space<vmem>>
      %dma_wait3A_478 = tpu.memref_squeeze %dma_wait3A_477 : memref<1x80xi32, #tpu.memory_space<vmem>> -> memref<80xi32, #tpu.memory_space<vmem>>
      %dma_wait3A_479 = arith.constant 0 : i32
      %dma_wait3A_480 = arith.constant 0 : i32
      %dma_wait3A_481 = tpu.memref_slice %arg2[%dma_wait3A_479, %dma_wait3A_480] : memref<10000x32xf32, #tpu.memory_space<hbm>> -> memref<10000x32xf32, #tpu.memory_space<hbm>>
      tpu.wait_indirect_dma semaphore(%arg27 : memref<!tpu.dma_semaphore, #tpu.memory_space<semaphore_mem>>) src(%dma_wait3A_481 : memref<10000x32xf32, #tpu.memory_space<hbm>>) dst(%arg17 : memref<80x32xf32, #tpu.memory_space<vmem>>)
      %dma_start3A_482 = arith.constant 0 : i32
      %dma_start3A_483 = tpu.memref_slice %arg10[%add3A_475, %dma_start3A_482] : memref<125x80xi32, #tpu.memory_space<vmem>> -> memref<1x80xi32, #tpu.memory_space<vmem>>
      %dma_start3A_484 = tpu.memref_squeeze %dma_start3A_483 : memref<1x80xi32, #tpu.memory_space<vmem>> -> memref<80xi32, #tpu.memory_space<vmem>>
      %dma_start3A_485 = arith.constant 0 : i32
      %dma_start3A_486 = arith.constant 0 : i32
      %dma_start3A_487 = tpu.memref_slice %arg8[%dma_start3A_485, %dma_start3A_486] : memref<10000x32xf32, #tpu.memory_space<vmem_shared>> -> memref<10000x32xf32, #tpu.memory_space<vmem_shared>>
      tpu.enqueue_indirect_dma source(%arg17 : memref<80x32xf32, #tpu.memory_space<vmem>>) target(%dma_start3A_487 : memref<10000x32xf32, #tpu.memory_space<vmem_shared>>) offsets(%dma_start3A_484 : memref<80xi32, #tpu.memory_space<vmem>>) semaphore(%arg37 : memref<!tpu.dma_semaphore, #tpu.memory_space<semaphore_mem>>) {add = true}
      %sub3A_488 = arith.constant 5 : i32
      %sub3A_489 = arith.subi %add3A_475, %sub3A_488 : i32
      %dma_wait3A_490 = arith.constant 0 : i32
      %dma_wait3A_491 = tpu.memref_slice %arg10[%sub3A_489, %dma_wait3A_490] : memref<125x80xi32, #tpu.memory_space<vmem>> -> memref<1x80xi32, #tpu.memory_space<vmem>>
      %dma_wait3A_492 = tpu.memref_squeeze %dma_wait3A_491 : memref<1x80xi32, #tpu.memory_space<vmem>> -> memref<80xi32, #tpu.memory_space<vmem>>
      %dma_wait3A_493 = arith.constant 0 : i32
      %dma_wait3A_494 = arith.constant 0 : i32
      %dma_wait3A_495 = tpu.memref_slice %arg8[%dma_wait3A_493, %dma_wait3A_494] : memref<10000x32xf32, #tpu.memory_space<vmem_shared>> -> memref<10000x32xf32, #tpu.memory_space<vmem_shared>>
      tpu.wait_indirect_dma semaphore(%arg32 : memref<!tpu.dma_semaphore, #tpu.memory_space<semaphore_mem>>) src(%arg12 : memref<80x32xf32, #tpu.memory_space<vmem>>) dst(%dma_wait3A_495 : memref<10000x32xf32, #tpu.memory_space<vmem_shared>>)
      %add3A_496 = arith.constant 5 : i32
      %add3A_497 = arith.addi %add3A_475, %add3A_496 : i32
      %dma_start3A_498 = arith.constant 0 : i32
      %dma_start3A_499 = tpu.memref_slice %arg9[%add3A_497, %dma_start3A_498] : memref<125x80xi32, #tpu.memory_space<vmem>> -> memref<1x80xi32, #tpu.memory_space<vmem>>
      %dma_start3A_500 = tpu.memref_squeeze %dma_start3A_499 : memref<1x80xi32, #tpu.memory_space<vmem>> -> memref<80xi32, #tpu.memory_space<vmem>>
      %dma_start3A_501 = arith.constant 0 : i32
      %dma_start3A_502 = arith.constant 0 : i32
      %dma_start3A_503 = tpu.memref_slice %arg2[%dma_start3A_501, %dma_start3A_502] : memref<10000x32xf32, #tpu.memory_space<hbm>> -> memref<10000x32xf32, #tpu.memory_space<hbm>>
      tpu.enqueue_indirect_dma source(%dma_start3A_503 : memref<10000x32xf32, #tpu.memory_space<hbm>>) target(%arg12 : memref<80x32xf32, #tpu.memory_space<vmem>>) offsets(%dma_start3A_500 : memref<80xi32, #tpu.memory_space<vmem>>) semaphore(%arg22 : memref<!tpu.dma_semaphore, #tpu.memory_space<semaphore_mem>>)
      %add3A_504 = arith.constant 2 : i32
      %add3A_505 = arith.addi %add3A_444, %add3A_504 : i32
      %dma_wait3A_506 = arith.constant 0 : i32
      %dma_wait3A_507 = tpu.memref_slice %arg9[%add3A_505, %dma_wait3A_506] : memref<125x80xi32, #tpu.memory_space<vmem>> -> memref<1x80xi32, #tpu.memory_space<vmem>>
      %dma_wait3A_508 = tpu.memref_squeeze %dma_wait3A_507 : memref<1x80xi32, #tpu.memory_space<vmem>> -> memref<80xi32, #tpu.memory_space<vmem>>
      %dma_wait3A_509 = arith.constant 0 : i32
      %dma_wait3A_510 = arith.constant 0 : i32
      %dma_wait3A_511 = tpu.memref_slice %arg2[%dma_wait3A_509, %dma_wait3A_510] : memref<10000x32xf32, #tpu.memory_space<hbm>> -> memref<10000x32xf32, #tpu.memory_space<hbm>>
      tpu.wait_indirect_dma semaphore(%arg28 : memref<!tpu.dma_semaphore, #tpu.memory_space<semaphore_mem>>) src(%dma_wait3A_511 : memref<10000x32xf32, #tpu.memory_space<hbm>>) dst(%arg18 : memref<80x32xf32, #tpu.memory_space<vmem>>)
      %dma_start3A_512 = arith.constant 0 : i32
      %dma_start3A_513 = tpu.memref_slice %arg10[%add3A_505, %dma_start3A_512] : memref<125x80xi32, #tpu.memory_space<vmem>> -> memref<1x80xi32, #tpu.memory_space<vmem>>
      %dma_start3A_514 = tpu.memref_squeeze %dma_start3A_513 : memref<1x80xi32, #tpu.memory_space<vmem>> -> memref<80xi32, #tpu.memory_space<vmem>>
      %dma_start3A_515 = arith.constant 0 : i32
      %dma_start3A_516 = arith.constant 0 : i32
      %dma_start3A_517 = tpu.memref_slice %arg8[%dma_start3A_515, %dma_start3A_516] : memref<10000x32xf32, #tpu.memory_space<vmem_shared>> -> memref<10000x32xf32, #tpu.memory_space<vmem_shared>>
      tpu.enqueue_indirect_dma source(%arg18 : memref<80x32xf32, #tpu.memory_space<vmem>>) target(%dma_start3A_517 : memref<10000x32xf32, #tpu.memory_space<vmem_shared>>) offsets(%dma_start3A_514 : memref<80xi32, #tpu.memory_space<vmem>>) semaphore(%arg38 : memref<!tpu.dma_semaphore, #tpu.memory_space<semaphore_mem>>) {add = true}
      %sub3A_518 = arith.constant 5 : i32
      %sub3A_519 = arith.subi %add3A_505, %sub3A_518 : i32
      %dma_wait3A_520 = arith.constant 0 : i32
      %dma_wait3A_521 = tpu.memref_slice %arg10[%sub3A_519, %dma_wait3A_520] : memref<125x80xi32, #tpu.memory_space<vmem>> -> memref<1x80xi32, #tpu.memory_space<vmem>>
      %dma_wait3A_522 = tpu.memref_squeeze %dma_wait3A_521 : memref<1x80xi32, #tpu.memory_space<vmem>> -> memref<80xi32, #tpu.memory_space<vmem>>
      %dma_wait3A_523 = arith.constant 0 : i32
      %dma_wait3A_524 = arith.constant 0 : i32
      %dma_wait3A_525 = tpu.memref_slice %arg8[%dma_wait3A_523, %dma_wait3A_524] : memref<10000x32xf32, #tpu.memory_space<vmem_shared>> -> memref<10000x32xf32, #tpu.memory_space<vmem_shared>>
      tpu.wait_indirect_dma semaphore(%arg33 : memref<!tpu.dma_semaphore, #tpu.memory_space<semaphore_mem>>) src(%arg13 : memref<80x32xf32, #tpu.memory_space<vmem>>) dst(%dma_wait3A_525 : memref<10000x32xf32, #tpu.memory_space<vmem_shared>>)
      %add3A_526 = arith.constant 5 : i32
      %add3A_527 = arith.addi %add3A_505, %add3A_526 : i32
      %dma_start3A_528 = arith.constant 0 : i32
      %dma_start3A_529 = tpu.memref_slice %arg9[%add3A_527, %dma_start3A_528] : memref<125x80xi32, #tpu.memory_space<vmem>> -> memref<1x80xi32, #tpu.memory_space<vmem>>
      %dma_start3A_530 = tpu.memref_squeeze %dma_start3A_529 : memref<1x80xi32, #tpu.memory_space<vmem>> -> memref<80xi32, #tpu.memory_space<vmem>>
      %dma_start3A_531 = arith.constant 0 : i32
      %dma_start3A_532 = arith.constant 0 : i32
      %dma_start3A_533 = tpu.memref_slice %arg2[%dma_start3A_531, %dma_start3A_532] : memref<10000x32xf32, #tpu.memory_space<hbm>> -> memref<10000x32xf32, #tpu.memory_space<hbm>>
      tpu.enqueue_indirect_dma source(%dma_start3A_533 : memref<10000x32xf32, #tpu.memory_space<hbm>>) target(%arg13 : memref<80x32xf32, #tpu.memory_space<vmem>>) offsets(%dma_start3A_530 : memref<80xi32, #tpu.memory_space<vmem>>) semaphore(%arg23 : memref<!tpu.dma_semaphore, #tpu.memory_space<semaphore_mem>>)
      %add3A_534 = arith.constant 3 : i32
      %add3A_535 = arith.addi %add3A_444, %add3A_534 : i32
      %dma_wait3A_536 = arith.constant 0 : i32
      %dma_wait3A_537 = tpu.memref_slice %arg9[%add3A_535, %dma_wait3A_536] : memref<125x80xi32, #tpu.memory_space<vmem>> -> memref<1x80xi32, #tpu.memory_space<vmem>>
      %dma_wait3A_538 = tpu.memref_squeeze %dma_wait3A_537 : memref<1x80xi32, #tpu.memory_space<vmem>> -> memref<80xi32, #tpu.memory_space<vmem>>
      %dma_wait3A_539 = arith.constant 0 : i32
      %dma_wait3A_540 = arith.constant 0 : i32
      %dma_wait3A_541 = tpu.memref_slice %arg2[%dma_wait3A_539, %dma_wait3A_540] : memref<10000x32xf32, #tpu.memory_space<hbm>> -> memref<10000x32xf32, #tpu.memory_space<hbm>>
      tpu.wait_indirect_dma semaphore(%arg29 : memref<!tpu.dma_semaphore, #tpu.memory_space<semaphore_mem>>) src(%dma_wait3A_541 : memref<10000x32xf32, #tpu.memory_space<hbm>>) dst(%arg19 : memref<80x32xf32, #tpu.memory_space<vmem>>)
      %dma_start3A_542 = arith.constant 0 : i32
      %dma_start3A_543 = tpu.memref_slice %arg10[%add3A_535, %dma_start3A_542] : memref<125x80xi32, #tpu.memory_space<vmem>> -> memref<1x80xi32, #tpu.memory_space<vmem>>
      %dma_start3A_544 = tpu.memref_squeeze %dma_start3A_543 : memref<1x80xi32, #tpu.memory_space<vmem>> -> memref<80xi32, #tpu.memory_space<vmem>>
      %dma_start3A_545 = arith.constant 0 : i32
      %dma_start3A_546 = arith.constant 0 : i32
      %dma_start3A_547 = tpu.memref_slice %arg8[%dma_start3A_545, %dma_start3A_546] : memref<10000x32xf32, #tpu.memory_space<vmem_shared>> -> memref<10000x32xf32, #tpu.memory_space<vmem_shared>>
      tpu.enqueue_indirect_dma source(%arg19 : memref<80x32xf32, #tpu.memory_space<vmem>>) target(%dma_start3A_547 : memref<10000x32xf32, #tpu.memory_space<vmem_shared>>) offsets(%dma_start3A_544 : memref<80xi32, #tpu.memory_space<vmem>>) semaphore(%arg39 : memref<!tpu.dma_semaphore, #tpu.memory_space<semaphore_mem>>) {add = true}
      %sub3A_548 = arith.constant 5 : i32
      %sub3A_549 = arith.subi %add3A_535, %sub3A_548 : i32
      %dma_wait3A_550 = arith.constant 0 : i32
      %dma_wait3A_551 = tpu.memref_slice %arg10[%sub3A_549, %dma_wait3A_550] : memref<125x80xi32, #tpu.memory_space<vmem>> -> memref<1x80xi32, #tpu.memory_space<vmem>>
      %dma_wait3A_552 = tpu.memref_squeeze %dma_wait3A_551 : memref<1x80xi32, #tpu.memory_space<vmem>> -> memref<80xi32, #tpu.memory_space<vmem>>
      %dma_wait3A_553 = arith.constant 0 : i32
      %dma_wait3A_554 = arith.constant 0 : i32
      %dma_wait3A_555 = tpu.memref_slice %arg8[%dma_wait3A_553, %dma_wait3A_554] : memref<10000x32xf32, #tpu.memory_space<vmem_shared>> -> memref<10000x32xf32, #tpu.memory_space<vmem_shared>>
      tpu.wait_indirect_dma semaphore(%arg34 : memref<!tpu.dma_semaphore, #tpu.memory_space<semaphore_mem>>) src(%arg14 : memref<80x32xf32, #tpu.memory_space<vmem>>) dst(%dma_wait3A_555 : memref<10000x32xf32, #tpu.memory_space<vmem_shared>>)
      %add3A_556 = arith.constant 5 : i32
      %add3A_557 = arith.addi %add3A_535, %add3A_556 : i32
      %dma_start3A_558 = arith.constant 0 : i32
      %dma_start3A_559 = tpu.memref_slice %arg9[%add3A_557, %dma_start3A_558] : memref<125x80xi32, #tpu.memory_space<vmem>> -> memref<1x80xi32, #tpu.memory_space<vmem>>
      %dma_start3A_560 = tpu.memref_squeeze %dma_start3A_559 : memref<1x80xi32, #tpu.memory_space<vmem>> -> memref<80xi32, #tpu.memory_space<vmem>>
      %dma_start3A_561 = arith.constant 0 : i32
      %dma_start3A_562 = arith.constant 0 : i32
      %dma_start3A_563 = tpu.memref_slice %arg2[%dma_start3A_561, %dma_start3A_562] : memref<10000x32xf32, #tpu.memory_space<hbm>> -> memref<10000x32xf32, #tpu.memory_space<hbm>>
      tpu.enqueue_indirect_dma source(%dma_start3A_563 : memref<10000x32xf32, #tpu.memory_space<hbm>>) target(%arg14 : memref<80x32xf32, #tpu.memory_space<vmem>>) offsets(%dma_start3A_560 : memref<80xi32, #tpu.memory_space<vmem>>) semaphore(%arg24 : memref<!tpu.dma_semaphore, #tpu.memory_space<semaphore_mem>>)
      %add3A_564 = arith.constant 4 : i32
      %add3A_565 = arith.addi %add3A_444, %add3A_564 : i32
      %dma_wait3A_566 = arith.constant 0 : i32
      %dma_wait3A_567 = tpu.memref_slice %arg9[%add3A_565, %dma_wait3A_566] : memref<125x80xi32, #tpu.memory_space<vmem>> -> memref<1x80xi32, #tpu.memory_space<vmem>>
      %dma_wait3A_568 = tpu.memref_squeeze %dma_wait3A_567 : memref<1x80xi32, #tpu.memory_space<vmem>> -> memref<80xi32, #tpu.memory_space<vmem>>
      %dma_wait3A_569 = arith.constant 0 : i32
      %dma_wait3A_570 = arith.constant 0 : i32
      %dma_wait3A_571 = tpu.memref_slice %arg2[%dma_wait3A_569, %dma_wait3A_570] : memref<10000x32xf32, #tpu.memory_space<hbm>> -> memref<10000x32xf32, #tpu.memory_space<hbm>>
      tpu.wait_indirect_dma semaphore(%arg30 : memref<!tpu.dma_semaphore, #tpu.memory_space<semaphore_mem>>) src(%dma_wait3A_571 : memref<10000x32xf32, #tpu.memory_space<hbm>>) dst(%arg20 : memref<80x32xf32, #tpu.memory_space<vmem>>)
      %dma_start3A_572 = arith.constant 0 : i32
      %dma_start3A_573 = tpu.memref_slice %arg10[%add3A_565, %dma_start3A_572] : memref<125x80xi32, #tpu.memory_space<vmem>> -> memref<1x80xi32, #tpu.memory_space<vmem>>
      %dma_start3A_574 = tpu.memref_squeeze %dma_start3A_573 : memref<1x80xi32, #tpu.memory_space<vmem>> -> memref<80xi32, #tpu.memory_space<vmem>>
      %dma_start3A_575 = arith.constant 0 : i32
      %dma_start3A_576 = arith.constant 0 : i32
      %dma_start3A_577 = tpu.memref_slice %arg8[%dma_start3A_575, %dma_start3A_576] : memref<10000x32xf32, #tpu.memory_space<vmem_shared>> -> memref<10000x32xf32, #tpu.memory_space<vmem_shared>>
      tpu.enqueue_indirect_dma source(%arg20 : memref<80x32xf32, #tpu.memory_space<vmem>>) target(%dma_start3A_577 : memref<10000x32xf32, #tpu.memory_space<vmem_shared>>) offsets(%dma_start3A_574 : memref<80xi32, #tpu.memory_space<vmem>>) semaphore(%arg40 : memref<!tpu.dma_semaphore, #tpu.memory_space<semaphore_mem>>) {add = true}
      %sub3A_578 = arith.constant 5 : i32
      %sub3A_579 = arith.subi %add3A_565, %sub3A_578 : i32
      %dma_wait3A_580 = arith.constant 0 : i32
      %dma_wait3A_581 = tpu.memref_slice %arg10[%sub3A_579, %dma_wait3A_580] : memref<125x80xi32, #tpu.memory_space<vmem>> -> memref<1x80xi32, #tpu.memory_space<vmem>>
      %dma_wait3A_582 = tpu.memref_squeeze %dma_wait3A_581 : memref<1x80xi32, #tpu.memory_space<vmem>> -> memref<80xi32, #tpu.memory_space<vmem>>
      %dma_wait3A_583 = arith.constant 0 : i32
      %dma_wait3A_584 = arith.constant 0 : i32
      %dma_wait3A_585 = tpu.memref_slice %arg8[%dma_wait3A_583, %dma_wait3A_584] : memref<10000x32xf32, #tpu.memory_space<vmem_shared>> -> memref<10000x32xf32, #tpu.memory_space<vmem_shared>>
      tpu.wait_indirect_dma semaphore(%arg35 : memref<!tpu.dma_semaphore, #tpu.memory_space<semaphore_mem>>) src(%arg15 : memref<80x32xf32, #tpu.memory_space<vmem>>) dst(%dma_wait3A_585 : memref<10000x32xf32, #tpu.memory_space<vmem_shared>>)
      %add3A_586 = arith.constant 5 : i32
      %add3A_587 = arith.addi %add3A_565, %add3A_586 : i32
      %dma_start3A_588 = arith.constant 0 : i32
      %dma_start3A_589 = tpu.memref_slice %arg9[%add3A_587, %dma_start3A_588] : memref<125x80xi32, #tpu.memory_space<vmem>> -> memref<1x80xi32, #tpu.memory_space<vmem>>
      %dma_start3A_590 = tpu.memref_squeeze %dma_start3A_589 : memref<1x80xi32, #tpu.memory_space<vmem>> -> memref<80xi32, #tpu.memory_space<vmem>>
      %dma_start3A_591 = arith.constant 0 : i32
      %dma_start3A_592 = arith.constant 0 : i32
      %dma_start3A_593 = tpu.memref_slice %arg2[%dma_start3A_591, %dma_start3A_592] : memref<10000x32xf32, #tpu.memory_space<hbm>> -> memref<10000x32xf32, #tpu.memory_space<hbm>>
      tpu.enqueue_indirect_dma source(%dma_start3A_593 : memref<10000x32xf32, #tpu.memory_space<hbm>>) target(%arg15 : memref<80x32xf32, #tpu.memory_space<vmem>>) offsets(%dma_start3A_590 : memref<80xi32, #tpu.memory_space<vmem>>) semaphore(%arg25 : memref<!tpu.dma_semaphore, #tpu.memory_space<semaphore_mem>>)
      %add3A_594 = arith.constant 5 : i32
      %add3A_595 = arith.addi %add3A_444, %add3A_594 : i32
      %dma_wait3A_596 = arith.constant 0 : i32
      %dma_wait3A_597 = tpu.memref_slice %arg9[%add3A_595, %dma_wait3A_596] : memref<125x80xi32, #tpu.memory_space<vmem>> -> memref<1x80xi32, #tpu.memory_space<vmem>>
      %dma_wait3A_598 = tpu.memref_squeeze %dma_wait3A_597 : memref<1x80xi32, #tpu.memory_space<vmem>> -> memref<80xi32, #tpu.memory_space<vmem>>
      %dma_wait3A_599 = arith.constant 0 : i32
      %dma_wait3A_600 = arith.constant 0 : i32
      %dma_wait3A_601 = tpu.memref_slice %arg2[%dma_wait3A_599, %dma_wait3A_600] : memref<10000x32xf32, #tpu.memory_space<hbm>> -> memref<10000x32xf32, #tpu.memory_space<hbm>>
      tpu.wait_indirect_dma semaphore(%arg21 : memref<!tpu.dma_semaphore, #tpu.memory_space<semaphore_mem>>) src(%dma_wait3A_601 : memref<10000x32xf32, #tpu.memory_space<hbm>>) dst(%arg11 : memref<80x32xf32, #tpu.memory_space<vmem>>)
      %dma_start3A_602 = arith.constant 0 : i32
      %dma_start3A_603 = tpu.memref_slice %arg10[%add3A_595, %dma_start3A_602] : memref<125x80xi32, #tpu.memory_space<vmem>> -> memref<1x80xi32, #tpu.memory_space<vmem>>
      %dma_start3A_604 = tpu.memref_squeeze %dma_start3A_603 : memref<1x80xi32, #tpu.memory_space<vmem>> -> memref<80xi32, #tpu.memory_space<vmem>>
      %dma_start3A_605 = arith.constant 0 : i32
      %dma_start3A_606 = arith.constant 0 : i32
      %dma_start3A_607 = tpu.memref_slice %arg8[%dma_start3A_605, %dma_start3A_606] : memref<10000x32xf32, #tpu.memory_space<vmem_shared>> -> memref<10000x32xf32, #tpu.memory_space<vmem_shared>>
      tpu.enqueue_indirect_dma source(%arg11 : memref<80x32xf32, #tpu.memory_space<vmem>>) target(%dma_start3A_607 : memref<10000x32xf32, #tpu.memory_space<vmem_shared>>) offsets(%dma_start3A_604 : memref<80xi32, #tpu.memory_space<vmem>>) semaphore(%arg31 : memref<!tpu.dma_semaphore, #tpu.memory_space<semaphore_mem>>) {add = true}
      %sub3A_608 = arith.constant 5 : i32
      %sub3A_609 = arith.subi %add3A_595, %sub3A_608 : i32
      %dma_wait3A_610 = arith.constant 0 : i32
      %dma_wait3A_611 = tpu.memref_slice %arg10[%sub3A_609, %dma_wait3A_610] : memref<125x80xi32, #tpu.memory_space<vmem>> -> memref<1x80xi32, #tpu.memory_space<vmem>>
      %dma_wait3A_612 = tpu.memref_squeeze %dma_wait3A_611 : memref<1x80xi32, #tpu.memory_space<vmem>> -> memref<80xi32, #tpu.memory_space<vmem>>
      %dma_wait3A_613 = arith.constant 0 : i32
      %dma_wait3A_614 = arith.constant 0 : i32
      %dma_wait3A_615 = tpu.memref_slice %arg8[%dma_wait3A_613, %dma_wait3A_614] : memref<10000x32xf32, #tpu.memory_space<vmem_shared>> -> memref<10000x32xf32, #tpu.memory_space<vmem_shared>>
      tpu.wait_indirect_dma semaphore(%arg36 : memref<!tpu.dma_semaphore, #tpu.memory_space<semaphore_mem>>) src(%arg16 : memref<80x32xf32, #tpu.memory_space<vmem>>) dst(%dma_wait3A_615 : memref<10000x32xf32, #tpu.memory_space<vmem_shared>>)
      %add3A_616 = arith.constant 5 : i32
      %add3A_617 = arith.addi %add3A_595, %add3A_616 : i32
      %dma_start3A_618 = arith.constant 0 : i32
      %dma_start3A_619 = tpu.memref_slice %arg9[%add3A_617, %dma_start3A_618] : memref<125x80xi32, #tpu.memory_space<vmem>> -> memref<1x80xi32, #tpu.memory_space<vmem>>
      %dma_start3A_620 = tpu.memref_squeeze %dma_start3A_619 : memref<1x80xi32, #tpu.memory_space<vmem>> -> memref<80xi32, #tpu.memory_space<vmem>>
      %dma_start3A_621 = arith.constant 0 : i32
      %dma_start3A_622 = arith.constant 0 : i32
      %dma_start3A_623 = tpu.memref_slice %arg2[%dma_start3A_621, %dma_start3A_622] : memref<10000x32xf32, #tpu.memory_space<hbm>> -> memref<10000x32xf32, #tpu.memory_space<hbm>>
      tpu.enqueue_indirect_dma source(%dma_start3A_623 : memref<10000x32xf32, #tpu.memory_space<hbm>>) target(%arg16 : memref<80x32xf32, #tpu.memory_space<vmem>>) offsets(%dma_start3A_620 : memref<80xi32, #tpu.memory_space<vmem>>) semaphore(%arg26 : memref<!tpu.dma_semaphore, #tpu.memory_space<semaphore_mem>>)
      %add3A_624 = arith.constant 6 : i32
      %add3A_625 = arith.addi %add3A_444, %add3A_624 : i32
      %dma_wait3A_626 = arith.constant 0 : i32
      %dma_wait3A_627 = tpu.memref_slice %arg9[%add3A_625, %dma_wait3A_626] : memref<125x80xi32, #tpu.memory_space<vmem>> -> memref<1x80xi32, #tpu.memory_space<vmem>>
      %dma_wait3A_628 = tpu.memref_squeeze %dma_wait3A_627 : memref<1x80xi32, #tpu.memory_space<vmem>> -> memref<80xi32, #tpu.memory_space<vmem>>
      %dma_wait3A_629 = arith.constant 0 : i32
      %dma_wait3A_630 = arith.constant 0 : i32
      %dma_wait3A_631 = tpu.memref_slice %arg2[%dma_wait3A_629, %dma_wait3A_630] : memref<10000x32xf32, #tpu.memory_space<hbm>> -> memref<10000x32xf32, #tpu.memory_space<hbm>>
      tpu.wait_indirect_dma semaphore(%arg22 : memref<!tpu.dma_semaphore, #tpu.memory_space<semaphore_mem>>) src(%dma_wait3A_631 : memref<10000x32xf32, #tpu.memory_space<hbm>>) dst(%arg12 : memref<80x32xf32, #tpu.memory_space<vmem>>)
      %dma_start3A_632 = arith.constant 0 : i32
      %dma_start3A_633 = tpu.memref_slice %arg10[%add3A_625, %dma_start3A_632] : memref<125x80xi32, #tpu.memory_space<vmem>> -> memref<1x80xi32, #tpu.memory_space<vmem>>
      %dma_start3A_634 = tpu.memref_squeeze %dma_start3A_633 : memref<1x80xi32, #tpu.memory_space<vmem>> -> memref<80xi32, #tpu.memory_space<vmem>>
      %dma_start3A_635 = arith.constant 0 : i32
      %dma_start3A_636 = arith.constant 0 : i32
      %dma_start3A_637 = tpu.memref_slice %arg8[%dma_start3A_635, %dma_start3A_636] : memref<10000x32xf32, #tpu.memory_space<vmem_shared>> -> memref<10000x32xf32, #tpu.memory_space<vmem_shared>>
      tpu.enqueue_indirect_dma source(%arg12 : memref<80x32xf32, #tpu.memory_space<vmem>>) target(%dma_start3A_637 : memref<10000x32xf32, #tpu.memory_space<vmem_shared>>) offsets(%dma_start3A_634 : memref<80xi32, #tpu.memory_space<vmem>>) semaphore(%arg32 : memref<!tpu.dma_semaphore, #tpu.memory_space<semaphore_mem>>) {add = true}
      %sub3A_638 = arith.constant 5 : i32
      %sub3A_639 = arith.subi %add3A_625, %sub3A_638 : i32
      %dma_wait3A_640 = arith.constant 0 : i32
      %dma_wait3A_641 = tpu.memref_slice %arg10[%sub3A_639, %dma_wait3A_640] : memref<125x80xi32, #tpu.memory_space<vmem>> -> memref<1x80xi32, #tpu.memory_space<vmem>>
      %dma_wait3A_642 = tpu.memref_squeeze %dma_wait3A_641 : memref<1x80xi32, #tpu.memory_space<vmem>> -> memref<80xi32, #tpu.memory_space<vmem>>
      %dma_wait3A_643 = arith.constant 0 : i32
      %dma_wait3A_644 = arith.constant 0 : i32
      %dma_wait3A_645 = tpu.memref_slice %arg8[%dma_wait3A_643, %dma_wait3A_644] : memref<10000x32xf32, #tpu.memory_space<vmem_shared>> -> memref<10000x32xf32, #tpu.memory_space<vmem_shared>>
      tpu.wait_indirect_dma semaphore(%arg37 : memref<!tpu.dma_semaphore, #tpu.memory_space<semaphore_mem>>) src(%arg17 : memref<80x32xf32, #tpu.memory_space<vmem>>) dst(%dma_wait3A_645 : memref<10000x32xf32, #tpu.memory_space<vmem_shared>>)
      %add3A_646 = arith.constant 5 : i32
      %add3A_647 = arith.addi %add3A_625, %add3A_646 : i32
      %dma_start3A_648 = arith.constant 0 : i32
      %dma_start3A_649 = tpu.memref_slice %arg9[%add3A_647, %dma_start3A_648] : memref<125x80xi32, #tpu.memory_space<vmem>> -> memref<1x80xi32, #tpu.memory_space<vmem>>
      %dma_start3A_650 = tpu.memref_squeeze %dma_start3A_649 : memref<1x80xi32, #tpu.memory_space<vmem>> -> memref<80xi32, #tpu.memory_space<vmem>>
      %dma_start3A_651 = arith.constant 0 : i32
      %dma_start3A_652 = arith.constant 0 : i32
      %dma_start3A_653 = tpu.memref_slice %arg2[%dma_start3A_651, %dma_start3A_652] : memref<10000x32xf32, #tpu.memory_space<hbm>> -> memref<10000x32xf32, #tpu.memory_space<hbm>>
      tpu.enqueue_indirect_dma source(%dma_start3A_653 : memref<10000x32xf32, #tpu.memory_space<hbm>>) target(%arg17 : memref<80x32xf32, #tpu.memory_space<vmem>>) offsets(%dma_start3A_650 : memref<80xi32, #tpu.memory_space<vmem>>) semaphore(%arg27 : memref<!tpu.dma_semaphore, #tpu.memory_space<semaphore_mem>>)
      %add3A_654 = arith.constant 7 : i32
      %add3A_655 = arith.addi %add3A_444, %add3A_654 : i32
      %dma_wait3A_656 = arith.constant 0 : i32
      %dma_wait3A_657 = tpu.memref_slice %arg9[%add3A_655, %dma_wait3A_656] : memref<125x80xi32, #tpu.memory_space<vmem>> -> memref<1x80xi32, #tpu.memory_space<vmem>>
      %dma_wait3A_658 = tpu.memref_squeeze %dma_wait3A_657 : memref<1x80xi32, #tpu.memory_space<vmem>> -> memref<80xi32, #tpu.memory_space<vmem>>
      %dma_wait3A_659 = arith.constant 0 : i32
      %dma_wait3A_660 = arith.constant 0 : i32
      %dma_wait3A_661 = tpu.memref_slice %arg2[%dma_wait3A_659, %dma_wait3A_660] : memref<10000x32xf32, #tpu.memory_space<hbm>> -> memref<10000x32xf32, #tpu.memory_space<hbm>>
      tpu.wait_indirect_dma semaphore(%arg23 : memref<!tpu.dma_semaphore, #tpu.memory_space<semaphore_mem>>) src(%dma_wait3A_661 : memref<10000x32xf32, #tpu.memory_space<hbm>>) dst(%arg13 : memref<80x32xf32, #tpu.memory_space<vmem>>)
      %dma_start3A_662 = arith.constant 0 : i32
      %dma_start3A_663 = tpu.memref_slice %arg10[%add3A_655, %dma_start3A_662] : memref<125x80xi32, #tpu.memory_space<vmem>> -> memref<1x80xi32, #tpu.memory_space<vmem>>
      %dma_start3A_664 = tpu.memref_squeeze %dma_start3A_663 : memref<1x80xi32, #tpu.memory_space<vmem>> -> memref<80xi32, #tpu.memory_space<vmem>>
      %dma_start3A_665 = arith.constant 0 : i32
      %dma_start3A_666 = arith.constant 0 : i32
      %dma_start3A_667 = tpu.memref_slice %arg8[%dma_start3A_665, %dma_start3A_666] : memref<10000x32xf32, #tpu.memory_space<vmem_shared>> -> memref<10000x32xf32, #tpu.memory_space<vmem_shared>>
      tpu.enqueue_indirect_dma source(%arg13 : memref<80x32xf32, #tpu.memory_space<vmem>>) target(%dma_start3A_667 : memref<10000x32xf32, #tpu.memory_space<vmem_shared>>) offsets(%dma_start3A_664 : memref<80xi32, #tpu.memory_space<vmem>>) semaphore(%arg33 : memref<!tpu.dma_semaphore, #tpu.memory_space<semaphore_mem>>) {add = true}
      %sub3A_668 = arith.constant 5 : i32
      %sub3A_669 = arith.subi %add3A_655, %sub3A_668 : i32
      %dma_wait3A_670 = arith.constant 0 : i32
      %dma_wait3A_671 = tpu.memref_slice %arg10[%sub3A_669, %dma_wait3A_670] : memref<125x80xi32, #tpu.memory_space<vmem>> -> memref<1x80xi32, #tpu.memory_space<vmem>>
      %dma_wait3A_672 = tpu.memref_squeeze %dma_wait3A_671 : memref<1x80xi32, #tpu.memory_space<vmem>> -> memref<80xi32, #tpu.memory_space<vmem>>
      %dma_wait3A_673 = arith.constant 0 : i32
      %dma_wait3A_674 = arith.constant 0 : i32
      %dma_wait3A_675 = tpu.memref_slice %arg8[%dma_wait3A_673, %dma_wait3A_674] : memref<10000x32xf32, #tpu.memory_space<vmem_shared>> -> memref<10000x32xf32, #tpu.memory_space<vmem_shared>>
      tpu.wait_indirect_dma semaphore(%arg38 : memref<!tpu.dma_semaphore, #tpu.memory_space<semaphore_mem>>) src(%arg18 : memref<80x32xf32, #tpu.memory_space<vmem>>) dst(%dma_wait3A_675 : memref<10000x32xf32, #tpu.memory_space<vmem_shared>>)
      %add3A_676 = arith.constant 5 : i32
      %add3A_677 = arith.addi %add3A_655, %add3A_676 : i32
      %dma_start3A_678 = arith.constant 0 : i32
      %dma_start3A_679 = tpu.memref_slice %arg9[%add3A_677, %dma_start3A_678] : memref<125x80xi32, #tpu.memory_space<vmem>> -> memref<1x80xi32, #tpu.memory_space<vmem>>
      %dma_start3A_680 = tpu.memref_squeeze %dma_start3A_679 : memref<1x80xi32, #tpu.memory_space<vmem>> -> memref<80xi32, #tpu.memory_space<vmem>>
      %dma_start3A_681 = arith.constant 0 : i32
      %dma_start3A_682 = arith.constant 0 : i32
      %dma_start3A_683 = tpu.memref_slice %arg2[%dma_start3A_681, %dma_start3A_682] : memref<10000x32xf32, #tpu.memory_space<hbm>> -> memref<10000x32xf32, #tpu.memory_space<hbm>>
      tpu.enqueue_indirect_dma source(%dma_start3A_683 : memref<10000x32xf32, #tpu.memory_space<hbm>>) target(%arg18 : memref<80x32xf32, #tpu.memory_space<vmem>>) offsets(%dma_start3A_680 : memref<80xi32, #tpu.memory_space<vmem>>) semaphore(%arg28 : memref<!tpu.dma_semaphore, #tpu.memory_space<semaphore_mem>>)
      %add3A_684 = arith.constant 8 : i32
      %add3A_685 = arith.addi %add3A_444, %add3A_684 : i32
      %dma_wait3A_686 = arith.constant 0 : i32
      %dma_wait3A_687 = tpu.memref_slice %arg9[%add3A_685, %dma_wait3A_686] : memref<125x80xi32, #tpu.memory_space<vmem>> -> memref<1x80xi32, #tpu.memory_space<vmem>>
      %dma_wait3A_688 = tpu.memref_squeeze %dma_wait3A_687 : memref<1x80xi32, #tpu.memory_space<vmem>> -> memref<80xi32, #tpu.memory_space<vmem>>
      %dma_wait3A_689 = arith.constant 0 : i32
      %dma_wait3A_690 = arith.constant 0 : i32
      %dma_wait3A_691 = tpu.memref_slice %arg2[%dma_wait3A_689, %dma_wait3A_690] : memref<10000x32xf32, #tpu.memory_space<hbm>> -> memref<10000x32xf32, #tpu.memory_space<hbm>>
      tpu.wait_indirect_dma semaphore(%arg24 : memref<!tpu.dma_semaphore, #tpu.memory_space<semaphore_mem>>) src(%dma_wait3A_691 : memref<10000x32xf32, #tpu.memory_space<hbm>>) dst(%arg14 : memref<80x32xf32, #tpu.memory_space<vmem>>)
      %dma_start3A_692 = arith.constant 0 : i32
      %dma_start3A_693 = tpu.memref_slice %arg10[%add3A_685, %dma_start3A_692] : memref<125x80xi32, #tpu.memory_space<vmem>> -> memref<1x80xi32, #tpu.memory_space<vmem>>
      %dma_start3A_694 = tpu.memref_squeeze %dma_start3A_693 : memref<1x80xi32, #tpu.memory_space<vmem>> -> memref<80xi32, #tpu.memory_space<vmem>>
      %dma_start3A_695 = arith.constant 0 : i32
      %dma_start3A_696 = arith.constant 0 : i32
      %dma_start3A_697 = tpu.memref_slice %arg8[%dma_start3A_695, %dma_start3A_696] : memref<10000x32xf32, #tpu.memory_space<vmem_shared>> -> memref<10000x32xf32, #tpu.memory_space<vmem_shared>>
      tpu.enqueue_indirect_dma source(%arg14 : memref<80x32xf32, #tpu.memory_space<vmem>>) target(%dma_start3A_697 : memref<10000x32xf32, #tpu.memory_space<vmem_shared>>) offsets(%dma_start3A_694 : memref<80xi32, #tpu.memory_space<vmem>>) semaphore(%arg34 : memref<!tpu.dma_semaphore, #tpu.memory_space<semaphore_mem>>) {add = true}
      %sub3A_698 = arith.constant 5 : i32
      %sub3A_699 = arith.subi %add3A_685, %sub3A_698 : i32
      %dma_wait3A_700 = arith.constant 0 : i32
      %dma_wait3A_701 = tpu.memref_slice %arg10[%sub3A_699, %dma_wait3A_700] : memref<125x80xi32, #tpu.memory_space<vmem>> -> memref<1x80xi32, #tpu.memory_space<vmem>>
      %dma_wait3A_702 = tpu.memref_squeeze %dma_wait3A_701 : memref<1x80xi32, #tpu.memory_space<vmem>> -> memref<80xi32, #tpu.memory_space<vmem>>
      %dma_wait3A_703 = arith.constant 0 : i32
      %dma_wait3A_704 = arith.constant 0 : i32
      %dma_wait3A_705 = tpu.memref_slice %arg8[%dma_wait3A_703, %dma_wait3A_704] : memref<10000x32xf32, #tpu.memory_space<vmem_shared>> -> memref<10000x32xf32, #tpu.memory_space<vmem_shared>>
      tpu.wait_indirect_dma semaphore(%arg39 : memref<!tpu.dma_semaphore, #tpu.memory_space<semaphore_mem>>) src(%arg19 : memref<80x32xf32, #tpu.memory_space<vmem>>) dst(%dma_wait3A_705 : memref<10000x32xf32, #tpu.memory_space<vmem_shared>>)
      %add3A_706 = arith.constant 5 : i32
      %add3A_707 = arith.addi %add3A_685, %add3A_706 : i32
      %dma_start3A_708 = arith.constant 0 : i32
      %dma_start3A_709 = tpu.memref_slice %arg9[%add3A_707, %dma_start3A_708] : memref<125x80xi32, #tpu.memory_space<vmem>> -> memref<1x80xi32, #tpu.memory_space<vmem>>
      %dma_start3A_710 = tpu.memref_squeeze %dma_start3A_709 : memref<1x80xi32, #tpu.memory_space<vmem>> -> memref<80xi32, #tpu.memory_space<vmem>>
      %dma_start3A_711 = arith.constant 0 : i32
      %dma_start3A_712 = arith.constant 0 : i32
      %dma_start3A_713 = tpu.memref_slice %arg2[%dma_start3A_711, %dma_start3A_712] : memref<10000x32xf32, #tpu.memory_space<hbm>> -> memref<10000x32xf32, #tpu.memory_space<hbm>>
      tpu.enqueue_indirect_dma source(%dma_start3A_713 : memref<10000x32xf32, #tpu.memory_space<hbm>>) target(%arg19 : memref<80x32xf32, #tpu.memory_space<vmem>>) offsets(%dma_start3A_710 : memref<80xi32, #tpu.memory_space<vmem>>) semaphore(%arg29 : memref<!tpu.dma_semaphore, #tpu.memory_space<semaphore_mem>>)
      %add3A_714 = arith.constant 9 : i32
      %add3A_715 = arith.addi %add3A_444, %add3A_714 : i32
      %dma_wait3A_716 = arith.constant 0 : i32
      %dma_wait3A_717 = tpu.memref_slice %arg9[%add3A_715, %dma_wait3A_716] : memref<125x80xi32, #tpu.memory_space<vmem>> -> memref<1x80xi32, #tpu.memory_space<vmem>>
      %dma_wait3A_718 = tpu.memref_squeeze %dma_wait3A_717 : memref<1x80xi32, #tpu.memory_space<vmem>> -> memref<80xi32, #tpu.memory_space<vmem>>
      %dma_wait3A_719 = arith.constant 0 : i32
      %dma_wait3A_720 = arith.constant 0 : i32
      %dma_wait3A_721 = tpu.memref_slice %arg2[%dma_wait3A_719, %dma_wait3A_720] : memref<10000x32xf32, #tpu.memory_space<hbm>> -> memref<10000x32xf32, #tpu.memory_space<hbm>>
      tpu.wait_indirect_dma semaphore(%arg25 : memref<!tpu.dma_semaphore, #tpu.memory_space<semaphore_mem>>) src(%dma_wait3A_721 : memref<10000x32xf32, #tpu.memory_space<hbm>>) dst(%arg15 : memref<80x32xf32, #tpu.memory_space<vmem>>)
      %dma_start3A_722 = arith.constant 0 : i32
      %dma_start3A_723 = tpu.memref_slice %arg10[%add3A_715, %dma_start3A_722] : memref<125x80xi32, #tpu.memory_space<vmem>> -> memref<1x80xi32, #tpu.memory_space<vmem>>
      %dma_start3A_724 = tpu.memref_squeeze %dma_start3A_723 : memref<1x80xi32, #tpu.memory_space<vmem>> -> memref<80xi32, #tpu.memory_space<vmem>>
      %dma_start3A_725 = arith.constant 0 : i32
      %dma_start3A_726 = arith.constant 0 : i32
      %dma_start3A_727 = tpu.memref_slice %arg8[%dma_start3A_725, %dma_start3A_726] : memref<10000x32xf32, #tpu.memory_space<vmem_shared>> -> memref<10000x32xf32, #tpu.memory_space<vmem_shared>>
      tpu.enqueue_indirect_dma source(%arg15 : memref<80x32xf32, #tpu.memory_space<vmem>>) target(%dma_start3A_727 : memref<10000x32xf32, #tpu.memory_space<vmem_shared>>) offsets(%dma_start3A_724 : memref<80xi32, #tpu.memory_space<vmem>>) semaphore(%arg35 : memref<!tpu.dma_semaphore, #tpu.memory_space<semaphore_mem>>) {add = true}
      %sub3A_728 = arith.constant 5 : i32
      %sub3A_729 = arith.subi %add3A_715, %sub3A_728 : i32
      %dma_wait3A_730 = arith.constant 0 : i32
      %dma_wait3A_731 = tpu.memref_slice %arg10[%sub3A_729, %dma_wait3A_730] : memref<125x80xi32, #tpu.memory_space<vmem>> -> memref<1x80xi32, #tpu.memory_space<vmem>>
      %dma_wait3A_732 = tpu.memref_squeeze %dma_wait3A_731 : memref<1x80xi32, #tpu.memory_space<vmem>> -> memref<80xi32, #tpu.memory_space<vmem>>
      %dma_wait3A_733 = arith.constant 0 : i32
      %dma_wait3A_734 = arith.constant 0 : i32
      %dma_wait3A_735 = tpu.memref_slice %arg8[%dma_wait3A_733, %dma_wait3A_734] : memref<10000x32xf32, #tpu.memory_space<vmem_shared>> -> memref<10000x32xf32, #tpu.memory_space<vmem_shared>>
      tpu.wait_indirect_dma semaphore(%arg40 : memref<!tpu.dma_semaphore, #tpu.memory_space<semaphore_mem>>) src(%arg20 : memref<80x32xf32, #tpu.memory_space<vmem>>) dst(%dma_wait3A_735 : memref<10000x32xf32, #tpu.memory_space<vmem_shared>>)
      %add3A_736 = arith.constant 5 : i32
      %add3A_737 = arith.addi %add3A_715, %add3A_736 : i32
      %dma_start3A_738 = arith.constant 0 : i32
      %dma_start3A_739 = tpu.memref_slice %arg9[%add3A_737, %dma_start3A_738] : memref<125x80xi32, #tpu.memory_space<vmem>> -> memref<1x80xi32, #tpu.memory_space<vmem>>
      %dma_start3A_740 = tpu.memref_squeeze %dma_start3A_739 : memref<1x80xi32, #tpu.memory_space<vmem>> -> memref<80xi32, #tpu.memory_space<vmem>>
      %dma_start3A_741 = arith.constant 0 : i32
      %dma_start3A_742 = arith.constant 0 : i32
      %dma_start3A_743 = tpu.memref_slice %arg2[%dma_start3A_741, %dma_start3A_742] : memref<10000x32xf32, #tpu.memory_space<hbm>> -> memref<10000x32xf32, #tpu.memory_space<hbm>>
      tpu.enqueue_indirect_dma source(%dma_start3A_743 : memref<10000x32xf32, #tpu.memory_space<hbm>>) target(%arg20 : memref<80x32xf32, #tpu.memory_space<vmem>>) offsets(%dma_start3A_740 : memref<80xi32, #tpu.memory_space<vmem>>) semaphore(%arg30 : memref<!tpu.dma_semaphore, #tpu.memory_space<semaphore_mem>>)
    }
    %scan3A_148 = arith.constant 11 : i32
    %dma_wait3A_149 = arith.constant 115 : i32
    %dma_wait3A_150 = arith.constant 0 : i32
    %dma_wait3A_151 = tpu.memref_slice %arg9[%dma_wait3A_149, %dma_wait3A_150] : memref<125x80xi32, #tpu.memory_space<vmem>> -> memref<1x80xi32, #tpu.memory_space<vmem>>
    %dma_wait3A_152 = tpu.memref_squeeze %dma_wait3A_151 : memref<1x80xi32, #tpu.memory_space<vmem>> -> memref<80xi32, #tpu.memory_space<vmem>>
    %dma_wait3A_153 = arith.constant 0 : i32
    %dma_wait3A_154 = arith.constant 0 : i32
    %dma_wait3A_155 = tpu.memref_slice %arg2[%dma_wait3A_153, %dma_wait3A_154] : memref<10000x32xf32, #tpu.memory_space<hbm>> -> memref<10000x32xf32, #tpu.memory_space<hbm>>
    tpu.wait_indirect_dma semaphore(%arg26 : memref<!tpu.dma_semaphore, #tpu.memory_space<semaphore_mem>>) src(%dma_wait3A_155 : memref<10000x32xf32, #tpu.memory_space<hbm>>) dst(%arg16 : memref<80x32xf32, #tpu.memory_space<vmem>>)
    %dma_start3A_156 = arith.constant 115 : i32
    %dma_start3A_157 = arith.constant 0 : i32
    %dma_start3A_158 = tpu.memref_slice %arg10[%dma_start3A_156, %dma_start3A_157] : memref<125x80xi32, #tpu.memory_space<vmem>> -> memref<1x80xi32, #tpu.memory_space<vmem>>
    %dma_start3A_159 = tpu.memref_squeeze %dma_start3A_158 : memref<1x80xi32, #tpu.memory_space<vmem>> -> memref<80xi32, #tpu.memory_space<vmem>>
    %dma_start3A_160 = arith.constant 0 : i32
    %dma_start3A_161 = arith.constant 0 : i32
    %dma_start3A_162 = tpu.memref_slice %arg8[%dma_start3A_160, %dma_start3A_161] : memref<10000x32xf32, #tpu.memory_space<vmem_shared>> -> memref<10000x32xf32, #tpu.memory_space<vmem_shared>>
    tpu.enqueue_indirect_dma source(%arg16 : memref<80x32xf32, #tpu.memory_space<vmem>>) target(%dma_start3A_162 : memref<10000x32xf32, #tpu.memory_space<vmem_shared>>) offsets(%dma_start3A_159 : memref<80xi32, #tpu.memory_space<vmem>>) semaphore(%arg36 : memref<!tpu.dma_semaphore, #tpu.memory_space<semaphore_mem>>) {add = true}
    %dma_wait3A_163 = arith.constant 110 : i32
    %dma_wait3A_164 = arith.constant 0 : i32
    %dma_wait3A_165 = tpu.memref_slice %arg10[%dma_wait3A_163, %dma_wait3A_164] : memref<125x80xi32, #tpu.memory_space<vmem>> -> memref<1x80xi32, #tpu.memory_space<vmem>>
    %dma_wait3A_166 = tpu.memref_squeeze %dma_wait3A_165 : memref<1x80xi32, #tpu.memory_space<vmem>> -> memref<80xi32, #tpu.memory_space<vmem>>
    %dma_wait3A_167 = arith.constant 0 : i32
    %dma_wait3A_168 = arith.constant 0 : i32
    %dma_wait3A_169 = tpu.memref_slice %arg8[%dma_wait3A_167, %dma_wait3A_168] : memref<10000x32xf32, #tpu.memory_space<vmem_shared>> -> memref<10000x32xf32, #tpu.memory_space<vmem_shared>>
    tpu.wait_indirect_dma semaphore(%arg31 : memref<!tpu.dma_semaphore, #tpu.memory_space<semaphore_mem>>) src(%arg11 : memref<80x32xf32, #tpu.memory_space<vmem>>) dst(%dma_wait3A_169 : memref<10000x32xf32, #tpu.memory_space<vmem_shared>>)
    %dma_start3A_170 = arith.constant 120 : i32
    %dma_start3A_171 = arith.constant 0 : i32
    %dma_start3A_172 = tpu.memref_slice %arg9[%dma_start3A_170, %dma_start3A_171] : memref<125x80xi32, #tpu.memory_space<vmem>> -> memref<1x80xi32, #tpu.memory_space<vmem>>
    %dma_start3A_173 = tpu.memref_squeeze %dma_start3A_172 : memref<1x80xi32, #tpu.memory_space<vmem>> -> memref<80xi32, #tpu.memory_space<vmem>>
    %dma_start3A_174 = arith.constant 0 : i32
    %dma_start3A_175 = arith.constant 0 : i32
    %dma_start3A_176 = tpu.memref_slice %arg2[%dma_start3A_174, %dma_start3A_175] : memref<10000x32xf32, #tpu.memory_space<hbm>> -> memref<10000x32xf32, #tpu.memory_space<hbm>>
    tpu.enqueue_indirect_dma source(%dma_start3A_176 : memref<10000x32xf32, #tpu.memory_space<hbm>>) target(%arg11 : memref<80x32xf32, #tpu.memory_space<vmem>>) offsets(%dma_start3A_173 : memref<80xi32, #tpu.memory_space<vmem>>) semaphore(%arg21 : memref<!tpu.dma_semaphore, #tpu.memory_space<semaphore_mem>>)
    %dma_wait3A_177 = arith.constant 116 : i32
    %dma_wait3A_178 = arith.constant 0 : i32
    %dma_wait3A_179 = tpu.memref_slice %arg9[%dma_wait3A_177, %dma_wait3A_178] : memref<125x80xi32, #tpu.memory_space<vmem>> -> memref<1x80xi32, #tpu.memory_space<vmem>>
    %dma_wait3A_180 = tpu.memref_squeeze %dma_wait3A_179 : memref<1x80xi32, #tpu.memory_space<vmem>> -> memref<80xi32, #tpu.memory_space<vmem>>
    %dma_wait3A_181 = arith.constant 0 : i32
    %dma_wait3A_182 = arith.constant 0 : i32
    %dma_wait3A_183 = tpu.memref_slice %arg2[%dma_wait3A_181, %dma_wait3A_182] : memref<10000x32xf32, #tpu.memory_space<hbm>> -> memref<10000x32xf32, #tpu.memory_space<hbm>>
    tpu.wait_indirect_dma semaphore(%arg27 : memref<!tpu.dma_semaphore, #tpu.memory_space<semaphore_mem>>) src(%dma_wait3A_183 : memref<10000x32xf32, #tpu.memory_space<hbm>>) dst(%arg17 : memref<80x32xf32, #tpu.memory_space<vmem>>)
    %dma_start3A_184 = arith.constant 116 : i32
    %dma_start3A_185 = arith.constant 0 : i32
    %dma_start3A_186 = tpu.memref_slice %arg10[%dma_start3A_184, %dma_start3A_185] : memref<125x80xi32, #tpu.memory_space<vmem>> -> memref<1x80xi32, #tpu.memory_space<vmem>>
    %dma_start3A_187 = tpu.memref_squeeze %dma_start3A_186 : memref<1x80xi32, #tpu.memory_space<vmem>> -> memref<80xi32, #tpu.memory_space<vmem>>
    %dma_start3A_188 = arith.constant 0 : i32
    %dma_start3A_189 = arith.constant 0 : i32
    %dma_start3A_190 = tpu.memref_slice %arg8[%dma_start3A_188, %dma_start3A_189] : memref<10000x32xf32, #tpu.memory_space<vmem_shared>> -> memref<10000x32xf32, #tpu.memory_space<vmem_shared>>
    tpu.enqueue_indirect_dma source(%arg17 : memref<80x32xf32, #tpu.memory_space<vmem>>) target(%dma_start3A_190 : memref<10000x32xf32, #tpu.memory_space<vmem_shared>>) offsets(%dma_start3A_187 : memref<80xi32, #tpu.memory_space<vmem>>) semaphore(%arg37 : memref<!tpu.dma_semaphore, #tpu.memory_space<semaphore_mem>>) {add = true}
    %dma_wait3A_191 = arith.constant 111 : i32
    %dma_wait3A_192 = arith.constant 0 : i32
    %dma_wait3A_193 = tpu.memref_slice %arg10[%dma_wait3A_191, %dma_wait3A_192] : memref<125x80xi32, #tpu.memory_space<vmem>> -> memref<1x80xi32, #tpu.memory_space<vmem>>
    %dma_wait3A_194 = tpu.memref_squeeze %dma_wait3A_193 : memref<1x80xi32, #tpu.memory_space<vmem>> -> memref<80xi32, #tpu.memory_space<vmem>>
    %dma_wait3A_195 = arith.constant 0 : i32
    %dma_wait3A_196 = arith.constant 0 : i32
    %dma_wait3A_197 = tpu.memref_slice %arg8[%dma_wait3A_195, %dma_wait3A_196] : memref<10000x32xf32, #tpu.memory_space<vmem_shared>> -> memref<10000x32xf32, #tpu.memory_space<vmem_shared>>
    tpu.wait_indirect_dma semaphore(%arg32 : memref<!tpu.dma_semaphore, #tpu.memory_space<semaphore_mem>>) src(%arg12 : memref<80x32xf32, #tpu.memory_space<vmem>>) dst(%dma_wait3A_197 : memref<10000x32xf32, #tpu.memory_space<vmem_shared>>)
    %dma_start3A_198 = arith.constant 121 : i32
    %dma_start3A_199 = arith.constant 0 : i32
    %dma_start3A_200 = tpu.memref_slice %arg9[%dma_start3A_198, %dma_start3A_199] : memref<125x80xi32, #tpu.memory_space<vmem>> -> memref<1x80xi32, #tpu.memory_space<vmem>>
    %dma_start3A_201 = tpu.memref_squeeze %dma_start3A_200 : memref<1x80xi32, #tpu.memory_space<vmem>> -> memref<80xi32, #tpu.memory_space<vmem>>
    %dma_start3A_202 = arith.constant 0 : i32
    %dma_start3A_203 = arith.constant 0 : i32
    %dma_start3A_204 = tpu.memref_slice %arg2[%dma_start3A_202, %dma_start3A_203] : memref<10000x32xf32, #tpu.memory_space<hbm>> -> memref<10000x32xf32, #tpu.memory_space<hbm>>
    tpu.enqueue_indirect_dma source(%dma_start3A_204 : memref<10000x32xf32, #tpu.memory_space<hbm>>) target(%arg12 : memref<80x32xf32, #tpu.memory_space<vmem>>) offsets(%dma_start3A_201 : memref<80xi32, #tpu.memory_space<vmem>>) semaphore(%arg22 : memref<!tpu.dma_semaphore, #tpu.memory_space<semaphore_mem>>)
    %dma_wait3A_205 = arith.constant 117 : i32
    %dma_wait3A_206 = arith.constant 0 : i32
    %dma_wait3A_207 = tpu.memref_slice %arg9[%dma_wait3A_205, %dma_wait3A_206] : memref<125x80xi32, #tpu.memory_space<vmem>> -> memref<1x80xi32, #tpu.memory_space<vmem>>
    %dma_wait3A_208 = tpu.memref_squeeze %dma_wait3A_207 : memref<1x80xi32, #tpu.memory_space<vmem>> -> memref<80xi32, #tpu.memory_space<vmem>>
    %dma_wait3A_209 = arith.constant 0 : i32
    %dma_wait3A_210 = arith.constant 0 : i32
    %dma_wait3A_211 = tpu.memref_slice %arg2[%dma_wait3A_209, %dma_wait3A_210] : memref<10000x32xf32, #tpu.memory_space<hbm>> -> memref<10000x32xf32, #tpu.memory_space<hbm>>
    tpu.wait_indirect_dma semaphore(%arg28 : memref<!tpu.dma_semaphore, #tpu.memory_space<semaphore_mem>>) src(%dma_wait3A_211 : memref<10000x32xf32, #tpu.memory_space<hbm>>) dst(%arg18 : memref<80x32xf32, #tpu.memory_space<vmem>>)
    %dma_start3A_212 = arith.constant 117 : i32
    %dma_start3A_213 = arith.constant 0 : i32
    %dma_start3A_214 = tpu.memref_slice %arg10[%dma_start3A_212, %dma_start3A_213] : memref<125x80xi32, #tpu.memory_space<vmem>> -> memref<1x80xi32, #tpu.memory_space<vmem>>
    %dma_start3A_215 = tpu.memref_squeeze %dma_start3A_214 : memref<1x80xi32, #tpu.memory_space<vmem>> -> memref<80xi32, #tpu.memory_space<vmem>>
    %dma_start3A_216 = arith.constant 0 : i32
    %dma_start3A_217 = arith.constant 0 : i32
    %dma_start3A_218 = tpu.memref_slice %arg8[%dma_start3A_216, %dma_start3A_217] : memref<10000x32xf32, #tpu.memory_space<vmem_shared>> -> memref<10000x32xf32, #tpu.memory_space<vmem_shared>>
    tpu.enqueue_indirect_dma source(%arg18 : memref<80x32xf32, #tpu.memory_space<vmem>>) target(%dma_start3A_218 : memref<10000x32xf32, #tpu.memory_space<vmem_shared>>) offsets(%dma_start3A_215 : memref<80xi32, #tpu.memory_space<vmem>>) semaphore(%arg38 : memref<!tpu.dma_semaphore, #tpu.memory_space<semaphore_mem>>) {add = true}
    %dma_wait3A_219 = arith.constant 112 : i32
    %dma_wait3A_220 = arith.constant 0 : i32
    %dma_wait3A_221 = tpu.memref_slice %arg10[%dma_wait3A_219, %dma_wait3A_220] : memref<125x80xi32, #tpu.memory_space<vmem>> -> memref<1x80xi32, #tpu.memory_space<vmem>>
    %dma_wait3A_222 = tpu.memref_squeeze %dma_wait3A_221 : memref<1x80xi32, #tpu.memory_space<vmem>> -> memref<80xi32, #tpu.memory_space<vmem>>
    %dma_wait3A_223 = arith.constant 0 : i32
    %dma_wait3A_224 = arith.constant 0 : i32
    %dma_wait3A_225 = tpu.memref_slice %arg8[%dma_wait3A_223, %dma_wait3A_224] : memref<10000x32xf32, #tpu.memory_space<vmem_shared>> -> memref<10000x32xf32, #tpu.memory_space<vmem_shared>>
    tpu.wait_indirect_dma semaphore(%arg33 : memref<!tpu.dma_semaphore, #tpu.memory_space<semaphore_mem>>) src(%arg13 : memref<80x32xf32, #tpu.memory_space<vmem>>) dst(%dma_wait3A_225 : memref<10000x32xf32, #tpu.memory_space<vmem_shared>>)
    %dma_start3A_226 = arith.constant 122 : i32
    %dma_start3A_227 = arith.constant 0 : i32
    %dma_start3A_228 = tpu.memref_slice %arg9[%dma_start3A_226, %dma_start3A_227] : memref<125x80xi32, #tpu.memory_space<vmem>> -> memref<1x80xi32, #tpu.memory_space<vmem>>
    %dma_start3A_229 = tpu.memref_squeeze %dma_start3A_228 : memref<1x80xi32, #tpu.memory_space<vmem>> -> memref<80xi32, #tpu.memory_space<vmem>>
    %dma_start3A_230 = arith.constant 0 : i32
    %dma_start3A_231 = arith.constant 0 : i32
    %dma_start3A_232 = tpu.memref_slice %arg2[%dma_start3A_230, %dma_start3A_231] : memref<10000x32xf32, #tpu.memory_space<hbm>> -> memref<10000x32xf32, #tpu.memory_space<hbm>>
    tpu.enqueue_indirect_dma source(%dma_start3A_232 : memref<10000x32xf32, #tpu.memory_space<hbm>>) target(%arg13 : memref<80x32xf32, #tpu.memory_space<vmem>>) offsets(%dma_start3A_229 : memref<80xi32, #tpu.memory_space<vmem>>) semaphore(%arg23 : memref<!tpu.dma_semaphore, #tpu.memory_space<semaphore_mem>>)
    %dma_wait3A_233 = arith.constant 118 : i32
    %dma_wait3A_234 = arith.constant 0 : i32
    %dma_wait3A_235 = tpu.memref_slice %arg9[%dma_wait3A_233, %dma_wait3A_234] : memref<125x80xi32, #tpu.memory_space<vmem>> -> memref<1x80xi32, #tpu.memory_space<vmem>>
    %dma_wait3A_236 = tpu.memref_squeeze %dma_wait3A_235 : memref<1x80xi32, #tpu.memory_space<vmem>> -> memref<80xi32, #tpu.memory_space<vmem>>
    %dma_wait3A_237 = arith.constant 0 : i32
    %dma_wait3A_238 = arith.constant 0 : i32
    %dma_wait3A_239 = tpu.memref_slice %arg2[%dma_wait3A_237, %dma_wait3A_238] : memref<10000x32xf32, #tpu.memory_space<hbm>> -> memref<10000x32xf32, #tpu.memory_space<hbm>>
    tpu.wait_indirect_dma semaphore(%arg29 : memref<!tpu.dma_semaphore, #tpu.memory_space<semaphore_mem>>) src(%dma_wait3A_239 : memref<10000x32xf32, #tpu.memory_space<hbm>>) dst(%arg19 : memref<80x32xf32, #tpu.memory_space<vmem>>)
    %dma_start3A_240 = arith.constant 118 : i32
    %dma_start3A_241 = arith.constant 0 : i32
    %dma_start3A_242 = tpu.memref_slice %arg10[%dma_start3A_240, %dma_start3A_241] : memref<125x80xi32, #tpu.memory_space<vmem>> -> memref<1x80xi32, #tpu.memory_space<vmem>>
    %dma_start3A_243 = tpu.memref_squeeze %dma_start3A_242 : memref<1x80xi32, #tpu.memory_space<vmem>> -> memref<80xi32, #tpu.memory_space<vmem>>
    %dma_start3A_244 = arith.constant 0 : i32
    %dma_start3A_245 = arith.constant 0 : i32
    %dma_start3A_246 = tpu.memref_slice %arg8[%dma_start3A_244, %dma_start3A_245] : memref<10000x32xf32, #tpu.memory_space<vmem_shared>> -> memref<10000x32xf32, #tpu.memory_space<vmem_shared>>
    tpu.enqueue_indirect_dma source(%arg19 : memref<80x32xf32, #tpu.memory_space<vmem>>) target(%dma_start3A_246 : memref<10000x32xf32, #tpu.memory_space<vmem_shared>>) offsets(%dma_start3A_243 : memref<80xi32, #tpu.memory_space<vmem>>) semaphore(%arg39 : memref<!tpu.dma_semaphore, #tpu.memory_space<semaphore_mem>>) {add = true}
    %dma_wait3A_247 = arith.constant 113 : i32
    %dma_wait3A_248 = arith.constant 0 : i32
    %dma_wait3A_249 = tpu.memref_slice %arg10[%dma_wait3A_247, %dma_wait3A_248] : memref<125x80xi32, #tpu.memory_space<vmem>> -> memref<1x80xi32, #tpu.memory_space<vmem>>
    %dma_wait3A_250 = tpu.memref_squeeze %dma_wait3A_249 : memref<1x80xi32, #tpu.memory_space<vmem>> -> memref<80xi32, #tpu.memory_space<vmem>>
    %dma_wait3A_251 = arith.constant 0 : i32
    %dma_wait3A_252 = arith.constant 0 : i32
    %dma_wait3A_253 = tpu.memref_slice %arg8[%dma_wait3A_251, %dma_wait3A_252] : memref<10000x32xf32, #tpu.memory_space<vmem_shared>> -> memref<10000x32xf32, #tpu.memory_space<vmem_shared>>
    tpu.wait_indirect_dma semaphore(%arg34 : memref<!tpu.dma_semaphore, #tpu.memory_space<semaphore_mem>>) src(%arg14 : memref<80x32xf32, #tpu.memory_space<vmem>>) dst(%dma_wait3A_253 : memref<10000x32xf32, #tpu.memory_space<vmem_shared>>)
    %dma_start3A_254 = arith.constant 123 : i32
    %dma_start3A_255 = arith.constant 0 : i32
    %dma_start3A_256 = tpu.memref_slice %arg9[%dma_start3A_254, %dma_start3A_255] : memref<125x80xi32, #tpu.memory_space<vmem>> -> memref<1x80xi32, #tpu.memory_space<vmem>>
    %dma_start3A_257 = tpu.memref_squeeze %dma_start3A_256 : memref<1x80xi32, #tpu.memory_space<vmem>> -> memref<80xi32, #tpu.memory_space<vmem>>
    %dma_start3A_258 = arith.constant 0 : i32
    %dma_start3A_259 = arith.constant 0 : i32
    %dma_start3A_260 = tpu.memref_slice %arg2[%dma_start3A_258, %dma_start3A_259] : memref<10000x32xf32, #tpu.memory_space<hbm>> -> memref<10000x32xf32, #tpu.memory_space<hbm>>
    tpu.enqueue_indirect_dma source(%dma_start3A_260 : memref<10000x32xf32, #tpu.memory_space<hbm>>) target(%arg14 : memref<80x32xf32, #tpu.memory_space<vmem>>) offsets(%dma_start3A_257 : memref<80xi32, #tpu.memory_space<vmem>>) semaphore(%arg24 : memref<!tpu.dma_semaphore, #tpu.memory_space<semaphore_mem>>)
    %dma_wait3A_261 = arith.constant 119 : i32
    %dma_wait3A_262 = arith.constant 0 : i32
    %dma_wait3A_263 = tpu.memref_slice %arg9[%dma_wait3A_261, %dma_wait3A_262] : memref<125x80xi32, #tpu.memory_space<vmem>> -> memref<1x80xi32, #tpu.memory_space<vmem>>
    %dma_wait3A_264 = tpu.memref_squeeze %dma_wait3A_263 : memref<1x80xi32, #tpu.memory_space<vmem>> -> memref<80xi32, #tpu.memory_space<vmem>>
    %dma_wait3A_265 = arith.constant 0 : i32
    %dma_wait3A_266 = arith.constant 0 : i32
    %dma_wait3A_267 = tpu.memref_slice %arg2[%dma_wait3A_265, %dma_wait3A_266] : memref<10000x32xf32, #tpu.memory_space<hbm>> -> memref<10000x32xf32, #tpu.memory_space<hbm>>
    tpu.wait_indirect_dma semaphore(%arg30 : memref<!tpu.dma_semaphore, #tpu.memory_space<semaphore_mem>>) src(%dma_wait3A_267 : memref<10000x32xf32, #tpu.memory_space<hbm>>) dst(%arg20 : memref<80x32xf32, #tpu.memory_space<vmem>>)
    %dma_start3A_268 = arith.constant 119 : i32
    %dma_start3A_269 = arith.constant 0 : i32
    %dma_start3A_270 = tpu.memref_slice %arg10[%dma_start3A_268, %dma_start3A_269] : memref<125x80xi32, #tpu.memory_space<vmem>> -> memref<1x80xi32, #tpu.memory_space<vmem>>
    %dma_start3A_271 = tpu.memref_squeeze %dma_start3A_270 : memref<1x80xi32, #tpu.memory_space<vmem>> -> memref<80xi32, #tpu.memory_space<vmem>>
    %dma_start3A_272 = arith.constant 0 : i32
    %dma_start3A_273 = arith.constant 0 : i32
    %dma_start3A_274 = tpu.memref_slice %arg8[%dma_start3A_272, %dma_start3A_273] : memref<10000x32xf32, #tpu.memory_space<vmem_shared>> -> memref<10000x32xf32, #tpu.memory_space<vmem_shared>>
    tpu.enqueue_indirect_dma source(%arg20 : memref<80x32xf32, #tpu.memory_space<vmem>>) target(%dma_start3A_274 : memref<10000x32xf32, #tpu.memory_space<vmem_shared>>) offsets(%dma_start3A_271 : memref<80xi32, #tpu.memory_space<vmem>>) semaphore(%arg40 : memref<!tpu.dma_semaphore, #tpu.memory_space<semaphore_mem>>) {add = true}
    %dma_wait3A_275 = arith.constant 114 : i32
    %dma_wait3A_276 = arith.constant 0 : i32
    %dma_wait3A_277 = tpu.memref_slice %arg10[%dma_wait3A_275, %dma_wait3A_276] : memref<125x80xi32, #tpu.memory_space<vmem>> -> memref<1x80xi32, #tpu.memory_space<vmem>>
    %dma_wait3A_278 = tpu.memref_squeeze %dma_wait3A_277 : memref<1x80xi32, #tpu.memory_space<vmem>> -> memref<80xi32, #tpu.memory_space<vmem>>
    %dma_wait3A_279 = arith.constant 0 : i32
    %dma_wait3A_280 = arith.constant 0 : i32
    %dma_wait3A_281 = tpu.memref_slice %arg8[%dma_wait3A_279, %dma_wait3A_280] : memref<10000x32xf32, #tpu.memory_space<vmem_shared>> -> memref<10000x32xf32, #tpu.memory_space<vmem_shared>>
    tpu.wait_indirect_dma semaphore(%arg35 : memref<!tpu.dma_semaphore, #tpu.memory_space<semaphore_mem>>) src(%arg15 : memref<80x32xf32, #tpu.memory_space<vmem>>) dst(%dma_wait3A_281 : memref<10000x32xf32, #tpu.memory_space<vmem_shared>>)
    %dma_start3A_282 = arith.constant 124 : i32
    %dma_start3A_283 = arith.constant 0 : i32
    %dma_start3A_284 = tpu.memref_slice %arg9[%dma_start3A_282, %dma_start3A_283] : memref<125x80xi32, #tpu.memory_space<vmem>> -> memref<1x80xi32, #tpu.memory_space<vmem>>
    %dma_start3A_285 = tpu.memref_squeeze %dma_start3A_284 : memref<1x80xi32, #tpu.memory_space<vmem>> -> memref<80xi32, #tpu.memory_space<vmem>>
    %dma_start3A_286 = arith.constant 0 : i32
    %dma_start3A_287 = arith.constant 0 : i32
    %dma_start3A_288 = tpu.memref_slice %arg2[%dma_start3A_286, %dma_start3A_287] : memref<10000x32xf32, #tpu.memory_space<hbm>> -> memref<10000x32xf32, #tpu.memory_space<hbm>>
    tpu.enqueue_indirect_dma source(%dma_start3A_288 : memref<10000x32xf32, #tpu.memory_space<hbm>>) target(%arg15 : memref<80x32xf32, #tpu.memory_space<vmem>>) offsets(%dma_start3A_285 : memref<80xi32, #tpu.memory_space<vmem>>) semaphore(%arg25 : memref<!tpu.dma_semaphore, #tpu.memory_space<semaphore_mem>>)
    %dma_wait3A_289 = arith.constant 120 : i32
    %dma_wait3A_290 = arith.constant 0 : i32
    %dma_wait3A_291 = tpu.memref_slice %arg9[%dma_wait3A_289, %dma_wait3A_290] : memref<125x80xi32, #tpu.memory_space<vmem>> -> memref<1x80xi32, #tpu.memory_space<vmem>>
    %dma_wait3A_292 = tpu.memref_squeeze %dma_wait3A_291 : memref<1x80xi32, #tpu.memory_space<vmem>> -> memref<80xi32, #tpu.memory_space<vmem>>
    %dma_wait3A_293 = arith.constant 0 : i32
    %dma_wait3A_294 = arith.constant 0 : i32
    %dma_wait3A_295 = tpu.memref_slice %arg2[%dma_wait3A_293, %dma_wait3A_294] : memref<10000x32xf32, #tpu.memory_space<hbm>> -> memref<10000x32xf32, #tpu.memory_space<hbm>>
    tpu.wait_indirect_dma semaphore(%arg21 : memref<!tpu.dma_semaphore, #tpu.memory_space<semaphore_mem>>) src(%dma_wait3A_295 : memref<10000x32xf32, #tpu.memory_space<hbm>>) dst(%arg11 : memref<80x32xf32, #tpu.memory_space<vmem>>)
    %dma_start3A_296 = arith.constant 120 : i32
    %dma_start3A_297 = arith.constant 0 : i32
    %dma_start3A_298 = tpu.memref_slice %arg10[%dma_start3A_296, %dma_start3A_297] : memref<125x80xi32, #tpu.memory_space<vmem>> -> memref<1x80xi32, #tpu.memory_space<vmem>>
    %dma_start3A_299 = tpu.memref_squeeze %dma_start3A_298 : memref<1x80xi32, #tpu.memory_space<vmem>> -> memref<80xi32, #tpu.memory_space<vmem>>
    %dma_start3A_300 = arith.constant 0 : i32
    %dma_start3A_301 = arith.constant 0 : i32
    %dma_start3A_302 = tpu.memref_slice %arg8[%dma_start3A_300, %dma_start3A_301] : memref<10000x32xf32, #tpu.memory_space<vmem_shared>> -> memref<10000x32xf32, #tpu.memory_space<vmem_shared>>
    tpu.enqueue_indirect_dma source(%arg11 : memref<80x32xf32, #tpu.memory_space<vmem>>) target(%dma_start3A_302 : memref<10000x32xf32, #tpu.memory_space<vmem_shared>>) offsets(%dma_start3A_299 : memref<80xi32, #tpu.memory_space<vmem>>) semaphore(%arg31 : memref<!tpu.dma_semaphore, #tpu.memory_space<semaphore_mem>>) {add = true}
    %dma_wait3A_303 = arith.constant 121 : i32
    %dma_wait3A_304 = arith.constant 0 : i32
    %dma_wait3A_305 = tpu.memref_slice %arg9[%dma_wait3A_303, %dma_wait3A_304] : memref<125x80xi32, #tpu.memory_space<vmem>> -> memref<1x80xi32, #tpu.memory_space<vmem>>
    %dma_wait3A_306 = tpu.memref_squeeze %dma_wait3A_305 : memref<1x80xi32, #tpu.memory_space<vmem>> -> memref<80xi32, #tpu.memory_space<vmem>>
    %dma_wait3A_307 = arith.constant 0 : i32
    %dma_wait3A_308 = arith.constant 0 : i32
    %dma_wait3A_309 = tpu.memref_slice %arg2[%dma_wait3A_307, %dma_wait3A_308] : memref<10000x32xf32, #tpu.memory_space<hbm>> -> memref<10000x32xf32, #tpu.memory_space<hbm>>
    tpu.wait_indirect_dma semaphore(%arg22 : memref<!tpu.dma_semaphore, #tpu.memory_space<semaphore_mem>>) src(%dma_wait3A_309 : memref<10000x32xf32, #tpu.memory_space<hbm>>) dst(%arg12 : memref<80x32xf32, #tpu.memory_space<vmem>>)
    %dma_start3A_310 = arith.constant 121 : i32
    %dma_start3A_311 = arith.constant 0 : i32
    %dma_start3A_312 = tpu.memref_slice %arg10[%dma_start3A_310, %dma_start3A_311] : memref<125x80xi32, #tpu.memory_space<vmem>> -> memref<1x80xi32, #tpu.memory_space<vmem>>
    %dma_start3A_313 = tpu.memref_squeeze %dma_start3A_312 : memref<1x80xi32, #tpu.memory_space<vmem>> -> memref<80xi32, #tpu.memory_space<vmem>>
    %dma_start3A_314 = arith.constant 0 : i32
    %dma_start3A_315 = arith.constant 0 : i32
    %dma_start3A_316 = tpu.memref_slice %arg8[%dma_start3A_314, %dma_start3A_315] : memref<10000x32xf32, #tpu.memory_space<vmem_shared>> -> memref<10000x32xf32, #tpu.memory_space<vmem_shared>>
    tpu.enqueue_indirect_dma source(%arg12 : memref<80x32xf32, #tpu.memory_space<vmem>>) target(%dma_start3A_316 : memref<10000x32xf32, #tpu.memory_space<vmem_shared>>) offsets(%dma_start3A_313 : memref<80xi32, #tpu.memory_space<vmem>>) semaphore(%arg32 : memref<!tpu.dma_semaphore, #tpu.memory_space<semaphore_mem>>) {add = true}
    %dma_wait3A_317 = arith.constant 122 : i32
    %dma_wait3A_318 = arith.constant 0 : i32
    %dma_wait3A_319 = tpu.memref_slice %arg9[%dma_wait3A_317, %dma_wait3A_318] : memref<125x80xi32, #tpu.memory_space<vmem>> -> memref<1x80xi32, #tpu.memory_space<vmem>>
    %dma_wait3A_320 = tpu.memref_squeeze %dma_wait3A_319 : memref<1x80xi32, #tpu.memory_space<vmem>> -> memref<80xi32, #tpu.memory_space<vmem>>
    %dma_wait3A_321 = arith.constant 0 : i32
    %dma_wait3A_322 = arith.constant 0 : i32
    %dma_wait3A_323 = tpu.memref_slice %arg2[%dma_wait3A_321, %dma_wait3A_322] : memref<10000x32xf32, #tpu.memory_space<hbm>> -> memref<10000x32xf32, #tpu.memory_space<hbm>>
    tpu.wait_indirect_dma semaphore(%arg23 : memref<!tpu.dma_semaphore, #tpu.memory_space<semaphore_mem>>) src(%dma_wait3A_323 : memref<10000x32xf32, #tpu.memory_space<hbm>>) dst(%arg13 : memref<80x32xf32, #tpu.memory_space<vmem>>)
    %dma_start3A_324 = arith.constant 122 : i32
    %dma_start3A_325 = arith.constant 0 : i32
    %dma_start3A_326 = tpu.memref_slice %arg10[%dma_start3A_324, %dma_start3A_325] : memref<125x80xi32, #tpu.memory_space<vmem>> -> memref<1x80xi32, #tpu.memory_space<vmem>>
    %dma_start3A_327 = tpu.memref_squeeze %dma_start3A_326 : memref<1x80xi32, #tpu.memory_space<vmem>> -> memref<80xi32, #tpu.memory_space<vmem>>
    %dma_start3A_328 = arith.constant 0 : i32
    %dma_start3A_329 = arith.constant 0 : i32
    %dma_start3A_330 = tpu.memref_slice %arg8[%dma_start3A_328, %dma_start3A_329] : memref<10000x32xf32, #tpu.memory_space<vmem_shared>> -> memref<10000x32xf32, #tpu.memory_space<vmem_shared>>
    tpu.enqueue_indirect_dma source(%arg13 : memref<80x32xf32, #tpu.memory_space<vmem>>) target(%dma_start3A_330 : memref<10000x32xf32, #tpu.memory_space<vmem_shared>>) offsets(%dma_start3A_327 : memref<80xi32, #tpu.memory_space<vmem>>) semaphore(%arg33 : memref<!tpu.dma_semaphore, #tpu.memory_space<semaphore_mem>>) {add = true}
    %dma_wait3A_331 = arith.constant 123 : i32
    %dma_wait3A_332 = arith.constant 0 : i32
    %dma_wait3A_333 = tpu.memref_slice %arg9[%dma_wait3A_331, %dma_wait3A_332] : memref<125x80xi32, #tpu.memory_space<vmem>> -> memref<1x80xi32, #tpu.memory_space<vmem>>
    %dma_wait3A_334 = tpu.memref_squeeze %dma_wait3A_333 : memref<1x80xi32, #tpu.memory_space<vmem>> -> memref<80xi32, #tpu.memory_space<vmem>>
    %dma_wait3A_335 = arith.constant 0 : i32
    %dma_wait3A_336 = arith.constant 0 : i32
    %dma_wait3A_337 = tpu.memref_slice %arg2[%dma_wait3A_335, %dma_wait3A_336] : memref<10000x32xf32, #tpu.memory_space<hbm>> -> memref<10000x32xf32, #tpu.memory_space<hbm>>
    tpu.wait_indirect_dma semaphore(%arg24 : memref<!tpu.dma_semaphore, #tpu.memory_space<semaphore_mem>>) src(%dma_wait3A_337 : memref<10000x32xf32, #tpu.memory_space<hbm>>) dst(%arg14 : memref<80x32xf32, #tpu.memory_space<vmem>>)
    %dma_start3A_338 = arith.constant 123 : i32
    %dma_start3A_339 = arith.constant 0 : i32
    %dma_start3A_340 = tpu.memref_slice %arg10[%dma_start3A_338, %dma_start3A_339] : memref<125x80xi32, #tpu.memory_space<vmem>> -> memref<1x80xi32, #tpu.memory_space<vmem>>
    %dma_start3A_341 = tpu.memref_squeeze %dma_start3A_340 : memref<1x80xi32, #tpu.memory_space<vmem>> -> memref<80xi32, #tpu.memory_space<vmem>>
    %dma_start3A_342 = arith.constant 0 : i32
    %dma_start3A_343 = arith.constant 0 : i32
    %dma_start3A_344 = tpu.memref_slice %arg8[%dma_start3A_342, %dma_start3A_343] : memref<10000x32xf32, #tpu.memory_space<vmem_shared>> -> memref<10000x32xf32, #tpu.memory_space<vmem_shared>>
    tpu.enqueue_indirect_dma source(%arg14 : memref<80x32xf32, #tpu.memory_space<vmem>>) target(%dma_start3A_344 : memref<10000x32xf32, #tpu.memory_space<vmem_shared>>) offsets(%dma_start3A_341 : memref<80xi32, #tpu.memory_space<vmem>>) semaphore(%arg34 : memref<!tpu.dma_semaphore, #tpu.memory_space<semaphore_mem>>) {add = true}
    %dma_wait3A_345 = arith.constant 124 : i32
    %dma_wait3A_346 = arith.constant 0 : i32
    %dma_wait3A_347 = tpu.memref_slice %arg9[%dma_wait3A_345, %dma_wait3A_346] : memref<125x80xi32, #tpu.memory_space<vmem>> -> memref<1x80xi32, #tpu.memory_space<vmem>>
    %dma_wait3A_348 = tpu.memref_squeeze %dma_wait3A_347 : memref<1x80xi32, #tpu.memory_space<vmem>> -> memref<80xi32, #tpu.memory_space<vmem>>
    %dma_wait3A_349 = arith.constant 0 : i32
    %dma_wait3A_350 = arith.constant 0 : i32
    %dma_wait3A_351 = tpu.memref_slice %arg2[%dma_wait3A_349, %dma_wait3A_350] : memref<10000x32xf32, #tpu.memory_space<hbm>> -> memref<10000x32xf32, #tpu.memory_space<hbm>>
    tpu.wait_indirect_dma semaphore(%arg25 : memref<!tpu.dma_semaphore, #tpu.memory_space<semaphore_mem>>) src(%dma_wait3A_351 : memref<10000x32xf32, #tpu.memory_space<hbm>>) dst(%arg15 : memref<80x32xf32, #tpu.memory_space<vmem>>)
    %dma_start3A_352 = arith.constant 124 : i32
    %dma_start3A_353 = arith.constant 0 : i32
    %dma_start3A_354 = tpu.memref_slice %arg10[%dma_start3A_352, %dma_start3A_353] : memref<125x80xi32, #tpu.memory_space<vmem>> -> memref<1x80xi32, #tpu.memory_space<vmem>>
    %dma_start3A_355 = tpu.memref_squeeze %dma_start3A_354 : memref<1x80xi32, #tpu.memory_space<vmem>> -> memref<80xi32, #tpu.memory_space<vmem>>
    %dma_start3A_356 = arith.constant 0 : i32
    %dma_start3A_357 = arith.constant 0 : i32
    %dma_start3A_358 = tpu.memref_slice %arg8[%dma_start3A_356, %dma_start3A_357] : memref<10000x32xf32, #tpu.memory_space<vmem_shared>> -> memref<10000x32xf32, #tpu.memory_space<vmem_shared>>
    tpu.enqueue_indirect_dma source(%arg15 : memref<80x32xf32, #tpu.memory_space<vmem>>) target(%dma_start3A_358 : memref<10000x32xf32, #tpu.memory_space<vmem_shared>>) offsets(%dma_start3A_355 : memref<80xi32, #tpu.memory_space<vmem>>) semaphore(%arg35 : memref<!tpu.dma_semaphore, #tpu.memory_space<semaphore_mem>>) {add = true}
    %dma_wait3A_359 = arith.constant 115 : i32
    %dma_wait3A_360 = arith.constant 0 : i32
    %dma_wait3A_361 = tpu.memref_slice %arg10[%dma_wait3A_359, %dma_wait3A_360] : memref<125x80xi32, #tpu.memory_space<vmem>> -> memref<1x80xi32, #tpu.memory_space<vmem>>
    %dma_wait3A_362 = tpu.memref_squeeze %dma_wait3A_361 : memref<1x80xi32, #tpu.memory_space<vmem>> -> memref<80xi32, #tpu.memory_space<vmem>>
    %dma_wait3A_363 = arith.constant 0 : i32
    %dma_wait3A_364 = arith.constant 0 : i32
    %dma_wait3A_365 = tpu.memref_slice %arg8[%dma_wait3A_363, %dma_wait3A_364] : memref<10000x32xf32, #tpu.memory_space<vmem_shared>> -> memref<10000x32xf32, #tpu.memory_space<vmem_shared>>
    tpu.wait_indirect_dma semaphore(%arg36 : memref<!tpu.dma_semaphore, #tpu.memory_space<semaphore_mem>>) src(%arg16 : memref<80x32xf32, #tpu.memory_space<vmem>>) dst(%dma_wait3A_365 : memref<10000x32xf32, #tpu.memory_space<vmem_shared>>)
    %dma_wait3A_366 = arith.constant 116 : i32
    %dma_wait3A_367 = arith.constant 0 : i32
    %dma_wait3A_368 = tpu.memref_slice %arg10[%dma_wait3A_366, %dma_wait3A_367] : memref<125x80xi32, #tpu.memory_space<vmem>> -> memref<1x80xi32, #tpu.memory_space<vmem>>
    %dma_wait3A_369 = tpu.memref_squeeze %dma_wait3A_368 : memref<1x80xi32, #tpu.memory_space<vmem>> -> memref<80xi32, #tpu.memory_space<vmem>>
    %dma_wait3A_370 = arith.constant 0 : i32
    %dma_wait3A_371 = arith.constant 0 : i32
    %dma_wait3A_372 = tpu.memref_slice %arg8[%dma_wait3A_370, %dma_wait3A_371] : memref<10000x32xf32, #tpu.memory_space<vmem_shared>> -> memref<10000x32xf32, #tpu.memory_space<vmem_shared>>
    tpu.wait_indirect_dma semaphore(%arg37 : memref<!tpu.dma_semaphore, #tpu.memory_space<semaphore_mem>>) src(%arg17 : memref<80x32xf32, #tpu.memory_space<vmem>>) dst(%dma_wait3A_372 : memref<10000x32xf32, #tpu.memory_space<vmem_shared>>)
    %dma_wait3A_373 = arith.constant 117 : i32
    %dma_wait3A_374 = arith.constant 0 : i32
    %dma_wait3A_375 = tpu.memref_slice %arg10[%dma_wait3A_373, %dma_wait3A_374] : memref<125x80xi32, #tpu.memory_space<vmem>> -> memref<1x80xi32, #tpu.memory_space<vmem>>
    %dma_wait3A_376 = tpu.memref_squeeze %dma_wait3A_375 : memref<1x80xi32, #tpu.memory_space<vmem>> -> memref<80xi32, #tpu.memory_space<vmem>>
    %dma_wait3A_377 = arith.constant 0 : i32
    %dma_wait3A_378 = arith.constant 0 : i32
    %dma_wait3A_379 = tpu.memref_slice %arg8[%dma_wait3A_377, %dma_wait3A_378] : memref<10000x32xf32, #tpu.memory_space<vmem_shared>> -> memref<10000x32xf32, #tpu.memory_space<vmem_shared>>
    tpu.wait_indirect_dma semaphore(%arg38 : memref<!tpu.dma_semaphore, #tpu.memory_space<semaphore_mem>>) src(%arg18 : memref<80x32xf32, #tpu.memory_space<vmem>>) dst(%dma_wait3A_379 : memref<10000x32xf32, #tpu.memory_space<vmem_shared>>)
    %dma_wait3A_380 = arith.constant 118 : i32
    %dma_wait3A_381 = arith.constant 0 : i32
    %dma_wait3A_382 = tpu.memref_slice %arg10[%dma_wait3A_380, %dma_wait3A_381] : memref<125x80xi32, #tpu.memory_space<vmem>> -> memref<1x80xi32, #tpu.memory_space<vmem>>
    %dma_wait3A_383 = tpu.memref_squeeze %dma_wait3A_382 : memref<1x80xi32, #tpu.memory_space<vmem>> -> memref<80xi32, #tpu.memory_space<vmem>>
    %dma_wait3A_384 = arith.constant 0 : i32
    %dma_wait3A_385 = arith.constant 0 : i32
    %dma_wait3A_386 = tpu.memref_slice %arg8[%dma_wait3A_384, %dma_wait3A_385] : memref<10000x32xf32, #tpu.memory_space<vmem_shared>> -> memref<10000x32xf32, #tpu.memory_space<vmem_shared>>
    tpu.wait_indirect_dma semaphore(%arg39 : memref<!tpu.dma_semaphore, #tpu.memory_space<semaphore_mem>>) src(%arg19 : memref<80x32xf32, #tpu.memory_space<vmem>>) dst(%dma_wait3A_386 : memref<10000x32xf32, #tpu.memory_space<vmem_shared>>)
    %dma_wait3A_387 = arith.constant 119 : i32
    %dma_wait3A_388 = arith.constant 0 : i32
    %dma_wait3A_389 = tpu.memref_slice %arg10[%dma_wait3A_387, %dma_wait3A_388] : memref<125x80xi32, #tpu.memory_space<vmem>> -> memref<1x80xi32, #tpu.memory_space<vmem>>
    %dma_wait3A_390 = tpu.memref_squeeze %dma_wait3A_389 : memref<1x80xi32, #tpu.memory_space<vmem>> -> memref<80xi32, #tpu.memory_space<vmem>>
    %dma_wait3A_391 = arith.constant 0 : i32
    %dma_wait3A_392 = arith.constant 0 : i32
    %dma_wait3A_393 = tpu.memref_slice %arg8[%dma_wait3A_391, %dma_wait3A_392] : memref<10000x32xf32, #tpu.memory_space<vmem_shared>> -> memref<10000x32xf32, #tpu.memory_space<vmem_shared>>
    tpu.wait_indirect_dma semaphore(%arg40 : memref<!tpu.dma_semaphore, #tpu.memory_space<semaphore_mem>>) src(%arg20 : memref<80x32xf32, #tpu.memory_space<vmem>>) dst(%dma_wait3A_393 : memref<10000x32xf32, #tpu.memory_space<vmem_shared>>)
    %dma_wait3A_394 = arith.constant 120 : i32
    %dma_wait3A_395 = arith.constant 0 : i32
    %dma_wait3A_396 = tpu.memref_slice %arg10[%dma_wait3A_394, %dma_wait3A_395] : memref<125x80xi32, #tpu.memory_space<vmem>> -> memref<1x80xi32, #tpu.memory_space<vmem>>
    %dma_wait3A_397 = tpu.memref_squeeze %dma_wait3A_396 : memref<1x80xi32, #tpu.memory_space<vmem>> -> memref<80xi32, #tpu.memory_space<vmem>>
    %dma_wait3A_398 = arith.constant 0 : i32
    %dma_wait3A_399 = arith.constant 0 : i32
    %dma_wait3A_400 = tpu.memref_slice %arg8[%dma_wait3A_398, %dma_wait3A_399] : memref<10000x32xf32, #tpu.memory_space<vmem_shared>> -> memref<10000x32xf32, #tpu.memory_space<vmem_shared>>
    tpu.wait_indirect_dma semaphore(%arg31 : memref<!tpu.dma_semaphore, #tpu.memory_space<semaphore_mem>>) src(%arg11 : memref<80x32xf32, #tpu.memory_space<vmem>>) dst(%dma_wait3A_400 : memref<10000x32xf32, #tpu.memory_space<vmem_shared>>)
    %dma_wait3A_401 = arith.constant 121 : i32
    %dma_wait3A_402 = arith.constant 0 : i32
    %dma_wait3A_403 = tpu.memref_slice %arg10[%dma_wait3A_401, %dma_wait3A_402] : memref<125x80xi32, #tpu.memory_space<vmem>> -> memref<1x80xi32, #tpu.memory_space<vmem>>
    %dma_wait3A_404 = tpu.memref_squeeze %dma_wait3A_403 : memref<1x80xi32, #tpu.memory_space<vmem>> -> memref<80xi32, #tpu.memory_space<vmem>>
    %dma_wait3A_405 = arith.constant 0 : i32
    %dma_wait3A_406 = arith.constant 0 : i32
    %dma_wait3A_407 = tpu.memref_slice %arg8[%dma_wait3A_405, %dma_wait3A_406] : memref<10000x32xf32, #tpu.memory_space<vmem_shared>> -> memref<10000x32xf32, #tpu.memory_space<vmem_shared>>
    tpu.wait_indirect_dma semaphore(%arg32 : memref<!tpu.dma_semaphore, #tpu.memory_space<semaphore_mem>>) src(%arg12 : memref<80x32xf32, #tpu.memory_space<vmem>>) dst(%dma_wait3A_407 : memref<10000x32xf32, #tpu.memory_space<vmem_shared>>)
    %dma_wait3A_408 = arith.constant 122 : i32
    %dma_wait3A_409 = arith.constant 0 : i32
    %dma_wait3A_410 = tpu.memref_slice %arg10[%dma_wait3A_408, %dma_wait3A_409] : memref<125x80xi32, #tpu.memory_space<vmem>> -> memref<1x80xi32, #tpu.memory_space<vmem>>
    %dma_wait3A_411 = tpu.memref_squeeze %dma_wait3A_410 : memref<1x80xi32, #tpu.memory_space<vmem>> -> memref<80xi32, #tpu.memory_space<vmem>>
    %dma_wait3A_412 = arith.constant 0 : i32
    %dma_wait3A_413 = arith.constant 0 : i32
    %dma_wait3A_414 = tpu.memref_slice %arg8[%dma_wait3A_412, %dma_wait3A_413] : memref<10000x32xf32, #tpu.memory_space<vmem_shared>> -> memref<10000x32xf32, #tpu.memory_space<vmem_shared>>
    tpu.wait_indirect_dma semaphore(%arg33 : memref<!tpu.dma_semaphore, #tpu.memory_space<semaphore_mem>>) src(%arg13 : memref<80x32xf32, #tpu.memory_space<vmem>>) dst(%dma_wait3A_414 : memref<10000x32xf32, #tpu.memory_space<vmem_shared>>)
    %dma_wait3A_415 = arith.constant 123 : i32
    %dma_wait3A_416 = arith.constant 0 : i32
    %dma_wait3A_417 = tpu.memref_slice %arg10[%dma_wait3A_415, %dma_wait3A_416] : memref<125x80xi32, #tpu.memory_space<vmem>> -> memref<1x80xi32, #tpu.memory_space<vmem>>
    %dma_wait3A_418 = tpu.memref_squeeze %dma_wait3A_417 : memref<1x80xi32, #tpu.memory_space<vmem>> -> memref<80xi32, #tpu.memory_space<vmem>>
    %dma_wait3A_419 = arith.constant 0 : i32
    %dma_wait3A_420 = arith.constant 0 : i32
    %dma_wait3A_421 = tpu.memref_slice %arg8[%dma_wait3A_419, %dma_wait3A_420] : memref<10000x32xf32, #tpu.memory_space<vmem_shared>> -> memref<10000x32xf32, #tpu.memory_space<vmem_shared>>
    tpu.wait_indirect_dma semaphore(%arg34 : memref<!tpu.dma_semaphore, #tpu.memory_space<semaphore_mem>>) src(%arg14 : memref<80x32xf32, #tpu.memory_space<vmem>>) dst(%dma_wait3A_421 : memref<10000x32xf32, #tpu.memory_space<vmem_shared>>)
    %dma_wait3A_422 = arith.constant 124 : i32
    %dma_wait3A_423 = arith.constant 0 : i32
    %dma_wait3A_424 = tpu.memref_slice %arg10[%dma_wait3A_422, %dma_wait3A_423] : memref<125x80xi32, #tpu.memory_space<vmem>> -> memref<1x80xi32, #tpu.memory_space<vmem>>
    %dma_wait3A_425 = tpu.memref_squeeze %dma_wait3A_424 : memref<1x80xi32, #tpu.memory_space<vmem>> -> memref<80xi32, #tpu.memory_space<vmem>>
    %dma_wait3A_426 = arith.constant 0 : i32
    %dma_wait3A_427 = arith.constant 0 : i32
    %dma_wait3A_428 = tpu.memref_slice %arg8[%dma_wait3A_426, %dma_wait3A_427] : memref<10000x32xf32, #tpu.memory_space<vmem_shared>> -> memref<10000x32xf32, #tpu.memory_space<vmem_shared>>
    tpu.wait_indirect_dma semaphore(%arg35 : memref<!tpu.dma_semaphore, #tpu.memory_space<semaphore_mem>>) src(%arg15 : memref<80x32xf32, #tpu.memory_space<vmem>>) dst(%dma_wait3A_428 : memref<10000x32xf32, #tpu.memory_space<vmem_shared>>)
    %barrier3A_429 = arith.constant 0 : index
    tpu.barrier barrier_id(%barrier3A_429)
    %eq3A_430 = arith.constant 0 : i32
    %eq3A_431 = arith.cmpi eq, %arg0, %eq3A_430 : i32
    %convert_element_type3A_432 = arith.extui %eq3A_431 : i1 to i32
    %cond3A_433 = arith.constant 0 : i32
    %cond3A_434 = arith.cmpi ne, %convert_element_type3A_432, %cond3A_433 : i32
    scf.if %cond3A_434 {
      %mul3A_440 = arith.constant 624 : i32
      %mul3A_441 = arith.muli %arg1, %mul3A_440 : i32
      %mul3A_442 = arith.constant 624 : i32
      %mul3A_443 = arith.muli %arg1, %mul3A_442 : i32
      "tpu.region"() ({
        %run_scoped3A = tpu.sem_alloc : memref<!tpu.dma_semaphore, #tpu.memory_space<semaphore_mem>>
        %dma_start3A_449 = arith.constant 0 : i32
        %dma_start3A_450 = tpu.memref_slice %arg6[%mul3A_443, %dma_start3A_449] : memref<10000x32xf32, #tpu.memory_space<hbm>> -> memref<624x32xf32, #tpu.memory_space<hbm>>
        %dma_start3A_451 = arith.constant 0 : i32
        %dma_start3A_452 = tpu.memref_slice %arg8[%mul3A_441, %dma_start3A_451] : memref<10000x32xf32, #tpu.memory_space<vmem_shared>> -> memref<624x32xf32, #tpu.memory_space<vmem_shared>>
        tpu.enqueue_dma source(%dma_start3A_452 : memref<624x32xf32, #tpu.memory_space<vmem_shared>>) target(%dma_start3A_450 : memref<624x32xf32, #tpu.memory_space<hbm>>) target_semaphore(%run_scoped3A : memref<!tpu.dma_semaphore, #tpu.memory_space<semaphore_mem>>)
        %dma_wait3A_453 = arith.constant 0 : i32
        %dma_wait3A_454 = tpu.memref_slice %arg6[%mul3A_443, %dma_wait3A_453] : memref<10000x32xf32, #tpu.memory_space<hbm>> -> memref<624x32xf32, #tpu.memory_space<hbm>>
        %dma_wait3A_455 = arith.constant 0 : i32
        %dma_wait3A_456 = tpu.memref_slice %arg8[%mul3A_441, %dma_wait3A_455] : memref<10000x32xf32, #tpu.memory_space<vmem_shared>> -> memref<624x32xf32, #tpu.memory_space<vmem_shared>>
        tpu.wait_dma2 semaphore(%run_scoped3A : memref<!tpu.dma_semaphore, #tpu.memory_space<semaphore_mem>>) src(%dma_wait3A_456 : memref<624x32xf32, #tpu.memory_space<vmem_shared>>) dst(%dma_wait3A_454 : memref<624x32xf32, #tpu.memory_space<hbm>>)
        tpu.yield
      }) : () -> ()
      %eq3A_444 = arith.constant 15 : i32
      %eq3A_445 = arith.cmpi eq, %arg1, %eq3A_444 : i32
      %convert_element_type3A_446 = arith.extui %eq3A_445 : i1 to i32
      %cond3A_447 = arith.constant 0 : i32
      %cond3A_448 = arith.cmpi ne, %convert_element_type3A_446, %cond3A_447 : i32
      scf.if %cond3A_448 {
        "tpu.region"() ({
          %run_scoped3A = tpu.sem_alloc : memref<!tpu.dma_semaphore, #tpu.memory_space<semaphore_mem>>
          %dma_start3A_449 = arith.constant 9984 : i32
          %dma_start3A_450 = arith.constant 0 : i32
          %dma_start3A_451 = tpu.memref_slice %arg6[%dma_start3A_449, %dma_start3A_450] : memref<10000x32xf32, #tpu.memory_space<hbm>> -> memref<16x32xf32, #tpu.memory_space<hbm>>
          %dma_start3A_452 = arith.constant 9984 : i32
          %dma_start3A_453 = arith.constant 0 : i32
          %dma_start3A_454 = tpu.memref_slice %arg8[%dma_start3A_452, %dma_start3A_453] : memref<10000x32xf32, #tpu.memory_space<vmem_shared>> -> memref<16x32xf32, #tpu.memory_space<vmem_shared>>
          tpu.enqueue_dma source(%dma_start3A_454 : memref<16x32xf32, #tpu.memory_space<vmem_shared>>) target(%dma_start3A_451 : memref<16x32xf32, #tpu.memory_space<hbm>>) target_semaphore(%run_scoped3A : memref<!tpu.dma_semaphore, #tpu.memory_space<semaphore_mem>>)
          %dma_wait3A_455 = arith.constant 9984 : i32
          %dma_wait3A_456 = arith.constant 0 : i32
          %dma_wait3A_457 = tpu.memref_slice %arg6[%dma_wait3A_455, %dma_wait3A_456] : memref<10000x32xf32, #tpu.memory_space<hbm>> -> memref<16x32xf32, #tpu.memory_space<hbm>>
          %dma_wait3A_458 = arith.constant 9984 : i32
          %dma_wait3A_459 = arith.constant 0 : i32
          %dma_wait3A_460 = tpu.memref_slice %arg8[%dma_wait3A_458, %dma_wait3A_459] : memref<10000x32xf32, #tpu.memory_space<vmem_shared>> -> memref<16x32xf32, #tpu.memory_space<vmem_shared>>
          tpu.wait_dma2 semaphore(%run_scoped3A : memref<!tpu.dma_semaphore, #tpu.memory_space<semaphore_mem>>) src(%dma_wait3A_460 : memref<16x32xf32, #tpu.memory_space<vmem_shared>>) dst(%dma_wait3A_457 : memref<16x32xf32, #tpu.memory_space<hbm>>)
          tpu.yield
        }) : () -> ()
      } else {
      }
    } else {
    }
    %eq3A_435 = arith.constant 1 : i32
    %eq3A_436 = arith.cmpi eq, %arg0, %eq3A_435 : i32
    %convert_element_type3A_437 = arith.extui %eq3A_436 : i1 to i32
    %cond3A_438 = arith.constant 0 : i32
    %cond3A_439 = arith.cmpi ne, %convert_element_type3A_437, %cond3A_438 : i32
    scf.if %cond3A_439 {
      %mul3A_440 = arith.constant 624 : i32
      %mul3A_441 = arith.muli %arg1, %mul3A_440 : i32
      %mul3A_442 = arith.constant 624 : i32
      %mul3A_443 = arith.muli %arg1, %mul3A_442 : i32
      "tpu.region"() ({
        %run_scoped3A = tpu.sem_alloc : memref<!tpu.dma_semaphore, #tpu.memory_space<semaphore_mem>>
        %dma_start3A_449 = arith.constant 0 : i32
        %dma_start3A_450 = tpu.memref_slice %arg7[%mul3A_443, %dma_start3A_449] : memref<10000x32xf32, #tpu.memory_space<hbm>> -> memref<624x32xf32, #tpu.memory_space<hbm>>
        %dma_start3A_451 = arith.constant 0 : i32
        %dma_start3A_452 = tpu.memref_slice %arg8[%mul3A_441, %dma_start3A_451] : memref<10000x32xf32, #tpu.memory_space<vmem_shared>> -> memref<624x32xf32, #tpu.memory_space<vmem_shared>>
        tpu.enqueue_dma source(%dma_start3A_452 : memref<624x32xf32, #tpu.memory_space<vmem_shared>>) target(%dma_start3A_450 : memref<624x32xf32, #tpu.memory_space<hbm>>) target_semaphore(%run_scoped3A : memref<!tpu.dma_semaphore, #tpu.memory_space<semaphore_mem>>)
        %dma_wait3A_453 = arith.constant 0 : i32
        %dma_wait3A_454 = tpu.memref_slice %arg7[%mul3A_443, %dma_wait3A_453] : memref<10000x32xf32, #tpu.memory_space<hbm>> -> memref<624x32xf32, #tpu.memory_space<hbm>>
        %dma_wait3A_455 = arith.constant 0 : i32
        %dma_wait3A_456 = tpu.memref_slice %arg8[%mul3A_441, %dma_wait3A_455] : memref<10000x32xf32, #tpu.memory_space<vmem_shared>> -> memref<624x32xf32, #tpu.memory_space<vmem_shared>>
        tpu.wait_dma2 semaphore(%run_scoped3A : memref<!tpu.dma_semaphore, #tpu.memory_space<semaphore_mem>>) src(%dma_wait3A_456 : memref<624x32xf32, #tpu.memory_space<vmem_shared>>) dst(%dma_wait3A_454 : memref<624x32xf32, #tpu.memory_space<hbm>>)
        tpu.yield
      }) : () -> ()
      %eq3A_444 = arith.constant 15 : i32
      %eq3A_445 = arith.cmpi eq, %arg1, %eq3A_444 : i32
      %convert_element_type3A_446 = arith.extui %eq3A_445 : i1 to i32
      %cond3A_447 = arith.constant 0 : i32
      %cond3A_448 = arith.cmpi ne, %convert_element_type3A_446, %cond3A_447 : i32
      scf.if %cond3A_448 {
        "tpu.region"() ({
          %run_scoped3A = tpu.sem_alloc : memref<!tpu.dma_semaphore, #tpu.memory_space<semaphore_mem>>
          %dma_start3A_449 = arith.constant 9984 : i32
          %dma_start3A_450 = arith.constant 0 : i32
          %dma_start3A_451 = tpu.memref_slice %arg7[%dma_start3A_449, %dma_start3A_450] : memref<10000x32xf32, #tpu.memory_space<hbm>> -> memref<16x32xf32, #tpu.memory_space<hbm>>
          %dma_start3A_452 = arith.constant 9984 : i32
          %dma_start3A_453 = arith.constant 0 : i32
          %dma_start3A_454 = tpu.memref_slice %arg8[%dma_start3A_452, %dma_start3A_453] : memref<10000x32xf32, #tpu.memory_space<vmem_shared>> -> memref<16x32xf32, #tpu.memory_space<vmem_shared>>
          tpu.enqueue_dma source(%dma_start3A_454 : memref<16x32xf32, #tpu.memory_space<vmem_shared>>) target(%dma_start3A_451 : memref<16x32xf32, #tpu.memory_space<hbm>>) target_semaphore(%run_scoped3A : memref<!tpu.dma_semaphore, #tpu.memory_space<semaphore_mem>>)
          %dma_wait3A_455 = arith.constant 9984 : i32
          %dma_wait3A_456 = arith.constant 0 : i32
          %dma_wait3A_457 = tpu.memref_slice %arg7[%dma_wait3A_455, %dma_wait3A_456] : memref<10000x32xf32, #tpu.memory_space<hbm>> -> memref<16x32xf32, #tpu.memory_space<hbm>>
          %dma_wait3A_458 = arith.constant 9984 : i32
          %dma_wait3A_459 = arith.constant 0 : i32
          %dma_wait3A_460 = tpu.memref_slice %arg8[%dma_wait3A_458, %dma_wait3A_459] : memref<10000x32xf32, #tpu.memory_space<vmem_shared>> -> memref<16x32xf32, #tpu.memory_space<vmem_shared>>
          tpu.wait_dma2 semaphore(%run_scoped3A : memref<!tpu.dma_semaphore, #tpu.memory_space<semaphore_mem>>) src(%dma_wait3A_460 : memref<16x32xf32, #tpu.memory_space<vmem_shared>>) dst(%dma_wait3A_457 : memref<16x32xf32, #tpu.memory_space<hbm>>)
          tpu.yield
        }) : () -> ()
      } else {
      }
    } else {
    }
    return
  }
}

module attributes {stable_mosaic.version = 14 : i64} {
  func.func @_mlp1_body(%arg0: memref<2500x128xf32, #tpu.memory_space<vmem>>, %arg1: memref<2500x128xf32, #tpu.memory_space<vmem>>, %arg2: memref<2500x128xf32, #tpu.memory_space<vmem>>, %arg3: memref<1x128xf32, #tpu.memory_space<vmem>>, %arg4: memref<128x128xf32, #tpu.memory_space<vmem>>, %arg5: memref<1x128xf32, #tpu.memory_space<vmem>>, %arg6: memref<128x128xf32, #tpu.memory_space<vmem>>, %arg7: memref<2500x128xf32, #tpu.memory_space<vmem>>) attributes {dimension_semantics = [], scalar_prefetch = 0 : i64, scratch_operands = 0 : i64, tpu.core_type = #tpu.core_type<tc>} {
    %get3A = arith.constant 0 : index
    %get3A_0 = arith.constant 0 : index
    %get3A_1 = vector.load %arg0[%get3A, %get3A_0] : memref<2500x128xf32, #tpu.memory_space<vmem>>, vector<2500x128xf32>
    %get3A_2 = arith.constant 0 : index
    %get3A_3 = arith.constant 0 : index
    %get3A_4 = vector.load %arg1[%get3A_2, %get3A_3] : memref<2500x128xf32, #tpu.memory_space<vmem>>, vector<2500x128xf32>
    %add3A = arith.addf %get3A_1, %get3A_4 : vector<2500x128xf32>
    %get3A_5 = arith.constant 0 : index
    %get3A_6 = arith.constant 0 : index
    %get3A_7 = vector.load %arg2[%get3A_5, %get3A_6] : memref<2500x128xf32, #tpu.memory_space<vmem>>, vector<2500x128xf32>
    %add3A_8 = arith.addf %add3A, %get3A_7 : vector<2500x128xf32>
    %get3A_9 = arith.constant 0 : index
    %get3A_10 = arith.constant 0 : index
    %get3A_11 = vector.load %arg3[%get3A_9, %get3A_10] : memref<1x128xf32, #tpu.memory_space<vmem>>, vector<1x128xf32>
    %add3A_12 = vector.broadcast %get3A_11 : vector<1x128xf32> to vector<2500x128xf32>
    %add3A_13 = arith.addf %add3A_8, %add3A_12 : vector<2500x128xf32>
    %max3A = arith.constant 0.000000e+00 : f32
    %max3A_14 = vector.broadcast %max3A : f32 to vector<2500x128xf32>
    %max3A_15 = arith.maximumf %add3A_13, %max3A_14 : vector<2500x128xf32>
    %get3A_16 = arith.constant 0 : index
    %get3A_17 = arith.constant 0 : index
    %get3A_18 = vector.load %arg4[%get3A_16, %get3A_17] : memref<128x128xf32, #tpu.memory_space<vmem>>, vector<128x128xf32>
    %dot_general3A = arith.constant dense<0.000000e+00> : vector<2500x128xf32>
    %dot_general3A_19 = tpu.matmul %max3A_15, %get3A_18, %dot_general3A {dimension_numbers = #tpu.dot_dimension_numbers<[1], [0], [0], [1], [0, 0, 1, 1], [], []>, transpose_lhs_hint = false} : vector<2500x128xf32>, vector<128x128xf32>, vector<2500x128xf32> -> vector<2500x128xf32>
    %get3A_20 = arith.constant 0 : index
    %get3A_21 = arith.constant 0 : index
    %get3A_22 = vector.load %arg5[%get3A_20, %get3A_21] : memref<1x128xf32, #tpu.memory_space<vmem>>, vector<1x128xf32>
    %add3A_23 = vector.broadcast %get3A_22 : vector<1x128xf32> to vector<2500x128xf32>
    %add3A_24 = arith.addf %dot_general3A_19, %add3A_23 : vector<2500x128xf32>
    %max3A_25 = arith.constant 0.000000e+00 : f32
    %max3A_26 = vector.broadcast %max3A_25 : f32 to vector<2500x128xf32>
    %max3A_27 = arith.maximumf %add3A_24, %max3A_26 : vector<2500x128xf32>
    %get3A_28 = arith.constant 0 : index
    %get3A_29 = arith.constant 0 : index
    %get3A_30 = vector.load %arg6[%get3A_28, %get3A_29] : memref<128x128xf32, #tpu.memory_space<vmem>>, vector<128x128xf32>
    %dot_general3A_31 = arith.constant dense<0.000000e+00> : vector<2500x128xf32>
    %dot_general3A_32 = tpu.matmul %max3A_27, %get3A_30, %dot_general3A_31 {dimension_numbers = #tpu.dot_dimension_numbers<[1], [0], [0], [1], [0, 0, 1, 1], [], []>, transpose_lhs_hint = false} : vector<2500x128xf32>, vector<128x128xf32>, vector<2500x128xf32> -> vector<2500x128xf32>
    %swap3A = arith.constant 0 : index
    %swap3A_33 = arith.constant 0 : index
    %swap3A_34 = vector.load %arg7[%swap3A, %swap3A_33] : memref<2500x128xf32, #tpu.memory_space<vmem>>, vector<2500x128xf32>
    tpu.vector_store %arg7[%swap3A, %swap3A_33], %dot_general3A_32 {strides = array<i32>} : memref<2500x128xf32, #tpu.memory_space<vmem>>, vector<2500x128xf32>,
    return
  }
}

module attributes {stable_mosaic.version = 14 : i64} {
  func.func @_proj_body(%arg0: memref<10000x128xf32, #tpu.memory_space<vmem>>, %arg1: memref<128x128xf32, #tpu.memory_space<vmem>>, %arg2: memref<2500x128xf32, #tpu.memory_space<vmem>>) attributes {dimension_semantics = [], scalar_prefetch = 0 : i64, scratch_operands = 0 : i64, tpu.core_type = #tpu.core_type<tc>} {
    %get3A = arith.constant 0 : index
    %get3A_0 = arith.constant 0 : index
    %get3A_1 = vector.load %arg0[%get3A, %get3A_0] : memref<10000x128xf32, #tpu.memory_space<vmem>>, vector<10000x128xf32>
    %get3A_2 = arith.constant 0 : index
    %get3A_3 = arith.constant 0 : index
    %get3A_4 = vector.load %arg1[%get3A_2, %get3A_3] : memref<128x128xf32, #tpu.memory_space<vmem>>, vector<128x128xf32>
    %dot_general3A = arith.constant dense<0.000000e+00> : vector<10000x128xf32>
    %dot_general3A_5 = tpu.matmul %get3A_1, %get3A_4, %dot_general3A {dimension_numbers = #tpu.dot_dimension_numbers<[1], [0], [0], [1], [0, 0, 1, 1], [], []>, transpose_lhs_hint = false} : vector<10000x128xf32>, vector<128x128xf32>, vector<10000x128xf32> -> vector<10000x128xf32>
    %reshape3A = vector.shape_cast %dot_general3A_5 : vector<10000x128xf32> to vector<2500x4x128xf32>
    %slice3A = vector.extract_strided_slice %reshape3A {offsets = [0, 0, 0], sizes = [2500, 1, 32], strides = [1, 1, 1]} : vector<2500x4x128xf32> to vector<2500x1x32xf32>
    %squeeze3A = vector.shape_cast %slice3A : vector<2500x1x32xf32> to vector<2500x32xf32>
    %slice3A_6 = vector.extract_strided_slice %reshape3A {offsets = [0, 1, 32], sizes = [2500, 1, 32], strides = [1, 1, 1]} : vector<2500x4x128xf32> to vector<2500x1x32xf32>
    %squeeze3A_7 = vector.shape_cast %slice3A_6 : vector<2500x1x32xf32> to vector<2500x32xf32>
    %slice3A_8 = vector.extract_strided_slice %reshape3A {offsets = [0, 2, 64], sizes = [2500, 1, 32], strides = [1, 1, 1]} : vector<2500x4x128xf32> to vector<2500x1x32xf32>
    %squeeze3A_9 = vector.shape_cast %slice3A_8 : vector<2500x1x32xf32> to vector<2500x32xf32>
    %slice3A_10 = vector.extract_strided_slice %reshape3A {offsets = [0, 3, 96], sizes = [2500, 1, 32], strides = [1, 1, 1]} : vector<2500x4x128xf32> to vector<2500x1x32xf32>
    %squeeze3A_11 = vector.shape_cast %slice3A_10 : vector<2500x1x32xf32> to vector<2500x32xf32>
    %concatenate3A = tpu.concatenate %squeeze3A, %squeeze3A_7, %squeeze3A_9, %squeeze3A_11 in 1 : vector<2500x32xf32>, vector<2500x32xf32>, vector<2500x32xf32>, vector<2500x32xf32> -> vector<2500x128xf32>
    %swap3A = arith.constant 0 : index
    %swap3A_12 = arith.constant 0 : index
    %swap3A_13 = vector.load %arg2[%swap3A, %swap3A_12] : memref<2500x128xf32, #tpu.memory_space<vmem>>, vector<2500x128xf32>
    tpu.vector_store %arg2[%swap3A, %swap3A_12], %concatenate3A {strides = array<i32>} : memref<2500x128xf32, #tpu.memory_space<vmem>>, vector<2500x128xf32>,
    return
  }
}

module attributes {stable_mosaic.version = 14 : i64} {
  func.func @_mlp2_body(%arg0: memref<2500x128xf32, #tpu.memory_space<vmem>>, %arg1: memref<2500x128xf32, #tpu.memory_space<vmem>>, %arg2: memref<2500x128xf32, #tpu.memory_space<vmem>>, %arg3: memref<1x128xf32, #tpu.memory_space<vmem>>, %arg4: memref<128x128xf32, #tpu.memory_space<vmem>>, %arg5: memref<1x128xf32, #tpu.memory_space<vmem>>, %arg6: memref<4x2500xi32, #tpu.memory_space<vmem>>, %arg7: memref<32x32xf32, #tpu.memory_space<vmem>>, %arg8: memref<1x32xf32, #tpu.memory_space<vmem>>, %arg9: memref<32x10xf32, #tpu.memory_space<vmem>>, %arg10: memref<1x10xf32, #tpu.memory_space<vmem>>, %arg11: memref<2500x128xf32, #tpu.memory_space<vmem>>, %arg12: memref<128x10xf32, #tpu.memory_space<vmem>>) attributes {dimension_semantics = [], scalar_prefetch = 0 : i64, scratch_operands = 0 : i64, tpu.core_type = #tpu.core_type<tc>} {
    %get3A = arith.constant 0 : index
    %get3A_0 = arith.constant 0 : index
    %get3A_1 = vector.load %arg0[%get3A, %get3A_0] : memref<2500x128xf32, #tpu.memory_space<vmem>>, vector<2500x128xf32>
    %get3A_2 = arith.constant 0 : index
    %get3A_3 = arith.constant 0 : index
    %get3A_4 = vector.load %arg1[%get3A_2, %get3A_3] : memref<2500x128xf32, #tpu.memory_space<vmem>>, vector<2500x128xf32>
    %add3A = arith.addf %get3A_1, %get3A_4 : vector<2500x128xf32>
    %get3A_5 = arith.constant 0 : index
    %get3A_6 = arith.constant 0 : index
    %get3A_7 = vector.load %arg2[%get3A_5, %get3A_6] : memref<2500x128xf32, #tpu.memory_space<vmem>>, vector<2500x128xf32>
    %add3A_8 = arith.addf %add3A, %get3A_7 : vector<2500x128xf32>
    %get3A_9 = arith.constant 0 : index
    %get3A_10 = arith.constant 0 : index
    %get3A_11 = vector.load %arg3[%get3A_9, %get3A_10] : memref<1x128xf32, #tpu.memory_space<vmem>>, vector<1x128xf32>
    %add3A_12 = vector.broadcast %get3A_11 : vector<1x128xf32> to vector<2500x128xf32>
    %add3A_13 = arith.addf %add3A_8, %add3A_12 : vector<2500x128xf32>
    %max3A = arith.constant 0.000000e+00 : f32
    %max3A_14 = vector.broadcast %max3A : f32 to vector<2500x128xf32>
    %max3A_15 = arith.maximumf %add3A_13, %max3A_14 : vector<2500x128xf32>
    %get3A_16 = arith.constant 0 : index
    %get3A_17 = arith.constant 0 : index
    %get3A_18 = vector.load %arg4[%get3A_16, %get3A_17] : memref<128x128xf32, #tpu.memory_space<vmem>>, vector<128x128xf32>
    %dot_general3A = arith.constant dense<0.000000e+00> : vector<2500x128xf32>
    %dot_general3A_19 = tpu.matmul %max3A_15, %get3A_18, %dot_general3A {dimension_numbers = #tpu.dot_dimension_numbers<[1], [0], [0], [1], [0, 0, 1, 1], [], []>, transpose_lhs_hint = false} : vector<2500x128xf32>, vector<128x128xf32>, vector<2500x128xf32> -> vector<2500x128xf32>
    %get3A_20 = arith.constant 0 : index
    %get3A_21 = arith.constant 0 : index
    %get3A_22 = vector.load %arg5[%get3A_20, %get3A_21] : memref<1x128xf32, #tpu.memory_space<vmem>>, vector<1x128xf32>
    %add3A_23 = vector.broadcast %get3A_22 : vector<1x128xf32> to vector<2500x128xf32>
    %add3A_24 = arith.addf %dot_general3A_19, %add3A_23 : vector<2500x128xf32>
    %swap3A = arith.constant 0 : index
    %swap3A_25 = arith.constant 0 : index
    %swap3A_26 = vector.load %arg11[%swap3A, %swap3A_25] : memref<2500x128xf32, #tpu.memory_space<vmem>>, vector<2500x128xf32>
    tpu.vector_store %arg11[%swap3A, %swap3A_25], %add3A_24 {strides = array<i32>} : memref<2500x128xf32, #tpu.memory_space<vmem>>, vector<2500x128xf32>,
    %max3A_27 = arith.constant 0.000000e+00 : f32
    %max3A_28 = vector.broadcast %max3A_27 : f32 to vector<2500x128xf32>
    %max3A_29 = arith.maximumf %add3A_24, %max3A_28 : vector<2500x128xf32>
    %get3A_30 = arith.constant 0 : index
    %get3A_31 = arith.constant 0 : index
    %get3A_32 = vector.load %arg6[%get3A_30, %get3A_31] : memref<4x2500xi32, #tpu.memory_space<vmem>>, vector<4x2500xi32>
    %iota3A = tpu.iota {dimensions = array<i32: 0>} : vector<128x2500xi32>
    %broadcast_in_dim3A = arith.constant 0.000000e+00 : f32
    %broadcast_in_dim3A_33 = vector.broadcast %broadcast_in_dim3A : f32 to vector<128x32xf32>
    %broadcast_in_dim3A_34 = arith.constant 0.000000e+00 : f32
    %broadcast_in_dim3A_35 = vector.broadcast %broadcast_in_dim3A_34 : f32 to vector<128x1xf32>
    %slice3A = vector.extract_strided_slice %get3A_32 {offsets = [0, 0], sizes = [1, 2500], strides = [1, 1]} : vector<4x2500xi32> to vector<1x2500xi32>
    %squeeze3A = vector.shape_cast %slice3A : vector<1x2500xi32> to vector<2500xi32>
    %broadcast_in_dim3A_36 = vector.shape_cast %squeeze3A : vector<2500xi32> to vector<1x2500xi32>
    %eq3A = vector.broadcast %broadcast_in_dim3A_36 : vector<1x2500xi32> to vector<128x2500xi32>
    %eq3A_37 = arith.cmpi eq, %iota3A, %eq3A : vector<128x2500xi32>
    %jit3A = arith.constant 1.000000e+00 : f32
    %jit3A_38 = arith.constant 0.000000e+00 : f32
    %broadcast_in_dim3A_39 = vector.broadcast %jit3A : f32 to vector<128x2500xf32>
    %broadcast_in_dim3A_40 = vector.broadcast %jit3A_38 : f32 to vector<128x2500xf32>
    %select_n3A = arith.select %eq3A_37, %broadcast_in_dim3A_39, %broadcast_in_dim3A_40 : vector<128x2500xi1>, vector<128x2500xf32>
    %slice3A_41 = vector.extract_strided_slice %max3A_29 {offsets = [0, 0], sizes = [2500, 32], strides = [1, 1]} : vector<2500x128xf32> to vector<2500x32xf32>
    %dot_general3A_42 = arith.constant dense<0.000000e+00> : vector<128x32xf32>
    %dot_general3A_43 = tpu.matmul %select_n3A, %slice3A_41, %dot_general3A_42 {dimension_numbers = #tpu.dot_dimension_numbers<[1], [0], [0], [1], [0, 0, 1, 1], [], []>, transpose_lhs_hint = false} : vector<128x2500xf32>, vector<2500x32xf32>, vector<128x32xf32> -> vector<128x32xf32>
    %add3A_44 = arith.addf %broadcast_in_dim3A_33, %dot_general3A_43 : vector<128x32xf32>
    %reduce_sum3A = arith.constant dense<0.000000e+00> : vector<128xf32>
    %reduce_sum3A_45 = vector.multi_reduction <add>, %select_n3A, %reduce_sum3A [1] : vector<128x2500xf32> to vector<128xf32>
    %broadcast_in_dim3A_46 = vector.shape_cast %reduce_sum3A_45 : vector<128xf32> to vector<128x1xf32>
    %add3A_47 = arith.addf %broadcast_in_dim3A_35, %broadcast_in_dim3A_46 : vector<128x1xf32>
    %slice3A_48 = vector.extract_strided_slice %get3A_32 {offsets = [1, 0], sizes = [1, 2500], strides = [1, 1]} : vector<4x2500xi32> to vector<1x2500xi32>
    %squeeze3A_49 = vector.shape_cast %slice3A_48 : vector<1x2500xi32> to vector<2500xi32>
    %broadcast_in_dim3A_50 = vector.shape_cast %squeeze3A_49 : vector<2500xi32> to vector<1x2500xi32>
    %eq3A_51 = vector.broadcast %broadcast_in_dim3A_50 : vector<1x2500xi32> to vector<128x2500xi32>
    %eq3A_52 = arith.cmpi eq, %iota3A, %eq3A_51 : vector<128x2500xi32>
    %jit3A_53 = arith.constant 1.000000e+00 : f32
    %jit3A_54 = arith.constant 0.000000e+00 : f32
    %broadcast_in_dim3A_55 = vector.broadcast %jit3A_53 : f32 to vector<128x2500xf32>
    %broadcast_in_dim3A_56 = vector.broadcast %jit3A_54 : f32 to vector<128x2500xf32>
    %select_n3A_57 = arith.select %eq3A_52, %broadcast_in_dim3A_55, %broadcast_in_dim3A_56 : vector<128x2500xi1>, vector<128x2500xf32>
    %slice3A_58 = vector.extract_strided_slice %max3A_29 {offsets = [0, 32], sizes = [2500, 32], strides = [1, 1]} : vector<2500x128xf32> to vector<2500x32xf32>
    %dot_general3A_59 = arith.constant dense<0.000000e+00> : vector<128x32xf32>
    %dot_general3A_60 = tpu.matmul %select_n3A_57, %slice3A_58, %dot_general3A_59 {dimension_numbers = #tpu.dot_dimension_numbers<[1], [0], [0], [1], [0, 0, 1, 1], [], []>, transpose_lhs_hint = false} : vector<128x2500xf32>, vector<2500x32xf32>, vector<128x32xf32> -> vector<128x32xf32>
    %add3A_61 = arith.addf %add3A_44, %dot_general3A_60 : vector<128x32xf32>
    %reduce_sum3A_62 = arith.constant dense<0.000000e+00> : vector<128xf32>
    %reduce_sum3A_63 = vector.multi_reduction <add>, %select_n3A_57, %reduce_sum3A_62 [1] : vector<128x2500xf32> to vector<128xf32>
    %broadcast_in_dim3A_64 = vector.shape_cast %reduce_sum3A_63 : vector<128xf32> to vector<128x1xf32>
    %add3A_65 = arith.addf %add3A_47, %broadcast_in_dim3A_64 : vector<128x1xf32>
    %slice3A_66 = vector.extract_strided_slice %get3A_32 {offsets = [2, 0], sizes = [1, 2500], strides = [1, 1]} : vector<4x2500xi32> to vector<1x2500xi32>
    %squeeze3A_67 = vector.shape_cast %slice3A_66 : vector<1x2500xi32> to vector<2500xi32>
    %broadcast_in_dim3A_68 = vector.shape_cast %squeeze3A_67 : vector<2500xi32> to vector<1x2500xi32>
    %eq3A_69 = vector.broadcast %broadcast_in_dim3A_68 : vector<1x2500xi32> to vector<128x2500xi32>
    %eq3A_70 = arith.cmpi eq, %iota3A, %eq3A_69 : vector<128x2500xi32>
    %jit3A_71 = arith.constant 1.000000e+00 : f32
    %jit3A_72 = arith.constant 0.000000e+00 : f32
    %broadcast_in_dim3A_73 = vector.broadcast %jit3A_71 : f32 to vector<128x2500xf32>
    %broadcast_in_dim3A_74 = vector.broadcast %jit3A_72 : f32 to vector<128x2500xf32>
    %select_n3A_75 = arith.select %eq3A_70, %broadcast_in_dim3A_73, %broadcast_in_dim3A_74 : vector<128x2500xi1>, vector<128x2500xf32>
    %slice3A_76 = vector.extract_strided_slice %max3A_29 {offsets = [0, 64], sizes = [2500, 32], strides = [1, 1]} : vector<2500x128xf32> to vector<2500x32xf32>
    %dot_general3A_77 = arith.constant dense<0.000000e+00> : vector<128x32xf32>
    %dot_general3A_78 = tpu.matmul %select_n3A_75, %slice3A_76, %dot_general3A_77 {dimension_numbers = #tpu.dot_dimension_numbers<[1], [0], [0], [1], [0, 0, 1, 1], [], []>, transpose_lhs_hint = false} : vector<128x2500xf32>, vector<2500x32xf32>, vector<128x32xf32> -> vector<128x32xf32>
    %add3A_79 = arith.addf %add3A_61, %dot_general3A_78 : vector<128x32xf32>
    %reduce_sum3A_80 = arith.constant dense<0.000000e+00> : vector<128xf32>
    %reduce_sum3A_81 = vector.multi_reduction <add>, %select_n3A_75, %reduce_sum3A_80 [1] : vector<128x2500xf32> to vector<128xf32>
    %broadcast_in_dim3A_82 = vector.shape_cast %reduce_sum3A_81 : vector<128xf32> to vector<128x1xf32>
    %add3A_83 = arith.addf %add3A_65, %broadcast_in_dim3A_82 : vector<128x1xf32>
    %slice3A_84 = vector.extract_strided_slice %get3A_32 {offsets = [3, 0], sizes = [1, 2500], strides = [1, 1]} : vector<4x2500xi32> to vector<1x2500xi32>
    %squeeze3A_85 = vector.shape_cast %slice3A_84 : vector<1x2500xi32> to vector<2500xi32>
    %broadcast_in_dim3A_86 = vector.shape_cast %squeeze3A_85 : vector<2500xi32> to vector<1x2500xi32>
    %eq3A_87 = vector.broadcast %broadcast_in_dim3A_86 : vector<1x2500xi32> to vector<128x2500xi32>
    %eq3A_88 = arith.cmpi eq, %iota3A, %eq3A_87 : vector<128x2500xi32>
    %jit3A_89 = arith.constant 1.000000e+00 : f32
    %jit3A_90 = arith.constant 0.000000e+00 : f32
    %broadcast_in_dim3A_91 = vector.broadcast %jit3A_89 : f32 to vector<128x2500xf32>
    %broadcast_in_dim3A_92 = vector.broadcast %jit3A_90 : f32 to vector<128x2500xf32>
    %select_n3A_93 = arith.select %eq3A_88, %broadcast_in_dim3A_91, %broadcast_in_dim3A_92 : vector<128x2500xi1>, vector<128x2500xf32>
    %slice3A_94 = vector.extract_strided_slice %max3A_29 {offsets = [0, 96], sizes = [2500, 32], strides = [1, 1]} : vector<2500x128xf32> to vector<2500x32xf32>
    %dot_general3A_95 = arith.constant dense<0.000000e+00> : vector<128x32xf32>
    %dot_general3A_96 = tpu.matmul %select_n3A_93, %slice3A_94, %dot_general3A_95 {dimension_numbers = #tpu.dot_dimension_numbers<[1], [0], [0], [1], [0, 0, 1, 1], [], []>, transpose_lhs_hint = false} : vector<128x2500xf32>, vector<2500x32xf32>, vector<128x32xf32> -> vector<128x32xf32>
    %add3A_97 = arith.addf %add3A_79, %dot_general3A_96 : vector<128x32xf32>
    %reduce_sum3A_98 = arith.constant dense<0.000000e+00> : vector<128xf32>
    %reduce_sum3A_99 = vector.multi_reduction <add>, %select_n3A_93, %reduce_sum3A_98 [1] : vector<128x2500xf32> to vector<128xf32>
    %broadcast_in_dim3A_100 = vector.shape_cast %reduce_sum3A_99 : vector<128xf32> to vector<128x1xf32>
    %add3A_101 = arith.addf %add3A_83, %broadcast_in_dim3A_100 : vector<128x1xf32>
    %max3A_102 = arith.constant 1.000000e+00 : f32
    %max3A_103 = vector.broadcast %max3A_102 : f32 to vector<128x1xf32>
    %max3A_104 = arith.maximumf %add3A_101, %max3A_103 : vector<128x1xf32>
    %div3A = vector.broadcast %max3A_104 : vector<128x1xf32> to vector<128x32xf32>
    %div3A_105 = arith.divf %add3A_97, %div3A : vector<128x32xf32>
    %get3A_106 = arith.constant 0 : index
    %get3A_107 = arith.constant 0 : index
    %get3A_108 = vector.load %arg7[%get3A_106, %get3A_107] : memref<32x32xf32, #tpu.memory_space<vmem>>, vector<32x32xf32>
    %dot_general3A_109 = arith.constant dense<0.000000e+00> : vector<128x32xf32>
    %dot_general3A_110 = tpu.matmul %div3A_105, %get3A_108, %dot_general3A_109 {dimension_numbers = #tpu.dot_dimension_numbers<[1], [0], [0], [1], [0, 0, 1, 1], [], []>, transpose_lhs_hint = false} : vector<128x32xf32>, vector<32x32xf32>, vector<128x32xf32> -> vector<128x32xf32>
    %get3A_111 = arith.constant 0 : index
    %get3A_112 = arith.constant 0 : index
    %get3A_113 = vector.load %arg8[%get3A_111, %get3A_112] : memref<1x32xf32, #tpu.memory_space<vmem>>, vector<1x32xf32>
    %add3A_114 = vector.broadcast %get3A_113 : vector<1x32xf32> to vector<128x32xf32>
    %add3A_115 = arith.addf %dot_general3A_110, %add3A_114 : vector<128x32xf32>
    %get3A_116 = arith.constant 0 : index
    %get3A_117 = arith.constant 0 : index
    %get3A_118 = vector.load %arg9[%get3A_116, %get3A_117] : memref<32x10xf32, #tpu.memory_space<vmem>>, vector<32x10xf32>
    %dot_general3A_119 = arith.constant dense<0.000000e+00> : vector<128x10xf32>
    %dot_general3A_120 = tpu.matmul %add3A_115, %get3A_118, %dot_general3A_119 {dimension_numbers = #tpu.dot_dimension_numbers<[1], [0], [0], [1], [0, 0, 1, 1], [], []>, transpose_lhs_hint = false} : vector<128x32xf32>, vector<32x10xf32>, vector<128x10xf32> -> vector<128x10xf32>
    %get3A_121 = arith.constant 0 : index
    %get3A_122 = arith.constant 0 : index
    %get3A_123 = vector.load %arg10[%get3A_121, %get3A_122] : memref<1x10xf32, #tpu.memory_space<vmem>>, vector<1x10xf32>
    %add3A_124 = vector.broadcast %get3A_123 : vector<1x10xf32> to vector<128x10xf32>
    %add3A_125 = arith.addf %dot_general3A_120, %add3A_124 : vector<128x10xf32>
    %reduce_max3A = arith.constant dense<0xFF800000> : vector<128xf32>
    %reduce_max3A_126 = vector.multi_reduction <maximumf>, %add3A_125, %reduce_max3A [1] : vector<128x10xf32> to vector<128xf32>
    %broadcast_in_dim3A_127 = vector.shape_cast %reduce_max3A_126 : vector<128xf32> to vector<128x1xf32>
    %sub3A = vector.broadcast %broadcast_in_dim3A_127 : vector<128x1xf32> to vector<128x10xf32>
    %sub3A_128 = arith.subf %add3A_125, %sub3A : vector<128x10xf32>
    %exp3A = math.exp %sub3A_128 : vector<128x10xf32>
    %reduce_sum3A_129 = arith.constant dense<0.000000e+00> : vector<128xf32>
    %reduce_sum3A_130 = vector.multi_reduction <add>, %exp3A, %reduce_sum3A_129 [1] : vector<128x10xf32> to vector<128xf32>
    %broadcast_in_dim3A_131 = vector.shape_cast %reduce_sum3A_130 : vector<128xf32> to vector<128x1xf32>
    %log3A = math.log %broadcast_in_dim3A_131 : vector<128x1xf32>
    %sub3A_132 = vector.broadcast %log3A : vector<128x1xf32> to vector<128x10xf32>
    %sub3A_133 = arith.subf %sub3A_128, %sub3A_132 : vector<128x10xf32>
    %swap3A_134 = arith.constant 0 : index
    %swap3A_135 = arith.constant 0 : index
    %swap3A_136 = vector.load %arg12[%swap3A_134, %swap3A_135] : memref<128x10xf32, #tpu.memory_space<vmem>>, vector<128x10xf32>
    tpu.vector_store %arg12[%swap3A_134, %swap3A_135], %sub3A_133 {strides = array<i32>} : memref<128x10xf32, #tpu.memory_space<vmem>>, vector<128x10xf32>,
    return
  }
}

</mosaic_0001>

<sc_bundles>
// kernel: kernel.10.cloned.1.call-start
scs
__scs_entry_jumppad:
0x0: {  	(pc) =	sbr.rel $0x88, $3  }
0x1: {  	(tag) =	ssettag $0x0;
	lr =	simm.s32 $0x1  }
0x2: {  	[smem:$0x3F92] =	sst lr;
	_ =	strace $0xD0000000  }
0x3: {  	_ = 	snop  }
0x4: {  	_ = 	snop  }
0x5: {  	_ = 	snop  }
0x6: {  	_ = 	snop  }
0x7: {  	_ = 	snop  }
__scs_overlays_trampoline_lowered:
0x8: {  	[smem:$0x3FA1] =	sst s0  }
0x9: {  	[smem:$0x3FA2] =	sst s1  }
0xa: {  	[smem:$0x3FA3] =	sst s2  }
0xb: {  	[smem:$0x3FA4] =	sst s3  }
0xc: {  	[smem:$0x3FA5] =	sst s4  }
0xd: {  	[smem:$0x3FA6] =	sst s5  }
0xe: {  	[smem:$0x3FA7] =	sst s6  }
0xf: {  	[smem:$0x3FA8] =	sst s7  }
0x10: {  	[smem:$0x3FA9] =	sst s8  }
0x11: {  	[smem:$0x3FAA] =	sst s9;
	s0 =	simm.s32 @!p0 $0x0  }
0x12: {  	s1 =	sld [smem:$0x3F90];
	s0 =	simm.s32 @p0 $0x1  }
0x13: {  	[smem:$0x3FAB] =	sst s0;
	s0 =	simm.s32 @!p1 $0x0  }
0x14: {  	s2 =	sld [smem:$0x3F8F];
	s0 =	simm.s32 @p1 $0x1  }
0x15: {  	[smem:$0x3FAC] =	sst s0;
	s0 =	simm.s32 @!p2 $0x0  }
0x16: {  	s3 =	sld [smem:$0x3FDB];
	s0 =	simm.s32 @p2 $0x1  }
0x17: {  	s4 =	simm.s32 $0x1BF5;
	[smem:$0x3FAE] =	sst s0  }
0x18: {  	s0 =	sld [smem:$0x3F91];
	_ =	swait.ge [sflag:s4], $0x0  }
0x19: {  	s7 =	sld [smem:$0x3F92]  }
0x1a: {  	s8 =	sadd.s32 $0xFFFFE003, lr  }
0x1b: {  	s9 =	sadd.s32 $0xFFFFFEF7, lr;
	s5 =	simm.s32 $0xFFFFFFFF;
	p2 =	slt.u32 s8, $0xFFFFF086  }
0x1c: {  	p1 =	slt.u32 s9, $0xF7A;
	s5 =	simm.s32 @!p2 $0x0  }
0x1d: {  	s5 =	simm.s32 @p1 $0x1;
	p0 =	seq.s32 s7, s2  }
0x1e: {  	s7 =	smul.u32 @!p0 $0xF7A, s2;
	p2 =	seq.s32 @!p0 s5, $0x0  }
0x1f: {  	s9 =	smul.u32 $0xF7A, s1;
	s8 =	simm.s32 @!p0 $0x1BF5;
	p2 =	por !p2, p0  }
0x20: {  	[sflag:s8] =	ssyncset.s32 @!p0 $0xFFFFF086;
	s6 =	sadd.s32 @!p0 s3, s7;
	s7 =	simm.s32 @!p0 $0x108  }
0x21: {  	s3 =	sadd.s32 s3, s9;
	s6 =	sadd.s32 @!p0 $0x88, s6;
	s7 =	simm.s32 @p2 $0x1082  }
0x22: {  	[simem:s7], [sflag:s8] =	dma.local @!p0 [hbm:s6], $0xF7A  }
0x23: {  	s9 =	sor.u32 $0xD0000000, s2;
	s6 =	simm.s32 $0x108;
	_ =	swait.ge @!p0 [sflag:s8], $0x0  }
0x24: {  	s3 =	sadd.s32 $0x88, s3;
	s6 =	simm.s32 @!p1 $0x1082;
	[sflag:s4] =	ssyncset.s32 $0xFFFFF086  }
0x25: {  	[simem:s6], [sflag:s4] =	dma.local [hbm:s3], $0xF7A  }
0x26: {  	[smem:$0x3F92] =	sst s1;
	(tag) =	ssettag s2;
	_ =	strace s9  }
0x27: {  	s1 =	sld [smem:$0x3FA2]  }
0x28: {  	s2 =	sld [smem:$0x3FA3]  }
0x29: {  	s4 =	sld [smem:$0x3FA5]  }
0x2a: {  	p0 =	seq.s32 s5, $0x0;
	s5 =	sld [smem:$0x3FA6]  }
0x2b: {  	s6 =	sld [smem:$0x3FA7]  }
0x2c: {  	s7 =	sld [smem:$0x3FA8]  }
0x2d: {  	s3 =	simm.s32 $0x108;
	s8 =	sld [smem:$0x3FA9]  }
0x2e: {  	s3 =	simm.s32 @!p0 $0x1082;
	s9 =	sld [smem:$0x3FAA]  }
0x2f: {  	lr =	sadd.s32 s0, s3;
	s0 =	sld [smem:$0x3FA1]  }
0x30: {  	s3 =	sld [smem:$0x3FA4]  }
0x31: {  	[smem:$0x3FAD] =	sst s10  }
0x32: {  	s10 =	sld [smem:$0x3FAB];
	_ =	sdelay $0x3  }
0x33: {  	p0 =	seq.s32 s10, $0x1;
	s10 =	sld [smem:$0x3FAD];
	_ =	sdelay $0x3  }
0x34: {  	[smem:$0x3FAD] =	sst s10  }
0x35: {  	s10 =	sld [smem:$0x3FAC];
	_ =	sdelay $0x3  }
0x36: {  	p1 =	seq.s32 s10, $0x1;
	s10 =	sld [smem:$0x3FAD];
	_ =	sdelay $0x3  }
0x37: {  	[smem:$0x3FAD] =	sst s10  }
0x38: {  	s10 =	sld [smem:$0x3FAE]  }
0x39: {  	_ = 	snop;
	(pc) =	sbr.ind lr, $3  }
0x3a: {  	_ = 	snop  }
0x3b: {  	_ = 	snop  }
0x3c: {  	p2 =	seq.s32 s10, $0x1;
	s10 =	sld [smem:$0x3FAD]  }
0x3d: {  	_ =	shalt  }
0x3e: {  	_ =	shalt  }
0x3f: {  	_ =	shalt  }
0x40: {  	_ =	shalt  }
0x41: {  	_ =	shalt  }
0x42: {  	_ =	shalt  }
0x43: {  	_ =	shalt  }
0x44: {  	_ =	shalt  }
0x45: {  	_ =	shalt  }
0x46: {  	_ =	shalt  }
0x47: {  	_ =	shalt  }
0x48: {  	_ =	shalt  }
0x49: {  	_ =	shalt  }
0x4a: {  	_ =	shalt  }
0x4b: {  	_ =	shalt  }
0x4c: {  	_ =	shalt  }
0x4d: {  	_ =	shalt  }
0x4e: {  	_ =	shalt  }
0x4f: {  	_ =	shalt  }
0x50: {  	_ =	shalt  }
0x51: {  	_ =	shalt  }
0x52: {  	_ =	shalt  }
0x53: {  	_ =	shalt  }
0x54: {  	_ =	shalt  }
0x55: {  	_ =	shalt  }
0x56: {  	_ =	shalt  }
0x57: {  	_ =	shalt  }
0x58: {  	_ =	shalt  }
0x59: {  	_ =	shalt  }
0x5a: {  	_ =	shalt  }
0x5b: {  	_ =	shalt  }
0x5c: {  	_ =	shalt  }
0x5d: {  	_ =	shalt  }
0x5e: {  	_ =	shalt  }
0x5f: {  	_ =	shalt  }
0x60: {  	_ =	shalt  }
0x61: {  	_ =	shalt  }
0x62: {  	_ =	shalt  }
0x63: {  	_ =	shalt  }
0x64: {  	_ =	shalt  }
0x65: {  	_ =	shalt  }
0x66: {  	_ =	shalt  }
0x67: {  	_ =	shalt  }
0x68: {  	_ =	shalt  }
0x69: {  	_ =	shalt  }
0x6a: {  	_ =	shalt  }
0x6b: {  	_ =	shalt  }
0x6c: {  	_ =	shalt  }
0x6d: {  	_ =	shalt  }
0x6e: {  	_ =	shalt  }
0x6f: {  	_ =	shalt  }
0x70: {  	_ =	shalt  }
0x71: {  	_ =	shalt  }
0x72: {  	_ =	shalt  }
0x73: {  	_ =	shalt  }
0x74: {  	_ =	shalt  }
0x75: {  	_ =	shalt  }
0x76: {  	_ =	shalt  }
0x77: {  	_ =	shalt  }
0x78: {  	_ =	shalt  }
0x79: {  	_ =	shalt  }
0x7a: {  	_ =	shalt  }
0x7b: {  	_ =	shalt  }
0x7c: {  	_ =	shalt  }
0x7d: {  	_ =	shalt  }
0x7e: {  	_ =	shalt  }
0x7f: {  	_ =	shalt  }
0x80: {  	_ =	shalt  }
0x81: {  	_ =	shalt  }
0x82: {  	_ =	shalt  }
0x83: {  	_ =	shalt  }
0x84: {  	_ =	shalt  }
0x85: {  	_ =	shalt  }
0x86: {  	_ =	shalt  }
0x87: {  	_ =	shalt  }
.Lfunc_end0:
.L_simem_size_0:
called_computation.1_lowered:
.L_overlay_start_0:
0x88: {  	s2 =	sld [smem:$0x3FD9]  }
0x89: {  	s3 =	sld [smem:$0x3FFE];
	_ =	sdelay $0x1  }
0x8a: {  	s1 =	srdreg.scid  }
0x8b: {  	s0 =	sand.u32 $0x1, s1  }
0x8c: {  	s14 =	sshll.u32 s0, $0xA;
	s2 =	sadd.s32 s3, s2  }
0x8d: {  	s2 =	sadd.s32 s2, s14  }
0x8e: {  	[smem:$0x3FB9] =	sst s2  }
0x8f: {  	_ = 	snop  }
0x90: {  	s2 =	sld [smem:$0x3FD0];
	_ =	sdelay $0x2  }
0x91: {  	s15 =	simm.s32 $0xA;
	s4 =	simm.s32 $0x10  }
0x92: {  	[smem:s4], [sflag:s15] =	dma.local [hbm:s2], $0x1  }
0x93: {  	_ =	swait.eq [sflag:s15], $0x1  }
0x94: {  	[sflag:s15] =	ssyncset.done $0x0  }
0x95: {  	[sflag:s15] =	ssyncadd.s32 $0xFFFFFFFF  }
0x96: {  	s16 =	sld [smem:$0x10];
	(tm) =	ssettm $0x1  }
0x97: {  	s17 =	sld [smem:$0x3FFB];
	_ =	sdelay $0x3  }
0x98: {  	_ =	strace s17  }
0x99: {  	s3 =	sld [smem:$0x3FFC];
	_ =	sdelay $0x3  }
0x9a: {  	_ =	strace s3  }
0x9b: {  	s3 =	sld [smem:$0x3FFD];
	_ =	sdelay $0x3  }
0x9c: {  	_ =	strace s3  }
0x9d: {  	_ =	strace $0x8FFFFFFF  }
0x9e: {  	s18 =	sld [smem:$0x3FDB];
	_ =	sdelay $0x1  }
0x9f: {  	s19 =	simm.s32 $_scs_section_size  }
0xa0: {  	s5 =	simm.s32 $_size__tile_overlayer_lowered;
	s6 =	simm.s32 $_tile_overlayer_lowered  }
0xa1: {  	s22 =	simm.s32 $0x1BFF;
	s21 =	sshll.u32 s6, $0x1;
	s3 =	sadd.s32 s19, s18  }
0xa2: {  	s7 =	simm.s32 $0x0;
	s20 =	sshll.u32 s5, $0x1;
	s5 =	sadd.s32 s21, s3  }
0xa3: {  	[timem:s7], [sflag:s22] =	dma.local [hbm:s5], s20  }
0xa4: {  	_ =	swait.ge [sflag:s22], s20  }
0xa5: {  	s4 =	ssub.s32 $0x0, s20;
	[sflag:s22] =	ssyncset.done $0x0  }
0xa6: {  	[sflag:s22] =	ssyncadd.s32 s4;
	_ =	sdelay $0x1  }
0xa7: {  	s23 =	simm.s32 $0x1B8B  }
0xa8: {  	_ =	swait.ge [sflag:s23], $0x1  }
0xa9: {  	[sflag:s23] =	ssyncset.done $0x0  }
0xaa: {  	s25 =	simm.s32 $0x1B8E;
	s24 =	sld [smem:$0x3FFE];
	[sflag:s23] =	ssyncadd.s32 $0xFFFFFFFF  }
0xab: {  	s26 =	simm.s32 $execute0_lowered;
	[smem:$0x3FD2] =	sst s25  }
0xac: {  	s5 =	sshll.u32 s26, $0x1;
	_ =	strace $0x80000049;
	[dreg:$0x1] =	wrdreg $0xFFFFFFFF  }
0xad: {  	s28 =	simm.s32 $_size_execute0_lowered;
	s3 =	sadd.s32 s3, s5;
	[dreg:$0x0] =	wrdreg $0x0  }
0xae: {  	s5 =	sshll.u32 s28, $0x1;
	[dreg:$0x2] =	wrdreg s3  }
0xaf: {  	[dreg:$0x3] =	wrdreg s5  }
0xb0: {  	[dreg:$0x4] =	wrdreg $0xC0  }
0xb1: {  	_ =	task [dreg:s7], $0x5FFFF  }
0xb2: {  	[dreg:$0x1] =	wrdreg $0xFFFFFFFF  }
0xb3: {  	[dreg:$0x0] =	wrdreg $0x60  }
0xb4: {  	[dreg:$0x2] =	wrdreg s16  }
0xb5: {  	[dreg:$0x3] =	wrdreg s24  }
0xb6: {  	[dreg:$0x4] =	wrdreg $0x0  }
0xb7: {  	[dreg:$0x5] =	wrdreg $0x9  }
0xb8: {  	_ =	task.clear_ibuf [dreg:s7], $0x6FFFF;
	_ =	strace $0x90000049  }
0xb9: {  	s29 =	simm.s32 $0x9;
	_ =	strace $0x8000004B  }
0xba: {  	_ =	swait.ge [sflag:s29], $0x1  }
0xbb: {  	[sflag:s29] =	ssyncadd.s32 $0xFFFFFFFF  }
0xbc: {  	_ =	strace $0x9000004B  }
0xbd: {  	_ =	sfence  }
0xbe: {  	s30 =	sld [smem:$0x0];
	_ =	sdelay $0x2  }
0xbf: {  	s31 =	sshll.u32 s1, $0xD;
	s1 =	sshrl.u32 s1, $0x2  }
0xc0: {  	s3 =	sand.u32 $0x4000, s31;
	s1 =	sadd.s32 s1, s30  }
0xc1: {  	s0 =	sor.u32 s3, s0;
	s1 =	sshll.u32 s1, $0x11  }
0xc2: {  	s0 =	sor.u32 s1, s0  }
0xc3: {  	s0 =	sadd.s32 $0x8F2B, s0  }
0xc4: {  	[sflag:s0] =	ssyncadd.remote.s32 $0x1  }
0xc5: {  	_ =	sfence.sel $0xFFFF  }
0xc6: {  	[dreg:$0x0] =	wrdreg $0xFFFFFFFF;
	(pc) =	sbr.abs _section_cstart, $3  }
0xc7: {  	[dreg:$0x1] =	wrdreg $0xFFFFFFFF  }
0xc8: {  	_ =	task.clear_ibuf [dreg:s7], $0x2FFFF;
	_ =	strace $0x9FFFFFFF  }
0xc9: {  	(tm) =	ssettm $0x7FFFFFFF  }
tec
execute0_lowered:
.L_overlay_start_1:
0x0: {  	(tag) =	ssettag $0x1  }
0x1: {  	s1 =	rddreg [dreg:$0x0]  }
0x2: {  	s0 =	srdreg.scid;
	s2 =	rddreg [dreg:$0x1]  }
0x3: {  	s10 =	stileid.u32;
	s3 =	rddreg [dreg:$0x2];
	s5 =	simm.s32 $0x0  }
0x4: {  	s21 =	simm.s32 $0x50;
	s17 =	simm.s32 $0x11;
	s22 =	simm.s32 $0x12  }
0x5: {  	s16 =	simm.s32 $0x14;
	s19 =	simm.s32 $0xD;
	s20 =	simm.s32 $0x9  }
0x6: {  	s18 =	simm.s32 $0xA;
	s0 =	sand.u32 $0x1, s0;
	s4 =	sshll.u32 s10, $0x1  }
0x7: {  	[smem:$0x7FF] =	sst s5;
	s23 =	smul.u32 $0x4E00, s10;
	s11 =	sadd.s32 $0x21000, s2  }
0x8: {  	s12 =	sadd.s32 $0x2AE00, s2;
	s24 =	sshll.u32 s10, $0x6;
	p1 =	sne.s32 s10, $0xF  }
0x9: {  	p2 =	seq.s32 s10, $0xF;
	s4 =	sor.u32 s0, s4;
	_ =	strace $0x8000004A  }
0xa: {  	s7 =	ssub.s32 $0x2, s0;
	s13 =	sor.u32 $0x1C15, s24;
	[dreg:$0x4] =	wrdreg s11  }
0xb: {  	p0 =	seq.s32 s0, $0x1;
	[dreg:$0x5] =	wrdreg s12;
	s24 =	simm.s32 $0x13  }
0xc: {  	s4 =	smul.u32 $0x4E2, s4;
	s6 =	sshrl.u32 s23, $0x3;
	s9 =	sshrl.u32 s7, $0x1  }
0xd: {  	s5 =	sadd.s32 s23, s3;
	[dreg:$0x7] =	wrdreg s13;
	s8 =	sadd.s32 s6, s2  }
0xe: {  	s7 =	ssub.s32 s7, s9;
	s28 =	sadd.s32 s11, s6;
	s29 =	sadd.s32 s12, s6  }
0xf: {  	s31 =	sshrl.u32 s5, $0x3;
	s5 =	simm.s32 $0x4;
	[dreg:$0xc] =	wrdreg s28  }
0x10: {  	s9 =	simm.s32 $0x5;
	s6 =	simm.s32 $0x0;
	[dreg:$0xd] =	wrdreg s29  }
0x11: {  	s11 =	simm.s32 $0xC;
	s8 =	sadd.s32 $0x17200, s8;
	[dreg:$0xf] =	wrdreg s31  }
0x12: {  	s4 =	sadd.s32 s4, s2;
	s2 =	sadd.s32 $0x20E00, s2;
	[dreg:$0x6] =	wrdreg s8  }
0x13: {  	s12 =	simm.s32 $0x8;
	s30 =	smax.u32 s7, $0x1;
	[dreg:$0x9] =	wrdreg s2  }
.Ltmp0:
0x14: {  	s25 =	sadd.s32 $0xD400, s4;
	[dreg:$0xe] =	wrdreg s30;
	(pc) =	sbr.rel .LBB2_1-.Ltmp0, $4  }
0x15: {  	s8 =	sadd.s32 $0x4E000, s3;
	s26 =	sadd.s32 $0x3600, s4;
	[dreg:$0xa] =	wrdreg s25  }
0x16: {  	s2 =	simm.s32 $0x1;
	s4 =	simm.s32 $0xB;
	[dreg:$0xb] =	wrdreg s26  }
0x17: {  	[dreg:$0x8] =	wrdreg s8;
	s0 =	sshrl.u32 @!p1 s8, $0x3;
	s25 =	simm.s32 $0x2  }
0x18: {  	s8 =	simm.s32 $0x10;
	[dreg:$0x10] =	wrdreg s0;
	s0 =	simm.s32 $0x3  }
.LBB2_6:
0x19: {  	s29 =	rddreg [dreg:$0x8]  }
0x1a: {  	s26 =	sadd.s32 $0x9C00, s26;
	s31 =	simm.s32 $0x15;
	s29 =	sshrl.u32 s29, $0x3  }
0x1b: {  	[hbm:s26], [sflag:s13] =	dma.local [spmem:s29], $0x40  }
0x1c: {  	_ =	swait.ge [sflag:s31], $0x40  }
0x1d: {  	[sflag:s31] =	ssyncset.done $0x0  }
0x1e: {  	[sflag:s31] =	ssyncadd.s32 $0xFFFFFFC0  }
.LBB2_7:
0x1f: {  	s6 =	sadd.s32 $0x1, s6;
	s26 =	rddreg [dreg:$0xe]  }
0x20: {  	p3 =	sne.s32 s6, s26  }
.Ltmp1:
0x21: {  	_ = 	snop;
	(pc) =	sbr.rel @!p3 .LBB2_8-.Ltmp1, $1  }
0x22: {  	_ =	sdelay $0x3  }
.LBB2_1:
0x23: {  	[dreg:$0x11] =	wrdreg s6  }
0x24: {  	s26 =	rddreg [dreg:$0x6]  }
0x25: {  	s29 =	rddreg [dreg:$0xf];
	s31 =	simm.s32 $0x15  }
0x26: {  	[spmem:s29], [sflag:s13] =	dma.local [hbm:s26], $0x9C0  }
0x27: {  	_ =	swait.ge [sflag:s31], $0x9C0  }
0x28: {  	[sflag:s31] =	ssyncset.done $0x0;
	s26 =	rddreg [dreg:$0x9]  }
0x29: {  	s29 =	rddreg [dreg:$0x10];
	[sflag:s31] =	ssyncadd.s32 $0xFFFFF640  }
0x2a: {  	[spmem:s29], [sflag:s13] =	dma.local @!p1 [hbm:s26], $0x40  }
0x2b: {  	s26 =	simm.s32 @!p1 $0x15  }
0x2c: {  	_ =	swait.ge @!p1 [sflag:s26], $0x40  }
0x2d: {  	s14 =	simm.s32 $0x4E20;
	[sflag:s26] =	ssyncset.done @!p1 $0x0  }
0x2e: {  	s13 =	simm.s32 $0x0;
	s29 =	rddreg [dreg:$0xa];
	[sflag:s26] =	ssyncadd.s32 @!p1 $0xFFFFFFC0  }
0x2f: {  	[tilespmem:s14], [sflag:$0x15] =	stream.linear.gather [hbm4b:s29+s13], $0x2710, $0x38;
	[tilespmem:$0x10040] =	vst v63  }
0x30: {  	_ =	swait.ge [sflag:s31], $0x2710  }
0x31: {  	[sflag:s31] =	ssyncset.done $0x0  }
0x32: {  	s7 =	simm.s32 $0x7530;
	s29 =	rddreg [dreg:$0xb];
	[sflag:s31] =	ssyncadd.s32 $0xFFFFD8F0  }
0x33: {  	[tilespmem:s7], [sflag:$0x15] =	stream.linear.gather [hbm4b:s29+s13], $0x2710, $0x38;
	[tilespmem:$0x10040] =	vst v63  }
0x34: {  	_ =	swait.ge [sflag:s31], $0x2710  }
0x35: {  	[sflag:s31] =	ssyncset.done $0x0  }
0x36: {  	[sflag:s31] =	ssyncadd.s32 $0xFFFFD8F0  }
0x37: {  	s28 =	simm.s32 $0x9C40;
	[bflag:$0x0] =	sbarrier.arrive $0xFFFF  }
0x38: {  	[tilespmem:s28], [sflag:$0x1] =	stream.indirect.gather [hbm4b:s1+s21], $0x20, s14, s21, $0xb8;
	[tilespmem:$0x10040] =	vst v63  }
0x39: {  	s23 =	simm.s32 $0xA640;
	s14 =	simm.s32 $0x4E70  }
0x3a: {  	[tilespmem:s23], [sflag:$0x2] =	stream.indirect.gather [hbm4b:s1+s21], $0x20, s14, s21, $0xb8;
	[tilespmem:$0x10040] =	vst v63  }
0x3b: {  	s13 =	simm.s32 $0x4EC0;
	s14 =	simm.s32 $0xB040  }
0x3c: {  	[tilespmem:s14], [sflag:$0x3] =	stream.indirect.gather [hbm4b:s1+s21], $0x20, s13, s21, $0xb8;
	[tilespmem:$0x10040] =	vst v63  }
0x3d: {  	s30 =	simm.s32 $0xBA40;
	s13 =	simm.s32 $0x4F10  }
0x3e: {  	[tilespmem:s30], [sflag:$0x4] =	stream.indirect.gather [hbm4b:s1+s21], $0x20, s13, s21, $0xb8;
	[tilespmem:$0x10040] =	vst v63  }
0x3f: {  	s29 =	simm.s32 $0xC440;
	s13 =	simm.s32 $0x4F60  }
0x40: {  	[tilespmem:s29], [sflag:$0x5] =	stream.indirect.gather [hbm4b:s1+s21], $0x20, s13, s21, $0xb8;
	[tilespmem:$0x10040] =	vst v63  }
0x41: {  	_ =	swait.ge [sflag:s2], $0xA00  }
0x42: {  	[sflag:s2] =	ssyncset.done $0x0  }
0x43: {  	[sflag:s2] =	ssyncadd.s32 $0xFFFFF600  }
0x44: {  	[spmem:s3] =	stream.indirect.scatter.add.f32 [tilespmem:s28], [sflag:$0xB], $0x20, s7, s21, $0xb8;
	[tilespmem:$0x10040] =	vst v63  }
0x45: {  	s13 =	simm.s32 $0xCE40;
	s7 =	simm.s32 $0x4FB0  }
0x46: {  	[tilespmem:s13], [sflag:$0x6] =	stream.indirect.gather [hbm4b:s1+s21], $0x20, s7, s21, $0xb8;
	[tilespmem:$0x10040] =	vst v63  }
0x47: {  	_ =	swait.ge [sflag:s25], $0xA00  }
0x48: {  	[sflag:s25] =	ssyncset.done $0x0  }
0x49: {  	s7 =	simm.s32 $0x7580;
	[sflag:s25] =	ssyncadd.s32 $0xFFFFF600  }
0x4a: {  	[spmem:s3] =	stream.indirect.scatter.add.f32 [tilespmem:s23], [sflag:$0xC], $0x20, s7, s21, $0xb8;
	[tilespmem:$0x10040] =	vst v63  }
0x4b: {  	s6 =	simm.s32 $0xD840;
	s7 =	simm.s32 $0x5000  }
0x4c: {  	[tilespmem:s6], [sflag:$0x7] =	stream.indirect.gather [hbm4b:s1+s21], $0x20, s7, s21, $0xb8;
	[tilespmem:$0x10040] =	vst v63  }
0x4d: {  	_ =	swait.ge [sflag:s0], $0xA00  }
0x4e: {  	[sflag:s0] =	ssyncset.done $0x0  }
0x4f: {  	s6 =	simm.s32 $0x75D0;
	[sflag:s0] =	ssyncadd.s32 $0xFFFFF600  }
0x50: {  	[spmem:s3] =	stream.indirect.scatter.add.f32 [tilespmem:s14], [sflag:$0xD], $0x20, s6, s21, $0xb8;
	[tilespmem:$0x10040] =	vst v63  }
0x51: {  	s14 =	simm.s32 $0x5050;
	s6 =	simm.s32 $0xE240  }
0x52: {  	[tilespmem:s6], [sflag:$0x8] =	stream.indirect.gather [hbm4b:s1+s21], $0x20, s14, s21, $0xb8;
	[tilespmem:$0x10040] =	vst v63  }
0x53: {  	_ =	swait.ge [sflag:s5], $0xA00  }
0x54: {  	[sflag:s5] =	ssyncset.done $0x0  }
0x55: {  	s14 =	simm.s32 $0x7620;
	[sflag:s5] =	ssyncadd.s32 $0xFFFFF600  }
0x56: {  	[spmem:s3] =	stream.indirect.scatter.add.f32 [tilespmem:s30], [sflag:$0xE], $0x20, s14, s21, $0xb8;
	[tilespmem:$0x10040] =	vst v63  }
0x57: {  	s26 =	simm.s32 $0x50A0;
	s14 =	simm.s32 $0xEC40  }
0x58: {  	[tilespmem:s14], [sflag:$0x9] =	stream.indirect.gather [hbm4b:s1+s21], $0x20, s26, s21, $0xb8;
	[tilespmem:$0x10040] =	vst v63  }
0x59: {  	_ =	swait.ge [sflag:s9], $0xA00  }
0x5a: {  	[sflag:s9] =	ssyncset.done $0x0  }
0x5b: {  	s14 =	simm.s32 $0x7670;
	[sflag:s9] =	ssyncadd.s32 $0xFFFFF600  }
0x5c: {  	[spmem:s3] =	stream.indirect.scatter.add.f32 [tilespmem:s29], [sflag:$0xF], $0x20, s14, s21, $0xb8;
	[tilespmem:$0x10040] =	vst v63  }
0x5d: {  	s31 =	simm.s32 $0x6;
	s26 =	simm.s32 $0x50F0;
	s14 =	simm.s32 $0xF640  }
0x5e: {  	[tilespmem:s14], [sflag:$0xA] =	stream.indirect.gather [hbm4b:s1+s21], $0x20, s26, s21, $0xb8;
	[tilespmem:$0x10040] =	vst v63  }
0x5f: {  	_ =	swait.ge [sflag:s31], $0xA00  }
0x60: {  	[sflag:s31] =	ssyncset.done $0x0  }
0x61: {  	s26 =	simm.s32 $0x76C0;
	[sflag:s31] =	ssyncadd.s32 $0xFFFFF600  }
0x62: {  	[spmem:s3] =	stream.indirect.scatter.add.f32 [tilespmem:s13], [sflag:$0x10], $0x20, s26, s21, $0xb8;
	[tilespmem:$0x10040] =	vst v63  }
0x63: {  	_ =	swait.ge [sflag:s4], $0xA00  }
0x64: {  	[sflag:s4] =	ssyncset.done $0x0  }
0x65: {  	s10 =	simm.s32 $0x7;
	s26 =	simm.s32 $0x5140;
	[sflag:s4] =	ssyncadd.s32 $0xFFFFF600  }
0x66: {  	[tilespmem:s28], [sflag:$0x1] =	stream.indirect.gather [hbm4b:s1+s21], $0x20, s26, s21, $0xb8;
	[tilespmem:$0x10040] =	vst v63  }
0x67: {  	_ =	swait.ge [sflag:s10], $0xA00  }
0x68: {  	[sflag:s10] =	ssyncset.done $0x0  }
0x69: {  	s7 =	simm.s32 $0xD840;
	s26 =	simm.s32 $0x7710;
	[sflag:s10] =	ssyncadd.s32 $0xFFFFF600  }
0x6a: {  	[spmem:s3] =	stream.indirect.scatter.add.f32 [tilespmem:s7], [sflag:$0x11], $0x20, s26, s21, $0xb8;
	[tilespmem:$0x10040] =	vst v63  }
0x6b: {  	_ =	swait.ge [sflag:s11], $0xA00  }
0x6c: {  	[sflag:s11] =	ssyncset.done $0x0  }
0x6d: {  	s7 =	simm.s32 $0x5190;
	[sflag:s11] =	ssyncadd.s32 $0xFFFFF600  }
0x6e: {  	[tilespmem:s23], [sflag:$0x2] =	stream.indirect.gather [hbm4b:s1+s21], $0x20, s7, s21, $0xb8;
	[tilespmem:$0x10040] =	vst v63  }
0x6f: {  	_ =	swait.ge [sflag:s12], $0xA00  }
0x70: {  	[sflag:s12] =	ssyncset.done $0x0  }
0x71: {  	s7 =	simm.s32 $0x7760;
	[sflag:s12] =	ssyncadd.s32 $0xFFFFF600  }
0x72: {  	[spmem:s3] =	stream.indirect.scatter.add.f32 [tilespmem:s6], [sflag:$0x12], $0x20, s7, s21, $0xb8;
	[tilespmem:$0x10040] =	vst v63  }
0x73: {  	_ =	swait.ge [sflag:s19], $0xA00  }
0x74: {  	[sflag:s19] =	ssyncset.done $0x0  }
0x75: {  	s6 =	simm.s32 $0x51E0;
	s7 =	simm.s32 $0xB040;
	[sflag:s19] =	ssyncadd.s32 $0xFFFFF600  }
0x76: {  	[tilespmem:s7], [sflag:$0x3] =	stream.indirect.gather [hbm4b:s1+s21], $0x20, s6, s21, $0xb8;
	[tilespmem:$0x10040] =	vst v63  }
0x77: {  	_ =	swait.ge [sflag:s20], $0xA00  }
0x78: {  	s15 =	simm.s32 $0xE;
	[sflag:s20] =	ssyncset.done $0x0  }
0x79: {  	s30 =	simm.s32 $0xEC40;
	s7 =	simm.s32 $0x77B0;
	[sflag:s20] =	ssyncadd.s32 $0xFFFFF600  }
0x7a: {  	[spmem:s3] =	stream.indirect.scatter.add.f32 [tilespmem:s30], [sflag:$0x13], $0x20, s7, s21, $0xb8;
	[tilespmem:$0x10040] =	vst v63  }
0x7b: {  	_ =	swait.ge [sflag:s15], $0xA00  }
0x7c: {  	[sflag:s15] =	ssyncset.done $0x0  }
0x7d: {  	s7 =	simm.s32 $0x5230;
	[sflag:s15] =	ssyncadd.s32 $0xFFFFF600;
	s15 =	simm.s32 $0xBA40  }
0x7e: {  	[tilespmem:s15], [sflag:$0x4] =	stream.indirect.gather [hbm4b:s1+s21], $0x20, s7, s21, $0xb8;
	[tilespmem:$0x10040] =	vst v63  }
0x7f: {  	_ =	swait.ge [sflag:s18], $0xA00  }
0x80: {  	[sflag:s18] =	ssyncset.done $0x0  }
0x81: {  	s26 =	simm.s32 $0xF;
	s15 =	simm.s32 $0x7800;
	[sflag:s18] =	ssyncadd.s32 $0xFFFFF600  }
0x82: {  	[spmem:s3] =	stream.indirect.scatter.add.f32 [tilespmem:s14], [sflag:$0x14], $0x20, s15, s21, $0xb8;
	[tilespmem:$0x10040] =	vst v63  }
0x83: {  	_ =	swait.ge [sflag:s26], $0xA00  }
0x84: {  	[sflag:s26] =	ssyncset.done $0x0  }
0x85: {  	s29 =	simm.s32 $0xC440;
	s15 =	simm.s32 $0x5280;
	[sflag:s26] =	ssyncadd.s32 $0xFFFFF600  }
0x86: {  	[tilespmem:s29], [sflag:$0x5] =	stream.indirect.gather [hbm4b:s1+s21], $0x20, s15, s21, $0xb8;
	[tilespmem:$0x10040] =	vst v63  }
0x87: {  	_ =	swait.ge [sflag:s2], $0xA00  }
0x88: {  	[sflag:s2] =	ssyncset.done $0x0  }
0x89: {  	[sflag:s2] =	ssyncadd.s32 $0xFFFFF600;
	s2 =	simm.s32 $0x7850  }
0x8a: {  	[spmem:s3] =	stream.indirect.scatter.add.f32 [tilespmem:s28], [sflag:$0xB], $0x20, s2, s21, $0xb8;
	[tilespmem:$0x10040] =	vst v63  }
0x8b: {  	_ =	swait.ge [sflag:s8], $0xA00  }
0x8c: {  	[sflag:s8] =	ssyncset.done $0x0  }
0x8d: {  	s13 =	simm.s32 $0xCE40;
	s14 =	simm.s32 $0x52D0;
	[sflag:s8] =	ssyncadd.s32 $0xFFFFF600  }
0x8e: {  	[tilespmem:s13], [sflag:$0x6] =	stream.indirect.gather [hbm4b:s1+s21], $0x20, s14, s21, $0xb8;
	[tilespmem:$0x10040] =	vst v63  }
0x8f: {  	_ =	swait.ge [sflag:s25], $0xA00  }
0x90: {  	[sflag:s25] =	ssyncset.done $0x0  }
0x91: {  	s15 =	simm.s32 $0x78A0;
	[sflag:s25] =	ssyncadd.s32 $0xFFFFF600  }
0x92: {  	[spmem:s3] =	stream.indirect.scatter.add.f32 [tilespmem:s23], [sflag:$0xC], $0x20, s15, s21, $0xb8;
	[tilespmem:$0x10040] =	vst v63  }
0x93: {  	_ =	swait.ge [sflag:s17], $0xA00  }
0x94: {  	[sflag:s17] =	ssyncset.done $0x0  }
0x95: {  	s28 =	simm.s32 $0xD840;
	s25 =	simm.s32 $0x5320;
	[sflag:s17] =	ssyncadd.s32 $0xFFFFF600  }
0x96: {  	[tilespmem:s28], [sflag:$0x7] =	stream.indirect.gather [hbm4b:s1+s21], $0x20, s25, s21, $0xb8;
	[tilespmem:$0x10040] =	vst v63  }
0x97: {  	_ =	swait.ge [sflag:s0], $0xA00  }
0x98: {  	[sflag:s0] =	ssyncset.done $0x0  }
0x99: {  	s6 =	simm.s32 $0xB040;
	s13 =	simm.s32 $0x78F0;
	[sflag:s0] =	ssyncadd.s32 $0xFFFFF600  }
0x9a: {  	[spmem:s3] =	stream.indirect.scatter.add.f32 [tilespmem:s6], [sflag:$0xD], $0x20, s13, s21, $0xb8;
	[tilespmem:$0x10040] =	vst v63  }
0x9b: {  	_ =	swait.ge [sflag:s22], $0xA00  }
0x9c: {  	[sflag:s22] =	ssyncset.done $0x0  }
0x9d: {  	s14 =	simm.s32 $0x5370;
	s15 =	simm.s32 $0xE240;
	[sflag:s22] =	ssyncadd.s32 $0xFFFFF600  }
0x9e: {  	[tilespmem:s15], [sflag:$0x8] =	stream.indirect.gather [hbm4b:s1+s21], $0x20, s14, s21, $0xb8;
	[tilespmem:$0x10040] =	vst v63  }
0x9f: {  	_ =	swait.ge [sflag:s5], $0xA00  }
0xa0: {  	[sflag:s5] =	ssyncset.done $0x0  }
0xa1: {  	s7 =	simm.s32 $0xBA40;
	s23 =	simm.s32 $0x7940;
	[sflag:s5] =	ssyncadd.s32 $0xFFFFF600  }
0xa2: {  	[spmem:s3] =	stream.indirect.scatter.add.f32 [tilespmem:s7], [sflag:$0xE], $0x20, s23, s21, $0xb8;
	[tilespmem:$0x10040] =	vst v63  }
0xa3: {  	_ =	swait.ge [sflag:s24], $0xA00  }
0xa4: {  	[sflag:s24] =	ssyncset.done $0x0  }
0xa5: {  	s30 =	simm.s32 $0xEC40;
	s25 =	simm.s32 $0x53C0;
	[sflag:s24] =	ssyncadd.s32 $0xFFFFF600  }
0xa6: {  	[tilespmem:s30], [sflag:$0x9] =	stream.indirect.gather [hbm4b:s1+s21], $0x20, s25, s21, $0xb8;
	[tilespmem:$0x10040] =	vst v63  }
0xa7: {  	_ =	swait.ge [sflag:s9], $0xA00  }
0xa8: {  	[sflag:s9] =	ssyncset.done $0x0  }
0xa9: {  	s26 =	simm.s32 $0xC80;
	s28 =	simm.s32 $0x7990;
	[sflag:s9] =	ssyncadd.s32 $0xFFFFF600  }
0xaa: {  	[spmem:s3] =	stream.indirect.scatter.add.f32 [tilespmem:s29], [sflag:$0xF], $0x20, s28, s21, $0xb8;
	[tilespmem:$0x10040] =	vst v63  }
0xab: {  	s0 =	simm.s32 $0x3;
	s5 =	simm.s32 $0x4;
	_ =	swait.ge [sflag:s16], $0xA00  }
0xac: {  	s30 =	simm.s32 $0x2;
	s25 =	simm.s32 $0x1;
	[sflag:s16] =	ssyncset.done $0x0  }
0xad: {  	s9 =	simm.s32 $0x5;
	s29 =	simm.s32 $0x5410;
	[sflag:s16] =	ssyncadd.s32 $0xFFFFF600  }
.LBB2_2:
0xae: {  	s23 =	simm.s32 $0xF640  }
0xaf: {  	[tilespmem:s23], [sflag:$0xA] =	stream.indirect.gather [hbm4b:s1+s21], $0x20, s29, s21, $0xb8;
	[tilespmem:$0x10040] =	vst v63  }
0xb0: {  	s29 =	smov.u32 s26  }
0xb1: {  	p3 =	sne.s32 s26, $0x7D00;
	s26 =	sadd.s32 $0xC80, s26;
	_ =	swait.ge [sflag:s31], $0xA00  }
0xb2: {  	s29 =	sshra.s32 s29, $0x2;
	[sflag:s31] =	ssyncset.done $0x0  }
0xb3: {  	s15 =	simm.s32 $0xCE40;
	[sflag:s31] =	ssyncadd.s32 $0xFFFFF600;
	s31 =	sadd.s32 $0x76C0, s29  }
0xb4: {  	[spmem:s3] =	stream.indirect.scatter.add.f32 [tilespmem:s15], [sflag:$0x10], $0x20, s31, s21, $0xb8;
	[tilespmem:$0x10040] =	vst v63  }
0xb5: {  	_ =	swait.ge [sflag:s4], $0xA00  }
0xb6: {  	[sflag:s4] =	ssyncset.done $0x0  }
0xb7: {  	s6 =	simm.s32 $0x9C40;
	s31 =	sadd.s32 $0x5140, s29;
	[sflag:s4] =	ssyncadd.s32 $0xFFFFF600  }
0xb8: {  	[tilespmem:s6], [sflag:$0x1] =	stream.indirect.gather [hbm4b:s1+s21], $0x20, s31, s21, $0xb8;
	[tilespmem:$0x10040] =	vst v63  }
0xb9: {  	_ =	swait.ge [sflag:s10], $0xA00  }
0xba: {  	[sflag:s10] =	ssyncset.done $0x0  }
0xbb: {  	s7 =	simm.s32 $0xD840;
	s31 =	sadd.s32 $0x7710, s29;
	[sflag:s10] =	ssyncadd.s32 $0xFFFFF600  }
0xbc: {  	[spmem:s3] =	stream.indirect.scatter.add.f32 [tilespmem:s7], [sflag:$0x11], $0x20, s31, s21, $0xb8;
	[tilespmem:$0x10040] =	vst v63  }
0xbd: {  	_ =	swait.ge [sflag:s11], $0xA00  }
0xbe: {  	[sflag:s11] =	ssyncset.done $0x0  }
0xbf: {  	s28 =	simm.s32 $0xA640;
	s31 =	sadd.s32 $0x5190, s29;
	[sflag:s11] =	ssyncadd.s32 $0xFFFFF600  }
0xc0: {  	[tilespmem:s28], [sflag:$0x2] =	stream.indirect.gather [hbm4b:s1+s21], $0x20, s31, s21, $0xb8;
	[tilespmem:$0x10040] =	vst v63  }
0xc1: {  	_ =	swait.ge [sflag:s12], $0xA00  }
0xc2: {  	[sflag:s12] =	ssyncset.done $0x0  }
0xc3: {  	s4 =	simm.s32 $0xE240;
	s31 =	sadd.s32 $0x7760, s29;
	[sflag:s12] =	ssyncadd.s32 $0xFFFFF600  }
0xc4: {  	[spmem:s3] =	stream.indirect.scatter.add.f32 [tilespmem:s4], [sflag:$0x12], $0x20, s31, s21, $0xb8;
	[tilespmem:$0x10040] =	vst v63  }
0xc5: {  	_ =	swait.ge [sflag:s19], $0xA00  }
0xc6: {  	[sflag:s19] =	ssyncset.done $0x0  }
0xc7: {  	s13 =	simm.s32 $0xB040;
	s31 =	sadd.s32 $0x51E0, s29;
	[sflag:s19] =	ssyncadd.s32 $0xFFFFF600  }
0xc8: {  	[tilespmem:s13], [sflag:$0x3] =	stream.indirect.gather [hbm4b:s1+s21], $0x20, s31, s21, $0xb8;
	[tilespmem:$0x10040] =	vst v63  }
0xc9: {  	_ =	swait.ge [sflag:s20], $0xA00  }
0xca: {  	s2 =	simm.s32 $0xEC40;
	[sflag:s20] =	ssyncset.done $0x0  }
0xcb: {  	s14 =	simm.s32 $0xE;
	s31 =	sadd.s32 $0x77B0, s29;
	[sflag:s20] =	ssyncadd.s32 $0xFFFFF600  }
0xcc: {  	[spmem:s3] =	stream.indirect.scatter.add.f32 [tilespmem:s2], [sflag:$0x13], $0x20, s31, s21, $0xb8;
	[tilespmem:$0x10040] =	vst v63  }
0xcd: {  	_ =	swait.ge [sflag:s14], $0xA00  }
0xce: {  	[sflag:s14] =	ssyncset.done $0x0  }
0xcf: {  	s31 =	sadd.s32 $0x5230, s29;
	[sflag:s14] =	ssyncadd.s32 $0xFFFFF600;
	s14 =	simm.s32 $0xBA40  }
0xd0: {  	[tilespmem:s14], [sflag:$0x4] =	stream.indirect.gather [hbm4b:s1+s21], $0x20, s31, s21, $0xb8;
	[tilespmem:$0x10040] =	vst v63  }
0xd1: {  	_ =	swait.ge [sflag:s18], $0xA00  }
0xd2: {  	[sflag:s18] =	ssyncset.done $0x0  }
0xd3: {  	s31 =	sadd.s32 $0x7800, s29;
	[sflag:s18] =	ssyncadd.s32 $0xFFFFF600  }
0xd4: {  	[spmem:s3] =	stream.indirect.scatter.add.f32 [tilespmem:s23], [sflag:$0x14], $0x20, s31, s21, $0xb8;
	[tilespmem:$0x10040] =	vst v63  }
0xd5: {  	s23 =	simm.s32 $0xF  }
0xd6: {  	_ =	swait.ge [sflag:s23], $0xA00  }
0xd7: {  	[sflag:s23] =	ssyncset.done $0x0  }
0xd8: {  	s31 =	sadd.s32 $0x5280, s29;
	[sflag:s23] =	ssyncadd.s32 $0xFFFFF600;
	s23 =	simm.s32 $0xC440  }
0xd9: {  	[tilespmem:s23], [sflag:$0x5] =	stream.indirect.gather [hbm4b:s1+s21], $0x20, s31, s21, $0xb8;
	[tilespmem:$0x10040] =	vst v63  }
0xda: {  	_ =	swait.ge [sflag:s25], $0xA00  }
0xdb: {  	[sflag:s25] =	ssyncset.done $0x0  }
0xdc: {  	s31 =	sadd.s32 $0x7850, s29;
	[sflag:s25] =	ssyncadd.s32 $0xFFFFF600  }
0xdd: {  	[spmem:s3] =	stream.indirect.scatter.add.f32 [tilespmem:s6], [sflag:$0xB], $0x20, s31, s21, $0xb8;
	[tilespmem:$0x10040] =	vst v63  }
0xde: {  	_ =	swait.ge [sflag:s8], $0xA00  }
0xdf: {  	[sflag:s8] =	ssyncset.done $0x0  }
0xe0: {  	s31 =	sadd.s32 $0x52D0, s29;
	s6 =	simm.s32 $0xCE40;
	[sflag:s8] =	ssyncadd.s32 $0xFFFFF600  }
0xe1: {  	[tilespmem:s15], [sflag:$0x6] =	stream.indirect.gather [hbm4b:s1+s21], $0x20, s31, s21, $0xb8;
	[tilespmem:$0x10040] =	vst v63  }
0xe2: {  	_ =	swait.ge [sflag:s30], $0xA00  }
0xe3: {  	[sflag:s30] =	ssyncset.done $0x0  }
0xe4: {  	s31 =	sadd.s32 $0x78A0, s29;
	[sflag:s30] =	ssyncadd.s32 $0xFFFFF600  }
0xe5: {  	[spmem:s3] =	stream.indirect.scatter.add.f32 [tilespmem:s28], [sflag:$0xC], $0x20, s31, s21, $0xb8;
	[tilespmem:$0x10040] =	vst v63  }
0xe6: {  	_ =	swait.ge [sflag:s17], $0xA00  }
0xe7: {  	[sflag:s17] =	ssyncset.done $0x0  }
0xe8: {  	s31 =	sadd.s32 $0x5320, s29;
	s28 =	simm.s32 $0xD840;
	[sflag:s17] =	ssyncadd.s32 $0xFFFFF600  }
0xe9: {  	[tilespmem:s7], [sflag:$0x7] =	stream.indirect.gather [hbm4b:s1+s21], $0x20, s31, s21, $0xb8;
	[tilespmem:$0x10040] =	vst v63  }
0xea: {  	_ =	swait.ge [sflag:s0], $0xA00  }
0xeb: {  	[sflag:s0] =	ssyncset.done $0x0  }
0xec: {  	s31 =	sadd.s32 $0x78F0, s29;
	[sflag:s0] =	ssyncadd.s32 $0xFFFFF600  }
0xed: {  	[spmem:s3] =	stream.indirect.scatter.add.f32 [tilespmem:s13], [sflag:$0xD], $0x20, s31, s21, $0xb8;
	[tilespmem:$0x10040] =	vst v63  }
0xee: {  	_ =	swait.ge [sflag:s22], $0xA00  }
0xef: {  	[sflag:s22] =	ssyncset.done $0x0  }
0xf0: {  	s31 =	sadd.s32 $0x5370, s29;
	[sflag:s22] =	ssyncadd.s32 $0xFFFFF600  }
0xf1: {  	[tilespmem:s4], [sflag:$0x8] =	stream.indirect.gather [hbm4b:s1+s21], $0x20, s31, s21, $0xb8;
	[tilespmem:$0x10040] =	vst v63  }
0xf2: {  	s13 =	simm.s32 $0xE240;
	s4 =	simm.s32 $0xB  }
0xf3: {  	_ =	swait.ge [sflag:s5], $0xA00  }
0xf4: {  	[sflag:s5] =	ssyncset.done $0x0  }
0xf5: {  	s31 =	sadd.s32 $0x7940, s29;
	[sflag:s5] =	ssyncadd.s32 $0xFFFFF600  }
0xf6: {  	[spmem:s3] =	stream.indirect.scatter.add.f32 [tilespmem:s14], [sflag:$0xE], $0x20, s31, s21, $0xb8;
	[tilespmem:$0x10040] =	vst v63  }
0xf7: {  	_ =	swait.ge [sflag:s24], $0xA00  }
0xf8: {  	[sflag:s24] =	ssyncset.done $0x0  }
0xf9: {  	s31 =	sadd.s32 $0x53C0, s29;
	s14 =	simm.s32 $0xEC40;
	[sflag:s24] =	ssyncadd.s32 $0xFFFFF600  }
0xfa: {  	[tilespmem:s2], [sflag:$0x9] =	stream.indirect.gather [hbm4b:s1+s21], $0x20, s31, s21, $0xb8;
	[tilespmem:$0x10040] =	vst v63  }
0xfb: {  	_ =	swait.ge [sflag:s9], $0xA00  }
0xfc: {  	[sflag:s9] =	ssyncset.done $0x0  }
0xfd: {  	s31 =	sadd.s32 $0x7990, s29;
	[sflag:s9] =	ssyncadd.s32 $0xFFFFF600  }
0xfe: {  	[spmem:s3] =	stream.indirect.scatter.add.f32 [tilespmem:s23], [sflag:$0xF], $0x20, s31, s21, $0xb8;
	[tilespmem:$0x10040] =	vst v63  }
.Ltmp2:
0xff: {  	_ = 	snop;
	(pc) =	sbr.rel @p3 .LBB2_2-.Ltmp2, $4  }
0x100: {  	s31 =	simm.s32 $0x6  }
0x101: {  	_ =	swait.ge [sflag:s16], $0xA00  }
0x102: {  	[sflag:s16] =	ssyncset.done $0x0  }
0x103: {  	s29 =	sadd.s32 $0x5410, s29;
	[sflag:s16] =	ssyncadd.s32 $0xFFFFF600  }
0x104: {  	s2 =	simm.s32 $0xF640  }
0x105: {  	[tilespmem:s2], [sflag:$0xA] =	stream.indirect.gather [hbm4b:s1+s21], $0x20, s29, s21, $0xb8;
	[tilespmem:$0x10040] =	vst v63  }
0x106: {  	_ =	swait.ge [sflag:s31], $0xA00  }
0x107: {  	[sflag:s31] =	ssyncset.done $0x0  }
0x108: {  	s26 =	simm.s32 $0x9920;
	[sflag:s31] =	ssyncadd.s32 $0xFFFFF600  }
0x109: {  	[spmem:s3] =	stream.indirect.scatter.add.f32 [tilespmem:s6], [sflag:$0x10], $0x20, s26, s21, $0xb8;
	[tilespmem:$0x10040] =	vst v63  }
0x10a: {  	_ =	swait.ge [sflag:s4], $0xA00  }
0x10b: {  	[sflag:s4] =	ssyncset.done $0x0  }
0x10c: {  	s7 =	simm.s32 $0x9C40;
	s26 =	simm.s32 $0x73A0;
	[sflag:s4] =	ssyncadd.s32 $0xFFFFF600  }
0x10d: {  	[tilespmem:s7], [sflag:$0x1] =	stream.indirect.gather [hbm4b:s1+s21], $0x20, s26, s21, $0xb8;
	[tilespmem:$0x10040] =	vst v63  }
0x10e: {  	_ =	swait.ge [sflag:s10], $0xA00  }
0x10f: {  	[sflag:s10] =	ssyncset.done $0x0  }
0x110: {  	s29 =	simm.s32 $0x9970;
	[sflag:s10] =	ssyncadd.s32 $0xFFFFF600  }
0x111: {  	[spmem:s3] =	stream.indirect.scatter.add.f32 [tilespmem:s28], [sflag:$0x11], $0x20, s29, s21, $0xb8;
	[tilespmem:$0x10040] =	vst v63  }
0x112: {  	_ =	swait.ge [sflag:s11], $0xA00  }
0x113: {  	[sflag:s11] =	ssyncset.done $0x0  }
0x114: {  	s31 =	simm.s32 $0x73F0;
	s26 =	simm.s32 $0xA640;
	[sflag:s11] =	ssyncadd.s32 $0xFFFFF600  }
0x115: {  	[tilespmem:s26], [sflag:$0x2] =	stream.indirect.gather [hbm4b:s1+s21], $0x20, s31, s21, $0xb8;
	[tilespmem:$0x10040] =	vst v63  }
0x116: {  	_ =	swait.ge [sflag:s12], $0xA00  }
0x117: {  	[sflag:s12] =	ssyncset.done $0x0  }
0x118: {  	s10 =	simm.s32 $0x99C0;
	[sflag:s12] =	ssyncadd.s32 $0xFFFFF600  }
0x119: {  	[spmem:s3] =	stream.indirect.scatter.add.f32 [tilespmem:s13], [sflag:$0x12], $0x20, s10, s21, $0xb8;
	[tilespmem:$0x10040] =	vst v63  }
0x11a: {  	_ =	swait.ge [sflag:s19], $0xA00  }
0x11b: {  	[sflag:s19] =	ssyncset.done $0x0  }
0x11c: {  	s15 =	simm.s32 $0x7440;
	s23 =	simm.s32 $0xB040;
	[sflag:s19] =	ssyncadd.s32 $0xFFFFF600  }
0x11d: {  	[tilespmem:s23], [sflag:$0x3] =	stream.indirect.gather [hbm4b:s1+s21], $0x20, s15, s21, $0xb8;
	[tilespmem:$0x10040] =	vst v63  }
0x11e: {  	_ =	swait.ge [sflag:s20], $0xA00  }
0x11f: {  	[sflag:s20] =	ssyncset.done $0x0  }
0x120: {  	s28 =	simm.s32 $0x9A10;
	s10 =	simm.s32 $0xE;
	[sflag:s20] =	ssyncadd.s32 $0xFFFFF600  }
0x121: {  	[spmem:s3] =	stream.indirect.scatter.add.f32 [tilespmem:s14], [sflag:$0x13], $0x20, s28, s21, $0xb8;
	[tilespmem:$0x10040] =	vst v63  }
0x122: {  	_ =	swait.ge [sflag:s10], $0xA00  }
0x123: {  	[sflag:s10] =	ssyncset.done $0x0  }
0x124: {  	s29 =	simm.s32 $0x7490;
	s14 =	simm.s32 $0xBA40;
	[sflag:s10] =	ssyncadd.s32 $0xFFFFF600  }
0x125: {  	[tilespmem:s14], [sflag:$0x4] =	stream.indirect.gather [hbm4b:s1+s21], $0x20, s29, s21, $0xb8;
	[tilespmem:$0x10040] =	vst v63  }
0x126: {  	_ =	swait.ge [sflag:s18], $0xA00  }
0x127: {  	[sflag:s18] =	ssyncset.done $0x0  }
0x128: {  	s31 =	simm.s32 $0x9A60;
	[sflag:s18] =	ssyncadd.s32 $0xFFFFF600  }
0x129: {  	[spmem:s3] =	stream.indirect.scatter.add.f32 [tilespmem:s2], [sflag:$0x14], $0x20, s31, s21, $0xb8;
	[tilespmem:$0x10040] =	vst v63  }
0x12a: {  	s2 =	simm.s32 $0xF  }
0x12b: {  	_ =	swait.ge [sflag:s2], $0xA00  }
0x12c: {  	[sflag:s2] =	ssyncset.done $0x0  }
0x12d: {  	s13 =	simm.s32 $0x74E0;
	s15 =	simm.s32 $0xC440;
	[sflag:s2] =	ssyncadd.s32 $0xFFFFF600  }
0x12e: {  	[tilespmem:s15], [sflag:$0x5] =	stream.indirect.gather [hbm4b:s1+s21], $0x20, s13, s21, $0xb8;
	[tilespmem:$0x10040] =	vst v63  }
0x12f: {  	_ =	swait.ge [sflag:s25], $0xA00  }
0x130: {  	[sflag:s25] =	ssyncset.done $0x0  }
0x131: {  	[sflag:s25] =	ssyncadd.s32 $0xFFFFF600;
	s25 =	simm.s32 $0x9AB0  }
0x132: {  	[spmem:s3] =	stream.indirect.scatter.add.f32 [tilespmem:s7], [sflag:$0xB], $0x20, s25, s21, $0xb8;
	[tilespmem:$0x10040] =	vst v63  }
0x133: {  	_ =	swait.ge [sflag:s30], $0xA00  }
0x134: {  	[sflag:s30] =	ssyncset.done $0x0  }
0x135: {  	s28 =	simm.s32 $0x9B00;
	[sflag:s30] =	ssyncadd.s32 $0xFFFFF600  }
0x136: {  	[spmem:s3] =	stream.indirect.scatter.add.f32 [tilespmem:s26], [sflag:$0xC], $0x20, s28, s21, $0xb8;
	[tilespmem:$0x10040] =	vst v63  }
0x137: {  	_ =	swait.ge [sflag:s0], $0xA00  }
0x138: {  	[sflag:s0] =	ssyncset.done $0x0  }
0x139: {  	s29 =	simm.s32 $0x9B50;
	[sflag:s0] =	ssyncadd.s32 $0xFFFFF600  }
0x13a: {  	[spmem:s3] =	stream.indirect.scatter.add.f32 [tilespmem:s23], [sflag:$0xD], $0x20, s29, s21, $0xb8;
	[tilespmem:$0x10040] =	vst v63  }
0x13b: {  	_ =	swait.ge [sflag:s5], $0xA00  }
0x13c: {  	[sflag:s5] =	ssyncset.done $0x0  }
0x13d: {  	s30 =	simm.s32 $0x9BA0;
	[sflag:s5] =	ssyncadd.s32 $0xFFFFF600  }
0x13e: {  	[spmem:s3] =	stream.indirect.scatter.add.f32 [tilespmem:s14], [sflag:$0xE], $0x20, s30, s21, $0xb8;
	[tilespmem:$0x10040] =	vst v63  }
0x13f: {  	_ =	swait.ge [sflag:s9], $0xA00  }
0x140: {  	[sflag:s9] =	ssyncset.done $0x0  }
0x141: {  	s31 =	simm.s32 $0x9BF0;
	[sflag:s9] =	ssyncadd.s32 $0xFFFFF600  }
0x142: {  	[spmem:s3] =	stream.indirect.scatter.add.f32 [tilespmem:s15], [sflag:$0xF], $0x20, s31, s21, $0xb8;
	[tilespmem:$0x10040] =	vst v63  }
0x143: {  	_ =	swait.ge [sflag:s8], $0xA00  }
0x144: {  	[sflag:s8] =	ssyncset.done $0x0  }
0x145: {  	[sflag:s8] =	ssyncadd.s32 $0xFFFFF600  }
0x146: {  	_ =	swait.ge [sflag:s17], $0xA00  }
0x147: {  	[sflag:s17] =	ssyncset.done $0x0  }
0x148: {  	[sflag:s17] =	ssyncadd.s32 $0xFFFFF600  }
0x149: {  	_ =	swait.ge [sflag:s22], $0xA00  }
0x14a: {  	[sflag:s22] =	ssyncset.done $0x0  }
0x14b: {  	[sflag:s22] =	ssyncadd.s32 $0xFFFFF600  }
0x14c: {  	_ =	swait.ge [sflag:s24], $0xA00  }
0x14d: {  	[sflag:s24] =	ssyncset.done $0x0  }
0x14e: {  	[sflag:s24] =	ssyncadd.s32 $0xFFFFF600  }
0x14f: {  	_ =	swait.ge [sflag:s16], $0xA00  }
0x150: {  	[sflag:s16] =	ssyncset.done $0x0  }
0x151: {  	[sflag:s16] =	ssyncadd.s32 $0xFFFFF600  }
0x152: {  	_ =	swait.ge [sflag:s4], $0xA00  }
0x153: {  	[sflag:s4] =	ssyncset.done $0x0  }
0x154: {  	[sflag:s4] =	ssyncadd.s32 $0xFFFFF600  }
0x155: {  	_ =	swait.ge [sflag:s11], $0xA00  }
0x156: {  	[sflag:s11] =	ssyncset.done $0x0  }
0x157: {  	[sflag:s11] =	ssyncadd.s32 $0xFFFFF600  }
0x158: {  	_ =	swait.ge [sflag:s19], $0xA00  }
0x159: {  	[sflag:s19] =	ssyncset.done $0x0  }
0x15a: {  	[sflag:s19] =	ssyncadd.s32 $0xFFFFF600  }
0x15b: {  	_ =	swait.ge [sflag:s10], $0xA00  }
0x15c: {  	[sflag:s10] =	ssyncset.done $0x0  }
0x15d: {  	[sflag:s10] =	ssyncadd.s32 $0xFFFFF600  }
.Ltmp3:
0x15e: {  	_ =	swait.ge [sflag:s2], $0xA00;
	(pc) =	sbr.rel @!p0 .LBB2_4-.Ltmp3, $4  }
0x15f: {  	[sflag:s2] =	ssyncset.done $0x0  }
0x160: {  	[sflag:s2] =	ssyncadd.s32 $0xFFFFF600  }
0x161: {  	s25 =	simm.s32 $0x2;
	s0 =	simm.s32 $0x3;
	[bflag:$0x0] =	sbarrier.arrive $0xFFFF  }
0x162: {  	s5 =	simm.s32 $0x4;
	s9 =	simm.s32 $0x5;
	s2 =	simm.s32 $0x1  }
0x163: {  	s13 =	rddreg [dreg:$0x7]  }
0x164: {  	s26 =	rddreg [dreg:$0xd]  }
0x165: {  	s29 =	rddreg [dreg:$0xf]  }
0x166: {  	[hbm:s26], [sflag:s13] =	dma.local [spmem:s29], $0x9C0  }
.Ltmp4:
0x167: {  	_ = 	snop;
	(pc) =	sbr.rel @p1 .LBB2_7-.Ltmp4, $4  }
.Ltmp5:
0x168: {  	s31 =	simm.s32 $0x15;
	(pc) =	sbr.rel @!p1 .LBB2_6-.Ltmp5, $4  }
0x169: {  	_ =	swait.ge [sflag:s31], $0x9C0  }
0x16a: {  	[sflag:s31] =	ssyncset.done $0x0;
	s26 =	rddreg [dreg:$0x5]  }
0x16b: {  	s6 =	rddreg [dreg:$0x11];
	[sflag:s31] =	ssyncadd.s32 $0xFFFFF640  }
0x16c: {  	_ = 	snop  }
.LBB2_4:
0x16d: {  	s13 =	rddreg [dreg:$0x7]  }
0x16e: {  	s26 =	rddreg [dreg:$0xc]  }
0x16f: {  	s29 =	rddreg [dreg:$0xf]  }
0x170: {  	[hbm:s26], [sflag:s13] =	dma.local [spmem:s29], $0x9C0  }
.Ltmp6:
0x171: {  	_ = 	snop;
	(pc) =	sbr.rel @p2 .LBB2_6-.Ltmp6, $4  }
.Ltmp7:
0x172: {  	s31 =	simm.s32 $0x15;
	(pc) =	sbr.rel @!p2 .LBB2_7-.Ltmp7, $4  }
0x173: {  	_ =	swait.ge [sflag:s31], $0x9C0  }
0x174: {  	[sflag:s31] =	ssyncset.done $0x0;
	s26 =	rddreg [dreg:$0x4]  }
0x175: {  	s6 =	rddreg [dreg:$0x11];
	[sflag:s31] =	ssyncadd.s32 $0xFFFFF640  }
0x176: {  	_ = 	snop  }
.LBB2_8:
0x177: {  	_ =	sfence.sel $0x180000  }
0x178: {  	[bflag:$0x0] =	sbarrier.arrive $0xFFFF  }
0x179: {  	_ =	strace $0x9000004A  }
0x17a: {  	s0 =	stileid.u32;
	[bflag:$0x2] =	sbarrier.arrive $0xFFFF  }
0x17b: {  	p0 =	sne.s32 s0, $0x0;
	s0 =	rddreg [dreg:$0x3]  }
0x17c: {  	s0 =	sadd.s32 @!p0 $0x100000, s0  }
0x17d: {  	[sflag:s0] =	ssyncadd.tile.s32 @!p0 $0x1;
	_ =	shalt  }
.Lfunc_end2:
_tile_overlayer_lowered:
.L_overlay_start_2:
0x17e: {  	(tag) =	ssettag $0x2  }
0x17f: {  	s0 =	rddreg [dreg:$0x0];
	s2 =	stileid.u32  }
0x180: {  	s1 =	rddreg [dreg:$0x1];
	p0 =	sne.s32 s2, $0x0  }
0x181: {  	s3 =	rddreg [dreg:$0x2];
	[bflag:$0x3] =	sbarrier.arrive $0xFFFF;
	s2 =	simm.s32 @!p0 $0x1C15  }
0x182: {  	[timem:s3], [sflag:s2] =	dma.local @!p0 [hbm:s0], s1  }
0x183: {  	s0 =	simm.s32 @!p0 $0x15  }
0x184: {  	_ =	swait.ge @!p0 [sflag:s0], s1  }
0x185: {  	s1 =	ssub.s32 @!p0 $0x0, s1;
	[sflag:s0] =	ssyncset.done @!p0 $0x0  }
0x186: {  	[sflag:s0] =	ssyncadd.s32 @!p0 s1  }
0x187: {  	[bflag:$0x3] =	sbarrier.arrive $0xFFFF  }
0x188: {  	_ =	shalt  }

// kernel: kernel.7.cloned.1.call-start
scs
__scs_entry_jumppad:
0x0: {  	(pc) =	sbr.rel $0x88, $3  }
0x1: {  	(tag) =	ssettag $0x0;
	lr =	simm.s32 $0x1  }
0x2: {  	[smem:$0x3F92] =	sst lr;
	_ =	strace $0xD0000000  }
0x3: {  	_ = 	snop  }
0x4: {  	_ = 	snop  }
0x5: {  	_ = 	snop  }
0x6: {  	_ = 	snop  }
0x7: {  	_ = 	snop  }
__scs_overlays_trampoline_lowered:
0x8: {  	[smem:$0x3FA1] =	sst s0  }
0x9: {  	[smem:$0x3FA2] =	sst s1  }
0xa: {  	[smem:$0x3FA3] =	sst s2  }
0xb: {  	[smem:$0x3FA4] =	sst s3  }
0xc: {  	[smem:$0x3FA5] =	sst s4  }
0xd: {  	[smem:$0x3FA6] =	sst s5  }
0xe: {  	[smem:$0x3FA7] =	sst s6  }
0xf: {  	[smem:$0x3FA8] =	sst s7  }
0x10: {  	[smem:$0x3FA9] =	sst s8  }
0x11: {  	[smem:$0x3FAA] =	sst s9;
	s0 =	simm.s32 @!p0 $0x0  }
0x12: {  	s1 =	sld [smem:$0x3F90];
	s0 =	simm.s32 @p0 $0x1  }
0x13: {  	[smem:$0x3FAB] =	sst s0;
	s0 =	simm.s32 @!p1 $0x0  }
0x14: {  	s2 =	sld [smem:$0x3F8F];
	s0 =	simm.s32 @p1 $0x1  }
0x15: {  	[smem:$0x3FAC] =	sst s0;
	s0 =	simm.s32 @!p2 $0x0  }
0x16: {  	s3 =	sld [smem:$0x3FDB];
	s0 =	simm.s32 @p2 $0x1  }
0x17: {  	s4 =	simm.s32 $0x1BF5;
	[smem:$0x3FAE] =	sst s0  }
0x18: {  	s0 =	sld [smem:$0x3F91];
	_ =	swait.ge [sflag:s4], $0x0  }
0x19: {  	s7 =	sld [smem:$0x3F92]  }
0x1a: {  	s8 =	sadd.s32 $0xFFFFE003, lr  }
0x1b: {  	s9 =	sadd.s32 $0xFFFFFEF7, lr;
	s5 =	simm.s32 $0xFFFFFFFF;
	p2 =	slt.u32 s8, $0xFFFFF086  }
0x1c: {  	p1 =	slt.u32 s9, $0xF7A;
	s5 =	simm.s32 @!p2 $0x0  }
0x1d: {  	s5 =	simm.s32 @p1 $0x1;
	p0 =	seq.s32 s7, s2  }
0x1e: {  	s7 =	smul.u32 @!p0 $0xF7A, s2;
	p2 =	seq.s32 @!p0 s5, $0x0  }
0x1f: {  	s9 =	smul.u32 $0xF7A, s1;
	s8 =	simm.s32 @!p0 $0x1BF5;
	p2 =	por !p2, p0  }
0x20: {  	[sflag:s8] =	ssyncset.s32 @!p0 $0xFFFFF086;
	s6 =	sadd.s32 @!p0 s3, s7;
	s7 =	simm.s32 @!p0 $0x108  }
0x21: {  	s3 =	sadd.s32 s3, s9;
	s6 =	sadd.s32 @!p0 $0x88, s6;
	s7 =	simm.s32 @p2 $0x1082  }
0x22: {  	[simem:s7], [sflag:s8] =	dma.local @!p0 [hbm:s6], $0xF7A  }
0x23: {  	s9 =	sor.u32 $0xD0000000, s2;
	s6 =	simm.s32 $0x108;
	_ =	swait.ge @!p0 [sflag:s8], $0x0  }
0x24: {  	s3 =	sadd.s32 $0x88, s3;
	s6 =	simm.s32 @!p1 $0x1082;
	[sflag:s4] =	ssyncset.s32 $0xFFFFF086  }
0x25: {  	[simem:s6], [sflag:s4] =	dma.local [hbm:s3], $0xF7A  }
0x26: {  	[smem:$0x3F92] =	sst s1;
	(tag) =	ssettag s2;
	_ =	strace s9  }
0x27: {  	s1 =	sld [smem:$0x3FA2]  }
0x28: {  	s2 =	sld [smem:$0x3FA3]  }
0x29: {  	s4 =	sld [smem:$0x3FA5]  }
0x2a: {  	p0 =	seq.s32 s5, $0x0;
	s5 =	sld [smem:$0x3FA6]  }
0x2b: {  	s6 =	sld [smem:$0x3FA7]  }
0x2c: {  	s7 =	sld [smem:$0x3FA8]  }
0x2d: {  	s3 =	simm.s32 $0x108;
	s8 =	sld [smem:$0x3FA9]  }
0x2e: {  	s3 =	simm.s32 @!p0 $0x1082;
	s9 =	sld [smem:$0x3FAA]  }
0x2f: {  	lr =	sadd.s32 s0, s3;
	s0 =	sld [smem:$0x3FA1]  }
0x30: {  	s3 =	sld [smem:$0x3FA4]  }
0x31: {  	[smem:$0x3FAD] =	sst s10  }
0x32: {  	s10 =	sld [smem:$0x3FAB];
	_ =	sdelay $0x3  }
0x33: {  	p0 =	seq.s32 s10, $0x1;
	s10 =	sld [smem:$0x3FAD];
	_ =	sdelay $0x3  }
0x34: {  	[smem:$0x3FAD] =	sst s10  }
0x35: {  	s10 =	sld [smem:$0x3FAC];
	_ =	sdelay $0x3  }
0x36: {  	p1 =	seq.s32 s10, $0x1;
	s10 =	sld [smem:$0x3FAD];
	_ =	sdelay $0x3  }
0x37: {  	[smem:$0x3FAD] =	sst s10  }
0x38: {  	s10 =	sld [smem:$0x3FAE]  }
0x39: {  	_ = 	snop;
	(pc) =	sbr.ind lr, $3  }
0x3a: {  	_ = 	snop  }
0x3b: {  	_ = 	snop  }
0x3c: {  	p2 =	seq.s32 s10, $0x1;
	s10 =	sld [smem:$0x3FAD]  }
0x3d: {  	_ =	shalt  }
0x3e: {  	_ =	shalt  }
0x3f: {  	_ =	shalt  }
0x40: {  	_ =	shalt  }
0x41: {  	_ =	shalt  }
0x42: {  	_ =	shalt  }
0x43: {  	_ =	shalt  }
0x44: {  	_ =	shalt  }
0x45: {  	_ =	shalt  }
0x46: {  	_ =	shalt  }
0x47: {  	_ =	shalt  }
0x48: {  	_ =	shalt  }
0x49: {  	_ =	shalt  }
0x4a: {  	_ =	shalt  }
0x4b: {  	_ =	shalt  }
0x4c: {  	_ =	shalt  }
0x4d: {  	_ =	shalt  }
0x4e: {  	_ =	shalt  }
0x4f: {  	_ =	shalt  }
0x50: {  	_ =	shalt  }
0x51: {  	_ =	shalt  }
0x52: {  	_ =	shalt  }
0x53: {  	_ =	shalt  }
0x54: {  	_ =	shalt  }
0x55: {  	_ =	shalt  }
0x56: {  	_ =	shalt  }
0x57: {  	_ =	shalt  }
0x58: {  	_ =	shalt  }
0x59: {  	_ =	shalt  }
0x5a: {  	_ =	shalt  }
0x5b: {  	_ =	shalt  }
0x5c: {  	_ =	shalt  }
0x5d: {  	_ =	shalt  }
0x5e: {  	_ =	shalt  }
0x5f: {  	_ =	shalt  }
0x60: {  	_ =	shalt  }
0x61: {  	_ =	shalt  }
0x62: {  	_ =	shalt  }
0x63: {  	_ =	shalt  }
0x64: {  	_ =	shalt  }
0x65: {  	_ =	shalt  }
0x66: {  	_ =	shalt  }
0x67: {  	_ =	shalt  }
0x68: {  	_ =	shalt  }
0x69: {  	_ =	shalt  }
0x6a: {  	_ =	shalt  }
0x6b: {  	_ =	shalt  }
0x6c: {  	_ =	shalt  }
0x6d: {  	_ =	shalt  }
0x6e: {  	_ =	shalt  }
0x6f: {  	_ =	shalt  }
0x70: {  	_ =	shalt  }
0x71: {  	_ =	shalt  }
0x72: {  	_ =	shalt  }
0x73: {  	_ =	shalt  }
0x74: {  	_ =	shalt  }
0x75: {  	_ =	shalt  }
0x76: {  	_ =	shalt  }
0x77: {  	_ =	shalt  }
0x78: {  	_ =	shalt  }
0x79: {  	_ =	shalt  }
0x7a: {  	_ =	shalt  }
0x7b: {  	_ =	shalt  }
0x7c: {  	_ =	shalt  }
0x7d: {  	_ =	shalt  }
0x7e: {  	_ =	shalt  }
0x7f: {  	_ =	shalt  }
0x80: {  	_ =	shalt  }
0x81: {  	_ =	shalt  }
0x82: {  	_ =	shalt  }
0x83: {  	_ =	shalt  }
0x84: {  	_ =	shalt  }
0x85: {  	_ =	shalt  }
0x86: {  	_ =	shalt  }
0x87: {  	_ =	shalt  }
.Lfunc_end0:
.L_simem_size_0:
called_computation_lowered:
.L_overlay_start_0:
0x88: {  	s2 =	sld [smem:$0x3FD9]  }
0x89: {  	s3 =	sld [smem:$0x3FFE];
	_ =	sdelay $0x1  }
0x8a: {  	s1 =	srdreg.scid  }
0x8b: {  	s0 =	sand.u32 $0x1, s1  }
0x8c: {  	s14 =	sshll.u32 s0, $0xA;
	s2 =	sadd.s32 s3, s2  }
0x8d: {  	s2 =	sadd.s32 s2, s14  }
0x8e: {  	[smem:$0x3FB9] =	sst s2  }
0x8f: {  	_ = 	snop  }
0x90: {  	s2 =	sld [smem:$0x3FD0];
	_ =	sdelay $0x2  }
0x91: {  	s15 =	simm.s32 $0xA;
	s4 =	simm.s32 $0x10  }
0x92: {  	[smem:s4], [sflag:s15] =	dma.local [hbm:s2], $0x1  }
0x93: {  	_ =	swait.eq [sflag:s15], $0x1  }
0x94: {  	[sflag:s15] =	ssyncset.done $0x0  }
0x95: {  	[sflag:s15] =	ssyncadd.s32 $0xFFFFFFFF  }
0x96: {  	s16 =	sld [smem:$0x10];
	(tm) =	ssettm $0x1  }
0x97: {  	s17 =	sld [smem:$0x3FFB];
	_ =	sdelay $0x3  }
0x98: {  	_ =	strace s17  }
0x99: {  	s3 =	sld [smem:$0x3FFC];
	_ =	sdelay $0x3  }
0x9a: {  	_ =	strace s3  }
0x9b: {  	s3 =	sld [smem:$0x3FFD];
	_ =	sdelay $0x3  }
0x9c: {  	_ =	strace s3  }
0x9d: {  	_ =	strace $0x8FFFFFFF  }
0x9e: {  	s18 =	sld [smem:$0x3FDB];
	_ =	sdelay $0x1  }
0x9f: {  	s19 =	simm.s32 $_scs_section_size  }
0xa0: {  	s5 =	simm.s32 $_size__tile_overlayer_lowered;
	s6 =	simm.s32 $_tile_overlayer_lowered  }
0xa1: {  	s22 =	simm.s32 $0x1BFF;
	s21 =	sshll.u32 s6, $0x1;
	s3 =	sadd.s32 s19, s18  }
0xa2: {  	s7 =	simm.s32 $0x0;
	s20 =	sshll.u32 s5, $0x1;
	s5 =	sadd.s32 s21, s3  }
0xa3: {  	[timem:s7], [sflag:s22] =	dma.local [hbm:s5], s20  }
0xa4: {  	_ =	swait.ge [sflag:s22], s20  }
0xa5: {  	s4 =	ssub.s32 $0x0, s20;
	[sflag:s22] =	ssyncset.done $0x0  }
0xa6: {  	[sflag:s22] =	ssyncadd.s32 s4;
	_ =	sdelay $0x1  }
0xa7: {  	s23 =	simm.s32 $0x1B8B  }
0xa8: {  	_ =	swait.ge [sflag:s23], $0x1  }
0xa9: {  	[sflag:s23] =	ssyncset.done $0x0  }
0xaa: {  	s25 =	simm.s32 $0x1B8E;
	s24 =	sld [smem:$0x3FFE];
	[sflag:s23] =	ssyncadd.s32 $0xFFFFFFFF  }
0xab: {  	s26 =	simm.s32 $execute0_lowered;
	[smem:$0x3FD2] =	sst s25  }
0xac: {  	s5 =	sshll.u32 s26, $0x1;
	_ =	strace $0x80000046;
	[dreg:$0x1] =	wrdreg $0xFFFFFFFF  }
0xad: {  	s28 =	simm.s32 $_size_execute0_lowered;
	s3 =	sadd.s32 s3, s5;
	[dreg:$0x0] =	wrdreg $0x0  }
0xae: {  	s5 =	sshll.u32 s28, $0x1;
	[dreg:$0x2] =	wrdreg s3  }
0xaf: {  	[dreg:$0x3] =	wrdreg s5  }
0xb0: {  	[dreg:$0x4] =	wrdreg $0xC0  }
0xb1: {  	_ =	task [dreg:s7], $0x5FFFF  }
0xb2: {  	[dreg:$0x1] =	wrdreg $0xFFFFFFFF  }
0xb3: {  	[dreg:$0x0] =	wrdreg $0x60  }
0xb4: {  	[dreg:$0x2] =	wrdreg s16  }
0xb5: {  	[dreg:$0x3] =	wrdreg s24  }
0xb6: {  	[dreg:$0x4] =	wrdreg $0x0  }
0xb7: {  	[dreg:$0x5] =	wrdreg $0x9  }
0xb8: {  	_ =	task.clear_ibuf [dreg:s7], $0x6FFFF;
	_ =	strace $0x90000046  }
0xb9: {  	s29 =	simm.s32 $0x9;
	_ =	strace $0x80000048  }
0xba: {  	_ =	swait.ge [sflag:s29], $0x1  }
0xbb: {  	[sflag:s29] =	ssyncadd.s32 $0xFFFFFFFF  }
0xbc: {  	_ =	strace $0x90000048  }
0xbd: {  	_ =	sfence  }
0xbe: {  	s30 =	sld [smem:$0x0];
	_ =	sdelay $0x2  }
0xbf: {  	s31 =	sshll.u32 s1, $0xD;
	s1 =	sshrl.u32 s1, $0x2  }
0xc0: {  	s3 =	sand.u32 $0x4000, s31;
	s1 =	sadd.s32 s1, s30  }
0xc1: {  	s0 =	sor.u32 s3, s0;
	s1 =	sshll.u32 s1, $0x11  }
0xc2: {  	s0 =	sor.u32 s1, s0  }
0xc3: {  	s0 =	sadd.s32 $0x8F2B, s0  }
0xc4: {  	[sflag:s0] =	ssyncadd.remote.s32 $0x1  }
0xc5: {  	_ =	sfence.sel $0xFFFF  }
0xc6: {  	[dreg:$0x0] =	wrdreg $0xFFFFFFFF;
	(pc) =	sbr.abs _section_cstart, $3  }
0xc7: {  	[dreg:$0x1] =	wrdreg $0xFFFFFFFF  }
0xc8: {  	_ =	task.clear_ibuf [dreg:s7], $0x2FFFF;
	_ =	strace $0x9FFFFFFF  }
0xc9: {  	(tm) =	ssettm $0x7FFFFFFF  }
tec
execute0_lowered:
.L_overlay_start_1:
0x0: {  	(tag) =	ssettag $0x1  }
0x1: {  	s1 =	rddreg [dreg:$0x0]  }
0x2: {  	s0 =	srdreg.scid;
	s2 =	rddreg [dreg:$0x1]  }
0x3: {  	s10 =	stileid.u32;
	s3 =	rddreg [dreg:$0x2];
	s5 =	simm.s32 $0x0  }
0x4: {  	s21 =	simm.s32 $0x50;
	s17 =	simm.s32 $0x11;
	s22 =	simm.s32 $0x12  }
0x5: {  	s16 =	simm.s32 $0x14;
	s19 =	simm.s32 $0xD;
	s20 =	simm.s32 $0x9  }
0x6: {  	s18 =	simm.s32 $0xA;
	s0 =	sand.u32 $0x1, s0;
	s4 =	sshll.u32 s10, $0x1  }
0x7: {  	[smem:$0x7FF] =	sst s5;
	s23 =	smul.u32 $0x4E00, s10;
	s11 =	sadd.s32 $0x21000, s2  }
0x8: {  	s12 =	sadd.s32 $0x2AE00, s2;
	s24 =	sshll.u32 s10, $0x6;
	p1 =	sne.s32 s10, $0xF  }
0x9: {  	p2 =	seq.s32 s10, $0xF;
	s4 =	sor.u32 s0, s4;
	_ =	strace $0x80000047  }
0xa: {  	s7 =	ssub.s32 $0x2, s0;
	s13 =	sor.u32 $0x1C15, s24;
	[dreg:$0x4] =	wrdreg s11  }
0xb: {  	p0 =	seq.s32 s0, $0x1;
	[dreg:$0x5] =	wrdreg s12;
	s24 =	simm.s32 $0x13  }
0xc: {  	s4 =	smul.u32 $0x4E2, s4;
	s6 =	sshrl.u32 s23, $0x3;
	s9 =	sshrl.u32 s7, $0x1  }
0xd: {  	s5 =	sadd.s32 s23, s3;
	[dreg:$0x7] =	wrdreg s13;
	s8 =	sadd.s32 s6, s2  }
0xe: {  	s7 =	ssub.s32 s7, s9;
	s28 =	sadd.s32 s11, s6;
	s29 =	sadd.s32 s12, s6  }
0xf: {  	s31 =	sshrl.u32 s5, $0x3;
	s5 =	simm.s32 $0x4;
	[dreg:$0xc] =	wrdreg s28  }
0x10: {  	s9 =	simm.s32 $0x5;
	s6 =	simm.s32 $0x0;
	[dreg:$0xd] =	wrdreg s29  }
0x11: {  	s11 =	simm.s32 $0xC;
	s8 =	sadd.s32 $0x17200, s8;
	[dreg:$0xf] =	wrdreg s31  }
0x12: {  	s4 =	sadd.s32 s4, s2;
	s2 =	sadd.s32 $0x20E00, s2;
	[dreg:$0x6] =	wrdreg s8  }
0x13: {  	s12 =	simm.s32 $0x8;
	s30 =	smax.u32 s7, $0x1;
	[dreg:$0x9] =	wrdreg s2  }
.Ltmp0:
0x14: {  	s25 =	sadd.s32 $0xD400, s4;
	[dreg:$0xe] =	wrdreg s30;
	(pc) =	sbr.rel .LBB2_1-.Ltmp0, $4  }
0x15: {  	s8 =	sadd.s32 $0x4E000, s3;
	s26 =	sadd.s32 $0x3600, s4;
	[dreg:$0xa] =	wrdreg s25  }
0x16: {  	s2 =	simm.s32 $0x1;
	s4 =	simm.s32 $0xB;
	[dreg:$0xb] =	wrdreg s26  }
0x17: {  	[dreg:$0x8] =	wrdreg s8;
	s0 =	sshrl.u32 @!p1 s8, $0x3;
	s25 =	simm.s32 $0x2  }
0x18: {  	s8 =	simm.s32 $0x10;
	[dreg:$0x10] =	wrdreg s0;
	s0 =	simm.s32 $0x3  }
.LBB2_6:
0x19: {  	s29 =	rddreg [dreg:$0x8]  }
0x1a: {  	s26 =	sadd.s32 $0x9C00, s26;
	s31 =	simm.s32 $0x15;
	s29 =	sshrl.u32 s29, $0x3  }
0x1b: {  	[hbm:s26], [sflag:s13] =	dma.local [spmem:s29], $0x40  }
0x1c: {  	_ =	swait.ge [sflag:s31], $0x40  }
0x1d: {  	[sflag:s31] =	ssyncset.done $0x0  }
0x1e: {  	[sflag:s31] =	ssyncadd.s32 $0xFFFFFFC0  }
.LBB2_7:
0x1f: {  	s6 =	sadd.s32 $0x1, s6;
	s26 =	rddreg [dreg:$0xe]  }
0x20: {  	p3 =	sne.s32 s6, s26  }
.Ltmp1:
0x21: {  	_ = 	snop;
	(pc) =	sbr.rel @!p3 .LBB2_8-.Ltmp1, $1  }
0x22: {  	_ =	sdelay $0x3  }
.LBB2_1:
0x23: {  	[dreg:$0x11] =	wrdreg s6  }
0x24: {  	s26 =	rddreg [dreg:$0x6]  }
0x25: {  	s29 =	rddreg [dreg:$0xf];
	s31 =	simm.s32 $0x15  }
0x26: {  	[spmem:s29], [sflag:s13] =	dma.local [hbm:s26], $0x9C0  }
0x27: {  	_ =	swait.ge [sflag:s31], $0x9C0  }
0x28: {  	[sflag:s31] =	ssyncset.done $0x0;
	s26 =	rddreg [dreg:$0x9]  }
0x29: {  	s29 =	rddreg [dreg:$0x10];
	[sflag:s31] =	ssyncadd.s32 $0xFFFFF640  }
0x2a: {  	[spmem:s29], [sflag:s13] =	dma.local @!p1 [hbm:s26], $0x40  }
0x2b: {  	s26 =	simm.s32 @!p1 $0x15  }
0x2c: {  	_ =	swait.ge @!p1 [sflag:s26], $0x40  }
0x2d: {  	s14 =	simm.s32 $0x4E20;
	[sflag:s26] =	ssyncset.done @!p1 $0x0  }
0x2e: {  	s13 =	simm.s32 $0x0;
	s29 =	rddreg [dreg:$0xa];
	[sflag:s26] =	ssyncadd.s32 @!p1 $0xFFFFFFC0  }
0x2f: {  	[tilespmem:s14], [sflag:$0x15] =	stream.linear.gather [hbm4b:s29+s13], $0x2710, $0x38;
	[tilespmem:$0x10040] =	vst v63  }
0x30: {  	_ =	swait.ge [sflag:s31], $0x2710  }
0x31: {  	[sflag:s31] =	ssyncset.done $0x0  }
0x32: {  	s7 =	simm.s32 $0x7530;
	s29 =	rddreg [dreg:$0xb];
	[sflag:s31] =	ssyncadd.s32 $0xFFFFD8F0  }
0x33: {  	[tilespmem:s7], [sflag:$0x15] =	stream.linear.gather [hbm4b:s29+s13], $0x2710, $0x38;
	[tilespmem:$0x10040] =	vst v63  }
0x34: {  	_ =	swait.ge [sflag:s31], $0x2710  }
0x35: {  	[sflag:s31] =	ssyncset.done $0x0  }
0x36: {  	[sflag:s31] =	ssyncadd.s32 $0xFFFFD8F0  }
0x37: {  	s28 =	simm.s32 $0x9C40;
	[bflag:$0x0] =	sbarrier.arrive $0xFFFF  }
0x38: {  	[tilespmem:s28], [sflag:$0x1] =	stream.indirect.gather [hbm4b:s1+s21], $0x20, s14, s21, $0xb8;
	[tilespmem:$0x10040] =	vst v63  }
0x39: {  	s23 =	simm.s32 $0xA640;
	s14 =	simm.s32 $0x4E70  }
0x3a: {  	[tilespmem:s23], [sflag:$0x2] =	stream.indirect.gather [hbm4b:s1+s21], $0x20, s14, s21, $0xb8;
	[tilespmem:$0x10040] =	vst v63  }
0x3b: {  	s13 =	simm.s32 $0x4EC0;
	s14 =	simm.s32 $0xB040  }
0x3c: {  	[tilespmem:s14], [sflag:$0x3] =	stream.indirect.gather [hbm4b:s1+s21], $0x20, s13, s21, $0xb8;
	[tilespmem:$0x10040] =	vst v63  }
0x3d: {  	s30 =	simm.s32 $0xBA40;
	s13 =	simm.s32 $0x4F10  }
0x3e: {  	[tilespmem:s30], [sflag:$0x4] =	stream.indirect.gather [hbm4b:s1+s21], $0x20, s13, s21, $0xb8;
	[tilespmem:$0x10040] =	vst v63  }
0x3f: {  	s29 =	simm.s32 $0xC440;
	s13 =	simm.s32 $0x4F60  }
0x40: {  	[tilespmem:s29], [sflag:$0x5] =	stream.indirect.gather [hbm4b:s1+s21], $0x20, s13, s21, $0xb8;
	[tilespmem:$0x10040] =	vst v63  }
0x41: {  	_ =	swait.ge [sflag:s2], $0xA00  }
0x42: {  	[sflag:s2] =	ssyncset.done $0x0  }
0x43: {  	[sflag:s2] =	ssyncadd.s32 $0xFFFFF600  }
0x44: {  	[spmem:s3] =	stream.indirect.scatter.add.f32 [tilespmem:s28], [sflag:$0xB], $0x20, s7, s21, $0xb8;
	[tilespmem:$0x10040] =	vst v63  }
0x45: {  	s13 =	simm.s32 $0xCE40;
	s7 =	simm.s32 $0x4FB0  }
0x46: {  	[tilespmem:s13], [sflag:$0x6] =	stream.indirect.gather [hbm4b:s1+s21], $0x20, s7, s21, $0xb8;
	[tilespmem:$0x10040] =	vst v63  }
0x47: {  	_ =	swait.ge [sflag:s25], $0xA00  }
0x48: {  	[sflag:s25] =	ssyncset.done $0x0  }
0x49: {  	s7 =	simm.s32 $0x7580;
	[sflag:s25] =	ssyncadd.s32 $0xFFFFF600  }
0x4a: {  	[spmem:s3] =	stream.indirect.scatter.add.f32 [tilespmem:s23], [sflag:$0xC], $0x20, s7, s21, $0xb8;
	[tilespmem:$0x10040] =	vst v63  }
0x4b: {  	s6 =	simm.s32 $0xD840;
	s7 =	simm.s32 $0x5000  }
0x4c: {  	[tilespmem:s6], [sflag:$0x7] =	stream.indirect.gather [hbm4b:s1+s21], $0x20, s7, s21, $0xb8;
	[tilespmem:$0x10040] =	vst v63  }
0x4d: {  	_ =	swait.ge [sflag:s0], $0xA00  }
0x4e: {  	[sflag:s0] =	ssyncset.done $0x0  }
0x4f: {  	s6 =	simm.s32 $0x75D0;
	[sflag:s0] =	ssyncadd.s32 $0xFFFFF600  }
0x50: {  	[spmem:s3] =	stream.indirect.scatter.add.f32 [tilespmem:s14], [sflag:$0xD], $0x20, s6, s21, $0xb8;
	[tilespmem:$0x10040] =	vst v63  }
0x51: {  	s14 =	simm.s32 $0x5050;
	s6 =	simm.s32 $0xE240  }
0x52: {  	[tilespmem:s6], [sflag:$0x8] =	stream.indirect.gather [hbm4b:s1+s21], $0x20, s14, s21, $0xb8;
	[tilespmem:$0x10040] =	vst v63  }
0x53: {  	_ =	swait.ge [sflag:s5], $0xA00  }
0x54: {  	[sflag:s5] =	ssyncset.done $0x0  }
0x55: {  	s14 =	simm.s32 $0x7620;
	[sflag:s5] =	ssyncadd.s32 $0xFFFFF600  }
0x56: {  	[spmem:s3] =	stream.indirect.scatter.add.f32 [tilespmem:s30], [sflag:$0xE], $0x20, s14, s21, $0xb8;
	[tilespmem:$0x10040] =	vst v63  }
0x57: {  	s26 =	simm.s32 $0x50A0;
	s14 =	simm.s32 $0xEC40  }
0x58: {  	[tilespmem:s14], [sflag:$0x9] =	stream.indirect.gather [hbm4b:s1+s21], $0x20, s26, s21, $0xb8;
	[tilespmem:$0x10040] =	vst v63  }
0x59: {  	_ =	swait.ge [sflag:s9], $0xA00  }
0x5a: {  	[sflag:s9] =	ssyncset.done $0x0  }
0x5b: {  	s14 =	simm.s32 $0x7670;
	[sflag:s9] =	ssyncadd.s32 $0xFFFFF600  }
0x5c: {  	[spmem:s3] =	stream.indirect.scatter.add.f32 [tilespmem:s29], [sflag:$0xF], $0x20, s14, s21, $0xb8;
	[tilespmem:$0x10040] =	vst v63  }
0x5d: {  	s31 =	simm.s32 $0x6;
	s26 =	simm.s32 $0x50F0;
	s14 =	simm.s32 $0xF640  }
0x5e: {  	[tilespmem:s14], [sflag:$0xA] =	stream.indirect.gather [hbm4b:s1+s21], $0x20, s26, s21, $0xb8;
	[tilespmem:$0x10040] =	vst v63  }
0x5f: {  	_ =	swait.ge [sflag:s31], $0xA00  }
0x60: {  	[sflag:s31] =	ssyncset.done $0x0  }
0x61: {  	s26 =	simm.s32 $0x76C0;
	[sflag:s31] =	ssyncadd.s32 $0xFFFFF600  }
0x62: {  	[spmem:s3] =	stream.indirect.scatter.add.f32 [tilespmem:s13], [sflag:$0x10], $0x20, s26, s21, $0xb8;
	[tilespmem:$0x10040] =	vst v63  }
0x63: {  	_ =	swait.ge [sflag:s4], $0xA00  }
0x64: {  	[sflag:s4] =	ssyncset.done $0x0  }
0x65: {  	s10 =	simm.s32 $0x7;
	s26 =	simm.s32 $0x5140;
	[sflag:s4] =	ssyncadd.s32 $0xFFFFF600  }
0x66: {  	[tilespmem:s28], [sflag:$0x1] =	stream.indirect.gather [hbm4b:s1+s21], $0x20, s26, s21, $0xb8;
	[tilespmem:$0x10040] =	vst v63  }
0x67: {  	_ =	swait.ge [sflag:s10], $0xA00  }
0x68: {  	[sflag:s10] =	ssyncset.done $0x0  }
0x69: {  	s7 =	simm.s32 $0xD840;
	s26 =	simm.s32 $0x7710;
	[sflag:s10] =	ssyncadd.s32 $0xFFFFF600  }
0x6a: {  	[spmem:s3] =	stream.indirect.scatter.add.f32 [tilespmem:s7], [sflag:$0x11], $0x20, s26, s21, $0xb8;
	[tilespmem:$0x10040] =	vst v63  }
0x6b: {  	_ =	swait.ge [sflag:s11], $0xA00  }
0x6c: {  	[sflag:s11] =	ssyncset.done $0x0  }
0x6d: {  	s7 =	simm.s32 $0x5190;
	[sflag:s11] =	ssyncadd.s32 $0xFFFFF600  }
0x6e: {  	[tilespmem:s23], [sflag:$0x2] =	stream.indirect.gather [hbm4b:s1+s21], $0x20, s7, s21, $0xb8;
	[tilespmem:$0x10040] =	vst v63  }
0x6f: {  	_ =	swait.ge [sflag:s12], $0xA00  }
0x70: {  	[sflag:s12] =	ssyncset.done $0x0  }
0x71: {  	s7 =	simm.s32 $0x7760;
	[sflag:s12] =	ssyncadd.s32 $0xFFFFF600  }
0x72: {  	[spmem:s3] =	stream.indirect.scatter.add.f32 [tilespmem:s6], [sflag:$0x12], $0x20, s7, s21, $0xb8;
	[tilespmem:$0x10040] =	vst v63  }
0x73: {  	_ =	swait.ge [sflag:s19], $0xA00  }
0x74: {  	[sflag:s19] =	ssyncset.done $0x0  }
0x75: {  	s6 =	simm.s32 $0x51E0;
	s7 =	simm.s32 $0xB040;
	[sflag:s19] =	ssyncadd.s32 $0xFFFFF600  }
0x76: {  	[tilespmem:s7], [sflag:$0x3] =	stream.indirect.gather [hbm4b:s1+s21], $0x20, s6, s21, $0xb8;
	[tilespmem:$0x10040] =	vst v63  }
0x77: {  	_ =	swait.ge [sflag:s20], $0xA00  }
0x78: {  	s15 =	simm.s32 $0xE;
	[sflag:s20] =	ssyncset.done $0x0  }
0x79: {  	s30 =	simm.s32 $0xEC40;
	s7 =	simm.s32 $0x77B0;
	[sflag:s20] =	ssyncadd.s32 $0xFFFFF600  }
0x7a: {  	[spmem:s3] =	stream.indirect.scatter.add.f32 [tilespmem:s30], [sflag:$0x13], $0x20, s7, s21, $0xb8;
	[tilespmem:$0x10040] =	vst v63  }
0x7b: {  	_ =	swait.ge [sflag:s15], $0xA00  }
0x7c: {  	[sflag:s15] =	ssyncset.done $0x0  }
0x7d: {  	s7 =	simm.s32 $0x5230;
	[sflag:s15] =	ssyncadd.s32 $0xFFFFF600;
	s15 =	simm.s32 $0xBA40  }
0x7e: {  	[tilespmem:s15], [sflag:$0x4] =	stream.indirect.gather [hbm4b:s1+s21], $0x20, s7, s21, $0xb8;
	[tilespmem:$0x10040] =	vst v63  }
0x7f: {  	_ =	swait.ge [sflag:s18], $0xA00  }
0x80: {  	[sflag:s18] =	ssyncset.done $0x0  }
0x81: {  	s26 =	simm.s32 $0xF;
	s15 =	simm.s32 $0x7800;
	[sflag:s18] =	ssyncadd.s32 $0xFFFFF600  }
0x82: {  	[spmem:s3] =	stream.indirect.scatter.add.f32 [tilespmem:s14], [sflag:$0x14], $0x20, s15, s21, $0xb8;
	[tilespmem:$0x10040] =	vst v63  }
0x83: {  	_ =	swait.ge [sflag:s26], $0xA00  }
0x84: {  	[sflag:s26] =	ssyncset.done $0x0  }
0x85: {  	s29 =	simm.s32 $0xC440;
	s15 =	simm.s32 $0x5280;
	[sflag:s26] =	ssyncadd.s32 $0xFFFFF600  }
0x86: {  	[tilespmem:s29], [sflag:$0x5] =	stream.indirect.gather [hbm4b:s1+s21], $0x20, s15, s21, $0xb8;
	[tilespmem:$0x10040] =	vst v63  }
0x87: {  	_ =	swait.ge [sflag:s2], $0xA00  }
0x88: {  	[sflag:s2] =	ssyncset.done $0x0  }
0x89: {  	[sflag:s2] =	ssyncadd.s32 $0xFFFFF600;
	s2 =	simm.s32 $0x7850  }
0x8a: {  	[spmem:s3] =	stream.indirect.scatter.add.f32 [tilespmem:s28], [sflag:$0xB], $0x20, s2, s21, $0xb8;
	[tilespmem:$0x10040] =	vst v63  }
0x8b: {  	_ =	swait.ge [sflag:s8], $0xA00  }
0x8c: {  	[sflag:s8] =	ssyncset.done $0x0  }
0x8d: {  	s13 =	simm.s32 $0xCE40;
	s14 =	simm.s32 $0x52D0;
	[sflag:s8] =	ssyncadd.s32 $0xFFFFF600  }
0x8e: {  	[tilespmem:s13], [sflag:$0x6] =	stream.indirect.gather [hbm4b:s1+s21], $0x20, s14, s21, $0xb8;
	[tilespmem:$0x10040] =	vst v63  }
0x8f: {  	_ =	swait.ge [sflag:s25], $0xA00  }
0x90: {  	[sflag:s25] =	ssyncset.done $0x0  }
0x91: {  	s15 =	simm.s32 $0x78A0;
	[sflag:s25] =	ssyncadd.s32 $0xFFFFF600  }
0x92: {  	[spmem:s3] =	stream.indirect.scatter.add.f32 [tilespmem:s23], [sflag:$0xC], $0x20, s15, s21, $0xb8;
	[tilespmem:$0x10040] =	vst v63  }
0x93: {  	_ =	swait.ge [sflag:s17], $0xA00  }
0x94: {  	[sflag:s17] =	ssyncset.done $0x0  }
0x95: {  	s28 =	simm.s32 $0xD840;
	s25 =	simm.s32 $0x5320;
	[sflag:s17] =	ssyncadd.s32 $0xFFFFF600  }
0x96: {  	[tilespmem:s28], [sflag:$0x7] =	stream.indirect.gather [hbm4b:s1+s21], $0x20, s25, s21, $0xb8;
	[tilespmem:$0x10040] =	vst v63  }
0x97: {  	_ =	swait.ge [sflag:s0], $0xA00  }
0x98: {  	[sflag:s0] =	ssyncset.done $0x0  }
0x99: {  	s6 =	simm.s32 $0xB040;
	s13 =	simm.s32 $0x78F0;
	[sflag:s0] =	ssyncadd.s32 $0xFFFFF600  }
0x9a: {  	[spmem:s3] =	stream.indirect.scatter.add.f32 [tilespmem:s6], [sflag:$0xD], $0x20, s13, s21, $0xb8;
	[tilespmem:$0x10040] =	vst v63  }
0x9b: {  	_ =	swait.ge [sflag:s22], $0xA00  }
0x9c: {  	[sflag:s22] =	ssyncset.done $0x0  }
0x9d: {  	s14 =	simm.s32 $0x5370;
	s15 =	simm.s32 $0xE240;
	[sflag:s22] =	ssyncadd.s32 $0xFFFFF600  }
0x9e: {  	[tilespmem:s15], [sflag:$0x8] =	stream.indirect.gather [hbm4b:s1+s21], $0x20, s14, s21, $0xb8;
	[tilespmem:$0x10040] =	vst v63  }
0x9f: {  	_ =	swait.ge [sflag:s5], $0xA00  }
0xa0: {  	[sflag:s5] =	ssyncset.done $0x0  }
0xa1: {  	s7 =	simm.s32 $0xBA40;
	s23 =	simm.s32 $0x7940;
	[sflag:s5] =	ssyncadd.s32 $0xFFFFF600  }
0xa2: {  	[spmem:s3] =	stream.indirect.scatter.add.f32 [tilespmem:s7], [sflag:$0xE], $0x20, s23, s21, $0xb8;
	[tilespmem:$0x10040] =	vst v63  }
0xa3: {  	_ =	swait.ge [sflag:s24], $0xA00  }
0xa4: {  	[sflag:s24] =	ssyncset.done $0x0  }
0xa5: {  	s30 =	simm.s32 $0xEC40;
	s25 =	simm.s32 $0x53C0;
	[sflag:s24] =	ssyncadd.s32 $0xFFFFF600  }
0xa6: {  	[tilespmem:s30], [sflag:$0x9] =	stream.indirect.gather [hbm4b:s1+s21], $0x20, s25, s21, $0xb8;
	[tilespmem:$0x10040] =	vst v63  }
0xa7: {  	_ =	swait.ge [sflag:s9], $0xA00  }
0xa8: {  	[sflag:s9] =	ssyncset.done $0x0  }
0xa9: {  	s26 =	simm.s32 $0xC80;
	s28 =	simm.s32 $0x7990;
	[sflag:s9] =	ssyncadd.s32 $0xFFFFF600  }
0xaa: {  	[spmem:s3] =	stream.indirect.scatter.add.f32 [tilespmem:s29], [sflag:$0xF], $0x20, s28, s21, $0xb8;
	[tilespmem:$0x10040] =	vst v63  }
0xab: {  	s0 =	simm.s32 $0x3;
	s5 =	simm.s32 $0x4;
	_ =	swait.ge [sflag:s16], $0xA00  }
0xac: {  	s30 =	simm.s32 $0x2;
	s25 =	simm.s32 $0x1;
	[sflag:s16] =	ssyncset.done $0x0  }
0xad: {  	s9 =	simm.s32 $0x5;
	s29 =	simm.s32 $0x5410;
	[sflag:s16] =	ssyncadd.s32 $0xFFFFF600  }
.LBB2_2:
0xae: {  	s23 =	simm.s32 $0xF640  }
0xaf: {  	[tilespmem:s23], [sflag:$0xA] =	stream.indirect.gather [hbm4b:s1+s21], $0x20, s29, s21, $0xb8;
	[tilespmem:$0x10040] =	vst v63  }
0xb0: {  	s29 =	smov.u32 s26  }
0xb1: {  	p3 =	sne.s32 s26, $0x7D00;
	s26 =	sadd.s32 $0xC80, s26;
	_ =	swait.ge [sflag:s31], $0xA00  }
0xb2: {  	s29 =	sshra.s32 s29, $0x2;
	[sflag:s31] =	ssyncset.done $0x0  }
0xb3: {  	s15 =	simm.s32 $0xCE40;
	[sflag:s31] =	ssyncadd.s32 $0xFFFFF600;
	s31 =	sadd.s32 $0x76C0, s29  }
0xb4: {  	[spmem:s3] =	stream.indirect.scatter.add.f32 [tilespmem:s15], [sflag:$0x10], $0x20, s31, s21, $0xb8;
	[tilespmem:$0x10040] =	vst v63  }
0xb5: {  	_ =	swait.ge [sflag:s4], $0xA00  }
0xb6: {  	[sflag:s4] =	ssyncset.done $0x0  }
0xb7: {  	s6 =	simm.s32 $0x9C40;
	s31 =	sadd.s32 $0x5140, s29;
	[sflag:s4] =	ssyncadd.s32 $0xFFFFF600  }
0xb8: {  	[tilespmem:s6], [sflag:$0x1] =	stream.indirect.gather [hbm4b:s1+s21], $0x20, s31, s21, $0xb8;
	[tilespmem:$0x10040] =	vst v63  }
0xb9: {  	_ =	swait.ge [sflag:s10], $0xA00  }
0xba: {  	[sflag:s10] =	ssyncset.done $0x0  }
0xbb: {  	s7 =	simm.s32 $0xD840;
	s31 =	sadd.s32 $0x7710, s29;
	[sflag:s10] =	ssyncadd.s32 $0xFFFFF600  }
0xbc: {  	[spmem:s3] =	stream.indirect.scatter.add.f32 [tilespmem:s7], [sflag:$0x11], $0x20, s31, s21, $0xb8;
	[tilespmem:$0x10040] =	vst v63  }
0xbd: {  	_ =	swait.ge [sflag:s11], $0xA00  }
0xbe: {  	[sflag:s11] =	ssyncset.done $0x0  }
0xbf: {  	s28 =	simm.s32 $0xA640;
	s31 =	sadd.s32 $0x5190, s29;
	[sflag:s11] =	ssyncadd.s32 $0xFFFFF600  }
0xc0: {  	[tilespmem:s28], [sflag:$0x2] =	stream.indirect.gather [hbm4b:s1+s21], $0x20, s31, s21, $0xb8;
	[tilespmem:$0x10040] =	vst v63  }
0xc1: {  	_ =	swait.ge [sflag:s12], $0xA00  }
0xc2: {  	[sflag:s12] =	ssyncset.done $0x0  }
0xc3: {  	s4 =	simm.s32 $0xE240;
	s31 =	sadd.s32 $0x7760, s29;
	[sflag:s12] =	ssyncadd.s32 $0xFFFFF600  }
0xc4: {  	[spmem:s3] =	stream.indirect.scatter.add.f32 [tilespmem:s4], [sflag:$0x12], $0x20, s31, s21, $0xb8;
	[tilespmem:$0x10040] =	vst v63  }
0xc5: {  	_ =	swait.ge [sflag:s19], $0xA00  }
0xc6: {  	[sflag:s19] =	ssyncset.done $0x0  }
0xc7: {  	s13 =	simm.s32 $0xB040;
	s31 =	sadd.s32 $0x51E0, s29;
	[sflag:s19] =	ssyncadd.s32 $0xFFFFF600  }
0xc8: {  	[tilespmem:s13], [sflag:$0x3] =	stream.indirect.gather [hbm4b:s1+s21], $0x20, s31, s21, $0xb8;
	[tilespmem:$0x10040] =	vst v63  }
0xc9: {  	_ =	swait.ge [sflag:s20], $0xA00  }
0xca: {  	s2 =	simm.s32 $0xEC40;
	[sflag:s20] =	ssyncset.done $0x0  }
0xcb: {  	s14 =	simm.s32 $0xE;
	s31 =	sadd.s32 $0x77B0, s29;
	[sflag:s20] =	ssyncadd.s32 $0xFFFFF600  }
0xcc: {  	[spmem:s3] =	stream.indirect.scatter.add.f32 [tilespmem:s2], [sflag:$0x13], $0x20, s31, s21, $0xb8;
	[tilespmem:$0x10040] =	vst v63  }
0xcd: {  	_ =	swait.ge [sflag:s14], $0xA00  }
0xce: {  	[sflag:s14] =	ssyncset.done $0x0  }
0xcf: {  	s31 =	sadd.s32 $0x5230, s29;
	[sflag:s14] =	ssyncadd.s32 $0xFFFFF600;
	s14 =	simm.s32 $0xBA40  }
0xd0: {  	[tilespmem:s14], [sflag:$0x4] =	stream.indirect.gather [hbm4b:s1+s21], $0x20, s31, s21, $0xb8;
	[tilespmem:$0x10040] =	vst v63  }
0xd1: {  	_ =	swait.ge [sflag:s18], $0xA00  }
0xd2: {  	[sflag:s18] =	ssyncset.done $0x0  }
0xd3: {  	s31 =	sadd.s32 $0x7800, s29;
	[sflag:s18] =	ssyncadd.s32 $0xFFFFF600  }
0xd4: {  	[spmem:s3] =	stream.indirect.scatter.add.f32 [tilespmem:s23], [sflag:$0x14], $0x20, s31, s21, $0xb8;
	[tilespmem:$0x10040] =	vst v63  }
0xd5: {  	s23 =	simm.s32 $0xF  }
0xd6: {  	_ =	swait.ge [sflag:s23], $0xA00  }
0xd7: {  	[sflag:s23] =	ssyncset.done $0x0  }
0xd8: {  	s31 =	sadd.s32 $0x5280, s29;
	[sflag:s23] =	ssyncadd.s32 $0xFFFFF600;
	s23 =	simm.s32 $0xC440  }
0xd9: {  	[tilespmem:s23], [sflag:$0x5] =	stream.indirect.gather [hbm4b:s1+s21], $0x20, s31, s21, $0xb8;
	[tilespmem:$0x10040] =	vst v63  }
0xda: {  	_ =	swait.ge [sflag:s25], $0xA00  }
0xdb: {  	[sflag:s25] =	ssyncset.done $0x0  }
0xdc: {  	s31 =	sadd.s32 $0x7850, s29;
	[sflag:s25] =	ssyncadd.s32 $0xFFFFF600  }
0xdd: {  	[spmem:s3] =	stream.indirect.scatter.add.f32 [tilespmem:s6], [sflag:$0xB], $0x20, s31, s21, $0xb8;
	[tilespmem:$0x10040] =	vst v63  }
0xde: {  	_ =	swait.ge [sflag:s8], $0xA00  }
0xdf: {  	[sflag:s8] =	ssyncset.done $0x0  }
0xe0: {  	s31 =	sadd.s32 $0x52D0, s29;
	s6 =	simm.s32 $0xCE40;
	[sflag:s8] =	ssyncadd.s32 $0xFFFFF600  }
0xe1: {  	[tilespmem:s15], [sflag:$0x6] =	stream.indirect.gather [hbm4b:s1+s21], $0x20, s31, s21, $0xb8;
	[tilespmem:$0x10040] =	vst v63  }
0xe2: {  	_ =	swait.ge [sflag:s30], $0xA00  }
0xe3: {  	[sflag:s30] =	ssyncset.done $0x0  }
0xe4: {  	s31 =	sadd.s32 $0x78A0, s29;
	[sflag:s30] =	ssyncadd.s32 $0xFFFFF600  }
0xe5: {  	[spmem:s3] =	stream.indirect.scatter.add.f32 [tilespmem:s28], [sflag:$0xC], $0x20, s31, s21, $0xb8;
	[tilespmem:$0x10040] =	vst v63  }
0xe6: {  	_ =	swait.ge [sflag:s17], $0xA00  }
0xe7: {  	[sflag:s17] =	ssyncset.done $0x0  }
0xe8: {  	s31 =	sadd.s32 $0x5320, s29;
	s28 =	simm.s32 $0xD840;
	[sflag:s17] =	ssyncadd.s32 $0xFFFFF600  }
0xe9: {  	[tilespmem:s7], [sflag:$0x7] =	stream.indirect.gather [hbm4b:s1+s21], $0x20, s31, s21, $0xb8;
	[tilespmem:$0x10040] =	vst v63  }
0xea: {  	_ =	swait.ge [sflag:s0], $0xA00  }
0xeb: {  	[sflag:s0] =	ssyncset.done $0x0  }
0xec: {  	s31 =	sadd.s32 $0x78F0, s29;
	[sflag:s0] =	ssyncadd.s32 $0xFFFFF600  }
0xed: {  	[spmem:s3] =	stream.indirect.scatter.add.f32 [tilespmem:s13], [sflag:$0xD], $0x20, s31, s21, $0xb8;
	[tilespmem:$0x10040] =	vst v63  }
0xee: {  	_ =	swait.ge [sflag:s22], $0xA00  }
0xef: {  	[sflag:s22] =	ssyncset.done $0x0  }
0xf0: {  	s31 =	sadd.s32 $0x5370, s29;
	[sflag:s22] =	ssyncadd.s32 $0xFFFFF600  }
0xf1: {  	[tilespmem:s4], [sflag:$0x8] =	stream.indirect.gather [hbm4b:s1+s21], $0x20, s31, s21, $0xb8;
	[tilespmem:$0x10040] =	vst v63  }
0xf2: {  	s13 =	simm.s32 $0xE240;
	s4 =	simm.s32 $0xB  }
0xf3: {  	_ =	swait.ge [sflag:s5], $0xA00  }
0xf4: {  	[sflag:s5] =	ssyncset.done $0x0  }
0xf5: {  	s31 =	sadd.s32 $0x7940, s29;
	[sflag:s5] =	ssyncadd.s32 $0xFFFFF600  }
0xf6: {  	[spmem:s3] =	stream.indirect.scatter.add.f32 [tilespmem:s14], [sflag:$0xE], $0x20, s31, s21, $0xb8;
	[tilespmem:$0x10040] =	vst v63  }
0xf7: {  	_ =	swait.ge [sflag:s24], $0xA00  }
0xf8: {  	[sflag:s24] =	ssyncset.done $0x0  }
0xf9: {  	s31 =	sadd.s32 $0x53C0, s29;
	s14 =	simm.s32 $0xEC40;
	[sflag:s24] =	ssyncadd.s32 $0xFFFFF600  }
0xfa: {  	[tilespmem:s2], [sflag:$0x9] =	stream.indirect.gather [hbm4b:s1+s21], $0x20, s31, s21, $0xb8;
	[tilespmem:$0x10040] =	vst v63  }
0xfb: {  	_ =	swait.ge [sflag:s9], $0xA00  }
0xfc: {  	[sflag:s9] =	ssyncset.done $0x0  }
0xfd: {  	s31 =	sadd.s32 $0x7990, s29;
	[sflag:s9] =	ssyncadd.s32 $0xFFFFF600  }
0xfe: {  	[spmem:s3] =	stream.indirect.scatter.add.f32 [tilespmem:s23], [sflag:$0xF], $0x20, s31, s21, $0xb8;
	[tilespmem:$0x10040] =	vst v63  }
.Ltmp2:
0xff: {  	_ = 	snop;
	(pc) =	sbr.rel @p3 .LBB2_2-.Ltmp2, $4  }
0x100: {  	s31 =	simm.s32 $0x6  }
0x101: {  	_ =	swait.ge [sflag:s16], $0xA00  }
0x102: {  	[sflag:s16] =	ssyncset.done $0x0  }
0x103: {  	s29 =	sadd.s32 $0x5410, s29;
	[sflag:s16] =	ssyncadd.s32 $0xFFFFF600  }
0x104: {  	s2 =	simm.s32 $0xF640  }
0x105: {  	[tilespmem:s2], [sflag:$0xA] =	stream.indirect.gather [hbm4b:s1+s21], $0x20, s29, s21, $0xb8;
	[tilespmem:$0x10040] =	vst v63  }
0x106: {  	_ =	swait.ge [sflag:s31], $0xA00  }
0x107: {  	[sflag:s31] =	ssyncset.done $0x0  }
0x108: {  	s26 =	simm.s32 $0x9920;
	[sflag:s31] =	ssyncadd.s32 $0xFFFFF600  }
0x109: {  	[spmem:s3] =	stream.indirect.scatter.add.f32 [tilespmem:s6], [sflag:$0x10], $0x20, s26, s21, $0xb8;
	[tilespmem:$0x10040] =	vst v63  }
0x10a: {  	_ =	swait.ge [sflag:s4], $0xA00  }
0x10b: {  	[sflag:s4] =	ssyncset.done $0x0  }
0x10c: {  	s7 =	simm.s32 $0x9C40;
	s26 =	simm.s32 $0x73A0;
	[sflag:s4] =	ssyncadd.s32 $0xFFFFF600  }
0x10d: {  	[tilespmem:s7], [sflag:$0x1] =	stream.indirect.gather [hbm4b:s1+s21], $0x20, s26, s21, $0xb8;
	[tilespmem:$0x10040] =	vst v63  }
0x10e: {  	_ =	swait.ge [sflag:s10], $0xA00  }
0x10f: {  	[sflag:s10] =	ssyncset.done $0x0  }
0x110: {  	s29 =	simm.s32 $0x9970;
	[sflag:s10] =	ssyncadd.s32 $0xFFFFF600  }
0x111: {  	[spmem:s3] =	stream.indirect.scatter.add.f32 [tilespmem:s28], [sflag:$0x11], $0x20, s29, s21, $0xb8;
	[tilespmem:$0x10040] =	vst v63  }
0x112: {  	_ =	swait.ge [sflag:s11], $0xA00  }
0x113: {  	[sflag:s11] =	ssyncset.done $0x0  }
0x114: {  	s31 =	simm.s32 $0x73F0;
	s26 =	simm.s32 $0xA640;
	[sflag:s11] =	ssyncadd.s32 $0xFFFFF600  }
0x115: {  	[tilespmem:s26], [sflag:$0x2] =	stream.indirect.gather [hbm4b:s1+s21], $0x20, s31, s21, $0xb8;
	[tilespmem:$0x10040] =	vst v63  }
0x116: {  	_ =	swait.ge [sflag:s12], $0xA00  }
0x117: {  	[sflag:s12] =	ssyncset.done $0x0  }
0x118: {  	s10 =	simm.s32 $0x99C0;
	[sflag:s12] =	ssyncadd.s32 $0xFFFFF600  }
0x119: {  	[spmem:s3] =	stream.indirect.scatter.add.f32 [tilespmem:s13], [sflag:$0x12], $0x20, s10, s21, $0xb8;
	[tilespmem:$0x10040] =	vst v63  }
0x11a: {  	_ =	swait.ge [sflag:s19], $0xA00  }
0x11b: {  	[sflag:s19] =	ssyncset.done $0x0  }
0x11c: {  	s15 =	simm.s32 $0x7440;
	s23 =	simm.s32 $0xB040;
	[sflag:s19] =	ssyncadd.s32 $0xFFFFF600  }
0x11d: {  	[tilespmem:s23], [sflag:$0x3] =	stream.indirect.gather [hbm4b:s1+s21], $0x20, s15, s21, $0xb8;
	[tilespmem:$0x10040] =	vst v63  }
0x11e: {  	_ =	swait.ge [sflag:s20], $0xA00  }
0x11f: {  	[sflag:s20] =	ssyncset.done $0x0  }
0x120: {  	s28 =	simm.s32 $0x9A10;
	s10 =	simm.s32 $0xE;
	[sflag:s20] =	ssyncadd.s32 $0xFFFFF600  }
0x121: {  	[spmem:s3] =	stream.indirect.scatter.add.f32 [tilespmem:s14], [sflag:$0x13], $0x20, s28, s21, $0xb8;
	[tilespmem:$0x10040] =	vst v63  }
0x122: {  	_ =	swait.ge [sflag:s10], $0xA00  }
0x123: {  	[sflag:s10] =	ssyncset.done $0x0  }
0x124: {  	s29 =	simm.s32 $0x7490;
	s14 =	simm.s32 $0xBA40;
	[sflag:s10] =	ssyncadd.s32 $0xFFFFF600  }
0x125: {  	[tilespmem:s14], [sflag:$0x4] =	stream.indirect.gather [hbm4b:s1+s21], $0x20, s29, s21, $0xb8;
	[tilespmem:$0x10040] =	vst v63  }
0x126: {  	_ =	swait.ge [sflag:s18], $0xA00  }
0x127: {  	[sflag:s18] =	ssyncset.done $0x0  }
0x128: {  	s31 =	simm.s32 $0x9A60;
	[sflag:s18] =	ssyncadd.s32 $0xFFFFF600  }
0x129: {  	[spmem:s3] =	stream.indirect.scatter.add.f32 [tilespmem:s2], [sflag:$0x14], $0x20, s31, s21, $0xb8;
	[tilespmem:$0x10040] =	vst v63  }
0x12a: {  	s2 =	simm.s32 $0xF  }
0x12b: {  	_ =	swait.ge [sflag:s2], $0xA00  }
0x12c: {  	[sflag:s2] =	ssyncset.done $0x0  }
0x12d: {  	s13 =	simm.s32 $0x74E0;
	s15 =	simm.s32 $0xC440;
	[sflag:s2] =	ssyncadd.s32 $0xFFFFF600  }
0x12e: {  	[tilespmem:s15], [sflag:$0x5] =	stream.indirect.gather [hbm4b:s1+s21], $0x20, s13, s21, $0xb8;
	[tilespmem:$0x10040] =	vst v63  }
0x12f: {  	_ =	swait.ge [sflag:s25], $0xA00  }
0x130: {  	[sflag:s25] =	ssyncset.done $0x0  }
0x131: {  	[sflag:s25] =	ssyncadd.s32 $0xFFFFF600;
	s25 =	simm.s32 $0x9AB0  }
0x132: {  	[spmem:s3] =	stream.indirect.scatter.add.f32 [tilespmem:s7], [sflag:$0xB], $0x20, s25, s21, $0xb8;
	[tilespmem:$0x10040] =	vst v63  }
0x133: {  	_ =	swait.ge [sflag:s30], $0xA00  }
0x134: {  	[sflag:s30] =	ssyncset.done $0x0  }
0x135: {  	s28 =	simm.s32 $0x9B00;
	[sflag:s30] =	ssyncadd.s32 $0xFFFFF600  }
0x136: {  	[spmem:s3] =	stream.indirect.scatter.add.f32 [tilespmem:s26], [sflag:$0xC], $0x20, s28, s21, $0xb8;
	[tilespmem:$0x10040] =	vst v63  }
0x137: {  	_ =	swait.ge [sflag:s0], $0xA00  }
0x138: {  	[sflag:s0] =	ssyncset.done $0x0  }
0x139: {  	s29 =	simm.s32 $0x9B50;
	[sflag:s0] =	ssyncadd.s32 $0xFFFFF600  }
0x13a: {  	[spmem:s3] =	stream.indirect.scatter.add.f32 [tilespmem:s23], [sflag:$0xD], $0x20, s29, s21, $0xb8;
	[tilespmem:$0x10040] =	vst v63  }
0x13b: {  	_ =	swait.ge [sflag:s5], $0xA00  }
0x13c: {  	[sflag:s5] =	ssyncset.done $0x0  }
0x13d: {  	s30 =	simm.s32 $0x9BA0;
	[sflag:s5] =	ssyncadd.s32 $0xFFFFF600  }
0x13e: {  	[spmem:s3] =	stream.indirect.scatter.add.f32 [tilespmem:s14], [sflag:$0xE], $0x20, s30, s21, $0xb8;
	[tilespmem:$0x10040] =	vst v63  }
0x13f: {  	_ =	swait.ge [sflag:s9], $0xA00  }
0x140: {  	[sflag:s9] =	ssyncset.done $0x0  }
0x141: {  	s31 =	simm.s32 $0x9BF0;
	[sflag:s9] =	ssyncadd.s32 $0xFFFFF600  }
0x142: {  	[spmem:s3] =	stream.indirect.scatter.add.f32 [tilespmem:s15], [sflag:$0xF], $0x20, s31, s21, $0xb8;
	[tilespmem:$0x10040] =	vst v63  }
0x143: {  	_ =	swait.ge [sflag:s8], $0xA00  }
0x144: {  	[sflag:s8] =	ssyncset.done $0x0  }
0x145: {  	[sflag:s8] =	ssyncadd.s32 $0xFFFFF600  }
0x146: {  	_ =	swait.ge [sflag:s17], $0xA00  }
0x147: {  	[sflag:s17] =	ssyncset.done $0x0  }
0x148: {  	[sflag:s17] =	ssyncadd.s32 $0xFFFFF600  }
0x149: {  	_ =	swait.ge [sflag:s22], $0xA00  }
0x14a: {  	[sflag:s22] =	ssyncset.done $0x0  }
0x14b: {  	[sflag:s22] =	ssyncadd.s32 $0xFFFFF600  }
0x14c: {  	_ =	swait.ge [sflag:s24], $0xA00  }
0x14d: {  	[sflag:s24] =	ssyncset.done $0x0  }
0x14e: {  	[sflag:s24] =	ssyncadd.s32 $0xFFFFF600  }
0x14f: {  	_ =	swait.ge [sflag:s16], $0xA00  }
0x150: {  	[sflag:s16] =	ssyncset.done $0x0  }
0x151: {  	[sflag:s16] =	ssyncadd.s32 $0xFFFFF600  }
0x152: {  	_ =	swait.ge [sflag:s4], $0xA00  }
0x153: {  	[sflag:s4] =	ssyncset.done $0x0  }
0x154: {  	[sflag:s4] =	ssyncadd.s32 $0xFFFFF600  }
0x155: {  	_ =	swait.ge [sflag:s11], $0xA00  }
0x156: {  	[sflag:s11] =	ssyncset.done $0x0  }
0x157: {  	[sflag:s11] =	ssyncadd.s32 $0xFFFFF600  }
0x158: {  	_ =	swait.ge [sflag:s19], $0xA00  }
0x159: {  	[sflag:s19] =	ssyncset.done $0x0  }
0x15a: {  	[sflag:s19] =	ssyncadd.s32 $0xFFFFF600  }
0x15b: {  	_ =	swait.ge [sflag:s10], $0xA00  }
0x15c: {  	[sflag:s10] =	ssyncset.done $0x0  }
0x15d: {  	[sflag:s10] =	ssyncadd.s32 $0xFFFFF600  }
.Ltmp3:
0x15e: {  	_ =	swait.ge [sflag:s2], $0xA00;
	(pc) =	sbr.rel @!p0 .LBB2_4-.Ltmp3, $4  }
0x15f: {  	[sflag:s2] =	ssyncset.done $0x0  }
0x160: {  	[sflag:s2] =	ssyncadd.s32 $0xFFFFF600  }
0x161: {  	s25 =	simm.s32 $0x2;
	s0 =	simm.s32 $0x3;
	[bflag:$0x0] =	sbarrier.arrive $0xFFFF  }
0x162: {  	s5 =	simm.s32 $0x4;
	s9 =	simm.s32 $0x5;
	s2 =	simm.s32 $0x1  }
0x163: {  	s13 =	rddreg [dreg:$0x7]  }
0x164: {  	s26 =	rddreg [dreg:$0xd]  }
0x165: {  	s29 =	rddreg [dreg:$0xf]  }
0x166: {  	[hbm:s26], [sflag:s13] =	dma.local [spmem:s29], $0x9C0  }
.Ltmp4:
0x167: {  	_ = 	snop;
	(pc) =	sbr.rel @p1 .LBB2_7-.Ltmp4, $4  }
.Ltmp5:
0x168: {  	s31 =	simm.s32 $0x15;
	(pc) =	sbr.rel @!p1 .LBB2_6-.Ltmp5, $4  }
0x169: {  	_ =	swait.ge [sflag:s31], $0x9C0  }
0x16a: {  	[sflag:s31] =	ssyncset.done $0x0;
	s26 =	rddreg [dreg:$0x5]  }
0x16b: {  	s6 =	rddreg [dreg:$0x11];
	[sflag:s31] =	ssyncadd.s32 $0xFFFFF640  }
0x16c: {  	_ = 	snop  }
.LBB2_4:
0x16d: {  	s13 =	rddreg [dreg:$0x7]  }
0x16e: {  	s26 =	rddreg [dreg:$0xc]  }
0x16f: {  	s29 =	rddreg [dreg:$0xf]  }
0x170: {  	[hbm:s26], [sflag:s13] =	dma.local [spmem:s29], $0x9C0  }
.Ltmp6:
0x171: {  	_ = 	snop;
	(pc) =	sbr.rel @p2 .LBB2_6-.Ltmp6, $4  }
.Ltmp7:
0x172: {  	s31 =	simm.s32 $0x15;
	(pc) =	sbr.rel @!p2 .LBB2_7-.Ltmp7, $4  }
0x173: {  	_ =	swait.ge [sflag:s31], $0x9C0  }
0x174: {  	[sflag:s31] =	ssyncset.done $0x0;
	s26 =	rddreg [dreg:$0x4]  }
0x175: {  	s6 =	rddreg [dreg:$0x11];
	[sflag:s31] =	ssyncadd.s32 $0xFFFFF640  }
0x176: {  	_ = 	snop  }
.LBB2_8:
0x177: {  	_ =	sfence.sel $0x180000  }
0x178: {  	[bflag:$0x0] =	sbarrier.arrive $0xFFFF  }
0x179: {  	_ =	strace $0x90000047  }
0x17a: {  	s0 =	stileid.u32;
	[bflag:$0x2] =	sbarrier.arrive $0xFFFF  }
0x17b: {  	p0 =	sne.s32 s0, $0x0;
	s0 =	rddreg [dreg:$0x3]  }
0x17c: {  	s0 =	sadd.s32 @!p0 $0x100000, s0  }
0x17d: {  	[sflag:s0] =	ssyncadd.tile.s32 @!p0 $0x1;
	_ =	shalt  }
.Lfunc_end2:
_tile_overlayer_lowered:
.L_overlay_start_2:
0x17e: {  	(tag) =	ssettag $0x2  }
0x17f: {  	s0 =	rddreg [dreg:$0x0];
	s2 =	stileid.u32  }
0x180: {  	s1 =	rddreg [dreg:$0x1];
	p0 =	sne.s32 s2, $0x0  }
0x181: {  	s3 =	rddreg [dreg:$0x2];
	[bflag:$0x3] =	sbarrier.arrive $0xFFFF;
	s2 =	simm.s32 @!p0 $0x1C15  }
0x182: {  	[timem:s3], [sflag:s2] =	dma.local @!p0 [hbm:s0], s1  }
0x183: {  	s0 =	simm.s32 @!p0 $0x15  }
0x184: {  	_ =	swait.ge @!p0 [sflag:s0], s1  }
0x185: {  	s1 =	ssub.s32 @!p0 $0x0, s1;
	[sflag:s0] =	ssyncset.done @!p0 $0x0  }
0x186: {  	[sflag:s0] =	ssyncadd.s32 @!p0 s1  }
0x187: {  	[bflag:$0x3] =	sbarrier.arrive $0xFFFF  }
0x188: {  	_ =	shalt  }

</sc_bundles>
